<compile_context>
chip_gen: v7x
topology: tpu7x:2x2x1
jax: 0.10.2.dev20260603
libtpu: 0.0.44.dev20260713+nightly
codegen_flags: <defaults>
</compile_context>

<pallas_src>
import functools

import jax
import jax.numpy as jnp
from jax import lax
from jax.experimental import pallas as pl
from jax.experimental.pallas import tpu as pltpu
from jax.experimental.pallas import tpu_sc as plsc

F32 = jnp.float32

N_NODES = 10000
D_IN = 128
T_STEPS = 50
HL = 32
G4 = 4 * HL
H = 16
OUT = 8
E_TOTAL = 320000

NB = 1
BLK = N_NODES // NB

NS = 16
NW = 2 * NS
CW = 128
EROWS = E_TOTAL // CW
CN_FULL = EROWS // NW
X_ROWS = EROWS - CN_FULL * NW
GSZ = 2
SETS = 3
NBUF = SETS * GSZ
NG = CN_FULL // GSZ
ACC_ROWS = 10112
STRIPE = ACC_ROWS // NS


def _sig(x):
    return 0.5 * jnp.tanh(0.5 * x) + 0.5


def _proj_body(xs, wsn, bs, out):
    out[:] = jnp.dot(xs[:], wsn[:], preferred_element_type=F32) + bs[:]


def _proj(xs, wsn, bs):
    full = lambda s: pl.BlockSpec(s, lambda: tuple(0 for _ in s))
    return pl.pallas_call(
        _proj_body,
        in_specs=[full((N_NODES, D_IN)), full((D_IN, H)), full((1, H))],
        out_specs=full((N_NODES, H)),
        out_shape=jax.ShapeDtypeStruct((N_NODES, H), F32),
    )(xs, wsn, bs)


ST = 6 + 2 * HL


def _enc_body(tsT, xc, w_all, b_all, wxn, whn, bc, out, st, c1, c2):
    c1[:] = jnp.zeros((HL, BLK), F32)
    c2[:] = jnp.zeros((HL, BLK), F32)

    w_allv = w_all[:]
    b_allv = b_all[:]

    def gates(g, cref):
        i = _sig(g[0:HL])
        f = _sig(g[HL:2 * HL])
        gg = jnp.tanh(g[2 * HL:3 * HL])
        o = _sig(g[3 * HL:4 * HL])
        cn = f * cref[:] + i * gg
        cref[:] = cn
        return o * jnp.tanh(cn)

    st[:] = jnp.zeros((ST, BLK), F32)
    st[0:6] = tsT[0].astype(F32)
    g_all = jnp.dot(w_allv, st[:], preferred_element_type=F32) + b_allv
    st[6:6 + HL] = gates(g_all[0:G4], c1)

    def step(t, carry):
        st[0:6] = tsT[t].astype(F32)
        g = jnp.dot(w_allv, st[:], preferred_element_type=F32) + b_allv
        hn1 = gates(g[0:G4], c1)
        hn2 = gates(g[G4:2 * G4], c2)
        st[6:6 + HL] = hn1
        st[6 + HL:ST] = hn2
        return 0

    lax.fori_loop(1, T_STEPS, step, 0)
    g_all = jnp.dot(w_allv, st[:], preferred_element_type=F32) + b_allv
    h2last = gates(g_all[G4:2 * G4], c2)

    out[:] = (jnp.dot(xc[:], wxn[:], preferred_element_type=F32)
              + lax.dot_general(h2last, whn[:], (((0,), (0,)), ((), ())),
                                preferred_element_type=F32)
              + bc[:])


def _encoder(tsT, xc, w_all, b_all, wxn, whn, bc):
    full = lambda s: pl.BlockSpec(s, lambda i: tuple(0 for _ in s))
    return pl.pallas_call(
        _enc_body,
        grid=(NB,),
        in_specs=[
            pl.BlockSpec((T_STEPS, 6, BLK), lambda i: (0, 0, i)),
            pl.BlockSpec((BLK, D_IN), lambda i: (i, 0)),
            full((2 * G4, ST)), full((2 * G4, 1)),
            full((D_IN, H)), full((HL, H)), full((1, H)),
        ],
        out_specs=pl.BlockSpec((BLK, H), lambda i: (i, 0)),
        out_shape=jax.ShapeDtypeStruct((N_NODES, H), F32),
        scratch_shapes=[pltpu.VMEM((ST, BLK), F32),
                        pltpu.VMEM((HL, BLK), F32),
                        pltpu.VMEM((HL, BLK), F32)],
    )(tsT, xc, w_all, b_all, wxn, whn, bc)


@functools.cache
def _sc_seg_call():
  mesh = plsc.VectorSubcoreMesh(core_axis_name="c", subcore_axis_name="s",
                                num_cores=2, num_subcores=NS)
  return pl.kernel(
    _sc_seg_body,
    out_type=(jax.ShapeDtypeStruct((2, ACC_ROWS, H), F32),
              jax.ShapeDtypeStruct((2, ACC_ROWS, H), F32)),
    mesh=mesh,
    scratch_types=[
        pltpu.VMEM((CN_FULL + 1, CW), jnp.int32),
        pltpu.VMEM((CN_FULL + 1, CW), jnp.int32),
        pltpu.VMEM((NBUF, CW, H), F32),
        pltpu.VMEM((CW, H), F32),
        pltpu.VMEM((CW, H), F32),
        pltpu.VMEM_SHARED((ACC_ROWS, H), F32),
        pltpu.VMEM_SHARED((ACC_ROWS, H), F32),
        pltpu.SemaphoreType.DMA,
        pltpu.SemaphoreType.DMA,
        pltpu.SemaphoreType.DMA,
        pltpu.SemaphoreType.DMA,
        pltpu.SemaphoreType.DMA,
        pltpu.SemaphoreType.DMA,
    ],
    compiler_params=pltpu.CompilerParams(use_tc_tiling_on_sc=False),
  )


def _sc_seg_body(tab, e3, ones_hbm, zeros_hbm, acc_out, cnt_out,
                 src_all, dst_all, rows_b, rows_x, ones_v,
                 acc_sh, cnt_sh, g0, g1, g2, s0, s1, s2):
    cid = lax.axis_index("c")
    sid = lax.axis_index("s")
    wid = cid * NS + sid
    gat = (g0, g1, g2)
    sct = (s0, s1, s2)

    pltpu.sync_copy(zeros_hbm, acc_sh.at[pl.ds(sid * STRIPE, STRIPE)])
    pltpu.sync_copy(zeros_hbm, cnt_sh.at[pl.ds(sid * STRIPE, STRIPE)])
    pltpu.sync_copy(ones_hbm, ones_v)
    plsc.subcore_barrier()

    pltpu.sync_copy(e3.at[0, pl.ds(wid * CN_FULL, CN_FULL)],
                    src_all.at[pl.ds(0, CN_FULL)])
    pltpu.sync_copy(e3.at[1, pl.ds(wid * CN_FULL, CN_FULL)],
                    dst_all.at[pl.ds(0, CN_FULL)])

    @pl.when(wid < X_ROWS)
    def _():
        pltpu.sync_copy(e3.at[0, CN_FULL * NW + wid], src_all.at[CN_FULL])
        pltpu.sync_copy(e3.at[1, CN_FULL * NW + wid], dst_all.at[CN_FULL])
        pltpu.async_copy(tab.at[src_all.at[CN_FULL]], rows_x, gat[0]).wait()
        pltpu.sync_copy(rows_x, acc_sh.at[dst_all.at[CN_FULL]], add=True)
        pltpu.sync_copy(ones_v, cnt_sh.at[dst_all.at[CN_FULL]], add=True)

    for b in range(GSZ):
        pltpu.async_copy(tab.at[src_all.at[b]], rows_b.at[b], gat[0])

    def body(j, carry):
        for p in range(SETS):
            g = SETS * j + p
            sn = (p + 1) % SETS

            @pl.when(g >= 2)
            def _():
                for b in range(GSZ):
                    pltpu.make_async_copy(
                        ones_hbm, rows_b.at[sn * GSZ + b], sct[sn]).wait()
                    pltpu.make_async_copy(
                        ones_hbm, rows_b.at[sn * GSZ + b], sct[sn]).wait()

            @pl.when(g + 1 <= NG - 1)
            def _():
                for b in range(GSZ):
                    pltpu.async_copy(tab.at[src_all.at[(g + 1) * GSZ + b]],
                                     rows_b.at[sn * GSZ + b], gat[sn])

            for b in range(GSZ):
                pltpu.make_async_copy(
                    ones_hbm, rows_b.at[p * GSZ + b], gat[p]).wait()

            for b in range(GSZ):
                pltpu.async_copy(rows_b.at[p * GSZ + b],
                                 acc_sh.at[dst_all.at[g * GSZ + b]],
                                 sct[p], add=True)
                pltpu.async_copy(ones_v,
                                 cnt_sh.at[dst_all.at[g * GSZ + b]],
                                 sct[p], add=True)
        return 0

    lax.fori_loop(0, NG // SETS, body, 0)

    for gg in (NG - 2, NG - 1):
        sp = gg % SETS
        for b in range(GSZ):
            pltpu.make_async_copy(
                ones_hbm, rows_b.at[sp * GSZ + b], sct[sp]).wait()
            pltpu.make_async_copy(
                ones_hbm, rows_b.at[sp * GSZ + b], sct[sp]).wait()

    plsc.subcore_barrier()

    pltpu.sync_copy(acc_sh.at[pl.ds(sid * STRIPE, STRIPE)],
                    acc_out.at[cid, pl.ds(sid * STRIPE, STRIPE)])
    pltpu.sync_copy(cnt_sh.at[pl.ds(sid * STRIPE, STRIPE)],
                    cnt_out.at[cid, pl.ds(sid * STRIPE, STRIPE)])


N128 = N_NODES * H // 128
ACC128 = ACC_ROWS * H // 128


def _fin_body(acc_c, cnt_c, acc_s, cnt_s, xpc, xps, a_ref, b_ref, c_ref,
              out_c, out_s):
    def half(accr, cntr, xpr, t, outr):
        acc = accr[0, 0:N128, :] + accr[1, 0:N128, :]
        cnt = cntr[0, 0:N128, :] + cntr[1, 0:N128, :]
        mean = acc / jnp.maximum(cnt, 1.0)
        val = (jnp.dot(mean, a_ref[t], preferred_element_type=F32)
               + jnp.dot(xpr[:], b_ref[t], preferred_element_type=F32)
               + c_ref[t])
        outr[:] = jnp.maximum(val, 0.0)

    half(acc_c, cnt_c, xpc, 0, out_c)
    half(acc_s, cnt_s, xps, 1, out_s)


def _finisher(acc_c, cnt_c, acc_s, cnt_s, xpc, xps, a_st, b_st, c_st):
    full = lambda s: pl.BlockSpec(s, lambda: tuple(0 for _ in s))
    return pl.pallas_call(
        _fin_body,
        in_specs=[
            full((2, ACC128, 128)), full((2, ACC128, 128)),
            full((2, ACC128, 128)), full((2, ACC128, 128)),
            full((N128, 128)), full((N128, 128)),
            full((2, 128, 8 * OUT)), full((2, 128, 8 * OUT)),
            full((2, 1, 8 * OUT)),
        ],
        out_specs=[full((N128, 8 * OUT)), full((N128, 8 * OUT))],
        out_shape=[jax.ShapeDtypeStruct((N128, 8 * OUT), F32),
                   jax.ShapeDtypeStruct((N128, 8 * OUT), F32)],
    )(acc_c, cnt_c, acc_s, cnt_s, xpc, xps, a_st, b_st, c_st)


def kernel(x_channel, x_sensor, channel_time_series, edge_index_channel,
           edge_index_sensor, lstm_Wih0, lstm_Whh0, lstm_bih0, lstm_bhh0,
           lstm_Wih1, lstm_Whh1, lstm_bih1, lstm_bhh1, proj_channel_W,
           proj_channel_b, proj_sensor_W, proj_sensor_b, sage_channel_Wl,
           sage_channel_bl, sage_channel_Wr, sage_sensor_Wl, sage_sensor_bl,
           sage_sensor_Wr, lin_W, lin_b):
    z6 = jnp.zeros((G4, 6), F32)
    zh = jnp.zeros((G4, HL), F32)
    w_all = jnp.concatenate([
        jnp.concatenate([lstm_Wih0, lstm_Whh0, zh], axis=1),
        jnp.concatenate([z6, lstm_Wih1, lstm_Whh1], axis=1)], axis=0)
    b_all = jnp.concatenate([lstm_bih0 + lstm_bhh0,
                             lstm_bih1 + lstm_bhh1]).reshape(2 * G4, 1)
    wxn = proj_channel_W[:D_IN]
    whn = proj_channel_W[D_IN:]
    bc = proj_channel_b.reshape(1, H)
    bs = proj_sensor_b.reshape(1, H)

    e3c = edge_index_channel.reshape(2, EROWS, CW)
    e3s = edge_index_sensor.reshape(2, EROWS, CW)
    ones_h = jnp.ones((CW, H), F32)
    zeros_h = jnp.zeros((STRIPE, H), F32)

    tsT = jnp.transpose(channel_time_series.astype(jnp.bfloat16),
                        (1, 2, 0))
    xps = _proj(x_sensor, proj_sensor_W, bs)
    acc_s, cnt_s = _sc_seg_call()(xps, e3s, ones_h, zeros_h)

    xpc = _encoder(tsT, x_channel, w_all, b_all, wxn, whn, bc)
    acc_c, cnt_c = _sc_seg_call()(xpc, e3c, ones_h, zeros_h)

    eye8 = jnp.eye(8, dtype=F32)
    a_st = jnp.stack([jnp.kron(eye8, sage_channel_Wl @ lin_W),
                      jnp.kron(eye8, sage_sensor_Wl @ lin_W)])
    b_st = jnp.stack([jnp.kron(eye8, sage_channel_Wr @ lin_W),
                      jnp.kron(eye8, sage_sensor_Wr @ lin_W)])
    c_st = jnp.stack([jnp.tile(sage_channel_bl @ lin_W + lin_b, 8),
                      jnp.tile(sage_sensor_bl @ lin_W + lin_b, 8)]
                     ).reshape(2, 1, 8 * OUT)

    out_c, out_s = _finisher(
        acc_c.reshape(2, ACC128, 128), cnt_c.reshape(2, ACC128, 128),
        acc_s.reshape(2, ACC128, 128), cnt_s.reshape(2, ACC128, 128),
        xpc.reshape(N128, 128), xps.reshape(N128, 128), a_st, b_st, c_st)
    return (out_c.reshape(N_NODES, OUT), out_s.reshape(N_NODES, OUT))

# --- scband reference (transcript-rebuilt; emitter-appended) ---
"""Pipeline reference for scband-het-gnn-49752901157170 (READ-ONLY COPY).

The authoritative reference and input builder live on the scoring server;
editing this copy changes nothing except your own understanding.
"""

import jax, jax.numpy as jnp
import numpy as np

N_CH = 10000
N_SE = 10000
E = 320000
D_IN = 128
T = 50
H_LSTM = 32
H = 16
OUT = 8

def _lstm_layer(x, Wih, Whh, bih, bhh):
    Hd = Whh.shape[1]
    n = x.shape[0]
    def step(carry, xt):
        h, c = carry
        g = xt @ Wih.T + bih + h @ Whh.T + bhh
        i, f, gg, o = jnp.split(g, 4, axis=-1)
        c = jax.nn.sigmoid(f) * c + jax.nn.sigmoid(i) * jnp.tanh(gg)
        h = jax.nn.sigmoid(o) * jnp.tanh(c)
        return (h, c), h
    h0 = jnp.zeros((n, Hd), x.dtype)
    c0 = jnp.zeros((n, Hd), x.dtype)
    _, hs = jax.lax.scan(step, (h0, c0), jnp.swapaxes(x, 0, 1))
    return jnp.swapaxes(hs, 0, 1)

def _sage(x, src, dst, Wl, bl, Wr):
    n = x.shape[0]
    agg = jax.ops.segment_sum(x[src], dst, num_segments=n)
    cnt = jax.ops.segment_sum(jnp.ones((src.shape[0], 1), x.dtype), dst, num_segments=n)
    agg = agg / jnp.maximum(cnt, 1.0)
    return agg @ Wl + bl + x @ Wr

def setup_inputs(seed: int = 0):
    key = jax.random.key(seed)
    ks = jax.random.split(key, 32)
    s = 0.05
    inp = {}
    inp['x_channel'] = jax.random.normal(ks[0], (N_CH, D_IN), jnp.float32)
    inp['x_sensor'] = jax.random.normal(ks[1], (N_SE, D_IN), jnp.float32)
    inp['channel_time_series'] = jax.random.normal(ks[2], (N_CH, T, 6), jnp.float32)
    inp['edge_index_channel'] = jax.random.randint(ks[3], (2, E), 0, N_CH, jnp.int32)
    inp['edge_index_sensor'] = jax.random.randint(ks[4], (2, E), 0, N_SE, jnp.int32)
    inp['lstm_Wih0'] = jax.random.normal(ks[5], (4 * H_LSTM, 6), jnp.float32) * s
    inp['lstm_Whh0'] = jax.random.normal(ks[6], (4 * H_LSTM, H_LSTM), jnp.float32) * s
    inp['lstm_bih0'] = jnp.zeros((4 * H_LSTM,), jnp.float32)
    inp['lstm_bhh0'] = jnp.zeros((4 * H_LSTM,), jnp.float32)
    inp['lstm_Wih1'] = jax.random.normal(ks[7], (4 * H_LSTM, H_LSTM), jnp.float32) * s
    inp['lstm_Whh1'] = jax.random.normal(ks[8], (4 * H_LSTM, H_LSTM), jnp.float32) * s
    inp['lstm_bih1'] = jnp.zeros((4 * H_LSTM,), jnp.float32)
    inp['lstm_bhh1'] = jnp.zeros((4 * H_LSTM,), jnp.float32)
    inp['proj_channel_W'] = jax.random.normal(ks[9], (D_IN + H_LSTM, H), jnp.float32) * s
    inp['proj_channel_b'] = jnp.zeros((H,), jnp.float32)
    inp['proj_sensor_W'] = jax.random.normal(ks[10], (D_IN, H), jnp.float32) * s
    inp['proj_sensor_b'] = jnp.zeros((H,), jnp.float32)
    inp['sage_channel_Wl'] = jax.random.normal(ks[11], (H, H), jnp.float32) * s
    inp['sage_channel_bl'] = jnp.zeros((H,), jnp.float32)
    inp['sage_channel_Wr'] = jax.random.normal(ks[12], (H, H), jnp.float32) * s
    inp['sage_sensor_Wl'] = jax.random.normal(ks[13], (H, H), jnp.float32) * s
    inp['sage_sensor_bl'] = jnp.zeros((H,), jnp.float32)
    inp['sage_sensor_Wr'] = jax.random.normal(ks[14], (H, H), jnp.float32) * s
    inp['lin_W'] = jax.random.normal(ks[15], (H, OUT), jnp.float32) * s
    inp['lin_b'] = jnp.zeros((OUT,), jnp.float32)
    return inp

def reference(x_channel, x_sensor, channel_time_series, edge_index_channel, edge_index_sensor, lstm_Wih0, lstm_Whh0, lstm_bih0, lstm_bhh0, lstm_Wih1, lstm_Whh1, lstm_bih1, lstm_bhh1, proj_channel_W, proj_channel_b, proj_sensor_W, proj_sensor_b, sage_channel_Wl, sage_channel_bl, sage_channel_Wr, sage_sensor_Wl, sage_sensor_bl, sage_sensor_Wr, lin_W, lin_b):
    h1 = _lstm_layer(channel_time_series, lstm_Wih0, lstm_Whh0, lstm_bih0, lstm_bhh0)
    h2 = _lstm_layer(h1, lstm_Wih1, lstm_Whh1, lstm_bih1, lstm_bhh1)
    lstm_last = h2[:, -1, :]
    xc = jnp.concatenate([x_channel, lstm_last], axis=1)
    xc = xc @ proj_channel_W + proj_channel_b
    xs = x_sensor @ proj_sensor_W + proj_sensor_b
    hc = _sage(xc, edge_index_channel[0], edge_index_channel[1], sage_channel_Wl, sage_channel_bl, sage_channel_Wr)
    hs = _sage(xs, edge_index_sensor[0], edge_index_sensor[1], sage_sensor_Wl, sage_sensor_bl, sage_sensor_Wr)
    out_c = jax.nn.relu(hc @ lin_W + lin_b)
    out_s = jax.nn.relu(hs @ lin_W + lin_b)
    return (out_c, out_s)

if __name__ == "__main__":
    import jax
    _d = setup_inputs()
    print(jax.jit(kernel)(*tuple(_d.values())))

</pallas_src>

<mosaic_0001>
#map = affine_map<(d0, d1) -> (0, 0)>
#map1 = affine_map<(d0, d1) -> (0, 0, 0)>
module attributes {stable_mosaic.version = 14 : i64} {
  func.func @_sc_seg_body(%arg0: i32, %arg1: i32, %arg2: memref<10000x16xf32, #tpu.memory_space<hbm>>, %arg3: memref<2x2500x128xi32, #tpu.memory_space<hbm>>, %arg4: memref<128x16xf32, #tpu.memory_space<hbm>>, %arg5: memref<632x16xf32, #tpu.memory_space<hbm>>, %arg6: memref<2x10112x16xf32, #tpu.memory_space<hbm>>, %arg7: memref<2x10112x16xf32, #tpu.memory_space<hbm>>, %arg8: memref<79x128xi32, #tpu.memory_space<vmem>>, %arg9: memref<79x128xi32, #tpu.memory_space<vmem>>, %arg10: memref<6x128x16xf32, #tpu.memory_space<vmem>>, %arg11: memref<128x16xf32, #tpu.memory_space<vmem>>, %arg12: memref<128x16xf32, #tpu.memory_space<vmem>>, %arg13: memref<10112x16xf32, #tpu.memory_space<vmem_shared>>, %arg14: memref<10112x16xf32, #tpu.memory_space<vmem_shared>>, %arg15: memref<!tpu.dma_semaphore, #tpu.memory_space<semaphore_mem>>, %arg16: memref<!tpu.dma_semaphore, #tpu.memory_space<semaphore_mem>>, %arg17: memref<!tpu.dma_semaphore, #tpu.memory_space<semaphore_mem>>, %arg18: memref<!tpu.dma_semaphore, #tpu.memory_space<semaphore_mem>>, %arg19: memref<!tpu.dma_semaphore, #tpu.memory_space<semaphore_mem>>, %arg20: memref<!tpu.dma_semaphore, #tpu.memory_space<semaphore_mem>>) attributes {dimension_semantics = [#tpu.dimension_semantics<core_parallel>, #tpu.dimension_semantics<subcore_parallel>], iteration_bounds = array<i64: 2, 16>, scalar_prefetch = 0 : i64, scratch_operands = 13 : i64, tpu.core_type = #tpu.core_type<sc_vector_subcore>, window_params = [{transform_indices = #map}, {transform_indices = #map1}, {transform_indices = #map}, {transform_indices = #map}, {transform_indices = #map1}, {transform_indices = #map1}]} {
    %mul3A = arith.constant 16 : i32
    %mul3A_0 = arith.muli %arg0, %mul3A : i32
    %add3A = arith.addi %mul3A_0, %arg1 : i32
    %mul3A_1 = arith.constant 632 : i32
    %mul3A_2 = arith.muli %arg1, %mul3A_1 : i32
    "tpu.region"() ({
      %run_scoped3A_121 = tpu.sem_alloc : memref<!tpu.dma_semaphore, #tpu.memory_space<semaphore_mem>>
      %dma_start3A_122 = arith.constant 0 : i32
      %dma_start3A_123 = tpu.memref_slice %arg13[%mul3A_2, %dma_start3A_122] : memref<10112x16xf32, #tpu.memory_space<vmem_shared>> -> memref<632x16xf32, #tpu.memory_space<vmem_shared>>
      tpu.enqueue_dma source(%arg5 : memref<632x16xf32, #tpu.memory_space<hbm>>) target(%dma_start3A_123 : memref<632x16xf32, #tpu.memory_space<vmem_shared>>) target_semaphore(%run_scoped3A_121 : memref<!tpu.dma_semaphore, #tpu.memory_space<semaphore_mem>>)
      %dma_wait3A_124 = arith.constant 0 : i32
      %dma_wait3A_125 = tpu.memref_slice %arg13[%mul3A_2, %dma_wait3A_124] : memref<10112x16xf32, #tpu.memory_space<vmem_shared>> -> memref<632x16xf32, #tpu.memory_space<vmem_shared>>
      tpu.wait_dma2 semaphore(%run_scoped3A_121 : memref<!tpu.dma_semaphore, #tpu.memory_space<semaphore_mem>>) src(%arg5 : memref<632x16xf32, #tpu.memory_space<hbm>>) dst(%dma_wait3A_125 : memref<632x16xf32, #tpu.memory_space<vmem_shared>>)
      tpu.yield
    }) : () -> ()
    %mul3A_3 = arith.constant 632 : i32
    %mul3A_4 = arith.muli %arg1, %mul3A_3 : i32
    "tpu.region"() ({
      %run_scoped3A_121 = tpu.sem_alloc : memref<!tpu.dma_semaphore, #tpu.memory_space<semaphore_mem>>
      %dma_start3A_122 = arith.constant 0 : i32
      %dma_start3A_123 = tpu.memref_slice %arg14[%mul3A_4, %dma_start3A_122] : memref<10112x16xf32, #tpu.memory_space<vmem_shared>> -> memref<632x16xf32, #tpu.memory_space<vmem_shared>>
      tpu.enqueue_dma source(%arg5 : memref<632x16xf32, #tpu.memory_space<hbm>>) target(%dma_start3A_123 : memref<632x16xf32, #tpu.memory_space<vmem_shared>>) target_semaphore(%run_scoped3A_121 : memref<!tpu.dma_semaphore, #tpu.memory_space<semaphore_mem>>)
      %dma_wait3A_124 = arith.constant 0 : i32
      %dma_wait3A_125 = tpu.memref_slice %arg14[%mul3A_4, %dma_wait3A_124] : memref<10112x16xf32, #tpu.memory_space<vmem_shared>> -> memref<632x16xf32, #tpu.memory_space<vmem_shared>>
      tpu.wait_dma2 semaphore(%run_scoped3A_121 : memref<!tpu.dma_semaphore, #tpu.memory_space<semaphore_mem>>) src(%arg5 : memref<632x16xf32, #tpu.memory_space<hbm>>) dst(%dma_wait3A_125 : memref<632x16xf32, #tpu.memory_space<vmem_shared>>)
      tpu.yield
    }) : () -> ()
    "tpu.region"() ({
      %run_scoped3A_121 = tpu.sem_alloc : memref<!tpu.dma_semaphore, #tpu.memory_space<semaphore_mem>>
      tpu.enqueue_dma source(%arg4 : memref<128x16xf32, #tpu.memory_space<hbm>>) target(%arg12 : memref<128x16xf32, #tpu.memory_space<vmem>>) target_semaphore(%run_scoped3A_121 : memref<!tpu.dma_semaphore, #tpu.memory_space<semaphore_mem>>)
      tpu.wait_dma2 semaphore(%run_scoped3A_121 : memref<!tpu.dma_semaphore, #tpu.memory_space<semaphore_mem>>) src(%arg4 : memref<128x16xf32, #tpu.memory_space<hbm>>) dst(%arg12 : memref<128x16xf32, #tpu.memory_space<vmem>>)
      tpu.yield
    }) : () -> ()
    %barrier3A = arith.constant 0 : index
    tpu.barrier barrier_id(%barrier3A)
    %mul3A_5 = arith.constant 78 : i32
    %mul3A_6 = arith.muli %add3A, %mul3A_5 : i32
    %run_scoped3A = arith.constant 0 : i32
    "tpu.region"() ({
      %run_scoped3A_121 = tpu.sem_alloc : memref<!tpu.dma_semaphore, #tpu.memory_space<semaphore_mem>>
      %dma_start3A_122 = arith.constant 0 : i32
      %dma_start3A_123 = arith.constant 0 : i32
      %dma_start3A_124 = tpu.memref_slice %arg8[%dma_start3A_122, %dma_start3A_123] : memref<79x128xi32, #tpu.memory_space<vmem>> -> memref<78x128xi32, #tpu.memory_space<vmem>>
      %dma_start3A_125 = arith.constant 0 : i32
      %dma_start3A_126 = tpu.memref_slice %arg3[%run_scoped3A, %mul3A_6, %dma_start3A_125] : memref<2x2500x128xi32, #tpu.memory_space<hbm>> -> memref<1x78x128xi32, #tpu.memory_space<hbm>>
      %dma_start3A_127 = tpu.memref_squeeze %dma_start3A_126 : memref<1x78x128xi32, #tpu.memory_space<hbm>> -> memref<78x128xi32, #tpu.memory_space<hbm>>
      %dma_start3A_128 = arith.constant 0 : i32
      %dma_start3A_129 = arith.constant 0 : i32
      %dma_start3A_130 = tpu.memref_slice %arg8[%dma_start3A_128, %dma_start3A_129] : memref<79x128xi32, #tpu.memory_space<vmem>> -> memref<78x128xi32, #tpu.memory_space<vmem>>
      %dma_start3A_131 = arith.constant 0 : i32
      %dma_start3A_132 = tpu.memref_slice %arg3[%run_scoped3A, %mul3A_6, %dma_start3A_131] : memref<2x2500x128xi32, #tpu.memory_space<hbm>> -> memref<1x78x128xi32, #tpu.memory_space<hbm>>
      %dma_start3A_133 = tpu.memref_squeeze %dma_start3A_132 : memref<1x78x128xi32, #tpu.memory_space<hbm>> -> memref<78x128xi32, #tpu.memory_space<hbm>>
      tpu.enqueue_dma source(%dma_start3A_133 : memref<78x128xi32, #tpu.memory_space<hbm>>) target(%dma_start3A_130 : memref<78x128xi32, #tpu.memory_space<vmem>>) target_semaphore(%run_scoped3A_121 : memref<!tpu.dma_semaphore, #tpu.memory_space<semaphore_mem>>)
      %dma_wait3A_134 = arith.constant 0 : i32
      %dma_wait3A_135 = arith.constant 0 : i32
      %dma_wait3A_136 = tpu.memref_slice %arg8[%dma_wait3A_134, %dma_wait3A_135] : memref<79x128xi32, #tpu.memory_space<vmem>> -> memref<78x128xi32, #tpu.memory_space<vmem>>
      %dma_wait3A_137 = arith.constant 0 : i32
      %dma_wait3A_138 = tpu.memref_slice %arg3[%run_scoped3A, %mul3A_6, %dma_wait3A_137] : memref<2x2500x128xi32, #tpu.memory_space<hbm>> -> memref<1x78x128xi32, #tpu.memory_space<hbm>>
      %dma_wait3A_139 = tpu.memref_squeeze %dma_wait3A_138 : memref<1x78x128xi32, #tpu.memory_space<hbm>> -> memref<78x128xi32, #tpu.memory_space<hbm>>
      %dma_wait3A_140 = arith.constant 0 : i32
      %dma_wait3A_141 = arith.constant 0 : i32
      %dma_wait3A_142 = tpu.memref_slice %arg8[%dma_wait3A_140, %dma_wait3A_141] : memref<79x128xi32, #tpu.memory_space<vmem>> -> memref<78x128xi32, #tpu.memory_space<vmem>>
      %dma_wait3A_143 = arith.constant 0 : i32
      %dma_wait3A_144 = tpu.memref_slice %arg3[%run_scoped3A, %mul3A_6, %dma_wait3A_143] : memref<2x2500x128xi32, #tpu.memory_space<hbm>> -> memref<1x78x128xi32, #tpu.memory_space<hbm>>
      %dma_wait3A_145 = tpu.memref_squeeze %dma_wait3A_144 : memref<1x78x128xi32, #tpu.memory_space<hbm>> -> memref<78x128xi32, #tpu.memory_space<hbm>>
      tpu.wait_dma2 semaphore(%run_scoped3A_121 : memref<!tpu.dma_semaphore, #tpu.memory_space<semaphore_mem>>) src(%dma_wait3A_145 : memref<78x128xi32, #tpu.memory_space<hbm>>) dst(%dma_wait3A_142 : memref<78x128xi32, #tpu.memory_space<vmem>>)
      tpu.yield
    }) : () -> ()
    %mul3A_7 = arith.constant 78 : i32
    %mul3A_8 = arith.muli %add3A, %mul3A_7 : i32
    %run_scoped3A_9 = arith.constant 1 : i32
    "tpu.region"() ({
      %run_scoped3A_121 = tpu.sem_alloc : memref<!tpu.dma_semaphore, #tpu.memory_space<semaphore_mem>>
      %dma_start3A_122 = arith.constant 0 : i32
      %dma_start3A_123 = arith.constant 0 : i32
      %dma_start3A_124 = tpu.memref_slice %arg9[%dma_start3A_122, %dma_start3A_123] : memref<79x128xi32, #tpu.memory_space<vmem>> -> memref<78x128xi32, #tpu.memory_space<vmem>>
      %dma_start3A_125 = arith.constant 0 : i32
      %dma_start3A_126 = tpu.memref_slice %arg3[%run_scoped3A_9, %mul3A_8, %dma_start3A_125] : memref<2x2500x128xi32, #tpu.memory_space<hbm>> -> memref<1x78x128xi32, #tpu.memory_space<hbm>>
      %dma_start3A_127 = tpu.memref_squeeze %dma_start3A_126 : memref<1x78x128xi32, #tpu.memory_space<hbm>> -> memref<78x128xi32, #tpu.memory_space<hbm>>
      %dma_start3A_128 = arith.constant 0 : i32
      %dma_start3A_129 = arith.constant 0 : i32
      %dma_start3A_130 = tpu.memref_slice %arg9[%dma_start3A_128, %dma_start3A_129] : memref<79x128xi32, #tpu.memory_space<vmem>> -> memref<78x128xi32, #tpu.memory_space<vmem>>
      %dma_start3A_131 = arith.constant 0 : i32
      %dma_start3A_132 = tpu.memref_slice %arg3[%run_scoped3A_9, %mul3A_8, %dma_start3A_131] : memref<2x2500x128xi32, #tpu.memory_space<hbm>> -> memref<1x78x128xi32, #tpu.memory_space<hbm>>
      %dma_start3A_133 = tpu.memref_squeeze %dma_start3A_132 : memref<1x78x128xi32, #tpu.memory_space<hbm>> -> memref<78x128xi32, #tpu.memory_space<hbm>>
      tpu.enqueue_dma source(%dma_start3A_133 : memref<78x128xi32, #tpu.memory_space<hbm>>) target(%dma_start3A_130 : memref<78x128xi32, #tpu.memory_space<vmem>>) target_semaphore(%run_scoped3A_121 : memref<!tpu.dma_semaphore, #tpu.memory_space<semaphore_mem>>)
      %dma_wait3A_134 = arith.constant 0 : i32
      %dma_wait3A_135 = arith.constant 0 : i32
      %dma_wait3A_136 = tpu.memref_slice %arg9[%dma_wait3A_134, %dma_wait3A_135] : memref<79x128xi32, #tpu.memory_space<vmem>> -> memref<78x128xi32, #tpu.memory_space<vmem>>
      %dma_wait3A_137 = arith.constant 0 : i32
      %dma_wait3A_138 = tpu.memref_slice %arg3[%run_scoped3A_9, %mul3A_8, %dma_wait3A_137] : memref<2x2500x128xi32, #tpu.memory_space<hbm>> -> memref<1x78x128xi32, #tpu.memory_space<hbm>>
      %dma_wait3A_139 = tpu.memref_squeeze %dma_wait3A_138 : memref<1x78x128xi32, #tpu.memory_space<hbm>> -> memref<78x128xi32, #tpu.memory_space<hbm>>
      %dma_wait3A_140 = arith.constant 0 : i32
      %dma_wait3A_141 = arith.constant 0 : i32
      %dma_wait3A_142 = tpu.memref_slice %arg9[%dma_wait3A_140, %dma_wait3A_141] : memref<79x128xi32, #tpu.memory_space<vmem>> -> memref<78x128xi32, #tpu.memory_space<vmem>>
      %dma_wait3A_143 = arith.constant 0 : i32
      %dma_wait3A_144 = tpu.memref_slice %arg3[%run_scoped3A_9, %mul3A_8, %dma_wait3A_143] : memref<2x2500x128xi32, #tpu.memory_space<hbm>> -> memref<1x78x128xi32, #tpu.memory_space<hbm>>
      %dma_wait3A_145 = tpu.memref_squeeze %dma_wait3A_144 : memref<1x78x128xi32, #tpu.memory_space<hbm>> -> memref<78x128xi32, #tpu.memory_space<hbm>>
      tpu.wait_dma2 semaphore(%run_scoped3A_121 : memref<!tpu.dma_semaphore, #tpu.memory_space<semaphore_mem>>) src(%dma_wait3A_145 : memref<78x128xi32, #tpu.memory_space<hbm>>) dst(%dma_wait3A_142 : memref<78x128xi32, #tpu.memory_space<vmem>>)
      tpu.yield
    }) : () -> ()
    %lt3A = arith.constant 4 : i32
    %lt3A_10 = arith.cmpi slt, %add3A, %lt3A : i32
    %convert_element_type3A = arith.extui %lt3A_10 : i1 to i32
    %cond3A = arith.constant 0 : i32
    %cond3A_11 = arith.cmpi ne, %convert_element_type3A, %cond3A : i32
    scf.if %cond3A_11 {
      %add3A_121 = arith.constant 2496 : i32
      %add3A_122 = arith.addi %add3A_121, %add3A : i32
      %run_scoped3A_123 = arith.constant 0 : i32
      %run_scoped3A_124 = arith.constant 78 : i32
      "tpu.region"() ({
        %run_scoped3A_145 = tpu.sem_alloc : memref<!tpu.dma_semaphore, #tpu.memory_space<semaphore_mem>>
        %dma_start3A_146 = arith.constant 0 : i32
        %dma_start3A_147 = tpu.memref_slice %arg8[%run_scoped3A_124, %dma_start3A_146] : memref<79x128xi32, #tpu.memory_space<vmem>> -> memref<1x128xi32, #tpu.memory_space<vmem>>
        %dma_start3A_148 = tpu.memref_squeeze %dma_start3A_147 : memref<1x128xi32, #tpu.memory_space<vmem>> -> memref<128xi32, #tpu.memory_space<vmem>>
        %dma_start3A_149 = arith.constant 0 : i32
        %dma_start3A_150 = tpu.memref_slice %arg3[%run_scoped3A_123, %add3A_122, %dma_start3A_149] : memref<2x2500x128xi32, #tpu.memory_space<hbm>> -> memref<1x1x128xi32, #tpu.memory_space<hbm>>
        %dma_start3A_151 = tpu.memref_squeeze %dma_start3A_150 : memref<1x1x128xi32, #tpu.memory_space<hbm>> -> memref<128xi32, #tpu.memory_space<hbm>>
        %dma_start3A_152 = arith.constant 0 : i32
        %dma_start3A_153 = tpu.memref_slice %arg8[%run_scoped3A_124, %dma_start3A_152] : memref<79x128xi32, #tpu.memory_space<vmem>> -> memref<1x128xi32, #tpu.memory_space<vmem>>
        %dma_start3A_154 = tpu.memref_squeeze %dma_start3A_153 : memref<1x128xi32, #tpu.memory_space<vmem>> -> memref<128xi32, #tpu.memory_space<vmem>>
        %dma_start3A_155 = arith.constant 0 : i32
        %dma_start3A_156 = tpu.memref_slice %arg3[%run_scoped3A_123, %add3A_122, %dma_start3A_155] : memref<2x2500x128xi32, #tpu.memory_space<hbm>> -> memref<1x1x128xi32, #tpu.memory_space<hbm>>
        %dma_start3A_157 = tpu.memref_squeeze %dma_start3A_156 : memref<1x1x128xi32, #tpu.memory_space<hbm>> -> memref<128xi32, #tpu.memory_space<hbm>>
        tpu.enqueue_dma source(%dma_start3A_157 : memref<128xi32, #tpu.memory_space<hbm>>) target(%dma_start3A_154 : memref<128xi32, #tpu.memory_space<vmem>>) target_semaphore(%run_scoped3A_145 : memref<!tpu.dma_semaphore, #tpu.memory_space<semaphore_mem>>)
        %dma_wait3A_158 = arith.constant 0 : i32
        %dma_wait3A_159 = tpu.memref_slice %arg8[%run_scoped3A_124, %dma_wait3A_158] : memref<79x128xi32, #tpu.memory_space<vmem>> -> memref<1x128xi32, #tpu.memory_space<vmem>>
        %dma_wait3A_160 = tpu.memref_squeeze %dma_wait3A_159 : memref<1x128xi32, #tpu.memory_space<vmem>> -> memref<128xi32, #tpu.memory_space<vmem>>
        %dma_wait3A_161 = arith.constant 0 : i32
        %dma_wait3A_162 = tpu.memref_slice %arg3[%run_scoped3A_123, %add3A_122, %dma_wait3A_161] : memref<2x2500x128xi32, #tpu.memory_space<hbm>> -> memref<1x1x128xi32, #tpu.memory_space<hbm>>
        %dma_wait3A_163 = tpu.memref_squeeze %dma_wait3A_162 : memref<1x1x128xi32, #tpu.memory_space<hbm>> -> memref<128xi32, #tpu.memory_space<hbm>>
        %dma_wait3A_164 = arith.constant 0 : i32
        %dma_wait3A_165 = tpu.memref_slice %arg8[%run_scoped3A_124, %dma_wait3A_164] : memref<79x128xi32, #tpu.memory_space<vmem>> -> memref<1x128xi32, #tpu.memory_space<vmem>>
        %dma_wait3A_166 = tpu.memref_squeeze %dma_wait3A_165 : memref<1x128xi32, #tpu.memory_space<vmem>> -> memref<128xi32, #tpu.memory_space<vmem>>
        %dma_wait3A_167 = arith.constant 0 : i32
        %dma_wait3A_168 = tpu.memref_slice %arg3[%run_scoped3A_123, %add3A_122, %dma_wait3A_167] : memref<2x2500x128xi32, #tpu.memory_space<hbm>> -> memref<1x1x128xi32, #tpu.memory_space<hbm>>
        %dma_wait3A_169 = tpu.memref_squeeze %dma_wait3A_168 : memref<1x1x128xi32, #tpu.memory_space<hbm>> -> memref<128xi32, #tpu.memory_space<hbm>>
        tpu.wait_dma2 semaphore(%run_scoped3A_145 : memref<!tpu.dma_semaphore, #tpu.memory_space<semaphore_mem>>) src(%dma_wait3A_169 : memref<128xi32, #tpu.memory_space<hbm>>) dst(%dma_wait3A_166 : memref<128xi32, #tpu.memory_space<vmem>>)
        tpu.yield
      }) : () -> ()
      %add3A_125 = arith.constant 2496 : i32
      %add3A_126 = arith.addi %add3A_125, %add3A : i32
      %run_scoped3A_127 = arith.constant 1 : i32
      %run_scoped3A_128 = arith.constant 78 : i32
      "tpu.region"() ({
        %run_scoped3A_145 = tpu.sem_alloc : memref<!tpu.dma_semaphore, #tpu.memory_space<semaphore_mem>>
        %dma_start3A_146 = arith.constant 0 : i32
        %dma_start3A_147 = tpu.memref_slice %arg9[%run_scoped3A_128, %dma_start3A_146] : memref<79x128xi32, #tpu.memory_space<vmem>> -> memref<1x128xi32, #tpu.memory_space<vmem>>
        %dma_start3A_148 = tpu.memref_squeeze %dma_start3A_147 : memref<1x128xi32, #tpu.memory_space<vmem>> -> memref<128xi32, #tpu.memory_space<vmem>>
        %dma_start3A_149 = arith.constant 0 : i32
        %dma_start3A_150 = tpu.memref_slice %arg3[%run_scoped3A_127, %add3A_126, %dma_start3A_149] : memref<2x2500x128xi32, #tpu.memory_space<hbm>> -> memref<1x1x128xi32, #tpu.memory_space<hbm>>
        %dma_start3A_151 = tpu.memref_squeeze %dma_start3A_150 : memref<1x1x128xi32, #tpu.memory_space<hbm>> -> memref<128xi32, #tpu.memory_space<hbm>>
        %dma_start3A_152 = arith.constant 0 : i32
        %dma_start3A_153 = tpu.memref_slice %arg9[%run_scoped3A_128, %dma_start3A_152] : memref<79x128xi32, #tpu.memory_space<vmem>> -> memref<1x128xi32, #tpu.memory_space<vmem>>
        %dma_start3A_154 = tpu.memref_squeeze %dma_start3A_153 : memref<1x128xi32, #tpu.memory_space<vmem>> -> memref<128xi32, #tpu.memory_space<vmem>>
        %dma_start3A_155 = arith.constant 0 : i32
        %dma_start3A_156 = tpu.memref_slice %arg3[%run_scoped3A_127, %add3A_126, %dma_start3A_155] : memref<2x2500x128xi32, #tpu.memory_space<hbm>> -> memref<1x1x128xi32, #tpu.memory_space<hbm>>
        %dma_start3A_157 = tpu.memref_squeeze %dma_start3A_156 : memref<1x1x128xi32, #tpu.memory_space<hbm>> -> memref<128xi32, #tpu.memory_space<hbm>>
        tpu.enqueue_dma source(%dma_start3A_157 : memref<128xi32, #tpu.memory_space<hbm>>) target(%dma_start3A_154 : memref<128xi32, #tpu.memory_space<vmem>>) target_semaphore(%run_scoped3A_145 : memref<!tpu.dma_semaphore, #tpu.memory_space<semaphore_mem>>)
        %dma_wait3A_158 = arith.constant 0 : i32
        %dma_wait3A_159 = tpu.memref_slice %arg9[%run_scoped3A_128, %dma_wait3A_158] : memref<79x128xi32, #tpu.memory_space<vmem>> -> memref<1x128xi32, #tpu.memory_space<vmem>>
        %dma_wait3A_160 = tpu.memref_squeeze %dma_wait3A_159 : memref<1x128xi32, #tpu.memory_space<vmem>> -> memref<128xi32, #tpu.memory_space<vmem>>
        %dma_wait3A_161 = arith.constant 0 : i32
        %dma_wait3A_162 = tpu.memref_slice %arg3[%run_scoped3A_127, %add3A_126, %dma_wait3A_161] : memref<2x2500x128xi32, #tpu.memory_space<hbm>> -> memref<1x1x128xi32, #tpu.memory_space<hbm>>
        %dma_wait3A_163 = tpu.memref_squeeze %dma_wait3A_162 : memref<1x1x128xi32, #tpu.memory_space<hbm>> -> memref<128xi32, #tpu.memory_space<hbm>>
        %dma_wait3A_164 = arith.constant 0 : i32
        %dma_wait3A_165 = tpu.memref_slice %arg9[%run_scoped3A_128, %dma_wait3A_164] : memref<79x128xi32, #tpu.memory_space<vmem>> -> memref<1x128xi32, #tpu.memory_space<vmem>>
        %dma_wait3A_166 = tpu.memref_squeeze %dma_wait3A_165 : memref<1x128xi32, #tpu.memory_space<vmem>> -> memref<128xi32, #tpu.memory_space<vmem>>
        %dma_wait3A_167 = arith.constant 0 : i32
        %dma_wait3A_168 = tpu.memref_slice %arg3[%run_scoped3A_127, %add3A_126, %dma_wait3A_167] : memref<2x2500x128xi32, #tpu.memory_space<hbm>> -> memref<1x1x128xi32, #tpu.memory_space<hbm>>
        %dma_wait3A_169 = tpu.memref_squeeze %dma_wait3A_168 : memref<1x1x128xi32, #tpu.memory_space<hbm>> -> memref<128xi32, #tpu.memory_space<hbm>>
        tpu.wait_dma2 semaphore(%run_scoped3A_145 : memref<!tpu.dma_semaphore, #tpu.memory_space<semaphore_mem>>) src(%dma_wait3A_169 : memref<128xi32, #tpu.memory_space<hbm>>) dst(%dma_wait3A_166 : memref<128xi32, #tpu.memory_space<vmem>>)
        tpu.yield
      }) : () -> ()
      %dma_start3A_129 = arith.constant 78 : i32
      %dma_start3A_130 = arith.constant 0 : i32
      %dma_start3A_131 = tpu.memref_slice %arg8[%dma_start3A_129, %dma_start3A_130] : memref<79x128xi32, #tpu.memory_space<vmem>> -> memref<1x128xi32, #tpu.memory_space<vmem>>
      %dma_start3A_132 = tpu.memref_squeeze %dma_start3A_131 : memref<1x128xi32, #tpu.memory_space<vmem>> -> memref<128xi32, #tpu.memory_space<vmem>>
      %dma_start3A_133 = arith.constant 0 : i32
      %dma_start3A_134 = arith.constant 0 : i32
      %dma_start3A_135 = tpu.memref_slice %arg2[%dma_start3A_133, %dma_start3A_134] : memref<10000x16xf32, #tpu.memory_space<hbm>> -> memref<10000x16xf32, #tpu.memory_space<hbm>>
      tpu.enqueue_indirect_dma source(%dma_start3A_135 : memref<10000x16xf32, #tpu.memory_space<hbm>>) target(%arg11 : memref<128x16xf32, #tpu.memory_space<vmem>>) offsets(%dma_start3A_132 : memref<128xi32, #tpu.memory_space<vmem>>) semaphore(%arg15 : memref<!tpu.dma_semaphore, #tpu.memory_space<semaphore_mem>>)
      %dma_wait3A_136 = arith.constant 78 : i32
      %dma_wait3A_137 = arith.constant 0 : i32
      %dma_wait3A_138 = tpu.memref_slice %arg8[%dma_wait3A_136, %dma_wait3A_137] : memref<79x128xi32, #tpu.memory_space<vmem>> -> memref<1x128xi32, #tpu.memory_space<vmem>>
      %dma_wait3A_139 = tpu.memref_squeeze %dma_wait3A_138 : memref<1x128xi32, #tpu.memory_space<vmem>> -> memref<128xi32, #tpu.memory_space<vmem>>
      %dma_wait3A_140 = arith.constant 0 : i32
      %dma_wait3A_141 = arith.constant 0 : i32
      %dma_wait3A_142 = tpu.memref_slice %arg2[%dma_wait3A_140, %dma_wait3A_141] : memref<10000x16xf32, #tpu.memory_space<hbm>> -> memref<10000x16xf32, #tpu.memory_space<hbm>>
      tpu.wait_indirect_dma semaphore(%arg15 : memref<!tpu.dma_semaphore, #tpu.memory_space<semaphore_mem>>) src(%dma_wait3A_142 : memref<10000x16xf32, #tpu.memory_space<hbm>>) dst(%arg11 : memref<128x16xf32, #tpu.memory_space<vmem>>)
      %run_scoped3A_143 = arith.constant 78 : i32
      "tpu.region"() ({
        %run_scoped3A_145 = tpu.sem_alloc : memref<!tpu.dma_semaphore, #tpu.memory_space<semaphore_mem>>
        %dma_start3A_146 = arith.constant 0 : i32
        %dma_start3A_147 = tpu.memref_slice %arg9[%run_scoped3A_143, %dma_start3A_146] : memref<79x128xi32, #tpu.memory_space<vmem>> -> memref<1x128xi32, #tpu.memory_space<vmem>>
        %dma_start3A_148 = tpu.memref_squeeze %dma_start3A_147 : memref<1x128xi32, #tpu.memory_space<vmem>> -> memref<128xi32, #tpu.memory_space<vmem>>
        %dma_start3A_149 = arith.constant 0 : i32
        %dma_start3A_150 = arith.constant 0 : i32
        %dma_start3A_151 = tpu.memref_slice %arg13[%dma_start3A_149, %dma_start3A_150] : memref<10112x16xf32, #tpu.memory_space<vmem_shared>> -> memref<10112x16xf32, #tpu.memory_space<vmem_shared>>
        tpu.enqueue_indirect_dma source(%arg11 : memref<128x16xf32, #tpu.memory_space<vmem>>) target(%dma_start3A_151 : memref<10112x16xf32, #tpu.memory_space<vmem_shared>>) offsets(%dma_start3A_148 : memref<128xi32, #tpu.memory_space<vmem>>) semaphore(%run_scoped3A_145 : memref<!tpu.dma_semaphore, #tpu.memory_space<semaphore_mem>>) {add = true}
        %dma_wait3A_152 = arith.constant 0 : i32
        %dma_wait3A_153 = tpu.memref_slice %arg9[%run_scoped3A_143, %dma_wait3A_152] : memref<79x128xi32, #tpu.memory_space<vmem>> -> memref<1x128xi32, #tpu.memory_space<vmem>>
        %dma_wait3A_154 = tpu.memref_squeeze %dma_wait3A_153 : memref<1x128xi32, #tpu.memory_space<vmem>> -> memref<128xi32, #tpu.memory_space<vmem>>
        %dma_wait3A_155 = arith.constant 0 : i32
        %dma_wait3A_156 = arith.constant 0 : i32
        %dma_wait3A_157 = tpu.memref_slice %arg13[%dma_wait3A_155, %dma_wait3A_156] : memref<10112x16xf32, #tpu.memory_space<vmem_shared>> -> memref<10112x16xf32, #tpu.memory_space<vmem_shared>>
        tpu.wait_indirect_dma semaphore(%run_scoped3A_145 : memref<!tpu.dma_semaphore, #tpu.memory_space<semaphore_mem>>) src(%arg11 : memref<128x16xf32, #tpu.memory_space<vmem>>) dst(%dma_wait3A_157 : memref<10112x16xf32, #tpu.memory_space<vmem_shared>>)
        tpu.yield
      }) : () -> ()
      %run_scoped3A_144 = arith.constant 78 : i32
      "tpu.region"() ({
        %run_scoped3A_145 = tpu.sem_alloc : memref<!tpu.dma_semaphore, #tpu.memory_space<semaphore_mem>>
        %dma_start3A_146 = arith.constant 0 : i32
        %dma_start3A_147 = tpu.memref_slice %arg9[%run_scoped3A_144, %dma_start3A_146] : memref<79x128xi32, #tpu.memory_space<vmem>> -> memref<1x128xi32, #tpu.memory_space<vmem>>
        %dma_start3A_148 = tpu.memref_squeeze %dma_start3A_147 : memref<1x128xi32, #tpu.memory_space<vmem>> -> memref<128xi32, #tpu.memory_space<vmem>>
        %dma_start3A_149 = arith.constant 0 : i32
        %dma_start3A_150 = arith.constant 0 : i32
        %dma_start3A_151 = tpu.memref_slice %arg14[%dma_start3A_149, %dma_start3A_150] : memref<10112x16xf32, #tpu.memory_space<vmem_shared>> -> memref<10112x16xf32, #tpu.memory_space<vmem_shared>>
        tpu.enqueue_indirect_dma source(%arg12 : memref<128x16xf32, #tpu.memory_space<vmem>>) target(%dma_start3A_151 : memref<10112x16xf32, #tpu.memory_space<vmem_shared>>) offsets(%dma_start3A_148 : memref<128xi32, #tpu.memory_space<vmem>>) semaphore(%run_scoped3A_145 : memref<!tpu.dma_semaphore, #tpu.memory_space<semaphore_mem>>) {add = true}
        %dma_wait3A_152 = arith.constant 0 : i32
        %dma_wait3A_153 = tpu.memref_slice %arg9[%run_scoped3A_144, %dma_wait3A_152] : memref<79x128xi32, #tpu.memory_space<vmem>> -> memref<1x128xi32, #tpu.memory_space<vmem>>
        %dma_wait3A_154 = tpu.memref_squeeze %dma_wait3A_153 : memref<1x128xi32, #tpu.memory_space<vmem>> -> memref<128xi32, #tpu.memory_space<vmem>>
        %dma_wait3A_155 = arith.constant 0 : i32
        %dma_wait3A_156 = arith.constant 0 : i32
        %dma_wait3A_157 = tpu.memref_slice %arg14[%dma_wait3A_155, %dma_wait3A_156] : memref<10112x16xf32, #tpu.memory_space<vmem_shared>> -> memref<10112x16xf32, #tpu.memory_space<vmem_shared>>
        tpu.wait_indirect_dma semaphore(%run_scoped3A_145 : memref<!tpu.dma_semaphore, #tpu.memory_space<semaphore_mem>>) src(%arg12 : memref<128x16xf32, #tpu.memory_space<vmem>>) dst(%dma_wait3A_157 : memref<10112x16xf32, #tpu.memory_space<vmem_shared>>)
        tpu.yield
      }) : () -> ()
    } else {
    }
    %dma_start3A = arith.constant 0 : i32
    %dma_start3A_12 = arith.constant 0 : i32
    %dma_start3A_13 = arith.constant 0 : i32
    %dma_start3A_14 = arith.constant 0 : i32
    %dma_start3A_15 = tpu.memref_slice %arg10[%dma_start3A_12, %dma_start3A_13, %dma_start3A_14] : memref<6x128x16xf32, #tpu.memory_space<vmem>> -> memref<1x128x16xf32, #tpu.memory_space<vmem>>
    %dma_start3A_16 = tpu.memref_squeeze %dma_start3A_15 : memref<1x128x16xf32, #tpu.memory_space<vmem>> -> memref<128x16xf32, #tpu.memory_space<vmem>>
    %dma_start3A_17 = arith.constant 0 : i32
    %dma_start3A_18 = tpu.memref_slice %arg8[%dma_start3A, %dma_start3A_17] : memref<79x128xi32, #tpu.memory_space<vmem>> -> memref<1x128xi32, #tpu.memory_space<vmem>>
    %dma_start3A_19 = tpu.memref_squeeze %dma_start3A_18 : memref<1x128xi32, #tpu.memory_space<vmem>> -> memref<128xi32, #tpu.memory_space<vmem>>
    %dma_start3A_20 = arith.constant 0 : i32
    %dma_start3A_21 = arith.constant 0 : i32
    %dma_start3A_22 = tpu.memref_slice %arg2[%dma_start3A_20, %dma_start3A_21] : memref<10000x16xf32, #tpu.memory_space<hbm>> -> memref<10000x16xf32, #tpu.memory_space<hbm>>
    tpu.enqueue_indirect_dma source(%dma_start3A_22 : memref<10000x16xf32, #tpu.memory_space<hbm>>) target(%dma_start3A_16 : memref<128x16xf32, #tpu.memory_space<vmem>>) offsets(%dma_start3A_19 : memref<128xi32, #tpu.memory_space<vmem>>) semaphore(%arg15 : memref<!tpu.dma_semaphore, #tpu.memory_space<semaphore_mem>>)
    %dma_start3A_23 = arith.constant 1 : i32
    %dma_start3A_24 = arith.constant 1 : i32
    %dma_start3A_25 = arith.constant 0 : i32
    %dma_start3A_26 = arith.constant 0 : i32
    %dma_start3A_27 = tpu.memref_slice %arg10[%dma_start3A_24, %dma_start3A_25, %dma_start3A_26] : memref<6x128x16xf32, #tpu.memory_space<vmem>> -> memref<1x128x16xf32, #tpu.memory_space<vmem>>
    %dma_start3A_28 = tpu.memref_squeeze %dma_start3A_27 : memref<1x128x16xf32, #tpu.memory_space<vmem>> -> memref<128x16xf32, #tpu.memory_space<vmem>>
    %dma_start3A_29 = arith.constant 0 : i32
    %dma_start3A_30 = tpu.memref_slice %arg8[%dma_start3A_23, %dma_start3A_29] : memref<79x128xi32, #tpu.memory_space<vmem>> -> memref<1x128xi32, #tpu.memory_space<vmem>>
    %dma_start3A_31 = tpu.memref_squeeze %dma_start3A_30 : memref<1x128xi32, #tpu.memory_space<vmem>> -> memref<128xi32, #tpu.memory_space<vmem>>
    %dma_start3A_32 = arith.constant 0 : i32
    %dma_start3A_33 = arith.constant 0 : i32
    %dma_start3A_34 = tpu.memref_slice %arg2[%dma_start3A_32, %dma_start3A_33] : memref<10000x16xf32, #tpu.memory_space<hbm>> -> memref<10000x16xf32, #tpu.memory_space<hbm>>
    tpu.enqueue_indirect_dma source(%dma_start3A_34 : memref<10000x16xf32, #tpu.memory_space<hbm>>) target(%dma_start3A_28 : memref<128x16xf32, #tpu.memory_space<vmem>>) offsets(%dma_start3A_31 : memref<128xi32, #tpu.memory_space<vmem>>) semaphore(%arg15 : memref<!tpu.dma_semaphore, #tpu.memory_space<semaphore_mem>>)
    %scan3A = arith.constant 0 : i32
    %scan3A_35 = arith.constant 0 : i32
    %scan3A_36 = arith.constant 13 : i32
    %scan3A_37 = arith.addi %scan3A_35, %scan3A_36 : i32
    %scan3A_38 = arith.constant 1 : i32
    %scan3A_39 = scf.for %scan3A_121 = %scan3A_35 to %scan3A_37 step %scan3A_38 iter_args(%scan3A_122 = %scan3A) -> (i32)  : i32 {
      %mul3A_123 = arith.constant 3 : i32
      %mul3A_124 = arith.muli %mul3A_123, %scan3A_121 : i32
      %add3A_125 = arith.constant 0 : i32
      %add3A_126 = arith.addi %mul3A_124, %add3A_125 : i32
      %ge3A = arith.constant 2 : i32
      %ge3A_127 = arith.cmpi sge, %add3A_126, %ge3A : i32
      %convert_element_type3A_128 = arith.extui %ge3A_127 : i1 to i32
      %cond3A_129 = arith.constant 0 : i32
      %cond3A_130 = arith.cmpi ne, %convert_element_type3A_128, %cond3A_129 : i32
      scf.if %cond3A_130 {
        %dma_wait3A_374 = arith.constant 2 : i32
        %dma_wait3A_375 = arith.constant 0 : i32
        %dma_wait3A_376 = arith.constant 0 : i32
        %dma_wait3A_377 = tpu.memref_slice %arg10[%dma_wait3A_374, %dma_wait3A_375, %dma_wait3A_376] : memref<6x128x16xf32, #tpu.memory_space<vmem>> -> memref<1x128x16xf32, #tpu.memory_space<vmem>>
        %dma_wait3A_378 = tpu.memref_squeeze %dma_wait3A_377 : memref<1x128x16xf32, #tpu.memory_space<vmem>> -> memref<128x16xf32, #tpu.memory_space<vmem>>
        %dma_wait3A_379 = arith.constant 0 : i32
        %dma_wait3A_380 = arith.constant 0 : i32
        %dma_wait3A_381 = tpu.memref_slice %arg10[%dma_wait3A_374, %dma_wait3A_379, %dma_wait3A_380] : memref<6x128x16xf32, #tpu.memory_space<vmem>> -> memref<1x128x16xf32, #tpu.memory_space<vmem>>
        %dma_wait3A_382 = tpu.memref_squeeze %dma_wait3A_381 : memref<1x128x16xf32, #tpu.memory_space<vmem>> -> memref<128x16xf32, #tpu.memory_space<vmem>>
        tpu.wait_dma2 semaphore(%arg19 : memref<!tpu.dma_semaphore, #tpu.memory_space<semaphore_mem>>) src(%arg4 : memref<128x16xf32, #tpu.memory_space<hbm>>) dst(%dma_wait3A_382 : memref<128x16xf32, #tpu.memory_space<vmem>>)
        %dma_wait3A_383 = arith.constant 2 : i32
        %dma_wait3A_384 = arith.constant 0 : i32
        %dma_wait3A_385 = arith.constant 0 : i32
        %dma_wait3A_386 = tpu.memref_slice %arg10[%dma_wait3A_383, %dma_wait3A_384, %dma_wait3A_385] : memref<6x128x16xf32, #tpu.memory_space<vmem>> -> memref<1x128x16xf32, #tpu.memory_space<vmem>>
        %dma_wait3A_387 = tpu.memref_squeeze %dma_wait3A_386 : memref<1x128x16xf32, #tpu.memory_space<vmem>> -> memref<128x16xf32, #tpu.memory_space<vmem>>
        %dma_wait3A_388 = arith.constant 0 : i32
        %dma_wait3A_389 = arith.constant 0 : i32
        %dma_wait3A_390 = tpu.memref_slice %arg10[%dma_wait3A_383, %dma_wait3A_388, %dma_wait3A_389] : memref<6x128x16xf32, #tpu.memory_space<vmem>> -> memref<1x128x16xf32, #tpu.memory_space<vmem>>
        %dma_wait3A_391 = tpu.memref_squeeze %dma_wait3A_390 : memref<1x128x16xf32, #tpu.memory_space<vmem>> -> memref<128x16xf32, #tpu.memory_space<vmem>>
        tpu.wait_dma2 semaphore(%arg19 : memref<!tpu.dma_semaphore, #tpu.memory_space<semaphore_mem>>) src(%arg4 : memref<128x16xf32, #tpu.memory_space<hbm>>) dst(%dma_wait3A_391 : memref<128x16xf32, #tpu.memory_space<vmem>>)
        %dma_wait3A_392 = arith.constant 3 : i32
        %dma_wait3A_393 = arith.constant 0 : i32
        %dma_wait3A_394 = arith.constant 0 : i32
        %dma_wait3A_395 = tpu.memref_slice %arg10[%dma_wait3A_392, %dma_wait3A_393, %dma_wait3A_394] : memref<6x128x16xf32, #tpu.memory_space<vmem>> -> memref<1x128x16xf32, #tpu.memory_space<vmem>>
        %dma_wait3A_396 = tpu.memref_squeeze %dma_wait3A_395 : memref<1x128x16xf32, #tpu.memory_space<vmem>> -> memref<128x16xf32, #tpu.memory_space<vmem>>
        %dma_wait3A_397 = arith.constant 0 : i32
        %dma_wait3A_398 = arith.constant 0 : i32
        %dma_wait3A_399 = tpu.memref_slice %arg10[%dma_wait3A_392, %dma_wait3A_397, %dma_wait3A_398] : memref<6x128x16xf32, #tpu.memory_space<vmem>> -> memref<1x128x16xf32, #tpu.memory_space<vmem>>
        %dma_wait3A_400 = tpu.memref_squeeze %dma_wait3A_399 : memref<1x128x16xf32, #tpu.memory_space<vmem>> -> memref<128x16xf32, #tpu.memory_space<vmem>>
        tpu.wait_dma2 semaphore(%arg19 : memref<!tpu.dma_semaphore, #tpu.memory_space<semaphore_mem>>) src(%arg4 : memref<128x16xf32, #tpu.memory_space<hbm>>) dst(%dma_wait3A_400 : memref<128x16xf32, #tpu.memory_space<vmem>>)
        %dma_wait3A_401 = arith.constant 3 : i32
        %dma_wait3A_402 = arith.constant 0 : i32
        %dma_wait3A_403 = arith.constant 0 : i32
        %dma_wait3A_404 = tpu.memref_slice %arg10[%dma_wait3A_401, %dma_wait3A_402, %dma_wait3A_403] : memref<6x128x16xf32, #tpu.memory_space<vmem>> -> memref<1x128x16xf32, #tpu.memory_space<vmem>>
        %dma_wait3A_405 = tpu.memref_squeeze %dma_wait3A_404 : memref<1x128x16xf32, #tpu.memory_space<vmem>> -> memref<128x16xf32, #tpu.memory_space<vmem>>
        %dma_wait3A_406 = arith.constant 0 : i32
        %dma_wait3A_407 = arith.constant 0 : i32
        %dma_wait3A_408 = tpu.memref_slice %arg10[%dma_wait3A_401, %dma_wait3A_406, %dma_wait3A_407] : memref<6x128x16xf32, #tpu.memory_space<vmem>> -> memref<1x128x16xf32, #tpu.memory_space<vmem>>
        %dma_wait3A_409 = tpu.memref_squeeze %dma_wait3A_408 : memref<1x128x16xf32, #tpu.memory_space<vmem>> -> memref<128x16xf32, #tpu.memory_space<vmem>>
        tpu.wait_dma2 semaphore(%arg19 : memref<!tpu.dma_semaphore, #tpu.memory_space<semaphore_mem>>) src(%arg4 : memref<128x16xf32, #tpu.memory_space<hbm>>) dst(%dma_wait3A_409 : memref<128x16xf32, #tpu.memory_space<vmem>>)
      } else {
      }
      %add3A_131 = arith.constant 1 : i32
      %add3A_132 = arith.addi %add3A_126, %add3A_131 : i32
      %le3A = arith.constant 38 : i32
      %le3A_133 = arith.cmpi sle, %add3A_132, %le3A : i32
      %convert_element_type3A_134 = arith.extui %le3A_133 : i1 to i32
      %cond3A_135 = arith.constant 0 : i32
      %cond3A_136 = arith.cmpi ne, %convert_element_type3A_134, %cond3A_135 : i32
      scf.if %cond3A_136 {
        %add3A_374 = arith.constant 1 : i32
        %add3A_375 = arith.addi %add3A_126, %add3A_374 : i32
        %mul3A_376 = arith.constant 2 : i32
        %mul3A_377 = arith.muli %add3A_375, %mul3A_376 : i32
        %add3A_378 = arith.constant 0 : i32
        %add3A_379 = arith.addi %mul3A_377, %add3A_378 : i32
        %dma_start3A_380 = arith.constant 2 : i32
        %dma_start3A_381 = arith.constant 0 : i32
        %dma_start3A_382 = arith.constant 0 : i32
        %dma_start3A_383 = tpu.memref_slice %arg10[%dma_start3A_380, %dma_start3A_381, %dma_start3A_382] : memref<6x128x16xf32, #tpu.memory_space<vmem>> -> memref<1x128x16xf32, #tpu.memory_space<vmem>>
        %dma_start3A_384 = tpu.memref_squeeze %dma_start3A_383 : memref<1x128x16xf32, #tpu.memory_space<vmem>> -> memref<128x16xf32, #tpu.memory_space<vmem>>
        %dma_start3A_385 = arith.constant 0 : i32
        %dma_start3A_386 = tpu.memref_slice %arg8[%add3A_379, %dma_start3A_385] : memref<79x128xi32, #tpu.memory_space<vmem>> -> memref<1x128xi32, #tpu.memory_space<vmem>>
        %dma_start3A_387 = tpu.memref_squeeze %dma_start3A_386 : memref<1x128xi32, #tpu.memory_space<vmem>> -> memref<128xi32, #tpu.memory_space<vmem>>
        %dma_start3A_388 = arith.constant 0 : i32
        %dma_start3A_389 = arith.constant 0 : i32
        %dma_start3A_390 = tpu.memref_slice %arg2[%dma_start3A_388, %dma_start3A_389] : memref<10000x16xf32, #tpu.memory_space<hbm>> -> memref<10000x16xf32, #tpu.memory_space<hbm>>
        tpu.enqueue_indirect_dma source(%dma_start3A_390 : memref<10000x16xf32, #tpu.memory_space<hbm>>) target(%dma_start3A_384 : memref<128x16xf32, #tpu.memory_space<vmem>>) offsets(%dma_start3A_387 : memref<128xi32, #tpu.memory_space<vmem>>) semaphore(%arg16 : memref<!tpu.dma_semaphore, #tpu.memory_space<semaphore_mem>>)
        %add3A_391 = arith.constant 1 : i32
        %add3A_392 = arith.addi %add3A_126, %add3A_391 : i32
        %mul3A_393 = arith.constant 2 : i32
        %mul3A_394 = arith.muli %add3A_392, %mul3A_393 : i32
        %add3A_395 = arith.constant 1 : i32
        %add3A_396 = arith.addi %mul3A_394, %add3A_395 : i32
        %dma_start3A_397 = arith.constant 3 : i32
        %dma_start3A_398 = arith.constant 0 : i32
        %dma_start3A_399 = arith.constant 0 : i32
        %dma_start3A_400 = tpu.memref_slice %arg10[%dma_start3A_397, %dma_start3A_398, %dma_start3A_399] : memref<6x128x16xf32, #tpu.memory_space<vmem>> -> memref<1x128x16xf32, #tpu.memory_space<vmem>>
        %dma_start3A_401 = tpu.memref_squeeze %dma_start3A_400 : memref<1x128x16xf32, #tpu.memory_space<vmem>> -> memref<128x16xf32, #tpu.memory_space<vmem>>
        %dma_start3A_402 = arith.constant 0 : i32
        %dma_start3A_403 = tpu.memref_slice %arg8[%add3A_396, %dma_start3A_402] : memref<79x128xi32, #tpu.memory_space<vmem>> -> memref<1x128xi32, #tpu.memory_space<vmem>>
        %dma_start3A_404 = tpu.memref_squeeze %dma_start3A_403 : memref<1x128xi32, #tpu.memory_space<vmem>> -> memref<128xi32, #tpu.memory_space<vmem>>
        %dma_start3A_405 = arith.constant 0 : i32
        %dma_start3A_406 = arith.constant 0 : i32
        %dma_start3A_407 = tpu.memref_slice %arg2[%dma_start3A_405, %dma_start3A_406] : memref<10000x16xf32, #tpu.memory_space<hbm>> -> memref<10000x16xf32, #tpu.memory_space<hbm>>
        tpu.enqueue_indirect_dma source(%dma_start3A_407 : memref<10000x16xf32, #tpu.memory_space<hbm>>) target(%dma_start3A_401 : memref<128x16xf32, #tpu.memory_space<vmem>>) offsets(%dma_start3A_404 : memref<128xi32, #tpu.memory_space<vmem>>) semaphore(%arg16 : memref<!tpu.dma_semaphore, #tpu.memory_space<semaphore_mem>>)
      } else {
      }
      %dma_wait3A_137 = arith.constant 0 : i32
      %dma_wait3A_138 = arith.constant 0 : i32
      %dma_wait3A_139 = arith.constant 0 : i32
      %dma_wait3A_140 = tpu.memref_slice %arg10[%dma_wait3A_137, %dma_wait3A_138, %dma_wait3A_139] : memref<6x128x16xf32, #tpu.memory_space<vmem>> -> memref<1x128x16xf32, #tpu.memory_space<vmem>>
      %dma_wait3A_141 = tpu.memref_squeeze %dma_wait3A_140 : memref<1x128x16xf32, #tpu.memory_space<vmem>> -> memref<128x16xf32, #tpu.memory_space<vmem>>
      %dma_wait3A_142 = arith.constant 0 : i32
      %dma_wait3A_143 = arith.constant 0 : i32
      %dma_wait3A_144 = tpu.memref_slice %arg10[%dma_wait3A_137, %dma_wait3A_142, %dma_wait3A_143] : memref<6x128x16xf32, #tpu.memory_space<vmem>> -> memref<1x128x16xf32, #tpu.memory_space<vmem>>
      %dma_wait3A_145 = tpu.memref_squeeze %dma_wait3A_144 : memref<1x128x16xf32, #tpu.memory_space<vmem>> -> memref<128x16xf32, #tpu.memory_space<vmem>>
      tpu.wait_dma2 semaphore(%arg15 : memref<!tpu.dma_semaphore, #tpu.memory_space<semaphore_mem>>) src(%arg4 : memref<128x16xf32, #tpu.memory_space<hbm>>) dst(%dma_wait3A_145 : memref<128x16xf32, #tpu.memory_space<vmem>>)
      %dma_wait3A_146 = arith.constant 1 : i32
      %dma_wait3A_147 = arith.constant 0 : i32
      %dma_wait3A_148 = arith.constant 0 : i32
      %dma_wait3A_149 = tpu.memref_slice %arg10[%dma_wait3A_146, %dma_wait3A_147, %dma_wait3A_148] : memref<6x128x16xf32, #tpu.memory_space<vmem>> -> memref<1x128x16xf32, #tpu.memory_space<vmem>>
      %dma_wait3A_150 = tpu.memref_squeeze %dma_wait3A_149 : memref<1x128x16xf32, #tpu.memory_space<vmem>> -> memref<128x16xf32, #tpu.memory_space<vmem>>
      %dma_wait3A_151 = arith.constant 0 : i32
      %dma_wait3A_152 = arith.constant 0 : i32
      %dma_wait3A_153 = tpu.memref_slice %arg10[%dma_wait3A_146, %dma_wait3A_151, %dma_wait3A_152] : memref<6x128x16xf32, #tpu.memory_space<vmem>> -> memref<1x128x16xf32, #tpu.memory_space<vmem>>
      %dma_wait3A_154 = tpu.memref_squeeze %dma_wait3A_153 : memref<1x128x16xf32, #tpu.memory_space<vmem>> -> memref<128x16xf32, #tpu.memory_space<vmem>>
      tpu.wait_dma2 semaphore(%arg15 : memref<!tpu.dma_semaphore, #tpu.memory_space<semaphore_mem>>) src(%arg4 : memref<128x16xf32, #tpu.memory_space<hbm>>) dst(%dma_wait3A_154 : memref<128x16xf32, #tpu.memory_space<vmem>>)
      %mul3A_155 = arith.constant 2 : i32
      %mul3A_156 = arith.muli %add3A_126, %mul3A_155 : i32
      %add3A_157 = arith.constant 0 : i32
      %add3A_158 = arith.addi %mul3A_156, %add3A_157 : i32
      %dma_start3A_159 = arith.constant 0 : i32
      %dma_start3A_160 = arith.constant 0 : i32
      %dma_start3A_161 = arith.constant 0 : i32
      %dma_start3A_162 = tpu.memref_slice %arg10[%dma_start3A_159, %dma_start3A_160, %dma_start3A_161] : memref<6x128x16xf32, #tpu.memory_space<vmem>> -> memref<1x128x16xf32, #tpu.memory_space<vmem>>
      %dma_start3A_163 = tpu.memref_squeeze %dma_start3A_162 : memref<1x128x16xf32, #tpu.memory_space<vmem>> -> memref<128x16xf32, #tpu.memory_space<vmem>>
      %dma_start3A_164 = arith.constant 0 : i32
      %dma_start3A_165 = tpu.memref_slice %arg9[%add3A_158, %dma_start3A_164] : memref<79x128xi32, #tpu.memory_space<vmem>> -> memref<1x128xi32, #tpu.memory_space<vmem>>
      %dma_start3A_166 = tpu.memref_squeeze %dma_start3A_165 : memref<1x128xi32, #tpu.memory_space<vmem>> -> memref<128xi32, #tpu.memory_space<vmem>>
      %dma_start3A_167 = arith.constant 0 : i32
      %dma_start3A_168 = arith.constant 0 : i32
      %dma_start3A_169 = tpu.memref_slice %arg13[%dma_start3A_167, %dma_start3A_168] : memref<10112x16xf32, #tpu.memory_space<vmem_shared>> -> memref<10112x16xf32, #tpu.memory_space<vmem_shared>>
      tpu.enqueue_indirect_dma source(%dma_start3A_163 : memref<128x16xf32, #tpu.memory_space<vmem>>) target(%dma_start3A_169 : memref<10112x16xf32, #tpu.memory_space<vmem_shared>>) offsets(%dma_start3A_166 : memref<128xi32, #tpu.memory_space<vmem>>) semaphore(%arg18 : memref<!tpu.dma_semaphore, #tpu.memory_space<semaphore_mem>>) {add = true}
      %mul3A_170 = arith.constant 2 : i32
      %mul3A_171 = arith.muli %add3A_126, %mul3A_170 : i32
      %add3A_172 = arith.constant 0 : i32
      %add3A_173 = arith.addi %mul3A_171, %add3A_172 : i32
      %dma_start3A_174 = arith.constant 0 : i32
      %dma_start3A_175 = tpu.memref_slice %arg9[%add3A_173, %dma_start3A_174] : memref<79x128xi32, #tpu.memory_space<vmem>> -> memref<1x128xi32, #tpu.memory_space<vmem>>
      %dma_start3A_176 = tpu.memref_squeeze %dma_start3A_175 : memref<1x128xi32, #tpu.memory_space<vmem>> -> memref<128xi32, #tpu.memory_space<vmem>>
      %dma_start3A_177 = arith.constant 0 : i32
      %dma_start3A_178 = arith.constant 0 : i32
      %dma_start3A_179 = tpu.memref_slice %arg14[%dma_start3A_177, %dma_start3A_178] : memref<10112x16xf32, #tpu.memory_space<vmem_shared>> -> memref<10112x16xf32, #tpu.memory_space<vmem_shared>>
      tpu.enqueue_indirect_dma source(%arg12 : memref<128x16xf32, #tpu.memory_space<vmem>>) target(%dma_start3A_179 : memref<10112x16xf32, #tpu.memory_space<vmem_shared>>) offsets(%dma_start3A_176 : memref<128xi32, #tpu.memory_space<vmem>>) semaphore(%arg18 : memref<!tpu.dma_semaphore, #tpu.memory_space<semaphore_mem>>) {add = true}
      %mul3A_180 = arith.constant 2 : i32
      %mul3A_181 = arith.muli %add3A_126, %mul3A_180 : i32
      %add3A_182 = arith.constant 1 : i32
      %add3A_183 = arith.addi %mul3A_181, %add3A_182 : i32
      %dma_start3A_184 = arith.constant 1 : i32
      %dma_start3A_185 = arith.constant 0 : i32
      %dma_start3A_186 = arith.constant 0 : i32
      %dma_start3A_187 = tpu.memref_slice %arg10[%dma_start3A_184, %dma_start3A_185, %dma_start3A_186] : memref<6x128x16xf32, #tpu.memory_space<vmem>> -> memref<1x128x16xf32, #tpu.memory_space<vmem>>
      %dma_start3A_188 = tpu.memref_squeeze %dma_start3A_187 : memref<1x128x16xf32, #tpu.memory_space<vmem>> -> memref<128x16xf32, #tpu.memory_space<vmem>>
      %dma_start3A_189 = arith.constant 0 : i32
      %dma_start3A_190 = tpu.memref_slice %arg9[%add3A_183, %dma_start3A_189] : memref<79x128xi32, #tpu.memory_space<vmem>> -> memref<1x128xi32, #tpu.memory_space<vmem>>
      %dma_start3A_191 = tpu.memref_squeeze %dma_start3A_190 : memref<1x128xi32, #tpu.memory_space<vmem>> -> memref<128xi32, #tpu.memory_space<vmem>>
      %dma_start3A_192 = arith.constant 0 : i32
      %dma_start3A_193 = arith.constant 0 : i32
      %dma_start3A_194 = tpu.memref_slice %arg13[%dma_start3A_192, %dma_start3A_193] : memref<10112x16xf32, #tpu.memory_space<vmem_shared>> -> memref<10112x16xf32, #tpu.memory_space<vmem_shared>>
      tpu.enqueue_indirect_dma source(%dma_start3A_188 : memref<128x16xf32, #tpu.memory_space<vmem>>) target(%dma_start3A_194 : memref<10112x16xf32, #tpu.memory_space<vmem_shared>>) offsets(%dma_start3A_191 : memref<128xi32, #tpu.memory_space<vmem>>) semaphore(%arg18 : memref<!tpu.dma_semaphore, #tpu.memory_space<semaphore_mem>>) {add = true}
      %mul3A_195 = arith.constant 2 : i32
      %mul3A_196 = arith.muli %add3A_126, %mul3A_195 : i32
      %add3A_197 = arith.constant 1 : i32
      %add3A_198 = arith.addi %mul3A_196, %add3A_197 : i32
      %dma_start3A_199 = arith.constant 0 : i32
      %dma_start3A_200 = tpu.memref_slice %arg9[%add3A_198, %dma_start3A_199] : memref<79x128xi32, #tpu.memory_space<vmem>> -> memref<1x128xi32, #tpu.memory_space<vmem>>
      %dma_start3A_201 = tpu.memref_squeeze %dma_start3A_200 : memref<1x128xi32, #tpu.memory_space<vmem>> -> memref<128xi32, #tpu.memory_space<vmem>>
      %dma_start3A_202 = arith.constant 0 : i32
      %dma_start3A_203 = arith.constant 0 : i32
      %dma_start3A_204 = tpu.memref_slice %arg14[%dma_start3A_202, %dma_start3A_203] : memref<10112x16xf32, #tpu.memory_space<vmem_shared>> -> memref<10112x16xf32, #tpu.memory_space<vmem_shared>>
      tpu.enqueue_indirect_dma source(%arg12 : memref<128x16xf32, #tpu.memory_space<vmem>>) target(%dma_start3A_204 : memref<10112x16xf32, #tpu.memory_space<vmem_shared>>) offsets(%dma_start3A_201 : memref<128xi32, #tpu.memory_space<vmem>>) semaphore(%arg18 : memref<!tpu.dma_semaphore, #tpu.memory_space<semaphore_mem>>) {add = true}
      %mul3A_205 = arith.constant 3 : i32
      %mul3A_206 = arith.muli %mul3A_205, %scan3A_121 : i32
      %add3A_207 = arith.constant 1 : i32
      %add3A_208 = arith.addi %mul3A_206, %add3A_207 : i32
      %ge3A_209 = arith.constant 2 : i32
      %ge3A_210 = arith.cmpi sge, %add3A_208, %ge3A_209 : i32
      %convert_element_type3A_211 = arith.extui %ge3A_210 : i1 to i32
      %cond3A_212 = arith.constant 0 : i32
      %cond3A_213 = arith.cmpi ne, %convert_element_type3A_211, %cond3A_212 : i32
      scf.if %cond3A_213 {
        %dma_wait3A_374 = arith.constant 4 : i32
        %dma_wait3A_375 = arith.constant 0 : i32
        %dma_wait3A_376 = arith.constant 0 : i32
        %dma_wait3A_377 = tpu.memref_slice %arg10[%dma_wait3A_374, %dma_wait3A_375, %dma_wait3A_376] : memref<6x128x16xf32, #tpu.memory_space<vmem>> -> memref<1x128x16xf32, #tpu.memory_space<vmem>>
        %dma_wait3A_378 = tpu.memref_squeeze %dma_wait3A_377 : memref<1x128x16xf32, #tpu.memory_space<vmem>> -> memref<128x16xf32, #tpu.memory_space<vmem>>
        %dma_wait3A_379 = arith.constant 0 : i32
        %dma_wait3A_380 = arith.constant 0 : i32
        %dma_wait3A_381 = tpu.memref_slice %arg10[%dma_wait3A_374, %dma_wait3A_379, %dma_wait3A_380] : memref<6x128x16xf32, #tpu.memory_space<vmem>> -> memref<1x128x16xf32, #tpu.memory_space<vmem>>
        %dma_wait3A_382 = tpu.memref_squeeze %dma_wait3A_381 : memref<1x128x16xf32, #tpu.memory_space<vmem>> -> memref<128x16xf32, #tpu.memory_space<vmem>>
        tpu.wait_dma2 semaphore(%arg20 : memref<!tpu.dma_semaphore, #tpu.memory_space<semaphore_mem>>) src(%arg4 : memref<128x16xf32, #tpu.memory_space<hbm>>) dst(%dma_wait3A_382 : memref<128x16xf32, #tpu.memory_space<vmem>>)
        %dma_wait3A_383 = arith.constant 4 : i32
        %dma_wait3A_384 = arith.constant 0 : i32
        %dma_wait3A_385 = arith.constant 0 : i32
        %dma_wait3A_386 = tpu.memref_slice %arg10[%dma_wait3A_383, %dma_wait3A_384, %dma_wait3A_385] : memref<6x128x16xf32, #tpu.memory_space<vmem>> -> memref<1x128x16xf32, #tpu.memory_space<vmem>>
        %dma_wait3A_387 = tpu.memref_squeeze %dma_wait3A_386 : memref<1x128x16xf32, #tpu.memory_space<vmem>> -> memref<128x16xf32, #tpu.memory_space<vmem>>
        %dma_wait3A_388 = arith.constant 0 : i32
        %dma_wait3A_389 = arith.constant 0 : i32
        %dma_wait3A_390 = tpu.memref_slice %arg10[%dma_wait3A_383, %dma_wait3A_388, %dma_wait3A_389] : memref<6x128x16xf32, #tpu.memory_space<vmem>> -> memref<1x128x16xf32, #tpu.memory_space<vmem>>
        %dma_wait3A_391 = tpu.memref_squeeze %dma_wait3A_390 : memref<1x128x16xf32, #tpu.memory_space<vmem>> -> memref<128x16xf32, #tpu.memory_space<vmem>>
        tpu.wait_dma2 semaphore(%arg20 : memref<!tpu.dma_semaphore, #tpu.memory_space<semaphore_mem>>) src(%arg4 : memref<128x16xf32, #tpu.memory_space<hbm>>) dst(%dma_wait3A_391 : memref<128x16xf32, #tpu.memory_space<vmem>>)
        %dma_wait3A_392 = arith.constant 5 : i32
        %dma_wait3A_393 = arith.constant 0 : i32
        %dma_wait3A_394 = arith.constant 0 : i32
        %dma_wait3A_395 = tpu.memref_slice %arg10[%dma_wait3A_392, %dma_wait3A_393, %dma_wait3A_394] : memref<6x128x16xf32, #tpu.memory_space<vmem>> -> memref<1x128x16xf32, #tpu.memory_space<vmem>>
        %dma_wait3A_396 = tpu.memref_squeeze %dma_wait3A_395 : memref<1x128x16xf32, #tpu.memory_space<vmem>> -> memref<128x16xf32, #tpu.memory_space<vmem>>
        %dma_wait3A_397 = arith.constant 0 : i32
        %dma_wait3A_398 = arith.constant 0 : i32
        %dma_wait3A_399 = tpu.memref_slice %arg10[%dma_wait3A_392, %dma_wait3A_397, %dma_wait3A_398] : memref<6x128x16xf32, #tpu.memory_space<vmem>> -> memref<1x128x16xf32, #tpu.memory_space<vmem>>
        %dma_wait3A_400 = tpu.memref_squeeze %dma_wait3A_399 : memref<1x128x16xf32, #tpu.memory_space<vmem>> -> memref<128x16xf32, #tpu.memory_space<vmem>>
        tpu.wait_dma2 semaphore(%arg20 : memref<!tpu.dma_semaphore, #tpu.memory_space<semaphore_mem>>) src(%arg4 : memref<128x16xf32, #tpu.memory_space<hbm>>) dst(%dma_wait3A_400 : memref<128x16xf32, #tpu.memory_space<vmem>>)
        %dma_wait3A_401 = arith.constant 5 : i32
        %dma_wait3A_402 = arith.constant 0 : i32
        %dma_wait3A_403 = arith.constant 0 : i32
        %dma_wait3A_404 = tpu.memref_slice %arg10[%dma_wait3A_401, %dma_wait3A_402, %dma_wait3A_403] : memref<6x128x16xf32, #tpu.memory_space<vmem>> -> memref<1x128x16xf32, #tpu.memory_space<vmem>>
        %dma_wait3A_405 = tpu.memref_squeeze %dma_wait3A_404 : memref<1x128x16xf32, #tpu.memory_space<vmem>> -> memref<128x16xf32, #tpu.memory_space<vmem>>
        %dma_wait3A_406 = arith.constant 0 : i32
        %dma_wait3A_407 = arith.constant 0 : i32
        %dma_wait3A_408 = tpu.memref_slice %arg10[%dma_wait3A_401, %dma_wait3A_406, %dma_wait3A_407] : memref<6x128x16xf32, #tpu.memory_space<vmem>> -> memref<1x128x16xf32, #tpu.memory_space<vmem>>
        %dma_wait3A_409 = tpu.memref_squeeze %dma_wait3A_408 : memref<1x128x16xf32, #tpu.memory_space<vmem>> -> memref<128x16xf32, #tpu.memory_space<vmem>>
        tpu.wait_dma2 semaphore(%arg20 : memref<!tpu.dma_semaphore, #tpu.memory_space<semaphore_mem>>) src(%arg4 : memref<128x16xf32, #tpu.memory_space<hbm>>) dst(%dma_wait3A_409 : memref<128x16xf32, #tpu.memory_space<vmem>>)
      } else {
      }
      %add3A_214 = arith.constant 1 : i32
      %add3A_215 = arith.addi %add3A_208, %add3A_214 : i32
      %le3A_216 = arith.constant 38 : i32
      %le3A_217 = arith.cmpi sle, %add3A_215, %le3A_216 : i32
      %convert_element_type3A_218 = arith.extui %le3A_217 : i1 to i32
      %cond3A_219 = arith.constant 0 : i32
      %cond3A_220 = arith.cmpi ne, %convert_element_type3A_218, %cond3A_219 : i32
      scf.if %cond3A_220 {
        %add3A_374 = arith.constant 1 : i32
        %add3A_375 = arith.addi %add3A_208, %add3A_374 : i32
        %mul3A_376 = arith.constant 2 : i32
        %mul3A_377 = arith.muli %add3A_375, %mul3A_376 : i32
        %add3A_378 = arith.constant 0 : i32
        %add3A_379 = arith.addi %mul3A_377, %add3A_378 : i32
        %dma_start3A_380 = arith.constant 4 : i32
        %dma_start3A_381 = arith.constant 0 : i32
        %dma_start3A_382 = arith.constant 0 : i32
        %dma_start3A_383 = tpu.memref_slice %arg10[%dma_start3A_380, %dma_start3A_381, %dma_start3A_382] : memref<6x128x16xf32, #tpu.memory_space<vmem>> -> memref<1x128x16xf32, #tpu.memory_space<vmem>>
        %dma_start3A_384 = tpu.memref_squeeze %dma_start3A_383 : memref<1x128x16xf32, #tpu.memory_space<vmem>> -> memref<128x16xf32, #tpu.memory_space<vmem>>
        %dma_start3A_385 = arith.constant 0 : i32
        %dma_start3A_386 = tpu.memref_slice %arg8[%add3A_379, %dma_start3A_385] : memref<79x128xi32, #tpu.memory_space<vmem>> -> memref<1x128xi32, #tpu.memory_space<vmem>>
        %dma_start3A_387 = tpu.memref_squeeze %dma_start3A_386 : memref<1x128xi32, #tpu.memory_space<vmem>> -> memref<128xi32, #tpu.memory_space<vmem>>
        %dma_start3A_388 = arith.constant 0 : i32
        %dma_start3A_389 = arith.constant 0 : i32
        %dma_start3A_390 = tpu.memref_slice %arg2[%dma_start3A_388, %dma_start3A_389] : memref<10000x16xf32, #tpu.memory_space<hbm>> -> memref<10000x16xf32, #tpu.memory_space<hbm>>
        tpu.enqueue_indirect_dma source(%dma_start3A_390 : memref<10000x16xf32, #tpu.memory_space<hbm>>) target(%dma_start3A_384 : memref<128x16xf32, #tpu.memory_space<vmem>>) offsets(%dma_start3A_387 : memref<128xi32, #tpu.memory_space<vmem>>) semaphore(%arg17 : memref<!tpu.dma_semaphore, #tpu.memory_space<semaphore_mem>>)
        %add3A_391 = arith.constant 1 : i32
        %add3A_392 = arith.addi %add3A_208, %add3A_391 : i32
        %mul3A_393 = arith.constant 2 : i32
        %mul3A_394 = arith.muli %add3A_392, %mul3A_393 : i32
        %add3A_395 = arith.constant 1 : i32
        %add3A_396 = arith.addi %mul3A_394, %add3A_395 : i32
        %dma_start3A_397 = arith.constant 5 : i32
        %dma_start3A_398 = arith.constant 0 : i32
        %dma_start3A_399 = arith.constant 0 : i32
        %dma_start3A_400 = tpu.memref_slice %arg10[%dma_start3A_397, %dma_start3A_398, %dma_start3A_399] : memref<6x128x16xf32, #tpu.memory_space<vmem>> -> memref<1x128x16xf32, #tpu.memory_space<vmem>>
        %dma_start3A_401 = tpu.memref_squeeze %dma_start3A_400 : memref<1x128x16xf32, #tpu.memory_space<vmem>> -> memref<128x16xf32, #tpu.memory_space<vmem>>
        %dma_start3A_402 = arith.constant 0 : i32
        %dma_start3A_403 = tpu.memref_slice %arg8[%add3A_396, %dma_start3A_402] : memref<79x128xi32, #tpu.memory_space<vmem>> -> memref<1x128xi32, #tpu.memory_space<vmem>>
        %dma_start3A_404 = tpu.memref_squeeze %dma_start3A_403 : memref<1x128xi32, #tpu.memory_space<vmem>> -> memref<128xi32, #tpu.memory_space<vmem>>
        %dma_start3A_405 = arith.constant 0 : i32
        %dma_start3A_406 = arith.constant 0 : i32
        %dma_start3A_407 = tpu.memref_slice %arg2[%dma_start3A_405, %dma_start3A_406] : memref<10000x16xf32, #tpu.memory_space<hbm>> -> memref<10000x16xf32, #tpu.memory_space<hbm>>
        tpu.enqueue_indirect_dma source(%dma_start3A_407 : memref<10000x16xf32, #tpu.memory_space<hbm>>) target(%dma_start3A_401 : memref<128x16xf32, #tpu.memory_space<vmem>>) offsets(%dma_start3A_404 : memref<128xi32, #tpu.memory_space<vmem>>) semaphore(%arg17 : memref<!tpu.dma_semaphore, #tpu.memory_space<semaphore_mem>>)
      } else {
      }
      %dma_wait3A_221 = arith.constant 2 : i32
      %dma_wait3A_222 = arith.constant 0 : i32
      %dma_wait3A_223 = arith.constant 0 : i32
      %dma_wait3A_224 = tpu.memref_slice %arg10[%dma_wait3A_221, %dma_wait3A_222, %dma_wait3A_223] : memref<6x128x16xf32, #tpu.memory_space<vmem>> -> memref<1x128x16xf32, #tpu.memory_space<vmem>>
      %dma_wait3A_225 = tpu.memref_squeeze %dma_wait3A_224 : memref<1x128x16xf32, #tpu.memory_space<vmem>> -> memref<128x16xf32, #tpu.memory_space<vmem>>
      %dma_wait3A_226 = arith.constant 0 : i32
      %dma_wait3A_227 = arith.constant 0 : i32
      %dma_wait3A_228 = tpu.memref_slice %arg10[%dma_wait3A_221, %dma_wait3A_226, %dma_wait3A_227] : memref<6x128x16xf32, #tpu.memory_space<vmem>> -> memref<1x128x16xf32, #tpu.memory_space<vmem>>
      %dma_wait3A_229 = tpu.memref_squeeze %dma_wait3A_228 : memref<1x128x16xf32, #tpu.memory_space<vmem>> -> memref<128x16xf32, #tpu.memory_space<vmem>>
      tpu.wait_dma2 semaphore(%arg16 : memref<!tpu.dma_semaphore, #tpu.memory_space<semaphore_mem>>) src(%arg4 : memref<128x16xf32, #tpu.memory_space<hbm>>) dst(%dma_wait3A_229 : memref<128x16xf32, #tpu.memory_space<vmem>>)
      %dma_wait3A_230 = arith.constant 3 : i32
      %dma_wait3A_231 = arith.constant 0 : i32
      %dma_wait3A_232 = arith.constant 0 : i32
      %dma_wait3A_233 = tpu.memref_slice %arg10[%dma_wait3A_230, %dma_wait3A_231, %dma_wait3A_232] : memref<6x128x16xf32, #tpu.memory_space<vmem>> -> memref<1x128x16xf32, #tpu.memory_space<vmem>>
      %dma_wait3A_234 = tpu.memref_squeeze %dma_wait3A_233 : memref<1x128x16xf32, #tpu.memory_space<vmem>> -> memref<128x16xf32, #tpu.memory_space<vmem>>
      %dma_wait3A_235 = arith.constant 0 : i32
      %dma_wait3A_236 = arith.constant 0 : i32
      %dma_wait3A_237 = tpu.memref_slice %arg10[%dma_wait3A_230, %dma_wait3A_235, %dma_wait3A_236] : memref<6x128x16xf32, #tpu.memory_space<vmem>> -> memref<1x128x16xf32, #tpu.memory_space<vmem>>
      %dma_wait3A_238 = tpu.memref_squeeze %dma_wait3A_237 : memref<1x128x16xf32, #tpu.memory_space<vmem>> -> memref<128x16xf32, #tpu.memory_space<vmem>>
      tpu.wait_dma2 semaphore(%arg16 : memref<!tpu.dma_semaphore, #tpu.memory_space<semaphore_mem>>) src(%arg4 : memref<128x16xf32, #tpu.memory_space<hbm>>) dst(%dma_wait3A_238 : memref<128x16xf32, #tpu.memory_space<vmem>>)
      %mul3A_239 = arith.constant 2 : i32
      %mul3A_240 = arith.muli %add3A_208, %mul3A_239 : i32
      %add3A_241 = arith.constant 0 : i32
      %add3A_242 = arith.addi %mul3A_240, %add3A_241 : i32
      %dma_start3A_243 = arith.constant 2 : i32
      %dma_start3A_244 = arith.constant 0 : i32
      %dma_start3A_245 = arith.constant 0 : i32
      %dma_start3A_246 = tpu.memref_slice %arg10[%dma_start3A_243, %dma_start3A_244, %dma_start3A_245] : memref<6x128x16xf32, #tpu.memory_space<vmem>> -> memref<1x128x16xf32, #tpu.memory_space<vmem>>
      %dma_start3A_247 = tpu.memref_squeeze %dma_start3A_246 : memref<1x128x16xf32, #tpu.memory_space<vmem>> -> memref<128x16xf32, #tpu.memory_space<vmem>>
      %dma_start3A_248 = arith.constant 0 : i32
      %dma_start3A_249 = tpu.memref_slice %arg9[%add3A_242, %dma_start3A_248] : memref<79x128xi32, #tpu.memory_space<vmem>> -> memref<1x128xi32, #tpu.memory_space<vmem>>
      %dma_start3A_250 = tpu.memref_squeeze %dma_start3A_249 : memref<1x128xi32, #tpu.memory_space<vmem>> -> memref<128xi32, #tpu.memory_space<vmem>>
      %dma_start3A_251 = arith.constant 0 : i32
      %dma_start3A_252 = arith.constant 0 : i32
      %dma_start3A_253 = tpu.memref_slice %arg13[%dma_start3A_251, %dma_start3A_252] : memref<10112x16xf32, #tpu.memory_space<vmem_shared>> -> memref<10112x16xf32, #tpu.memory_space<vmem_shared>>
      tpu.enqueue_indirect_dma source(%dma_start3A_247 : memref<128x16xf32, #tpu.memory_space<vmem>>) target(%dma_start3A_253 : memref<10112x16xf32, #tpu.memory_space<vmem_shared>>) offsets(%dma_start3A_250 : memref<128xi32, #tpu.memory_space<vmem>>) semaphore(%arg19 : memref<!tpu.dma_semaphore, #tpu.memory_space<semaphore_mem>>) {add = true}
      %mul3A_254 = arith.constant 2 : i32
      %mul3A_255 = arith.muli %add3A_208, %mul3A_254 : i32
      %add3A_256 = arith.constant 0 : i32
      %add3A_257 = arith.addi %mul3A_255, %add3A_256 : i32
      %dma_start3A_258 = arith.constant 0 : i32
      %dma_start3A_259 = tpu.memref_slice %arg9[%add3A_257, %dma_start3A_258] : memref<79x128xi32, #tpu.memory_space<vmem>> -> memref<1x128xi32, #tpu.memory_space<vmem>>
      %dma_start3A_260 = tpu.memref_squeeze %dma_start3A_259 : memref<1x128xi32, #tpu.memory_space<vmem>> -> memref<128xi32, #tpu.memory_space<vmem>>
      %dma_start3A_261 = arith.constant 0 : i32
      %dma_start3A_262 = arith.constant 0 : i32
      %dma_start3A_263 = tpu.memref_slice %arg14[%dma_start3A_261, %dma_start3A_262] : memref<10112x16xf32, #tpu.memory_space<vmem_shared>> -> memref<10112x16xf32, #tpu.memory_space<vmem_shared>>
      tpu.enqueue_indirect_dma source(%arg12 : memref<128x16xf32, #tpu.memory_space<vmem>>) target(%dma_start3A_263 : memref<10112x16xf32, #tpu.memory_space<vmem_shared>>) offsets(%dma_start3A_260 : memref<128xi32, #tpu.memory_space<vmem>>) semaphore(%arg19 : memref<!tpu.dma_semaphore, #tpu.memory_space<semaphore_mem>>) {add = true}
      %mul3A_264 = arith.constant 2 : i32
      %mul3A_265 = arith.muli %add3A_208, %mul3A_264 : i32
      %add3A_266 = arith.constant 1 : i32
      %add3A_267 = arith.addi %mul3A_265, %add3A_266 : i32
      %dma_start3A_268 = arith.constant 3 : i32
      %dma_start3A_269 = arith.constant 0 : i32
      %dma_start3A_270 = arith.constant 0 : i32
      %dma_start3A_271 = tpu.memref_slice %arg10[%dma_start3A_268, %dma_start3A_269, %dma_start3A_270] : memref<6x128x16xf32, #tpu.memory_space<vmem>> -> memref<1x128x16xf32, #tpu.memory_space<vmem>>
      %dma_start3A_272 = tpu.memref_squeeze %dma_start3A_271 : memref<1x128x16xf32, #tpu.memory_space<vmem>> -> memref<128x16xf32, #tpu.memory_space<vmem>>
      %dma_start3A_273 = arith.constant 0 : i32
      %dma_start3A_274 = tpu.memref_slice %arg9[%add3A_267, %dma_start3A_273] : memref<79x128xi32, #tpu.memory_space<vmem>> -> memref<1x128xi32, #tpu.memory_space<vmem>>
      %dma_start3A_275 = tpu.memref_squeeze %dma_start3A_274 : memref<1x128xi32, #tpu.memory_space<vmem>> -> memref<128xi32, #tpu.memory_space<vmem>>
      %dma_start3A_276 = arith.constant 0 : i32
      %dma_start3A_277 = arith.constant 0 : i32
      %dma_start3A_278 = tpu.memref_slice %arg13[%dma_start3A_276, %dma_start3A_277] : memref<10112x16xf32, #tpu.memory_space<vmem_shared>> -> memref<10112x16xf32, #tpu.memory_space<vmem_shared>>
      tpu.enqueue_indirect_dma source(%dma_start3A_272 : memref<128x16xf32, #tpu.memory_space<vmem>>) target(%dma_start3A_278 : memref<10112x16xf32, #tpu.memory_space<vmem_shared>>) offsets(%dma_start3A_275 : memref<128xi32, #tpu.memory_space<vmem>>) semaphore(%arg19 : memref<!tpu.dma_semaphore, #tpu.memory_space<semaphore_mem>>) {add = true}
      %mul3A_279 = arith.constant 2 : i32
      %mul3A_280 = arith.muli %add3A_208, %mul3A_279 : i32
      %add3A_281 = arith.constant 1 : i32
      %add3A_282 = arith.addi %mul3A_280, %add3A_281 : i32
      %dma_start3A_283 = arith.constant 0 : i32
      %dma_start3A_284 = tpu.memref_slice %arg9[%add3A_282, %dma_start3A_283] : memref<79x128xi32, #tpu.memory_space<vmem>> -> memref<1x128xi32, #tpu.memory_space<vmem>>
      %dma_start3A_285 = tpu.memref_squeeze %dma_start3A_284 : memref<1x128xi32, #tpu.memory_space<vmem>> -> memref<128xi32, #tpu.memory_space<vmem>>
      %dma_start3A_286 = arith.constant 0 : i32
      %dma_start3A_287 = arith.constant 0 : i32
      %dma_start3A_288 = tpu.memref_slice %arg14[%dma_start3A_286, %dma_start3A_287] : memref<10112x16xf32, #tpu.memory_space<vmem_shared>> -> memref<10112x16xf32, #tpu.memory_space<vmem_shared>>
      tpu.enqueue_indirect_dma source(%arg12 : memref<128x16xf32, #tpu.memory_space<vmem>>) target(%dma_start3A_288 : memref<10112x16xf32, #tpu.memory_space<vmem_shared>>) offsets(%dma_start3A_285 : memref<128xi32, #tpu.memory_space<vmem>>) semaphore(%arg19 : memref<!tpu.dma_semaphore, #tpu.memory_space<semaphore_mem>>) {add = true}
      %mul3A_289 = arith.constant 3 : i32
      %mul3A_290 = arith.muli %mul3A_289, %scan3A_121 : i32
      %add3A_291 = arith.constant 2 : i32
      %add3A_292 = arith.addi %mul3A_290, %add3A_291 : i32
      %ge3A_293 = arith.constant 2 : i32
      %ge3A_294 = arith.cmpi sge, %add3A_292, %ge3A_293 : i32
      %convert_element_type3A_295 = arith.extui %ge3A_294 : i1 to i32
      %cond3A_296 = arith.constant 0 : i32
      %cond3A_297 = arith.cmpi ne, %convert_element_type3A_295, %cond3A_296 : i32
      scf.if %cond3A_297 {
        %dma_wait3A_374 = arith.constant 0 : i32
        %dma_wait3A_375 = arith.constant 0 : i32
        %dma_wait3A_376 = arith.constant 0 : i32
        %dma_wait3A_377 = tpu.memref_slice %arg10[%dma_wait3A_374, %dma_wait3A_375, %dma_wait3A_376] : memref<6x128x16xf32, #tpu.memory_space<vmem>> -> memref<1x128x16xf32, #tpu.memory_space<vmem>>
        %dma_wait3A_378 = tpu.memref_squeeze %dma_wait3A_377 : memref<1x128x16xf32, #tpu.memory_space<vmem>> -> memref<128x16xf32, #tpu.memory_space<vmem>>
        %dma_wait3A_379 = arith.constant 0 : i32
        %dma_wait3A_380 = arith.constant 0 : i32
        %dma_wait3A_381 = tpu.memref_slice %arg10[%dma_wait3A_374, %dma_wait3A_379, %dma_wait3A_380] : memref<6x128x16xf32, #tpu.memory_space<vmem>> -> memref<1x128x16xf32, #tpu.memory_space<vmem>>
        %dma_wait3A_382 = tpu.memref_squeeze %dma_wait3A_381 : memref<1x128x16xf32, #tpu.memory_space<vmem>> -> memref<128x16xf32, #tpu.memory_space<vmem>>
        tpu.wait_dma2 semaphore(%arg18 : memref<!tpu.dma_semaphore, #tpu.memory_space<semaphore_mem>>) src(%arg4 : memref<128x16xf32, #tpu.memory_space<hbm>>) dst(%dma_wait3A_382 : memref<128x16xf32, #tpu.memory_space<vmem>>)
        %dma_wait3A_383 = arith.constant 0 : i32
        %dma_wait3A_384 = arith.constant 0 : i32
        %dma_wait3A_385 = arith.constant 0 : i32
        %dma_wait3A_386 = tpu.memref_slice %arg10[%dma_wait3A_383, %dma_wait3A_384, %dma_wait3A_385] : memref<6x128x16xf32, #tpu.memory_space<vmem>> -> memref<1x128x16xf32, #tpu.memory_space<vmem>>
        %dma_wait3A_387 = tpu.memref_squeeze %dma_wait3A_386 : memref<1x128x16xf32, #tpu.memory_space<vmem>> -> memref<128x16xf32, #tpu.memory_space<vmem>>
        %dma_wait3A_388 = arith.constant 0 : i32
        %dma_wait3A_389 = arith.constant 0 : i32
        %dma_wait3A_390 = tpu.memref_slice %arg10[%dma_wait3A_383, %dma_wait3A_388, %dma_wait3A_389] : memref<6x128x16xf32, #tpu.memory_space<vmem>> -> memref<1x128x16xf32, #tpu.memory_space<vmem>>
        %dma_wait3A_391 = tpu.memref_squeeze %dma_wait3A_390 : memref<1x128x16xf32, #tpu.memory_space<vmem>> -> memref<128x16xf32, #tpu.memory_space<vmem>>
        tpu.wait_dma2 semaphore(%arg18 : memref<!tpu.dma_semaphore, #tpu.memory_space<semaphore_mem>>) src(%arg4 : memref<128x16xf32, #tpu.memory_space<hbm>>) dst(%dma_wait3A_391 : memref<128x16xf32, #tpu.memory_space<vmem>>)
        %dma_wait3A_392 = arith.constant 1 : i32
        %dma_wait3A_393 = arith.constant 0 : i32
        %dma_wait3A_394 = arith.constant 0 : i32
        %dma_wait3A_395 = tpu.memref_slice %arg10[%dma_wait3A_392, %dma_wait3A_393, %dma_wait3A_394] : memref<6x128x16xf32, #tpu.memory_space<vmem>> -> memref<1x128x16xf32, #tpu.memory_space<vmem>>
        %dma_wait3A_396 = tpu.memref_squeeze %dma_wait3A_395 : memref<1x128x16xf32, #tpu.memory_space<vmem>> -> memref<128x16xf32, #tpu.memory_space<vmem>>
        %dma_wait3A_397 = arith.constant 0 : i32
        %dma_wait3A_398 = arith.constant 0 : i32
        %dma_wait3A_399 = tpu.memref_slice %arg10[%dma_wait3A_392, %dma_wait3A_397, %dma_wait3A_398] : memref<6x128x16xf32, #tpu.memory_space<vmem>> -> memref<1x128x16xf32, #tpu.memory_space<vmem>>
        %dma_wait3A_400 = tpu.memref_squeeze %dma_wait3A_399 : memref<1x128x16xf32, #tpu.memory_space<vmem>> -> memref<128x16xf32, #tpu.memory_space<vmem>>
        tpu.wait_dma2 semaphore(%arg18 : memref<!tpu.dma_semaphore, #tpu.memory_space<semaphore_mem>>) src(%arg4 : memref<128x16xf32, #tpu.memory_space<hbm>>) dst(%dma_wait3A_400 : memref<128x16xf32, #tpu.memory_space<vmem>>)
        %dma_wait3A_401 = arith.constant 1 : i32
        %dma_wait3A_402 = arith.constant 0 : i32
        %dma_wait3A_403 = arith.constant 0 : i32
        %dma_wait3A_404 = tpu.memref_slice %arg10[%dma_wait3A_401, %dma_wait3A_402, %dma_wait3A_403] : memref<6x128x16xf32, #tpu.memory_space<vmem>> -> memref<1x128x16xf32, #tpu.memory_space<vmem>>
        %dma_wait3A_405 = tpu.memref_squeeze %dma_wait3A_404 : memref<1x128x16xf32, #tpu.memory_space<vmem>> -> memref<128x16xf32, #tpu.memory_space<vmem>>
        %dma_wait3A_406 = arith.constant 0 : i32
        %dma_wait3A_407 = arith.constant 0 : i32
        %dma_wait3A_408 = tpu.memref_slice %arg10[%dma_wait3A_401, %dma_wait3A_406, %dma_wait3A_407] : memref<6x128x16xf32, #tpu.memory_space<vmem>> -> memref<1x128x16xf32, #tpu.memory_space<vmem>>
        %dma_wait3A_409 = tpu.memref_squeeze %dma_wait3A_408 : memref<1x128x16xf32, #tpu.memory_space<vmem>> -> memref<128x16xf32, #tpu.memory_space<vmem>>
        tpu.wait_dma2 semaphore(%arg18 : memref<!tpu.dma_semaphore, #tpu.memory_space<semaphore_mem>>) src(%arg4 : memref<128x16xf32, #tpu.memory_space<hbm>>) dst(%dma_wait3A_409 : memref<128x16xf32, #tpu.memory_space<vmem>>)
      } else {
      }
      %add3A_298 = arith.constant 1 : i32
      %add3A_299 = arith.addi %add3A_292, %add3A_298 : i32
      %le3A_300 = arith.constant 38 : i32
      %le3A_301 = arith.cmpi sle, %add3A_299, %le3A_300 : i32
      %convert_element_type3A_302 = arith.extui %le3A_301 : i1 to i32
      %cond3A_303 = arith.constant 0 : i32
      %cond3A_304 = arith.cmpi ne, %convert_element_type3A_302, %cond3A_303 : i32
      scf.if %cond3A_304 {
        %add3A_374 = arith.constant 1 : i32
        %add3A_375 = arith.addi %add3A_292, %add3A_374 : i32
        %mul3A_376 = arith.constant 2 : i32
        %mul3A_377 = arith.muli %add3A_375, %mul3A_376 : i32
        %add3A_378 = arith.constant 0 : i32
        %add3A_379 = arith.addi %mul3A_377, %add3A_378 : i32
        %dma_start3A_380 = arith.constant 0 : i32
        %dma_start3A_381 = arith.constant 0 : i32
        %dma_start3A_382 = arith.constant 0 : i32
        %dma_start3A_383 = tpu.memref_slice %arg10[%dma_start3A_380, %dma_start3A_381, %dma_start3A_382] : memref<6x128x16xf32, #tpu.memory_space<vmem>> -> memref<1x128x16xf32, #tpu.memory_space<vmem>>
        %dma_start3A_384 = tpu.memref_squeeze %dma_start3A_383 : memref<1x128x16xf32, #tpu.memory_space<vmem>> -> memref<128x16xf32, #tpu.memory_space<vmem>>
        %dma_start3A_385 = arith.constant 0 : i32
        %dma_start3A_386 = tpu.memref_slice %arg8[%add3A_379, %dma_start3A_385] : memref<79x128xi32, #tpu.memory_space<vmem>> -> memref<1x128xi32, #tpu.memory_space<vmem>>
        %dma_start3A_387 = tpu.memref_squeeze %dma_start3A_386 : memref<1x128xi32, #tpu.memory_space<vmem>> -> memref<128xi32, #tpu.memory_space<vmem>>
        %dma_start3A_388 = arith.constant 0 : i32
        %dma_start3A_389 = arith.constant 0 : i32
        %dma_start3A_390 = tpu.memref_slice %arg2[%dma_start3A_388, %dma_start3A_389] : memref<10000x16xf32, #tpu.memory_space<hbm>> -> memref<10000x16xf32, #tpu.memory_space<hbm>>
        tpu.enqueue_indirect_dma source(%dma_start3A_390 : memref<10000x16xf32, #tpu.memory_space<hbm>>) target(%dma_start3A_384 : memref<128x16xf32, #tpu.memory_space<vmem>>) offsets(%dma_start3A_387 : memref<128xi32, #tpu.memory_space<vmem>>) semaphore(%arg15 : memref<!tpu.dma_semaphore, #tpu.memory_space<semaphore_mem>>)
        %add3A_391 = arith.constant 1 : i32
        %add3A_392 = arith.addi %add3A_292, %add3A_391 : i32
        %mul3A_393 = arith.constant 2 : i32
        %mul3A_394 = arith.muli %add3A_392, %mul3A_393 : i32
        %add3A_395 = arith.constant 1 : i32
        %add3A_396 = arith.addi %mul3A_394, %add3A_395 : i32
        %dma_start3A_397 = arith.constant 1 : i32
        %dma_start3A_398 = arith.constant 0 : i32
        %dma_start3A_399 = arith.constant 0 : i32
        %dma_start3A_400 = tpu.memref_slice %arg10[%dma_start3A_397, %dma_start3A_398, %dma_start3A_399] : memref<6x128x16xf32, #tpu.memory_space<vmem>> -> memref<1x128x16xf32, #tpu.memory_space<vmem>>
        %dma_start3A_401 = tpu.memref_squeeze %dma_start3A_400 : memref<1x128x16xf32, #tpu.memory_space<vmem>> -> memref<128x16xf32, #tpu.memory_space<vmem>>
        %dma_start3A_402 = arith.constant 0 : i32
        %dma_start3A_403 = tpu.memref_slice %arg8[%add3A_396, %dma_start3A_402] : memref<79x128xi32, #tpu.memory_space<vmem>> -> memref<1x128xi32, #tpu.memory_space<vmem>>
        %dma_start3A_404 = tpu.memref_squeeze %dma_start3A_403 : memref<1x128xi32, #tpu.memory_space<vmem>> -> memref<128xi32, #tpu.memory_space<vmem>>
        %dma_start3A_405 = arith.constant 0 : i32
        %dma_start3A_406 = arith.constant 0 : i32
        %dma_start3A_407 = tpu.memref_slice %arg2[%dma_start3A_405, %dma_start3A_406] : memref<10000x16xf32, #tpu.memory_space<hbm>> -> memref<10000x16xf32, #tpu.memory_space<hbm>>
        tpu.enqueue_indirect_dma source(%dma_start3A_407 : memref<10000x16xf32, #tpu.memory_space<hbm>>) target(%dma_start3A_401 : memref<128x16xf32, #tpu.memory_space<vmem>>) offsets(%dma_start3A_404 : memref<128xi32, #tpu.memory_space<vmem>>) semaphore(%arg15 : memref<!tpu.dma_semaphore, #tpu.memory_space<semaphore_mem>>)
      } else {
      }
      %dma_wait3A_305 = arith.constant 4 : i32
      %dma_wait3A_306 = arith.constant 0 : i32
      %dma_wait3A_307 = arith.constant 0 : i32
      %dma_wait3A_308 = tpu.memref_slice %arg10[%dma_wait3A_305, %dma_wait3A_306, %dma_wait3A_307] : memref<6x128x16xf32, #tpu.memory_space<vmem>> -> memref<1x128x16xf32, #tpu.memory_space<vmem>>
      %dma_wait3A_309 = tpu.memref_squeeze %dma_wait3A_308 : memref<1x128x16xf32, #tpu.memory_space<vmem>> -> memref<128x16xf32, #tpu.memory_space<vmem>>
      %dma_wait3A_310 = arith.constant 0 : i32
      %dma_wait3A_311 = arith.constant 0 : i32
      %dma_wait3A_312 = tpu.memref_slice %arg10[%dma_wait3A_305, %dma_wait3A_310, %dma_wait3A_311] : memref<6x128x16xf32, #tpu.memory_space<vmem>> -> memref<1x128x16xf32, #tpu.memory_space<vmem>>
      %dma_wait3A_313 = tpu.memref_squeeze %dma_wait3A_312 : memref<1x128x16xf32, #tpu.memory_space<vmem>> -> memref<128x16xf32, #tpu.memory_space<vmem>>
      tpu.wait_dma2 semaphore(%arg17 : memref<!tpu.dma_semaphore, #tpu.memory_space<semaphore_mem>>) src(%arg4 : memref<128x16xf32, #tpu.memory_space<hbm>>) dst(%dma_wait3A_313 : memref<128x16xf32, #tpu.memory_space<vmem>>)
      %dma_wait3A_314 = arith.constant 5 : i32
      %dma_wait3A_315 = arith.constant 0 : i32
      %dma_wait3A_316 = arith.constant 0 : i32
      %dma_wait3A_317 = tpu.memref_slice %arg10[%dma_wait3A_314, %dma_wait3A_315, %dma_wait3A_316] : memref<6x128x16xf32, #tpu.memory_space<vmem>> -> memref<1x128x16xf32, #tpu.memory_space<vmem>>
      %dma_wait3A_318 = tpu.memref_squeeze %dma_wait3A_317 : memref<1x128x16xf32, #tpu.memory_space<vmem>> -> memref<128x16xf32, #tpu.memory_space<vmem>>
      %dma_wait3A_319 = arith.constant 0 : i32
      %dma_wait3A_320 = arith.constant 0 : i32
      %dma_wait3A_321 = tpu.memref_slice %arg10[%dma_wait3A_314, %dma_wait3A_319, %dma_wait3A_320] : memref<6x128x16xf32, #tpu.memory_space<vmem>> -> memref<1x128x16xf32, #tpu.memory_space<vmem>>
      %dma_wait3A_322 = tpu.memref_squeeze %dma_wait3A_321 : memref<1x128x16xf32, #tpu.memory_space<vmem>> -> memref<128x16xf32, #tpu.memory_space<vmem>>
      tpu.wait_dma2 semaphore(%arg17 : memref<!tpu.dma_semaphore, #tpu.memory_space<semaphore_mem>>) src(%arg4 : memref<128x16xf32, #tpu.memory_space<hbm>>) dst(%dma_wait3A_322 : memref<128x16xf32, #tpu.memory_space<vmem>>)
      %mul3A_323 = arith.constant 2 : i32
      %mul3A_324 = arith.muli %add3A_292, %mul3A_323 : i32
      %add3A_325 = arith.constant 0 : i32
      %add3A_326 = arith.addi %mul3A_324, %add3A_325 : i32
      %dma_start3A_327 = arith.constant 4 : i32
      %dma_start3A_328 = arith.constant 0 : i32
      %dma_start3A_329 = arith.constant 0 : i32
      %dma_start3A_330 = tpu.memref_slice %arg10[%dma_start3A_327, %dma_start3A_328, %dma_start3A_329] : memref<6x128x16xf32, #tpu.memory_space<vmem>> -> memref<1x128x16xf32, #tpu.memory_space<vmem>>
      %dma_start3A_331 = tpu.memref_squeeze %dma_start3A_330 : memref<1x128x16xf32, #tpu.memory_space<vmem>> -> memref<128x16xf32, #tpu.memory_space<vmem>>
      %dma_start3A_332 = arith.constant 0 : i32
      %dma_start3A_333 = tpu.memref_slice %arg9[%add3A_326, %dma_start3A_332] : memref<79x128xi32, #tpu.memory_space<vmem>> -> memref<1x128xi32, #tpu.memory_space<vmem>>
      %dma_start3A_334 = tpu.memref_squeeze %dma_start3A_333 : memref<1x128xi32, #tpu.memory_space<vmem>> -> memref<128xi32, #tpu.memory_space<vmem>>
      %dma_start3A_335 = arith.constant 0 : i32
      %dma_start3A_336 = arith.constant 0 : i32
      %dma_start3A_337 = tpu.memref_slice %arg13[%dma_start3A_335, %dma_start3A_336] : memref<10112x16xf32, #tpu.memory_space<vmem_shared>> -> memref<10112x16xf32, #tpu.memory_space<vmem_shared>>
      tpu.enqueue_indirect_dma source(%dma_start3A_331 : memref<128x16xf32, #tpu.memory_space<vmem>>) target(%dma_start3A_337 : memref<10112x16xf32, #tpu.memory_space<vmem_shared>>) offsets(%dma_start3A_334 : memref<128xi32, #tpu.memory_space<vmem>>) semaphore(%arg20 : memref<!tpu.dma_semaphore, #tpu.memory_space<semaphore_mem>>) {add = true}
      %mul3A_338 = arith.constant 2 : i32
      %mul3A_339 = arith.muli %add3A_292, %mul3A_338 : i32
      %add3A_340 = arith.constant 0 : i32
      %add3A_341 = arith.addi %mul3A_339, %add3A_340 : i32
      %dma_start3A_342 = arith.constant 0 : i32
      %dma_start3A_343 = tpu.memref_slice %arg9[%add3A_341, %dma_start3A_342] : memref<79x128xi32, #tpu.memory_space<vmem>> -> memref<1x128xi32, #tpu.memory_space<vmem>>
      %dma_start3A_344 = tpu.memref_squeeze %dma_start3A_343 : memref<1x128xi32, #tpu.memory_space<vmem>> -> memref<128xi32, #tpu.memory_space<vmem>>
      %dma_start3A_345 = arith.constant 0 : i32
      %dma_start3A_346 = arith.constant 0 : i32
      %dma_start3A_347 = tpu.memref_slice %arg14[%dma_start3A_345, %dma_start3A_346] : memref<10112x16xf32, #tpu.memory_space<vmem_shared>> -> memref<10112x16xf32, #tpu.memory_space<vmem_shared>>
      tpu.enqueue_indirect_dma source(%arg12 : memref<128x16xf32, #tpu.memory_space<vmem>>) target(%dma_start3A_347 : memref<10112x16xf32, #tpu.memory_space<vmem_shared>>) offsets(%dma_start3A_344 : memref<128xi32, #tpu.memory_space<vmem>>) semaphore(%arg20 : memref<!tpu.dma_semaphore, #tpu.memory_space<semaphore_mem>>) {add = true}
      %mul3A_348 = arith.constant 2 : i32
      %mul3A_349 = arith.muli %add3A_292, %mul3A_348 : i32
      %add3A_350 = arith.constant 1 : i32
      %add3A_351 = arith.addi %mul3A_349, %add3A_350 : i32
      %dma_start3A_352 = arith.constant 5 : i32
      %dma_start3A_353 = arith.constant 0 : i32
      %dma_start3A_354 = arith.constant 0 : i32
      %dma_start3A_355 = tpu.memref_slice %arg10[%dma_start3A_352, %dma_start3A_353, %dma_start3A_354] : memref<6x128x16xf32, #tpu.memory_space<vmem>> -> memref<1x128x16xf32, #tpu.memory_space<vmem>>
      %dma_start3A_356 = tpu.memref_squeeze %dma_start3A_355 : memref<1x128x16xf32, #tpu.memory_space<vmem>> -> memref<128x16xf32, #tpu.memory_space<vmem>>
      %dma_start3A_357 = arith.constant 0 : i32
      %dma_start3A_358 = tpu.memref_slice %arg9[%add3A_351, %dma_start3A_357] : memref<79x128xi32, #tpu.memory_space<vmem>> -> memref<1x128xi32, #tpu.memory_space<vmem>>
      %dma_start3A_359 = tpu.memref_squeeze %dma_start3A_358 : memref<1x128xi32, #tpu.memory_space<vmem>> -> memref<128xi32, #tpu.memory_space<vmem>>
      %dma_start3A_360 = arith.constant 0 : i32
      %dma_start3A_361 = arith.constant 0 : i32
      %dma_start3A_362 = tpu.memref_slice %arg13[%dma_start3A_360, %dma_start3A_361] : memref<10112x16xf32, #tpu.memory_space<vmem_shared>> -> memref<10112x16xf32, #tpu.memory_space<vmem_shared>>
      tpu.enqueue_indirect_dma source(%dma_start3A_356 : memref<128x16xf32, #tpu.memory_space<vmem>>) target(%dma_start3A_362 : memref<10112x16xf32, #tpu.memory_space<vmem_shared>>) offsets(%dma_start3A_359 : memref<128xi32, #tpu.memory_space<vmem>>) semaphore(%arg20 : memref<!tpu.dma_semaphore, #tpu.memory_space<semaphore_mem>>) {add = true}
      %mul3A_363 = arith.constant 2 : i32
      %mul3A_364 = arith.muli %add3A_292, %mul3A_363 : i32
      %add3A_365 = arith.constant 1 : i32
      %add3A_366 = arith.addi %mul3A_364, %add3A_365 : i32
      %dma_start3A_367 = arith.constant 0 : i32
      %dma_start3A_368 = tpu.memref_slice %arg9[%add3A_366, %dma_start3A_367] : memref<79x128xi32, #tpu.memory_space<vmem>> -> memref<1x128xi32, #tpu.memory_space<vmem>>
      %dma_start3A_369 = tpu.memref_squeeze %dma_start3A_368 : memref<1x128xi32, #tpu.memory_space<vmem>> -> memref<128xi32, #tpu.memory_space<vmem>>
      %dma_start3A_370 = arith.constant 0 : i32
      %dma_start3A_371 = arith.constant 0 : i32
      %dma_start3A_372 = tpu.memref_slice %arg14[%dma_start3A_370, %dma_start3A_371] : memref<10112x16xf32, #tpu.memory_space<vmem_shared>> -> memref<10112x16xf32, #tpu.memory_space<vmem_shared>>
      tpu.enqueue_indirect_dma source(%arg12 : memref<128x16xf32, #tpu.memory_space<vmem>>) target(%dma_start3A_372 : memref<10112x16xf32, #tpu.memory_space<vmem_shared>>) offsets(%dma_start3A_369 : memref<128xi32, #tpu.memory_space<vmem>>) semaphore(%arg20 : memref<!tpu.dma_semaphore, #tpu.memory_space<semaphore_mem>>) {add = true}
      %scan3A_373 = arith.constant 0 : i32
      scf.yield %scan3A_373 : i32
    }
    %scan3A_40 = arith.constant 13 : i32
    %dma_wait3A = arith.constant 2 : i32
    %dma_wait3A_41 = arith.constant 0 : i32
    %dma_wait3A_42 = arith.constant 0 : i32
    %dma_wait3A_43 = tpu.memref_slice %arg10[%dma_wait3A, %dma_wait3A_41, %dma_wait3A_42] : memref<6x128x16xf32, #tpu.memory_space<vmem>> -> memref<1x128x16xf32, #tpu.memory_space<vmem>>
    %dma_wait3A_44 = tpu.memref_squeeze %dma_wait3A_43 : memref<1x128x16xf32, #tpu.memory_space<vmem>> -> memref<128x16xf32, #tpu.memory_space<vmem>>
    %dma_wait3A_45 = arith.constant 0 : i32
    %dma_wait3A_46 = arith.constant 0 : i32
    %dma_wait3A_47 = tpu.memref_slice %arg10[%dma_wait3A, %dma_wait3A_45, %dma_wait3A_46] : memref<6x128x16xf32, #tpu.memory_space<vmem>> -> memref<1x128x16xf32, #tpu.memory_space<vmem>>
    %dma_wait3A_48 = tpu.memref_squeeze %dma_wait3A_47 : memref<1x128x16xf32, #tpu.memory_space<vmem>> -> memref<128x16xf32, #tpu.memory_space<vmem>>
    tpu.wait_dma2 semaphore(%arg19 : memref<!tpu.dma_semaphore, #tpu.memory_space<semaphore_mem>>) src(%arg4 : memref<128x16xf32, #tpu.memory_space<hbm>>) dst(%dma_wait3A_48 : memref<128x16xf32, #tpu.memory_space<vmem>>)
    %dma_wait3A_49 = arith.constant 2 : i32
    %dma_wait3A_50 = arith.constant 0 : i32
    %dma_wait3A_51 = arith.constant 0 : i32
    %dma_wait3A_52 = tpu.memref_slice %arg10[%dma_wait3A_49, %dma_wait3A_50, %dma_wait3A_51] : memref<6x128x16xf32, #tpu.memory_space<vmem>> -> memref<1x128x16xf32, #tpu.memory_space<vmem>>
    %dma_wait3A_53 = tpu.memref_squeeze %dma_wait3A_52 : memref<1x128x16xf32, #tpu.memory_space<vmem>> -> memref<128x16xf32, #tpu.memory_space<vmem>>
    %dma_wait3A_54 = arith.constant 0 : i32
    %dma_wait3A_55 = arith.constant 0 : i32
    %dma_wait3A_56 = tpu.memref_slice %arg10[%dma_wait3A_49, %dma_wait3A_54, %dma_wait3A_55] : memref<6x128x16xf32, #tpu.memory_space<vmem>> -> memref<1x128x16xf32, #tpu.memory_space<vmem>>
    %dma_wait3A_57 = tpu.memref_squeeze %dma_wait3A_56 : memref<1x128x16xf32, #tpu.memory_space<vmem>> -> memref<128x16xf32, #tpu.memory_space<vmem>>
    tpu.wait_dma2 semaphore(%arg19 : memref<!tpu.dma_semaphore, #tpu.memory_space<semaphore_mem>>) src(%arg4 : memref<128x16xf32, #tpu.memory_space<hbm>>) dst(%dma_wait3A_57 : memref<128x16xf32, #tpu.memory_space<vmem>>)
    %dma_wait3A_58 = arith.constant 3 : i32
    %dma_wait3A_59 = arith.constant 0 : i32
    %dma_wait3A_60 = arith.constant 0 : i32
    %dma_wait3A_61 = tpu.memref_slice %arg10[%dma_wait3A_58, %dma_wait3A_59, %dma_wait3A_60] : memref<6x128x16xf32, #tpu.memory_space<vmem>> -> memref<1x128x16xf32, #tpu.memory_space<vmem>>
    %dma_wait3A_62 = tpu.memref_squeeze %dma_wait3A_61 : memref<1x128x16xf32, #tpu.memory_space<vmem>> -> memref<128x16xf32, #tpu.memory_space<vmem>>
    %dma_wait3A_63 = arith.constant 0 : i32
    %dma_wait3A_64 = arith.constant 0 : i32
    %dma_wait3A_65 = tpu.memref_slice %arg10[%dma_wait3A_58, %dma_wait3A_63, %dma_wait3A_64] : memref<6x128x16xf32, #tpu.memory_space<vmem>> -> memref<1x128x16xf32, #tpu.memory_space<vmem>>
    %dma_wait3A_66 = tpu.memref_squeeze %dma_wait3A_65 : memref<1x128x16xf32, #tpu.memory_space<vmem>> -> memref<128x16xf32, #tpu.memory_space<vmem>>
    tpu.wait_dma2 semaphore(%arg19 : memref<!tpu.dma_semaphore, #tpu.memory_space<semaphore_mem>>) src(%arg4 : memref<128x16xf32, #tpu.memory_space<hbm>>) dst(%dma_wait3A_66 : memref<128x16xf32, #tpu.memory_space<vmem>>)
    %dma_wait3A_67 = arith.constant 3 : i32
    %dma_wait3A_68 = arith.constant 0 : i32
    %dma_wait3A_69 = arith.constant 0 : i32
    %dma_wait3A_70 = tpu.memref_slice %arg10[%dma_wait3A_67, %dma_wait3A_68, %dma_wait3A_69] : memref<6x128x16xf32, #tpu.memory_space<vmem>> -> memref<1x128x16xf32, #tpu.memory_space<vmem>>
    %dma_wait3A_71 = tpu.memref_squeeze %dma_wait3A_70 : memref<1x128x16xf32, #tpu.memory_space<vmem>> -> memref<128x16xf32, #tpu.memory_space<vmem>>
    %dma_wait3A_72 = arith.constant 0 : i32
    %dma_wait3A_73 = arith.constant 0 : i32
    %dma_wait3A_74 = tpu.memref_slice %arg10[%dma_wait3A_67, %dma_wait3A_72, %dma_wait3A_73] : memref<6x128x16xf32, #tpu.memory_space<vmem>> -> memref<1x128x16xf32, #tpu.memory_space<vmem>>
    %dma_wait3A_75 = tpu.memref_squeeze %dma_wait3A_74 : memref<1x128x16xf32, #tpu.memory_space<vmem>> -> memref<128x16xf32, #tpu.memory_space<vmem>>
    tpu.wait_dma2 semaphore(%arg19 : memref<!tpu.dma_semaphore, #tpu.memory_space<semaphore_mem>>) src(%arg4 : memref<128x16xf32, #tpu.memory_space<hbm>>) dst(%dma_wait3A_75 : memref<128x16xf32, #tpu.memory_space<vmem>>)
    %dma_wait3A_76 = arith.constant 4 : i32
    %dma_wait3A_77 = arith.constant 0 : i32
    %dma_wait3A_78 = arith.constant 0 : i32
    %dma_wait3A_79 = tpu.memref_slice %arg10[%dma_wait3A_76, %dma_wait3A_77, %dma_wait3A_78] : memref<6x128x16xf32, #tpu.memory_space<vmem>> -> memref<1x128x16xf32, #tpu.memory_space<vmem>>
    %dma_wait3A_80 = tpu.memref_squeeze %dma_wait3A_79 : memref<1x128x16xf32, #tpu.memory_space<vmem>> -> memref<128x16xf32, #tpu.memory_space<vmem>>
    %dma_wait3A_81 = arith.constant 0 : i32
    %dma_wait3A_82 = arith.constant 0 : i32
    %dma_wait3A_83 = tpu.memref_slice %arg10[%dma_wait3A_76, %dma_wait3A_81, %dma_wait3A_82] : memref<6x128x16xf32, #tpu.memory_space<vmem>> -> memref<1x128x16xf32, #tpu.memory_space<vmem>>
    %dma_wait3A_84 = tpu.memref_squeeze %dma_wait3A_83 : memref<1x128x16xf32, #tpu.memory_space<vmem>> -> memref<128x16xf32, #tpu.memory_space<vmem>>
    tpu.wait_dma2 semaphore(%arg20 : memref<!tpu.dma_semaphore, #tpu.memory_space<semaphore_mem>>) src(%arg4 : memref<128x16xf32, #tpu.memory_space<hbm>>) dst(%dma_wait3A_84 : memref<128x16xf32, #tpu.memory_space<vmem>>)
    %dma_wait3A_85 = arith.constant 4 : i32
    %dma_wait3A_86 = arith.constant 0 : i32
    %dma_wait3A_87 = arith.constant 0 : i32
    %dma_wait3A_88 = tpu.memref_slice %arg10[%dma_wait3A_85, %dma_wait3A_86, %dma_wait3A_87] : memref<6x128x16xf32, #tpu.memory_space<vmem>> -> memref<1x128x16xf32, #tpu.memory_space<vmem>>
    %dma_wait3A_89 = tpu.memref_squeeze %dma_wait3A_88 : memref<1x128x16xf32, #tpu.memory_space<vmem>> -> memref<128x16xf32, #tpu.memory_space<vmem>>
    %dma_wait3A_90 = arith.constant 0 : i32
    %dma_wait3A_91 = arith.constant 0 : i32
    %dma_wait3A_92 = tpu.memref_slice %arg10[%dma_wait3A_85, %dma_wait3A_90, %dma_wait3A_91] : memref<6x128x16xf32, #tpu.memory_space<vmem>> -> memref<1x128x16xf32, #tpu.memory_space<vmem>>
    %dma_wait3A_93 = tpu.memref_squeeze %dma_wait3A_92 : memref<1x128x16xf32, #tpu.memory_space<vmem>> -> memref<128x16xf32, #tpu.memory_space<vmem>>
    tpu.wait_dma2 semaphore(%arg20 : memref<!tpu.dma_semaphore, #tpu.memory_space<semaphore_mem>>) src(%arg4 : memref<128x16xf32, #tpu.memory_space<hbm>>) dst(%dma_wait3A_93 : memref<128x16xf32, #tpu.memory_space<vmem>>)
    %dma_wait3A_94 = arith.constant 5 : i32
    %dma_wait3A_95 = arith.constant 0 : i32
    %dma_wait3A_96 = arith.constant 0 : i32
    %dma_wait3A_97 = tpu.memref_slice %arg10[%dma_wait3A_94, %dma_wait3A_95, %dma_wait3A_96] : memref<6x128x16xf32, #tpu.memory_space<vmem>> -> memref<1x128x16xf32, #tpu.memory_space<vmem>>
    %dma_wait3A_98 = tpu.memref_squeeze %dma_wait3A_97 : memref<1x128x16xf32, #tpu.memory_space<vmem>> -> memref<128x16xf32, #tpu.memory_space<vmem>>
    %dma_wait3A_99 = arith.constant 0 : i32
    %dma_wait3A_100 = arith.constant 0 : i32
    %dma_wait3A_101 = tpu.memref_slice %arg10[%dma_wait3A_94, %dma_wait3A_99, %dma_wait3A_100] : memref<6x128x16xf32, #tpu.memory_space<vmem>> -> memref<1x128x16xf32, #tpu.memory_space<vmem>>
    %dma_wait3A_102 = tpu.memref_squeeze %dma_wait3A_101 : memref<1x128x16xf32, #tpu.memory_space<vmem>> -> memref<128x16xf32, #tpu.memory_space<vmem>>
    tpu.wait_dma2 semaphore(%arg20 : memref<!tpu.dma_semaphore, #tpu.memory_space<semaphore_mem>>) src(%arg4 : memref<128x16xf32, #tpu.memory_space<hbm>>) dst(%dma_wait3A_102 : memref<128x16xf32, #tpu.memory_space<vmem>>)
    %dma_wait3A_103 = arith.constant 5 : i32
    %dma_wait3A_104 = arith.constant 0 : i32
    %dma_wait3A_105 = arith.constant 0 : i32
    %dma_wait3A_106 = tpu.memref_slice %arg10[%dma_wait3A_103, %dma_wait3A_104, %dma_wait3A_105] : memref<6x128x16xf32, #tpu.memory_space<vmem>> -> memref<1x128x16xf32, #tpu.memory_space<vmem>>
    %dma_wait3A_107 = tpu.memref_squeeze %dma_wait3A_106 : memref<1x128x16xf32, #tpu.memory_space<vmem>> -> memref<128x16xf32, #tpu.memory_space<vmem>>
    %dma_wait3A_108 = arith.constant 0 : i32
    %dma_wait3A_109 = arith.constant 0 : i32
    %dma_wait3A_110 = tpu.memref_slice %arg10[%dma_wait3A_103, %dma_wait3A_108, %dma_wait3A_109] : memref<6x128x16xf32, #tpu.memory_space<vmem>> -> memref<1x128x16xf32, #tpu.memory_space<vmem>>
    %dma_wait3A_111 = tpu.memref_squeeze %dma_wait3A_110 : memref<1x128x16xf32, #tpu.memory_space<vmem>> -> memref<128x16xf32, #tpu.memory_space<vmem>>
    tpu.wait_dma2 semaphore(%arg20 : memref<!tpu.dma_semaphore, #tpu.memory_space<semaphore_mem>>) src(%arg4 : memref<128x16xf32, #tpu.memory_space<hbm>>) dst(%dma_wait3A_111 : memref<128x16xf32, #tpu.memory_space<vmem>>)
    %barrier3A_112 = arith.constant 0 : index
    tpu.barrier barrier_id(%barrier3A_112)
    %mul3A_113 = arith.constant 632 : i32
    %mul3A_114 = arith.muli %arg1, %mul3A_113 : i32
    %mul3A_115 = arith.constant 632 : i32
    %mul3A_116 = arith.muli %arg1, %mul3A_115 : i32
    "tpu.region"() ({
      %run_scoped3A_121 = tpu.sem_alloc : memref<!tpu.dma_semaphore, #tpu.memory_space<semaphore_mem>>
      %dma_start3A_122 = arith.constant 0 : i32
      %dma_start3A_123 = tpu.memref_slice %arg6[%arg0, %mul3A_116, %dma_start3A_122] : memref<2x10112x16xf32, #tpu.memory_space<hbm>> -> memref<1x632x16xf32, #tpu.memory_space<hbm>>
      %dma_start3A_124 = tpu.memref_squeeze %dma_start3A_123 : memref<1x632x16xf32, #tpu.memory_space<hbm>> -> memref<632x16xf32, #tpu.memory_space<hbm>>
      %dma_start3A_125 = arith.constant 0 : i32
      %dma_start3A_126 = tpu.memref_slice %arg13[%mul3A_114, %dma_start3A_125] : memref<10112x16xf32, #tpu.memory_space<vmem_shared>> -> memref<632x16xf32, #tpu.memory_space<vmem_shared>>
      tpu.enqueue_dma source(%dma_start3A_126 : memref<632x16xf32, #tpu.memory_space<vmem_shared>>) target(%dma_start3A_124 : memref<632x16xf32, #tpu.memory_space<hbm>>) target_semaphore(%run_scoped3A_121 : memref<!tpu.dma_semaphore, #tpu.memory_space<semaphore_mem>>)
      %dma_wait3A_127 = arith.constant 0 : i32
      %dma_wait3A_128 = tpu.memref_slice %arg6[%arg0, %mul3A_116, %dma_wait3A_127] : memref<2x10112x16xf32, #tpu.memory_space<hbm>> -> memref<1x632x16xf32, #tpu.memory_space<hbm>>
      %dma_wait3A_129 = tpu.memref_squeeze %dma_wait3A_128 : memref<1x632x16xf32, #tpu.memory_space<hbm>> -> memref<632x16xf32, #tpu.memory_space<hbm>>
      %dma_wait3A_130 = arith.constant 0 : i32
      %dma_wait3A_131 = tpu.memref_slice %arg13[%mul3A_114, %dma_wait3A_130] : memref<10112x16xf32, #tpu.memory_space<vmem_shared>> -> memref<632x16xf32, #tpu.memory_space<vmem_shared>>
      tpu.wait_dma2 semaphore(%run_scoped3A_121 : memref<!tpu.dma_semaphore, #tpu.memory_space<semaphore_mem>>) src(%dma_wait3A_131 : memref<632x16xf32, #tpu.memory_space<vmem_shared>>) dst(%dma_wait3A_129 : memref<632x16xf32, #tpu.memory_space<hbm>>)
      tpu.yield
    }) : () -> ()
    %mul3A_117 = arith.constant 632 : i32
    %mul3A_118 = arith.muli %arg1, %mul3A_117 : i32
    %mul3A_119 = arith.constant 632 : i32
    %mul3A_120 = arith.muli %arg1, %mul3A_119 : i32
    "tpu.region"() ({
      %run_scoped3A_121 = tpu.sem_alloc : memref<!tpu.dma_semaphore, #tpu.memory_space<semaphore_mem>>
      %dma_start3A_122 = arith.constant 0 : i32
      %dma_start3A_123 = tpu.memref_slice %arg7[%arg0, %mul3A_120, %dma_start3A_122] : memref<2x10112x16xf32, #tpu.memory_space<hbm>> -> memref<1x632x16xf32, #tpu.memory_space<hbm>>
      %dma_start3A_124 = tpu.memref_squeeze %dma_start3A_123 : memref<1x632x16xf32, #tpu.memory_space<hbm>> -> memref<632x16xf32, #tpu.memory_space<hbm>>
      %dma_start3A_125 = arith.constant 0 : i32
      %dma_start3A_126 = tpu.memref_slice %arg14[%mul3A_118, %dma_start3A_125] : memref<10112x16xf32, #tpu.memory_space<vmem_shared>> -> memref<632x16xf32, #tpu.memory_space<vmem_shared>>
      tpu.enqueue_dma source(%dma_start3A_126 : memref<632x16xf32, #tpu.memory_space<vmem_shared>>) target(%dma_start3A_124 : memref<632x16xf32, #tpu.memory_space<hbm>>) target_semaphore(%run_scoped3A_121 : memref<!tpu.dma_semaphore, #tpu.memory_space<semaphore_mem>>)
      %dma_wait3A_127 = arith.constant 0 : i32
      %dma_wait3A_128 = tpu.memref_slice %arg7[%arg0, %mul3A_120, %dma_wait3A_127] : memref<2x10112x16xf32, #tpu.memory_space<hbm>> -> memref<1x632x16xf32, #tpu.memory_space<hbm>>
      %dma_wait3A_129 = tpu.memref_squeeze %dma_wait3A_128 : memref<1x632x16xf32, #tpu.memory_space<hbm>> -> memref<632x16xf32, #tpu.memory_space<hbm>>
      %dma_wait3A_130 = arith.constant 0 : i32
      %dma_wait3A_131 = tpu.memref_slice %arg14[%mul3A_118, %dma_wait3A_130] : memref<10112x16xf32, #tpu.memory_space<vmem_shared>> -> memref<632x16xf32, #tpu.memory_space<vmem_shared>>
      tpu.wait_dma2 semaphore(%run_scoped3A_121 : memref<!tpu.dma_semaphore, #tpu.memory_space<semaphore_mem>>) src(%dma_wait3A_131 : memref<632x16xf32, #tpu.memory_space<vmem_shared>>) dst(%dma_wait3A_129 : memref<632x16xf32, #tpu.memory_space<hbm>>)
      tpu.yield
    }) : () -> ()
    return
  }
}

#map = affine_map<(d0, d1) -> (0, 0)>
#map1 = affine_map<(d0, d1) -> (0, 0, 0)>
module attributes {stable_mosaic.version = 14 : i64} {
  func.func @_sc_seg_body(%arg0: i32, %arg1: i32, %arg2: memref<10000x16xf32, #tpu.memory_space<hbm>>, %arg3: memref<2x2500x128xi32, #tpu.memory_space<hbm>>, %arg4: memref<128x16xf32, #tpu.memory_space<hbm>>, %arg5: memref<632x16xf32, #tpu.memory_space<hbm>>, %arg6: memref<2x10112x16xf32, #tpu.memory_space<hbm>>, %arg7: memref<2x10112x16xf32, #tpu.memory_space<hbm>>, %arg8: memref<79x128xi32, #tpu.memory_space<vmem>>, %arg9: memref<79x128xi32, #tpu.memory_space<vmem>>, %arg10: memref<6x128x16xf32, #tpu.memory_space<vmem>>, %arg11: memref<128x16xf32, #tpu.memory_space<vmem>>, %arg12: memref<128x16xf32, #tpu.memory_space<vmem>>, %arg13: memref<10112x16xf32, #tpu.memory_space<vmem_shared>>, %arg14: memref<10112x16xf32, #tpu.memory_space<vmem_shared>>, %arg15: memref<!tpu.dma_semaphore, #tpu.memory_space<semaphore_mem>>, %arg16: memref<!tpu.dma_semaphore, #tpu.memory_space<semaphore_mem>>, %arg17: memref<!tpu.dma_semaphore, #tpu.memory_space<semaphore_mem>>, %arg18: memref<!tpu.dma_semaphore, #tpu.memory_space<semaphore_mem>>, %arg19: memref<!tpu.dma_semaphore, #tpu.memory_space<semaphore_mem>>, %arg20: memref<!tpu.dma_semaphore, #tpu.memory_space<semaphore_mem>>) attributes {dimension_semantics = [#tpu.dimension_semantics<core_parallel>, #tpu.dimension_semantics<subcore_parallel>], iteration_bounds = array<i64: 2, 16>, scalar_prefetch = 0 : i64, scratch_operands = 13 : i64, tpu.core_type = #tpu.core_type<sc_vector_subcore>, window_params = [{transform_indices = #map}, {transform_indices = #map1}, {transform_indices = #map}, {transform_indices = #map}, {transform_indices = #map1}, {transform_indices = #map1}]} {
    %mul3A = arith.constant 16 : i32
    %mul3A_0 = arith.muli %arg0, %mul3A : i32
    %add3A = arith.addi %mul3A_0, %arg1 : i32
    %mul3A_1 = arith.constant 632 : i32
    %mul3A_2 = arith.muli %arg1, %mul3A_1 : i32
    "tpu.region"() ({
      %run_scoped3A_121 = tpu.sem_alloc : memref<!tpu.dma_semaphore, #tpu.memory_space<semaphore_mem>>
      %dma_start3A_122 = arith.constant 0 : i32
      %dma_start3A_123 = tpu.memref_slice %arg13[%mul3A_2, %dma_start3A_122] : memref<10112x16xf32, #tpu.memory_space<vmem_shared>> -> memref<632x16xf32, #tpu.memory_space<vmem_shared>>
      tpu.enqueue_dma source(%arg5 : memref<632x16xf32, #tpu.memory_space<hbm>>) target(%dma_start3A_123 : memref<632x16xf32, #tpu.memory_space<vmem_shared>>) target_semaphore(%run_scoped3A_121 : memref<!tpu.dma_semaphore, #tpu.memory_space<semaphore_mem>>)
      %dma_wait3A_124 = arith.constant 0 : i32
      %dma_wait3A_125 = tpu.memref_slice %arg13[%mul3A_2, %dma_wait3A_124] : memref<10112x16xf32, #tpu.memory_space<vmem_shared>> -> memref<632x16xf32, #tpu.memory_space<vmem_shared>>
      tpu.wait_dma2 semaphore(%run_scoped3A_121 : memref<!tpu.dma_semaphore, #tpu.memory_space<semaphore_mem>>) src(%arg5 : memref<632x16xf32, #tpu.memory_space<hbm>>) dst(%dma_wait3A_125 : memref<632x16xf32, #tpu.memory_space<vmem_shared>>)
      tpu.yield
    }) : () -> ()
    %mul3A_3 = arith.constant 632 : i32
    %mul3A_4 = arith.muli %arg1, %mul3A_3 : i32
    "tpu.region"() ({
      %run_scoped3A_121 = tpu.sem_alloc : memref<!tpu.dma_semaphore, #tpu.memory_space<semaphore_mem>>
      %dma_start3A_122 = arith.constant 0 : i32
      %dma_start3A_123 = tpu.memref_slice %arg14[%mul3A_4, %dma_start3A_122] : memref<10112x16xf32, #tpu.memory_space<vmem_shared>> -> memref<632x16xf32, #tpu.memory_space<vmem_shared>>
      tpu.enqueue_dma source(%arg5 : memref<632x16xf32, #tpu.memory_space<hbm>>) target(%dma_start3A_123 : memref<632x16xf32, #tpu.memory_space<vmem_shared>>) target_semaphore(%run_scoped3A_121 : memref<!tpu.dma_semaphore, #tpu.memory_space<semaphore_mem>>)
      %dma_wait3A_124 = arith.constant 0 : i32
      %dma_wait3A_125 = tpu.memref_slice %arg14[%mul3A_4, %dma_wait3A_124] : memref<10112x16xf32, #tpu.memory_space<vmem_shared>> -> memref<632x16xf32, #tpu.memory_space<vmem_shared>>
      tpu.wait_dma2 semaphore(%run_scoped3A_121 : memref<!tpu.dma_semaphore, #tpu.memory_space<semaphore_mem>>) src(%arg5 : memref<632x16xf32, #tpu.memory_space<hbm>>) dst(%dma_wait3A_125 : memref<632x16xf32, #tpu.memory_space<vmem_shared>>)
      tpu.yield
    }) : () -> ()
    "tpu.region"() ({
      %run_scoped3A_121 = tpu.sem_alloc : memref<!tpu.dma_semaphore, #tpu.memory_space<semaphore_mem>>
      tpu.enqueue_dma source(%arg4 : memref<128x16xf32, #tpu.memory_space<hbm>>) target(%arg12 : memref<128x16xf32, #tpu.memory_space<vmem>>) target_semaphore(%run_scoped3A_121 : memref<!tpu.dma_semaphore, #tpu.memory_space<semaphore_mem>>)
      tpu.wait_dma2 semaphore(%run_scoped3A_121 : memref<!tpu.dma_semaphore, #tpu.memory_space<semaphore_mem>>) src(%arg4 : memref<128x16xf32, #tpu.memory_space<hbm>>) dst(%arg12 : memref<128x16xf32, #tpu.memory_space<vmem>>)
      tpu.yield
    }) : () -> ()
    %barrier3A = arith.constant 0 : index
    tpu.barrier barrier_id(%barrier3A)
    %mul3A_5 = arith.constant 78 : i32
    %mul3A_6 = arith.muli %add3A, %mul3A_5 : i32
    %run_scoped3A = arith.constant 0 : i32
    "tpu.region"() ({
      %run_scoped3A_121 = tpu.sem_alloc : memref<!tpu.dma_semaphore, #tpu.memory_space<semaphore_mem>>
      %dma_start3A_122 = arith.constant 0 : i32
      %dma_start3A_123 = arith.constant 0 : i32
      %dma_start3A_124 = tpu.memref_slice %arg8[%dma_start3A_122, %dma_start3A_123] : memref<79x128xi32, #tpu.memory_space<vmem>> -> memref<78x128xi32, #tpu.memory_space<vmem>>
      %dma_start3A_125 = arith.constant 0 : i32
      %dma_start3A_126 = tpu.memref_slice %arg3[%run_scoped3A, %mul3A_6, %dma_start3A_125] : memref<2x2500x128xi32, #tpu.memory_space<hbm>> -> memref<1x78x128xi32, #tpu.memory_space<hbm>>
      %dma_start3A_127 = tpu.memref_squeeze %dma_start3A_126 : memref<1x78x128xi32, #tpu.memory_space<hbm>> -> memref<78x128xi32, #tpu.memory_space<hbm>>
      %dma_start3A_128 = arith.constant 0 : i32
      %dma_start3A_129 = arith.constant 0 : i32
      %dma_start3A_130 = tpu.memref_slice %arg8[%dma_start3A_128, %dma_start3A_129] : memref<79x128xi32, #tpu.memory_space<vmem>> -> memref<78x128xi32, #tpu.memory_space<vmem>>
      %dma_start3A_131 = arith.constant 0 : i32
      %dma_start3A_132 = tpu.memref_slice %arg3[%run_scoped3A, %mul3A_6, %dma_start3A_131] : memref<2x2500x128xi32, #tpu.memory_space<hbm>> -> memref<1x78x128xi32, #tpu.memory_space<hbm>>
      %dma_start3A_133 = tpu.memref_squeeze %dma_start3A_132 : memref<1x78x128xi32, #tpu.memory_space<hbm>> -> memref<78x128xi32, #tpu.memory_space<hbm>>
      tpu.enqueue_dma source(%dma_start3A_133 : memref<78x128xi32, #tpu.memory_space<hbm>>) target(%dma_start3A_130 : memref<78x128xi32, #tpu.memory_space<vmem>>) target_semaphore(%run_scoped3A_121 : memref<!tpu.dma_semaphore, #tpu.memory_space<semaphore_mem>>)
      %dma_wait3A_134 = arith.constant 0 : i32
      %dma_wait3A_135 = arith.constant 0 : i32
      %dma_wait3A_136 = tpu.memref_slice %arg8[%dma_wait3A_134, %dma_wait3A_135] : memref<79x128xi32, #tpu.memory_space<vmem>> -> memref<78x128xi32, #tpu.memory_space<vmem>>
      %dma_wait3A_137 = arith.constant 0 : i32
      %dma_wait3A_138 = tpu.memref_slice %arg3[%run_scoped3A, %mul3A_6, %dma_wait3A_137] : memref<2x2500x128xi32, #tpu.memory_space<hbm>> -> memref<1x78x128xi32, #tpu.memory_space<hbm>>
      %dma_wait3A_139 = tpu.memref_squeeze %dma_wait3A_138 : memref<1x78x128xi32, #tpu.memory_space<hbm>> -> memref<78x128xi32, #tpu.memory_space<hbm>>
      %dma_wait3A_140 = arith.constant 0 : i32
      %dma_wait3A_141 = arith.constant 0 : i32
      %dma_wait3A_142 = tpu.memref_slice %arg8[%dma_wait3A_140, %dma_wait3A_141] : memref<79x128xi32, #tpu.memory_space<vmem>> -> memref<78x128xi32, #tpu.memory_space<vmem>>
      %dma_wait3A_143 = arith.constant 0 : i32
      %dma_wait3A_144 = tpu.memref_slice %arg3[%run_scoped3A, %mul3A_6, %dma_wait3A_143] : memref<2x2500x128xi32, #tpu.memory_space<hbm>> -> memref<1x78x128xi32, #tpu.memory_space<hbm>>
      %dma_wait3A_145 = tpu.memref_squeeze %dma_wait3A_144 : memref<1x78x128xi32, #tpu.memory_space<hbm>> -> memref<78x128xi32, #tpu.memory_space<hbm>>
      tpu.wait_dma2 semaphore(%run_scoped3A_121 : memref<!tpu.dma_semaphore, #tpu.memory_space<semaphore_mem>>) src(%dma_wait3A_145 : memref<78x128xi32, #tpu.memory_space<hbm>>) dst(%dma_wait3A_142 : memref<78x128xi32, #tpu.memory_space<vmem>>)
      tpu.yield
    }) : () -> ()
    %mul3A_7 = arith.constant 78 : i32
    %mul3A_8 = arith.muli %add3A, %mul3A_7 : i32
    %run_scoped3A_9 = arith.constant 1 : i32
    "tpu.region"() ({
      %run_scoped3A_121 = tpu.sem_alloc : memref<!tpu.dma_semaphore, #tpu.memory_space<semaphore_mem>>
      %dma_start3A_122 = arith.constant 0 : i32
      %dma_start3A_123 = arith.constant 0 : i32
      %dma_start3A_124 = tpu.memref_slice %arg9[%dma_start3A_122, %dma_start3A_123] : memref<79x128xi32, #tpu.memory_space<vmem>> -> memref<78x128xi32, #tpu.memory_space<vmem>>
      %dma_start3A_125 = arith.constant 0 : i32
      %dma_start3A_126 = tpu.memref_slice %arg3[%run_scoped3A_9, %mul3A_8, %dma_start3A_125] : memref<2x2500x128xi32, #tpu.memory_space<hbm>> -> memref<1x78x128xi32, #tpu.memory_space<hbm>>
      %dma_start3A_127 = tpu.memref_squeeze %dma_start3A_126 : memref<1x78x128xi32, #tpu.memory_space<hbm>> -> memref<78x128xi32, #tpu.memory_space<hbm>>
      %dma_start3A_128 = arith.constant 0 : i32
      %dma_start3A_129 = arith.constant 0 : i32
      %dma_start3A_130 = tpu.memref_slice %arg9[%dma_start3A_128, %dma_start3A_129] : memref<79x128xi32, #tpu.memory_space<vmem>> -> memref<78x128xi32, #tpu.memory_space<vmem>>
      %dma_start3A_131 = arith.constant 0 : i32
      %dma_start3A_132 = tpu.memref_slice %arg3[%run_scoped3A_9, %mul3A_8, %dma_start3A_131] : memref<2x2500x128xi32, #tpu.memory_space<hbm>> -> memref<1x78x128xi32, #tpu.memory_space<hbm>>
      %dma_start3A_133 = tpu.memref_squeeze %dma_start3A_132 : memref<1x78x128xi32, #tpu.memory_space<hbm>> -> memref<78x128xi32, #tpu.memory_space<hbm>>
      tpu.enqueue_dma source(%dma_start3A_133 : memref<78x128xi32, #tpu.memory_space<hbm>>) target(%dma_start3A_130 : memref<78x128xi32, #tpu.memory_space<vmem>>) target_semaphore(%run_scoped3A_121 : memref<!tpu.dma_semaphore, #tpu.memory_space<semaphore_mem>>)
      %dma_wait3A_134 = arith.constant 0 : i32
      %dma_wait3A_135 = arith.constant 0 : i32
      %dma_wait3A_136 = tpu.memref_slice %arg9[%dma_wait3A_134, %dma_wait3A_135] : memref<79x128xi32, #tpu.memory_space<vmem>> -> memref<78x128xi32, #tpu.memory_space<vmem>>
      %dma_wait3A_137 = arith.constant 0 : i32
      %dma_wait3A_138 = tpu.memref_slice %arg3[%run_scoped3A_9, %mul3A_8, %dma_wait3A_137] : memref<2x2500x128xi32, #tpu.memory_space<hbm>> -> memref<1x78x128xi32, #tpu.memory_space<hbm>>
      %dma_wait3A_139 = tpu.memref_squeeze %dma_wait3A_138 : memref<1x78x128xi32, #tpu.memory_space<hbm>> -> memref<78x128xi32, #tpu.memory_space<hbm>>
      %dma_wait3A_140 = arith.constant 0 : i32
      %dma_wait3A_141 = arith.constant 0 : i32
      %dma_wait3A_142 = tpu.memref_slice %arg9[%dma_wait3A_140, %dma_wait3A_141] : memref<79x128xi32, #tpu.memory_space<vmem>> -> memref<78x128xi32, #tpu.memory_space<vmem>>
      %dma_wait3A_143 = arith.constant 0 : i32
      %dma_wait3A_144 = tpu.memref_slice %arg3[%run_scoped3A_9, %mul3A_8, %dma_wait3A_143] : memref<2x2500x128xi32, #tpu.memory_space<hbm>> -> memref<1x78x128xi32, #tpu.memory_space<hbm>>
      %dma_wait3A_145 = tpu.memref_squeeze %dma_wait3A_144 : memref<1x78x128xi32, #tpu.memory_space<hbm>> -> memref<78x128xi32, #tpu.memory_space<hbm>>
      tpu.wait_dma2 semaphore(%run_scoped3A_121 : memref<!tpu.dma_semaphore, #tpu.memory_space<semaphore_mem>>) src(%dma_wait3A_145 : memref<78x128xi32, #tpu.memory_space<hbm>>) dst(%dma_wait3A_142 : memref<78x128xi32, #tpu.memory_space<vmem>>)
      tpu.yield
    }) : () -> ()
    %lt3A = arith.constant 4 : i32
    %lt3A_10 = arith.cmpi slt, %add3A, %lt3A : i32
    %convert_element_type3A = arith.extui %lt3A_10 : i1 to i32
    %cond3A = arith.constant 0 : i32
    %cond3A_11 = arith.cmpi ne, %convert_element_type3A, %cond3A : i32
    scf.if %cond3A_11 {
      %add3A_121 = arith.constant 2496 : i32
      %add3A_122 = arith.addi %add3A_121, %add3A : i32
      %run_scoped3A_123 = arith.constant 0 : i32
      %run_scoped3A_124 = arith.constant 78 : i32
      "tpu.region"() ({
        %run_scoped3A_145 = tpu.sem_alloc : memref<!tpu.dma_semaphore, #tpu.memory_space<semaphore_mem>>
        %dma_start3A_146 = arith.constant 0 : i32
        %dma_start3A_147 = tpu.memref_slice %arg8[%run_scoped3A_124, %dma_start3A_146] : memref<79x128xi32, #tpu.memory_space<vmem>> -> memref<1x128xi32, #tpu.memory_space<vmem>>
        %dma_start3A_148 = tpu.memref_squeeze %dma_start3A_147 : memref<1x128xi32, #tpu.memory_space<vmem>> -> memref<128xi32, #tpu.memory_space<vmem>>
        %dma_start3A_149 = arith.constant 0 : i32
        %dma_start3A_150 = tpu.memref_slice %arg3[%run_scoped3A_123, %add3A_122, %dma_start3A_149] : memref<2x2500x128xi32, #tpu.memory_space<hbm>> -> memref<1x1x128xi32, #tpu.memory_space<hbm>>
        %dma_start3A_151 = tpu.memref_squeeze %dma_start3A_150 : memref<1x1x128xi32, #tpu.memory_space<hbm>> -> memref<128xi32, #tpu.memory_space<hbm>>
        %dma_start3A_152 = arith.constant 0 : i32
        %dma_start3A_153 = tpu.memref_slice %arg8[%run_scoped3A_124, %dma_start3A_152] : memref<79x128xi32, #tpu.memory_space<vmem>> -> memref<1x128xi32, #tpu.memory_space<vmem>>
        %dma_start3A_154 = tpu.memref_squeeze %dma_start3A_153 : memref<1x128xi32, #tpu.memory_space<vmem>> -> memref<128xi32, #tpu.memory_space<vmem>>
        %dma_start3A_155 = arith.constant 0 : i32
        %dma_start3A_156 = tpu.memref_slice %arg3[%run_scoped3A_123, %add3A_122, %dma_start3A_155] : memref<2x2500x128xi32, #tpu.memory_space<hbm>> -> memref<1x1x128xi32, #tpu.memory_space<hbm>>
        %dma_start3A_157 = tpu.memref_squeeze %dma_start3A_156 : memref<1x1x128xi32, #tpu.memory_space<hbm>> -> memref<128xi32, #tpu.memory_space<hbm>>
        tpu.enqueue_dma source(%dma_start3A_157 : memref<128xi32, #tpu.memory_space<hbm>>) target(%dma_start3A_154 : memref<128xi32, #tpu.memory_space<vmem>>) target_semaphore(%run_scoped3A_145 : memref<!tpu.dma_semaphore, #tpu.memory_space<semaphore_mem>>)
        %dma_wait3A_158 = arith.constant 0 : i32
        %dma_wait3A_159 = tpu.memref_slice %arg8[%run_scoped3A_124, %dma_wait3A_158] : memref<79x128xi32, #tpu.memory_space<vmem>> -> memref<1x128xi32, #tpu.memory_space<vmem>>
        %dma_wait3A_160 = tpu.memref_squeeze %dma_wait3A_159 : memref<1x128xi32, #tpu.memory_space<vmem>> -> memref<128xi32, #tpu.memory_space<vmem>>
        %dma_wait3A_161 = arith.constant 0 : i32
        %dma_wait3A_162 = tpu.memref_slice %arg3[%run_scoped3A_123, %add3A_122, %dma_wait3A_161] : memref<2x2500x128xi32, #tpu.memory_space<hbm>> -> memref<1x1x128xi32, #tpu.memory_space<hbm>>
        %dma_wait3A_163 = tpu.memref_squeeze %dma_wait3A_162 : memref<1x1x128xi32, #tpu.memory_space<hbm>> -> memref<128xi32, #tpu.memory_space<hbm>>
        %dma_wait3A_164 = arith.constant 0 : i32
        %dma_wait3A_165 = tpu.memref_slice %arg8[%run_scoped3A_124, %dma_wait3A_164] : memref<79x128xi32, #tpu.memory_space<vmem>> -> memref<1x128xi32, #tpu.memory_space<vmem>>
        %dma_wait3A_166 = tpu.memref_squeeze %dma_wait3A_165 : memref<1x128xi32, #tpu.memory_space<vmem>> -> memref<128xi32, #tpu.memory_space<vmem>>
        %dma_wait3A_167 = arith.constant 0 : i32
        %dma_wait3A_168 = tpu.memref_slice %arg3[%run_scoped3A_123, %add3A_122, %dma_wait3A_167] : memref<2x2500x128xi32, #tpu.memory_space<hbm>> -> memref<1x1x128xi32, #tpu.memory_space<hbm>>
        %dma_wait3A_169 = tpu.memref_squeeze %dma_wait3A_168 : memref<1x1x128xi32, #tpu.memory_space<hbm>> -> memref<128xi32, #tpu.memory_space<hbm>>
        tpu.wait_dma2 semaphore(%run_scoped3A_145 : memref<!tpu.dma_semaphore, #tpu.memory_space<semaphore_mem>>) src(%dma_wait3A_169 : memref<128xi32, #tpu.memory_space<hbm>>) dst(%dma_wait3A_166 : memref<128xi32, #tpu.memory_space<vmem>>)
        tpu.yield
      }) : () -> ()
      %add3A_125 = arith.constant 2496 : i32
      %add3A_126 = arith.addi %add3A_125, %add3A : i32
      %run_scoped3A_127 = arith.constant 1 : i32
      %run_scoped3A_128 = arith.constant 78 : i32
      "tpu.region"() ({
        %run_scoped3A_145 = tpu.sem_alloc : memref<!tpu.dma_semaphore, #tpu.memory_space<semaphore_mem>>
        %dma_start3A_146 = arith.constant 0 : i32
        %dma_start3A_147 = tpu.memref_slice %arg9[%run_scoped3A_128, %dma_start3A_146] : memref<79x128xi32, #tpu.memory_space<vmem>> -> memref<1x128xi32, #tpu.memory_space<vmem>>
        %dma_start3A_148 = tpu.memref_squeeze %dma_start3A_147 : memref<1x128xi32, #tpu.memory_space<vmem>> -> memref<128xi32, #tpu.memory_space<vmem>>
        %dma_start3A_149 = arith.constant 0 : i32
        %dma_start3A_150 = tpu.memref_slice %arg3[%run_scoped3A_127, %add3A_126, %dma_start3A_149] : memref<2x2500x128xi32, #tpu.memory_space<hbm>> -> memref<1x1x128xi32, #tpu.memory_space<hbm>>
        %dma_start3A_151 = tpu.memref_squeeze %dma_start3A_150 : memref<1x1x128xi32, #tpu.memory_space<hbm>> -> memref<128xi32, #tpu.memory_space<hbm>>
        %dma_start3A_152 = arith.constant 0 : i32
        %dma_start3A_153 = tpu.memref_slice %arg9[%run_scoped3A_128, %dma_start3A_152] : memref<79x128xi32, #tpu.memory_space<vmem>> -> memref<1x128xi32, #tpu.memory_space<vmem>>
        %dma_start3A_154 = tpu.memref_squeeze %dma_start3A_153 : memref<1x128xi32, #tpu.memory_space<vmem>> -> memref<128xi32, #tpu.memory_space<vmem>>
        %dma_start3A_155 = arith.constant 0 : i32
        %dma_start3A_156 = tpu.memref_slice %arg3[%run_scoped3A_127, %add3A_126, %dma_start3A_155] : memref<2x2500x128xi32, #tpu.memory_space<hbm>> -> memref<1x1x128xi32, #tpu.memory_space<hbm>>
        %dma_start3A_157 = tpu.memref_squeeze %dma_start3A_156 : memref<1x1x128xi32, #tpu.memory_space<hbm>> -> memref<128xi32, #tpu.memory_space<hbm>>
        tpu.enqueue_dma source(%dma_start3A_157 : memref<128xi32, #tpu.memory_space<hbm>>) target(%dma_start3A_154 : memref<128xi32, #tpu.memory_space<vmem>>) target_semaphore(%run_scoped3A_145 : memref<!tpu.dma_semaphore, #tpu.memory_space<semaphore_mem>>)
        %dma_wait3A_158 = arith.constant 0 : i32
        %dma_wait3A_159 = tpu.memref_slice %arg9[%run_scoped3A_128, %dma_wait3A_158] : memref<79x128xi32, #tpu.memory_space<vmem>> -> memref<1x128xi32, #tpu.memory_space<vmem>>
        %dma_wait3A_160 = tpu.memref_squeeze %dma_wait3A_159 : memref<1x128xi32, #tpu.memory_space<vmem>> -> memref<128xi32, #tpu.memory_space<vmem>>
        %dma_wait3A_161 = arith.constant 0 : i32
        %dma_wait3A_162 = tpu.memref_slice %arg3[%run_scoped3A_127, %add3A_126, %dma_wait3A_161] : memref<2x2500x128xi32, #tpu.memory_space<hbm>> -> memref<1x1x128xi32, #tpu.memory_space<hbm>>
        %dma_wait3A_163 = tpu.memref_squeeze %dma_wait3A_162 : memref<1x1x128xi32, #tpu.memory_space<hbm>> -> memref<128xi32, #tpu.memory_space<hbm>>
        %dma_wait3A_164 = arith.constant 0 : i32
        %dma_wait3A_165 = tpu.memref_slice %arg9[%run_scoped3A_128, %dma_wait3A_164] : memref<79x128xi32, #tpu.memory_space<vmem>> -> memref<1x128xi32, #tpu.memory_space<vmem>>
        %dma_wait3A_166 = tpu.memref_squeeze %dma_wait3A_165 : memref<1x128xi32, #tpu.memory_space<vmem>> -> memref<128xi32, #tpu.memory_space<vmem>>
        %dma_wait3A_167 = arith.constant 0 : i32
        %dma_wait3A_168 = tpu.memref_slice %arg3[%run_scoped3A_127, %add3A_126, %dma_wait3A_167] : memref<2x2500x128xi32, #tpu.memory_space<hbm>> -> memref<1x1x128xi32, #tpu.memory_space<hbm>>
        %dma_wait3A_169 = tpu.memref_squeeze %dma_wait3A_168 : memref<1x1x128xi32, #tpu.memory_space<hbm>> -> memref<128xi32, #tpu.memory_space<hbm>>
        tpu.wait_dma2 semaphore(%run_scoped3A_145 : memref<!tpu.dma_semaphore, #tpu.memory_space<semaphore_mem>>) src(%dma_wait3A_169 : memref<128xi32, #tpu.memory_space<hbm>>) dst(%dma_wait3A_166 : memref<128xi32, #tpu.memory_space<vmem>>)
        tpu.yield
      }) : () -> ()
      %dma_start3A_129 = arith.constant 78 : i32
      %dma_start3A_130 = arith.constant 0 : i32
      %dma_start3A_131 = tpu.memref_slice %arg8[%dma_start3A_129, %dma_start3A_130] : memref<79x128xi32, #tpu.memory_space<vmem>> -> memref<1x128xi32, #tpu.memory_space<vmem>>
      %dma_start3A_132 = tpu.memref_squeeze %dma_start3A_131 : memref<1x128xi32, #tpu.memory_space<vmem>> -> memref<128xi32, #tpu.memory_space<vmem>>
      %dma_start3A_133 = arith.constant 0 : i32
      %dma_start3A_134 = arith.constant 0 : i32
      %dma_start3A_135 = tpu.memref_slice %arg2[%dma_start3A_133, %dma_start3A_134] : memref<10000x16xf32, #tpu.memory_space<hbm>> -> memref<10000x16xf32, #tpu.memory_space<hbm>>
      tpu.enqueue_indirect_dma source(%dma_start3A_135 : memref<10000x16xf32, #tpu.memory_space<hbm>>) target(%arg11 : memref<128x16xf32, #tpu.memory_space<vmem>>) offsets(%dma_start3A_132 : memref<128xi32, #tpu.memory_space<vmem>>) semaphore(%arg15 : memref<!tpu.dma_semaphore, #tpu.memory_space<semaphore_mem>>)
      %dma_wait3A_136 = arith.constant 78 : i32
      %dma_wait3A_137 = arith.constant 0 : i32
      %dma_wait3A_138 = tpu.memref_slice %arg8[%dma_wait3A_136, %dma_wait3A_137] : memref<79x128xi32, #tpu.memory_space<vmem>> -> memref<1x128xi32, #tpu.memory_space<vmem>>
      %dma_wait3A_139 = tpu.memref_squeeze %dma_wait3A_138 : memref<1x128xi32, #tpu.memory_space<vmem>> -> memref<128xi32, #tpu.memory_space<vmem>>
      %dma_wait3A_140 = arith.constant 0 : i32
      %dma_wait3A_141 = arith.constant 0 : i32
      %dma_wait3A_142 = tpu.memref_slice %arg2[%dma_wait3A_140, %dma_wait3A_141] : memref<10000x16xf32, #tpu.memory_space<hbm>> -> memref<10000x16xf32, #tpu.memory_space<hbm>>
      tpu.wait_indirect_dma semaphore(%arg15 : memref<!tpu.dma_semaphore, #tpu.memory_space<semaphore_mem>>) src(%dma_wait3A_142 : memref<10000x16xf32, #tpu.memory_space<hbm>>) dst(%arg11 : memref<128x16xf32, #tpu.memory_space<vmem>>)
      %run_scoped3A_143 = arith.constant 78 : i32
      "tpu.region"() ({
        %run_scoped3A_145 = tpu.sem_alloc : memref<!tpu.dma_semaphore, #tpu.memory_space<semaphore_mem>>
        %dma_start3A_146 = arith.constant 0 : i32
        %dma_start3A_147 = tpu.memref_slice %arg9[%run_scoped3A_143, %dma_start3A_146] : memref<79x128xi32, #tpu.memory_space<vmem>> -> memref<1x128xi32, #tpu.memory_space<vmem>>
        %dma_start3A_148 = tpu.memref_squeeze %dma_start3A_147 : memref<1x128xi32, #tpu.memory_space<vmem>> -> memref<128xi32, #tpu.memory_space<vmem>>
        %dma_start3A_149 = arith.constant 0 : i32
        %dma_start3A_150 = arith.constant 0 : i32
        %dma_start3A_151 = tpu.memref_slice %arg13[%dma_start3A_149, %dma_start3A_150] : memref<10112x16xf32, #tpu.memory_space<vmem_shared>> -> memref<10112x16xf32, #tpu.memory_space<vmem_shared>>
        tpu.enqueue_indirect_dma source(%arg11 : memref<128x16xf32, #tpu.memory_space<vmem>>) target(%dma_start3A_151 : memref<10112x16xf32, #tpu.memory_space<vmem_shared>>) offsets(%dma_start3A_148 : memref<128xi32, #tpu.memory_space<vmem>>) semaphore(%run_scoped3A_145 : memref<!tpu.dma_semaphore, #tpu.memory_space<semaphore_mem>>) {add = true}
        %dma_wait3A_152 = arith.constant 0 : i32
        %dma_wait3A_153 = tpu.memref_slice %arg9[%run_scoped3A_143, %dma_wait3A_152] : memref<79x128xi32, #tpu.memory_space<vmem>> -> memref<1x128xi32, #tpu.memory_space<vmem>>
        %dma_wait3A_154 = tpu.memref_squeeze %dma_wait3A_153 : memref<1x128xi32, #tpu.memory_space<vmem>> -> memref<128xi32, #tpu.memory_space<vmem>>
        %dma_wait3A_155 = arith.constant 0 : i32
        %dma_wait3A_156 = arith.constant 0 : i32
        %dma_wait3A_157 = tpu.memref_slice %arg13[%dma_wait3A_155, %dma_wait3A_156] : memref<10112x16xf32, #tpu.memory_space<vmem_shared>> -> memref<10112x16xf32, #tpu.memory_space<vmem_shared>>
        tpu.wait_indirect_dma semaphore(%run_scoped3A_145 : memref<!tpu.dma_semaphore, #tpu.memory_space<semaphore_mem>>) src(%arg11 : memref<128x16xf32, #tpu.memory_space<vmem>>) dst(%dma_wait3A_157 : memref<10112x16xf32, #tpu.memory_space<vmem_shared>>)
        tpu.yield
      }) : () -> ()
      %run_scoped3A_144 = arith.constant 78 : i32
      "tpu.region"() ({
        %run_scoped3A_145 = tpu.sem_alloc : memref<!tpu.dma_semaphore, #tpu.memory_space<semaphore_mem>>
        %dma_start3A_146 = arith.constant 0 : i32
        %dma_start3A_147 = tpu.memref_slice %arg9[%run_scoped3A_144, %dma_start3A_146] : memref<79x128xi32, #tpu.memory_space<vmem>> -> memref<1x128xi32, #tpu.memory_space<vmem>>
        %dma_start3A_148 = tpu.memref_squeeze %dma_start3A_147 : memref<1x128xi32, #tpu.memory_space<vmem>> -> memref<128xi32, #tpu.memory_space<vmem>>
        %dma_start3A_149 = arith.constant 0 : i32
        %dma_start3A_150 = arith.constant 0 : i32
        %dma_start3A_151 = tpu.memref_slice %arg14[%dma_start3A_149, %dma_start3A_150] : memref<10112x16xf32, #tpu.memory_space<vmem_shared>> -> memref<10112x16xf32, #tpu.memory_space<vmem_shared>>
        tpu.enqueue_indirect_dma source(%arg12 : memref<128x16xf32, #tpu.memory_space<vmem>>) target(%dma_start3A_151 : memref<10112x16xf32, #tpu.memory_space<vmem_shared>>) offsets(%dma_start3A_148 : memref<128xi32, #tpu.memory_space<vmem>>) semaphore(%run_scoped3A_145 : memref<!tpu.dma_semaphore, #tpu.memory_space<semaphore_mem>>) {add = true}
        %dma_wait3A_152 = arith.constant 0 : i32
        %dma_wait3A_153 = tpu.memref_slice %arg9[%run_scoped3A_144, %dma_wait3A_152] : memref<79x128xi32, #tpu.memory_space<vmem>> -> memref<1x128xi32, #tpu.memory_space<vmem>>
        %dma_wait3A_154 = tpu.memref_squeeze %dma_wait3A_153 : memref<1x128xi32, #tpu.memory_space<vmem>> -> memref<128xi32, #tpu.memory_space<vmem>>
        %dma_wait3A_155 = arith.constant 0 : i32
        %dma_wait3A_156 = arith.constant 0 : i32
        %dma_wait3A_157 = tpu.memref_slice %arg14[%dma_wait3A_155, %dma_wait3A_156] : memref<10112x16xf32, #tpu.memory_space<vmem_shared>> -> memref<10112x16xf32, #tpu.memory_space<vmem_shared>>
        tpu.wait_indirect_dma semaphore(%run_scoped3A_145 : memref<!tpu.dma_semaphore, #tpu.memory_space<semaphore_mem>>) src(%arg12 : memref<128x16xf32, #tpu.memory_space<vmem>>) dst(%dma_wait3A_157 : memref<10112x16xf32, #tpu.memory_space<vmem_shared>>)
        tpu.yield
      }) : () -> ()
    } else {
    }
    %dma_start3A = arith.constant 0 : i32
    %dma_start3A_12 = arith.constant 0 : i32
    %dma_start3A_13 = arith.constant 0 : i32
    %dma_start3A_14 = arith.constant 0 : i32
    %dma_start3A_15 = tpu.memref_slice %arg10[%dma_start3A_12, %dma_start3A_13, %dma_start3A_14] : memref<6x128x16xf32, #tpu.memory_space<vmem>> -> memref<1x128x16xf32, #tpu.memory_space<vmem>>
    %dma_start3A_16 = tpu.memref_squeeze %dma_start3A_15 : memref<1x128x16xf32, #tpu.memory_space<vmem>> -> memref<128x16xf32, #tpu.memory_space<vmem>>
    %dma_start3A_17 = arith.constant 0 : i32
    %dma_start3A_18 = tpu.memref_slice %arg8[%dma_start3A, %dma_start3A_17] : memref<79x128xi32, #tpu.memory_space<vmem>> -> memref<1x128xi32, #tpu.memory_space<vmem>>
    %dma_start3A_19 = tpu.memref_squeeze %dma_start3A_18 : memref<1x128xi32, #tpu.memory_space<vmem>> -> memref<128xi32, #tpu.memory_space<vmem>>
    %dma_start3A_20 = arith.constant 0 : i32
    %dma_start3A_21 = arith.constant 0 : i32
    %dma_start3A_22 = tpu.memref_slice %arg2[%dma_start3A_20, %dma_start3A_21] : memref<10000x16xf32, #tpu.memory_space<hbm>> -> memref<10000x16xf32, #tpu.memory_space<hbm>>
    tpu.enqueue_indirect_dma source(%dma_start3A_22 : memref<10000x16xf32, #tpu.memory_space<hbm>>) target(%dma_start3A_16 : memref<128x16xf32, #tpu.memory_space<vmem>>) offsets(%dma_start3A_19 : memref<128xi32, #tpu.memory_space<vmem>>) semaphore(%arg15 : memref<!tpu.dma_semaphore, #tpu.memory_space<semaphore_mem>>)
    %dma_start3A_23 = arith.constant 1 : i32
    %dma_start3A_24 = arith.constant 1 : i32
    %dma_start3A_25 = arith.constant 0 : i32
    %dma_start3A_26 = arith.constant 0 : i32
    %dma_start3A_27 = tpu.memref_slice %arg10[%dma_start3A_24, %dma_start3A_25, %dma_start3A_26] : memref<6x128x16xf32, #tpu.memory_space<vmem>> -> memref<1x128x16xf32, #tpu.memory_space<vmem>>
    %dma_start3A_28 = tpu.memref_squeeze %dma_start3A_27 : memref<1x128x16xf32, #tpu.memory_space<vmem>> -> memref<128x16xf32, #tpu.memory_space<vmem>>
    %dma_start3A_29 = arith.constant 0 : i32
    %dma_start3A_30 = tpu.memref_slice %arg8[%dma_start3A_23, %dma_start3A_29] : memref<79x128xi32, #tpu.memory_space<vmem>> -> memref<1x128xi32, #tpu.memory_space<vmem>>
    %dma_start3A_31 = tpu.memref_squeeze %dma_start3A_30 : memref<1x128xi32, #tpu.memory_space<vmem>> -> memref<128xi32, #tpu.memory_space<vmem>>
    %dma_start3A_32 = arith.constant 0 : i32
    %dma_start3A_33 = arith.constant 0 : i32
    %dma_start3A_34 = tpu.memref_slice %arg2[%dma_start3A_32, %dma_start3A_33] : memref<10000x16xf32, #tpu.memory_space<hbm>> -> memref<10000x16xf32, #tpu.memory_space<hbm>>
    tpu.enqueue_indirect_dma source(%dma_start3A_34 : memref<10000x16xf32, #tpu.memory_space<hbm>>) target(%dma_start3A_28 : memref<128x16xf32, #tpu.memory_space<vmem>>) offsets(%dma_start3A_31 : memref<128xi32, #tpu.memory_space<vmem>>) semaphore(%arg15 : memref<!tpu.dma_semaphore, #tpu.memory_space<semaphore_mem>>)
    %scan3A = arith.constant 0 : i32
    %scan3A_35 = arith.constant 0 : i32
    %scan3A_36 = arith.constant 13 : i32
    %scan3A_37 = arith.addi %scan3A_35, %scan3A_36 : i32
    %scan3A_38 = arith.constant 1 : i32
    %scan3A_39 = scf.for %scan3A_121 = %scan3A_35 to %scan3A_37 step %scan3A_38 iter_args(%scan3A_122 = %scan3A) -> (i32)  : i32 {
      %mul3A_123 = arith.constant 3 : i32
      %mul3A_124 = arith.muli %mul3A_123, %scan3A_121 : i32
      %add3A_125 = arith.constant 0 : i32
      %add3A_126 = arith.addi %mul3A_124, %add3A_125 : i32
      %ge3A = arith.constant 2 : i32
      %ge3A_127 = arith.cmpi sge, %add3A_126, %ge3A : i32
      %convert_element_type3A_128 = arith.extui %ge3A_127 : i1 to i32
      %cond3A_129 = arith.constant 0 : i32
      %cond3A_130 = arith.cmpi ne, %convert_element_type3A_128, %cond3A_129 : i32
      scf.if %cond3A_130 {
        %dma_wait3A_374 = arith.constant 2 : i32
        %dma_wait3A_375 = arith.constant 0 : i32
        %dma_wait3A_376 = arith.constant 0 : i32
        %dma_wait3A_377 = tpu.memref_slice %arg10[%dma_wait3A_374, %dma_wait3A_375, %dma_wait3A_376] : memref<6x128x16xf32, #tpu.memory_space<vmem>> -> memref<1x128x16xf32, #tpu.memory_space<vmem>>
        %dma_wait3A_378 = tpu.memref_squeeze %dma_wait3A_377 : memref<1x128x16xf32, #tpu.memory_space<vmem>> -> memref<128x16xf32, #tpu.memory_space<vmem>>
        %dma_wait3A_379 = arith.constant 0 : i32
        %dma_wait3A_380 = arith.constant 0 : i32
        %dma_wait3A_381 = tpu.memref_slice %arg10[%dma_wait3A_374, %dma_wait3A_379, %dma_wait3A_380] : memref<6x128x16xf32, #tpu.memory_space<vmem>> -> memref<1x128x16xf32, #tpu.memory_space<vmem>>
        %dma_wait3A_382 = tpu.memref_squeeze %dma_wait3A_381 : memref<1x128x16xf32, #tpu.memory_space<vmem>> -> memref<128x16xf32, #tpu.memory_space<vmem>>
        tpu.wait_dma2 semaphore(%arg19 : memref<!tpu.dma_semaphore, #tpu.memory_space<semaphore_mem>>) src(%arg4 : memref<128x16xf32, #tpu.memory_space<hbm>>) dst(%dma_wait3A_382 : memref<128x16xf32, #tpu.memory_space<vmem>>)
        %dma_wait3A_383 = arith.constant 2 : i32
        %dma_wait3A_384 = arith.constant 0 : i32
        %dma_wait3A_385 = arith.constant 0 : i32
        %dma_wait3A_386 = tpu.memref_slice %arg10[%dma_wait3A_383, %dma_wait3A_384, %dma_wait3A_385] : memref<6x128x16xf32, #tpu.memory_space<vmem>> -> memref<1x128x16xf32, #tpu.memory_space<vmem>>
        %dma_wait3A_387 = tpu.memref_squeeze %dma_wait3A_386 : memref<1x128x16xf32, #tpu.memory_space<vmem>> -> memref<128x16xf32, #tpu.memory_space<vmem>>
        %dma_wait3A_388 = arith.constant 0 : i32
        %dma_wait3A_389 = arith.constant 0 : i32
        %dma_wait3A_390 = tpu.memref_slice %arg10[%dma_wait3A_383, %dma_wait3A_388, %dma_wait3A_389] : memref<6x128x16xf32, #tpu.memory_space<vmem>> -> memref<1x128x16xf32, #tpu.memory_space<vmem>>
        %dma_wait3A_391 = tpu.memref_squeeze %dma_wait3A_390 : memref<1x128x16xf32, #tpu.memory_space<vmem>> -> memref<128x16xf32, #tpu.memory_space<vmem>>
        tpu.wait_dma2 semaphore(%arg19 : memref<!tpu.dma_semaphore, #tpu.memory_space<semaphore_mem>>) src(%arg4 : memref<128x16xf32, #tpu.memory_space<hbm>>) dst(%dma_wait3A_391 : memref<128x16xf32, #tpu.memory_space<vmem>>)
        %dma_wait3A_392 = arith.constant 3 : i32
        %dma_wait3A_393 = arith.constant 0 : i32
        %dma_wait3A_394 = arith.constant 0 : i32
        %dma_wait3A_395 = tpu.memref_slice %arg10[%dma_wait3A_392, %dma_wait3A_393, %dma_wait3A_394] : memref<6x128x16xf32, #tpu.memory_space<vmem>> -> memref<1x128x16xf32, #tpu.memory_space<vmem>>
        %dma_wait3A_396 = tpu.memref_squeeze %dma_wait3A_395 : memref<1x128x16xf32, #tpu.memory_space<vmem>> -> memref<128x16xf32, #tpu.memory_space<vmem>>
        %dma_wait3A_397 = arith.constant 0 : i32
        %dma_wait3A_398 = arith.constant 0 : i32
        %dma_wait3A_399 = tpu.memref_slice %arg10[%dma_wait3A_392, %dma_wait3A_397, %dma_wait3A_398] : memref<6x128x16xf32, #tpu.memory_space<vmem>> -> memref<1x128x16xf32, #tpu.memory_space<vmem>>
        %dma_wait3A_400 = tpu.memref_squeeze %dma_wait3A_399 : memref<1x128x16xf32, #tpu.memory_space<vmem>> -> memref<128x16xf32, #tpu.memory_space<vmem>>
        tpu.wait_dma2 semaphore(%arg19 : memref<!tpu.dma_semaphore, #tpu.memory_space<semaphore_mem>>) src(%arg4 : memref<128x16xf32, #tpu.memory_space<hbm>>) dst(%dma_wait3A_400 : memref<128x16xf32, #tpu.memory_space<vmem>>)
        %dma_wait3A_401 = arith.constant 3 : i32
        %dma_wait3A_402 = arith.constant 0 : i32
        %dma_wait3A_403 = arith.constant 0 : i32
        %dma_wait3A_404 = tpu.memref_slice %arg10[%dma_wait3A_401, %dma_wait3A_402, %dma_wait3A_403] : memref<6x128x16xf32, #tpu.memory_space<vmem>> -> memref<1x128x16xf32, #tpu.memory_space<vmem>>
        %dma_wait3A_405 = tpu.memref_squeeze %dma_wait3A_404 : memref<1x128x16xf32, #tpu.memory_space<vmem>> -> memref<128x16xf32, #tpu.memory_space<vmem>>
        %dma_wait3A_406 = arith.constant 0 : i32
        %dma_wait3A_407 = arith.constant 0 : i32
        %dma_wait3A_408 = tpu.memref_slice %arg10[%dma_wait3A_401, %dma_wait3A_406, %dma_wait3A_407] : memref<6x128x16xf32, #tpu.memory_space<vmem>> -> memref<1x128x16xf32, #tpu.memory_space<vmem>>
        %dma_wait3A_409 = tpu.memref_squeeze %dma_wait3A_408 : memref<1x128x16xf32, #tpu.memory_space<vmem>> -> memref<128x16xf32, #tpu.memory_space<vmem>>
        tpu.wait_dma2 semaphore(%arg19 : memref<!tpu.dma_semaphore, #tpu.memory_space<semaphore_mem>>) src(%arg4 : memref<128x16xf32, #tpu.memory_space<hbm>>) dst(%dma_wait3A_409 : memref<128x16xf32, #tpu.memory_space<vmem>>)
      } else {
      }
      %add3A_131 = arith.constant 1 : i32
      %add3A_132 = arith.addi %add3A_126, %add3A_131 : i32
      %le3A = arith.constant 38 : i32
      %le3A_133 = arith.cmpi sle, %add3A_132, %le3A : i32
      %convert_element_type3A_134 = arith.extui %le3A_133 : i1 to i32
      %cond3A_135 = arith.constant 0 : i32
      %cond3A_136 = arith.cmpi ne, %convert_element_type3A_134, %cond3A_135 : i32
      scf.if %cond3A_136 {
        %add3A_374 = arith.constant 1 : i32
        %add3A_375 = arith.addi %add3A_126, %add3A_374 : i32
        %mul3A_376 = arith.constant 2 : i32
        %mul3A_377 = arith.muli %add3A_375, %mul3A_376 : i32
        %add3A_378 = arith.constant 0 : i32
        %add3A_379 = arith.addi %mul3A_377, %add3A_378 : i32
        %dma_start3A_380 = arith.constant 2 : i32
        %dma_start3A_381 = arith.constant 0 : i32
        %dma_start3A_382 = arith.constant 0 : i32
        %dma_start3A_383 = tpu.memref_slice %arg10[%dma_start3A_380, %dma_start3A_381, %dma_start3A_382] : memref<6x128x16xf32, #tpu.memory_space<vmem>> -> memref<1x128x16xf32, #tpu.memory_space<vmem>>
        %dma_start3A_384 = tpu.memref_squeeze %dma_start3A_383 : memref<1x128x16xf32, #tpu.memory_space<vmem>> -> memref<128x16xf32, #tpu.memory_space<vmem>>
        %dma_start3A_385 = arith.constant 0 : i32
        %dma_start3A_386 = tpu.memref_slice %arg8[%add3A_379, %dma_start3A_385] : memref<79x128xi32, #tpu.memory_space<vmem>> -> memref<1x128xi32, #tpu.memory_space<vmem>>
        %dma_start3A_387 = tpu.memref_squeeze %dma_start3A_386 : memref<1x128xi32, #tpu.memory_space<vmem>> -> memref<128xi32, #tpu.memory_space<vmem>>
        %dma_start3A_388 = arith.constant 0 : i32
        %dma_start3A_389 = arith.constant 0 : i32
        %dma_start3A_390 = tpu.memref_slice %arg2[%dma_start3A_388, %dma_start3A_389] : memref<10000x16xf32, #tpu.memory_space<hbm>> -> memref<10000x16xf32, #tpu.memory_space<hbm>>
        tpu.enqueue_indirect_dma source(%dma_start3A_390 : memref<10000x16xf32, #tpu.memory_space<hbm>>) target(%dma_start3A_384 : memref<128x16xf32, #tpu.memory_space<vmem>>) offsets(%dma_start3A_387 : memref<128xi32, #tpu.memory_space<vmem>>) semaphore(%arg16 : memref<!tpu.dma_semaphore, #tpu.memory_space<semaphore_mem>>)
        %add3A_391 = arith.constant 1 : i32
        %add3A_392 = arith.addi %add3A_126, %add3A_391 : i32
        %mul3A_393 = arith.constant 2 : i32
        %mul3A_394 = arith.muli %add3A_392, %mul3A_393 : i32
        %add3A_395 = arith.constant 1 : i32
        %add3A_396 = arith.addi %mul3A_394, %add3A_395 : i32
        %dma_start3A_397 = arith.constant 3 : i32
        %dma_start3A_398 = arith.constant 0 : i32
        %dma_start3A_399 = arith.constant 0 : i32
        %dma_start3A_400 = tpu.memref_slice %arg10[%dma_start3A_397, %dma_start3A_398, %dma_start3A_399] : memref<6x128x16xf32, #tpu.memory_space<vmem>> -> memref<1x128x16xf32, #tpu.memory_space<vmem>>
        %dma_start3A_401 = tpu.memref_squeeze %dma_start3A_400 : memref<1x128x16xf32, #tpu.memory_space<vmem>> -> memref<128x16xf32, #tpu.memory_space<vmem>>
        %dma_start3A_402 = arith.constant 0 : i32
        %dma_start3A_403 = tpu.memref_slice %arg8[%add3A_396, %dma_start3A_402] : memref<79x128xi32, #tpu.memory_space<vmem>> -> memref<1x128xi32, #tpu.memory_space<vmem>>
        %dma_start3A_404 = tpu.memref_squeeze %dma_start3A_403 : memref<1x128xi32, #tpu.memory_space<vmem>> -> memref<128xi32, #tpu.memory_space<vmem>>
        %dma_start3A_405 = arith.constant 0 : i32
        %dma_start3A_406 = arith.constant 0 : i32
        %dma_start3A_407 = tpu.memref_slice %arg2[%dma_start3A_405, %dma_start3A_406] : memref<10000x16xf32, #tpu.memory_space<hbm>> -> memref<10000x16xf32, #tpu.memory_space<hbm>>
        tpu.enqueue_indirect_dma source(%dma_start3A_407 : memref<10000x16xf32, #tpu.memory_space<hbm>>) target(%dma_start3A_401 : memref<128x16xf32, #tpu.memory_space<vmem>>) offsets(%dma_start3A_404 : memref<128xi32, #tpu.memory_space<vmem>>) semaphore(%arg16 : memref<!tpu.dma_semaphore, #tpu.memory_space<semaphore_mem>>)
      } else {
      }
      %dma_wait3A_137 = arith.constant 0 : i32
      %dma_wait3A_138 = arith.constant 0 : i32
      %dma_wait3A_139 = arith.constant 0 : i32
      %dma_wait3A_140 = tpu.memref_slice %arg10[%dma_wait3A_137, %dma_wait3A_138, %dma_wait3A_139] : memref<6x128x16xf32, #tpu.memory_space<vmem>> -> memref<1x128x16xf32, #tpu.memory_space<vmem>>
      %dma_wait3A_141 = tpu.memref_squeeze %dma_wait3A_140 : memref<1x128x16xf32, #tpu.memory_space<vmem>> -> memref<128x16xf32, #tpu.memory_space<vmem>>
      %dma_wait3A_142 = arith.constant 0 : i32
      %dma_wait3A_143 = arith.constant 0 : i32
      %dma_wait3A_144 = tpu.memref_slice %arg10[%dma_wait3A_137, %dma_wait3A_142, %dma_wait3A_143] : memref<6x128x16xf32, #tpu.memory_space<vmem>> -> memref<1x128x16xf32, #tpu.memory_space<vmem>>
      %dma_wait3A_145 = tpu.memref_squeeze %dma_wait3A_144 : memref<1x128x16xf32, #tpu.memory_space<vmem>> -> memref<128x16xf32, #tpu.memory_space<vmem>>
      tpu.wait_dma2 semaphore(%arg15 : memref<!tpu.dma_semaphore, #tpu.memory_space<semaphore_mem>>) src(%arg4 : memref<128x16xf32, #tpu.memory_space<hbm>>) dst(%dma_wait3A_145 : memref<128x16xf32, #tpu.memory_space<vmem>>)
      %dma_wait3A_146 = arith.constant 1 : i32
      %dma_wait3A_147 = arith.constant 0 : i32
      %dma_wait3A_148 = arith.constant 0 : i32
      %dma_wait3A_149 = tpu.memref_slice %arg10[%dma_wait3A_146, %dma_wait3A_147, %dma_wait3A_148] : memref<6x128x16xf32, #tpu.memory_space<vmem>> -> memref<1x128x16xf32, #tpu.memory_space<vmem>>
      %dma_wait3A_150 = tpu.memref_squeeze %dma_wait3A_149 : memref<1x128x16xf32, #tpu.memory_space<vmem>> -> memref<128x16xf32, #tpu.memory_space<vmem>>
      %dma_wait3A_151 = arith.constant 0 : i32
      %dma_wait3A_152 = arith.constant 0 : i32
      %dma_wait3A_153 = tpu.memref_slice %arg10[%dma_wait3A_146, %dma_wait3A_151, %dma_wait3A_152] : memref<6x128x16xf32, #tpu.memory_space<vmem>> -> memref<1x128x16xf32, #tpu.memory_space<vmem>>
      %dma_wait3A_154 = tpu.memref_squeeze %dma_wait3A_153 : memref<1x128x16xf32, #tpu.memory_space<vmem>> -> memref<128x16xf32, #tpu.memory_space<vmem>>
      tpu.wait_dma2 semaphore(%arg15 : memref<!tpu.dma_semaphore, #tpu.memory_space<semaphore_mem>>) src(%arg4 : memref<128x16xf32, #tpu.memory_space<hbm>>) dst(%dma_wait3A_154 : memref<128x16xf32, #tpu.memory_space<vmem>>)
      %mul3A_155 = arith.constant 2 : i32
      %mul3A_156 = arith.muli %add3A_126, %mul3A_155 : i32
      %add3A_157 = arith.constant 0 : i32
      %add3A_158 = arith.addi %mul3A_156, %add3A_157 : i32
      %dma_start3A_159 = arith.constant 0 : i32
      %dma_start3A_160 = arith.constant 0 : i32
      %dma_start3A_161 = arith.constant 0 : i32
      %dma_start3A_162 = tpu.memref_slice %arg10[%dma_start3A_159, %dma_start3A_160, %dma_start3A_161] : memref<6x128x16xf32, #tpu.memory_space<vmem>> -> memref<1x128x16xf32, #tpu.memory_space<vmem>>
      %dma_start3A_163 = tpu.memref_squeeze %dma_start3A_162 : memref<1x128x16xf32, #tpu.memory_space<vmem>> -> memref<128x16xf32, #tpu.memory_space<vmem>>
      %dma_start3A_164 = arith.constant 0 : i32
      %dma_start3A_165 = tpu.memref_slice %arg9[%add3A_158, %dma_start3A_164] : memref<79x128xi32, #tpu.memory_space<vmem>> -> memref<1x128xi32, #tpu.memory_space<vmem>>
      %dma_start3A_166 = tpu.memref_squeeze %dma_start3A_165 : memref<1x128xi32, #tpu.memory_space<vmem>> -> memref<128xi32, #tpu.memory_space<vmem>>
      %dma_start3A_167 = arith.constant 0 : i32
      %dma_start3A_168 = arith.constant 0 : i32
      %dma_start3A_169 = tpu.memref_slice %arg13[%dma_start3A_167, %dma_start3A_168] : memref<10112x16xf32, #tpu.memory_space<vmem_shared>> -> memref<10112x16xf32, #tpu.memory_space<vmem_shared>>
      tpu.enqueue_indirect_dma source(%dma_start3A_163 : memref<128x16xf32, #tpu.memory_space<vmem>>) target(%dma_start3A_169 : memref<10112x16xf32, #tpu.memory_space<vmem_shared>>) offsets(%dma_start3A_166 : memref<128xi32, #tpu.memory_space<vmem>>) semaphore(%arg18 : memref<!tpu.dma_semaphore, #tpu.memory_space<semaphore_mem>>) {add = true}
      %mul3A_170 = arith.constant 2 : i32
      %mul3A_171 = arith.muli %add3A_126, %mul3A_170 : i32
      %add3A_172 = arith.constant 0 : i32
      %add3A_173 = arith.addi %mul3A_171, %add3A_172 : i32
      %dma_start3A_174 = arith.constant 0 : i32
      %dma_start3A_175 = tpu.memref_slice %arg9[%add3A_173, %dma_start3A_174] : memref<79x128xi32, #tpu.memory_space<vmem>> -> memref<1x128xi32, #tpu.memory_space<vmem>>
      %dma_start3A_176 = tpu.memref_squeeze %dma_start3A_175 : memref<1x128xi32, #tpu.memory_space<vmem>> -> memref<128xi32, #tpu.memory_space<vmem>>
      %dma_start3A_177 = arith.constant 0 : i32
      %dma_start3A_178 = arith.constant 0 : i32
      %dma_start3A_179 = tpu.memref_slice %arg14[%dma_start3A_177, %dma_start3A_178] : memref<10112x16xf32, #tpu.memory_space<vmem_shared>> -> memref<10112x16xf32, #tpu.memory_space<vmem_shared>>
      tpu.enqueue_indirect_dma source(%arg12 : memref<128x16xf32, #tpu.memory_space<vmem>>) target(%dma_start3A_179 : memref<10112x16xf32, #tpu.memory_space<vmem_shared>>) offsets(%dma_start3A_176 : memref<128xi32, #tpu.memory_space<vmem>>) semaphore(%arg18 : memref<!tpu.dma_semaphore, #tpu.memory_space<semaphore_mem>>) {add = true}
      %mul3A_180 = arith.constant 2 : i32
      %mul3A_181 = arith.muli %add3A_126, %mul3A_180 : i32
      %add3A_182 = arith.constant 1 : i32
      %add3A_183 = arith.addi %mul3A_181, %add3A_182 : i32
      %dma_start3A_184 = arith.constant 1 : i32
      %dma_start3A_185 = arith.constant 0 : i32
      %dma_start3A_186 = arith.constant 0 : i32
      %dma_start3A_187 = tpu.memref_slice %arg10[%dma_start3A_184, %dma_start3A_185, %dma_start3A_186] : memref<6x128x16xf32, #tpu.memory_space<vmem>> -> memref<1x128x16xf32, #tpu.memory_space<vmem>>
      %dma_start3A_188 = tpu.memref_squeeze %dma_start3A_187 : memref<1x128x16xf32, #tpu.memory_space<vmem>> -> memref<128x16xf32, #tpu.memory_space<vmem>>
      %dma_start3A_189 = arith.constant 0 : i32
      %dma_start3A_190 = tpu.memref_slice %arg9[%add3A_183, %dma_start3A_189] : memref<79x128xi32, #tpu.memory_space<vmem>> -> memref<1x128xi32, #tpu.memory_space<vmem>>
      %dma_start3A_191 = tpu.memref_squeeze %dma_start3A_190 : memref<1x128xi32, #tpu.memory_space<vmem>> -> memref<128xi32, #tpu.memory_space<vmem>>
      %dma_start3A_192 = arith.constant 0 : i32
      %dma_start3A_193 = arith.constant 0 : i32
      %dma_start3A_194 = tpu.memref_slice %arg13[%dma_start3A_192, %dma_start3A_193] : memref<10112x16xf32, #tpu.memory_space<vmem_shared>> -> memref<10112x16xf32, #tpu.memory_space<vmem_shared>>
      tpu.enqueue_indirect_dma source(%dma_start3A_188 : memref<128x16xf32, #tpu.memory_space<vmem>>) target(%dma_start3A_194 : memref<10112x16xf32, #tpu.memory_space<vmem_shared>>) offsets(%dma_start3A_191 : memref<128xi32, #tpu.memory_space<vmem>>) semaphore(%arg18 : memref<!tpu.dma_semaphore, #tpu.memory_space<semaphore_mem>>) {add = true}
      %mul3A_195 = arith.constant 2 : i32
      %mul3A_196 = arith.muli %add3A_126, %mul3A_195 : i32
      %add3A_197 = arith.constant 1 : i32
      %add3A_198 = arith.addi %mul3A_196, %add3A_197 : i32
      %dma_start3A_199 = arith.constant 0 : i32
      %dma_start3A_200 = tpu.memref_slice %arg9[%add3A_198, %dma_start3A_199] : memref<79x128xi32, #tpu.memory_space<vmem>> -> memref<1x128xi32, #tpu.memory_space<vmem>>
      %dma_start3A_201 = tpu.memref_squeeze %dma_start3A_200 : memref<1x128xi32, #tpu.memory_space<vmem>> -> memref<128xi32, #tpu.memory_space<vmem>>
      %dma_start3A_202 = arith.constant 0 : i32
      %dma_start3A_203 = arith.constant 0 : i32
      %dma_start3A_204 = tpu.memref_slice %arg14[%dma_start3A_202, %dma_start3A_203] : memref<10112x16xf32, #tpu.memory_space<vmem_shared>> -> memref<10112x16xf32, #tpu.memory_space<vmem_shared>>
      tpu.enqueue_indirect_dma source(%arg12 : memref<128x16xf32, #tpu.memory_space<vmem>>) target(%dma_start3A_204 : memref<10112x16xf32, #tpu.memory_space<vmem_shared>>) offsets(%dma_start3A_201 : memref<128xi32, #tpu.memory_space<vmem>>) semaphore(%arg18 : memref<!tpu.dma_semaphore, #tpu.memory_space<semaphore_mem>>) {add = true}
      %mul3A_205 = arith.constant 3 : i32
      %mul3A_206 = arith.muli %mul3A_205, %scan3A_121 : i32
      %add3A_207 = arith.constant 1 : i32
      %add3A_208 = arith.addi %mul3A_206, %add3A_207 : i32
      %ge3A_209 = arith.constant 2 : i32
      %ge3A_210 = arith.cmpi sge, %add3A_208, %ge3A_209 : i32
      %convert_element_type3A_211 = arith.extui %ge3A_210 : i1 to i32
      %cond3A_212 = arith.constant 0 : i32
      %cond3A_213 = arith.cmpi ne, %convert_element_type3A_211, %cond3A_212 : i32
      scf.if %cond3A_213 {
        %dma_wait3A_374 = arith.constant 4 : i32
        %dma_wait3A_375 = arith.constant 0 : i32
        %dma_wait3A_376 = arith.constant 0 : i32
        %dma_wait3A_377 = tpu.memref_slice %arg10[%dma_wait3A_374, %dma_wait3A_375, %dma_wait3A_376] : memref<6x128x16xf32, #tpu.memory_space<vmem>> -> memref<1x128x16xf32, #tpu.memory_space<vmem>>
        %dma_wait3A_378 = tpu.memref_squeeze %dma_wait3A_377 : memref<1x128x16xf32, #tpu.memory_space<vmem>> -> memref<128x16xf32, #tpu.memory_space<vmem>>
        %dma_wait3A_379 = arith.constant 0 : i32
        %dma_wait3A_380 = arith.constant 0 : i32
        %dma_wait3A_381 = tpu.memref_slice %arg10[%dma_wait3A_374, %dma_wait3A_379, %dma_wait3A_380] : memref<6x128x16xf32, #tpu.memory_space<vmem>> -> memref<1x128x16xf32, #tpu.memory_space<vmem>>
        %dma_wait3A_382 = tpu.memref_squeeze %dma_wait3A_381 : memref<1x128x16xf32, #tpu.memory_space<vmem>> -> memref<128x16xf32, #tpu.memory_space<vmem>>
        tpu.wait_dma2 semaphore(%arg20 : memref<!tpu.dma_semaphore, #tpu.memory_space<semaphore_mem>>) src(%arg4 : memref<128x16xf32, #tpu.memory_space<hbm>>) dst(%dma_wait3A_382 : memref<128x16xf32, #tpu.memory_space<vmem>>)
        %dma_wait3A_383 = arith.constant 4 : i32
        %dma_wait3A_384 = arith.constant 0 : i32
        %dma_wait3A_385 = arith.constant 0 : i32
        %dma_wait3A_386 = tpu.memref_slice %arg10[%dma_wait3A_383, %dma_wait3A_384, %dma_wait3A_385] : memref<6x128x16xf32, #tpu.memory_space<vmem>> -> memref<1x128x16xf32, #tpu.memory_space<vmem>>
        %dma_wait3A_387 = tpu.memref_squeeze %dma_wait3A_386 : memref<1x128x16xf32, #tpu.memory_space<vmem>> -> memref<128x16xf32, #tpu.memory_space<vmem>>
        %dma_wait3A_388 = arith.constant 0 : i32
        %dma_wait3A_389 = arith.constant 0 : i32
        %dma_wait3A_390 = tpu.memref_slice %arg10[%dma_wait3A_383, %dma_wait3A_388, %dma_wait3A_389] : memref<6x128x16xf32, #tpu.memory_space<vmem>> -> memref<1x128x16xf32, #tpu.memory_space<vmem>>
        %dma_wait3A_391 = tpu.memref_squeeze %dma_wait3A_390 : memref<1x128x16xf32, #tpu.memory_space<vmem>> -> memref<128x16xf32, #tpu.memory_space<vmem>>
        tpu.wait_dma2 semaphore(%arg20 : memref<!tpu.dma_semaphore, #tpu.memory_space<semaphore_mem>>) src(%arg4 : memref<128x16xf32, #tpu.memory_space<hbm>>) dst(%dma_wait3A_391 : memref<128x16xf32, #tpu.memory_space<vmem>>)
        %dma_wait3A_392 = arith.constant 5 : i32
        %dma_wait3A_393 = arith.constant 0 : i32
        %dma_wait3A_394 = arith.constant 0 : i32
        %dma_wait3A_395 = tpu.memref_slice %arg10[%dma_wait3A_392, %dma_wait3A_393, %dma_wait3A_394] : memref<6x128x16xf32, #tpu.memory_space<vmem>> -> memref<1x128x16xf32, #tpu.memory_space<vmem>>
        %dma_wait3A_396 = tpu.memref_squeeze %dma_wait3A_395 : memref<1x128x16xf32, #tpu.memory_space<vmem>> -> memref<128x16xf32, #tpu.memory_space<vmem>>
        %dma_wait3A_397 = arith.constant 0 : i32
        %dma_wait3A_398 = arith.constant 0 : i32
        %dma_wait3A_399 = tpu.memref_slice %arg10[%dma_wait3A_392, %dma_wait3A_397, %dma_wait3A_398] : memref<6x128x16xf32, #tpu.memory_space<vmem>> -> memref<1x128x16xf32, #tpu.memory_space<vmem>>
        %dma_wait3A_400 = tpu.memref_squeeze %dma_wait3A_399 : memref<1x128x16xf32, #tpu.memory_space<vmem>> -> memref<128x16xf32, #tpu.memory_space<vmem>>
        tpu.wait_dma2 semaphore(%arg20 : memref<!tpu.dma_semaphore, #tpu.memory_space<semaphore_mem>>) src(%arg4 : memref<128x16xf32, #tpu.memory_space<hbm>>) dst(%dma_wait3A_400 : memref<128x16xf32, #tpu.memory_space<vmem>>)
        %dma_wait3A_401 = arith.constant 5 : i32
        %dma_wait3A_402 = arith.constant 0 : i32
        %dma_wait3A_403 = arith.constant 0 : i32
        %dma_wait3A_404 = tpu.memref_slice %arg10[%dma_wait3A_401, %dma_wait3A_402, %dma_wait3A_403] : memref<6x128x16xf32, #tpu.memory_space<vmem>> -> memref<1x128x16xf32, #tpu.memory_space<vmem>>
        %dma_wait3A_405 = tpu.memref_squeeze %dma_wait3A_404 : memref<1x128x16xf32, #tpu.memory_space<vmem>> -> memref<128x16xf32, #tpu.memory_space<vmem>>
        %dma_wait3A_406 = arith.constant 0 : i32
        %dma_wait3A_407 = arith.constant 0 : i32
        %dma_wait3A_408 = tpu.memref_slice %arg10[%dma_wait3A_401, %dma_wait3A_406, %dma_wait3A_407] : memref<6x128x16xf32, #tpu.memory_space<vmem>> -> memref<1x128x16xf32, #tpu.memory_space<vmem>>
        %dma_wait3A_409 = tpu.memref_squeeze %dma_wait3A_408 : memref<1x128x16xf32, #tpu.memory_space<vmem>> -> memref<128x16xf32, #tpu.memory_space<vmem>>
        tpu.wait_dma2 semaphore(%arg20 : memref<!tpu.dma_semaphore, #tpu.memory_space<semaphore_mem>>) src(%arg4 : memref<128x16xf32, #tpu.memory_space<hbm>>) dst(%dma_wait3A_409 : memref<128x16xf32, #tpu.memory_space<vmem>>)
      } else {
      }
      %add3A_214 = arith.constant 1 : i32
      %add3A_215 = arith.addi %add3A_208, %add3A_214 : i32
      %le3A_216 = arith.constant 38 : i32
      %le3A_217 = arith.cmpi sle, %add3A_215, %le3A_216 : i32
      %convert_element_type3A_218 = arith.extui %le3A_217 : i1 to i32
      %cond3A_219 = arith.constant 0 : i32
      %cond3A_220 = arith.cmpi ne, %convert_element_type3A_218, %cond3A_219 : i32
      scf.if %cond3A_220 {
        %add3A_374 = arith.constant 1 : i32
        %add3A_375 = arith.addi %add3A_208, %add3A_374 : i32
        %mul3A_376 = arith.constant 2 : i32
        %mul3A_377 = arith.muli %add3A_375, %mul3A_376 : i32
        %add3A_378 = arith.constant 0 : i32
        %add3A_379 = arith.addi %mul3A_377, %add3A_378 : i32
        %dma_start3A_380 = arith.constant 4 : i32
        %dma_start3A_381 = arith.constant 0 : i32
        %dma_start3A_382 = arith.constant 0 : i32
        %dma_start3A_383 = tpu.memref_slice %arg10[%dma_start3A_380, %dma_start3A_381, %dma_start3A_382] : memref<6x128x16xf32, #tpu.memory_space<vmem>> -> memref<1x128x16xf32, #tpu.memory_space<vmem>>
        %dma_start3A_384 = tpu.memref_squeeze %dma_start3A_383 : memref<1x128x16xf32, #tpu.memory_space<vmem>> -> memref<128x16xf32, #tpu.memory_space<vmem>>
        %dma_start3A_385 = arith.constant 0 : i32
        %dma_start3A_386 = tpu.memref_slice %arg8[%add3A_379, %dma_start3A_385] : memref<79x128xi32, #tpu.memory_space<vmem>> -> memref<1x128xi32, #tpu.memory_space<vmem>>
        %dma_start3A_387 = tpu.memref_squeeze %dma_start3A_386 : memref<1x128xi32, #tpu.memory_space<vmem>> -> memref<128xi32, #tpu.memory_space<vmem>>
        %dma_start3A_388 = arith.constant 0 : i32
        %dma_start3A_389 = arith.constant 0 : i32
        %dma_start3A_390 = tpu.memref_slice %arg2[%dma_start3A_388, %dma_start3A_389] : memref<10000x16xf32, #tpu.memory_space<hbm>> -> memref<10000x16xf32, #tpu.memory_space<hbm>>
        tpu.enqueue_indirect_dma source(%dma_start3A_390 : memref<10000x16xf32, #tpu.memory_space<hbm>>) target(%dma_start3A_384 : memref<128x16xf32, #tpu.memory_space<vmem>>) offsets(%dma_start3A_387 : memref<128xi32, #tpu.memory_space<vmem>>) semaphore(%arg17 : memref<!tpu.dma_semaphore, #tpu.memory_space<semaphore_mem>>)
        %add3A_391 = arith.constant 1 : i32
        %add3A_392 = arith.addi %add3A_208, %add3A_391 : i32
        %mul3A_393 = arith.constant 2 : i32
        %mul3A_394 = arith.muli %add3A_392, %mul3A_393 : i32
        %add3A_395 = arith.constant 1 : i32
        %add3A_396 = arith.addi %mul3A_394, %add3A_395 : i32
        %dma_start3A_397 = arith.constant 5 : i32
        %dma_start3A_398 = arith.constant 0 : i32
        %dma_start3A_399 = arith.constant 0 : i32
        %dma_start3A_400 = tpu.memref_slice %arg10[%dma_start3A_397, %dma_start3A_398, %dma_start3A_399] : memref<6x128x16xf32, #tpu.memory_space<vmem>> -> memref<1x128x16xf32, #tpu.memory_space<vmem>>
        %dma_start3A_401 = tpu.memref_squeeze %dma_start3A_400 : memref<1x128x16xf32, #tpu.memory_space<vmem>> -> memref<128x16xf32, #tpu.memory_space<vmem>>
        %dma_start3A_402 = arith.constant 0 : i32
        %dma_start3A_403 = tpu.memref_slice %arg8[%add3A_396, %dma_start3A_402] : memref<79x128xi32, #tpu.memory_space<vmem>> -> memref<1x128xi32, #tpu.memory_space<vmem>>
        %dma_start3A_404 = tpu.memref_squeeze %dma_start3A_403 : memref<1x128xi32, #tpu.memory_space<vmem>> -> memref<128xi32, #tpu.memory_space<vmem>>
        %dma_start3A_405 = arith.constant 0 : i32
        %dma_start3A_406 = arith.constant 0 : i32
        %dma_start3A_407 = tpu.memref_slice %arg2[%dma_start3A_405, %dma_start3A_406] : memref<10000x16xf32, #tpu.memory_space<hbm>> -> memref<10000x16xf32, #tpu.memory_space<hbm>>
        tpu.enqueue_indirect_dma source(%dma_start3A_407 : memref<10000x16xf32, #tpu.memory_space<hbm>>) target(%dma_start3A_401 : memref<128x16xf32, #tpu.memory_space<vmem>>) offsets(%dma_start3A_404 : memref<128xi32, #tpu.memory_space<vmem>>) semaphore(%arg17 : memref<!tpu.dma_semaphore, #tpu.memory_space<semaphore_mem>>)
      } else {
      }
      %dma_wait3A_221 = arith.constant 2 : i32
      %dma_wait3A_222 = arith.constant 0 : i32
      %dma_wait3A_223 = arith.constant 0 : i32
      %dma_wait3A_224 = tpu.memref_slice %arg10[%dma_wait3A_221, %dma_wait3A_222, %dma_wait3A_223] : memref<6x128x16xf32, #tpu.memory_space<vmem>> -> memref<1x128x16xf32, #tpu.memory_space<vmem>>
      %dma_wait3A_225 = tpu.memref_squeeze %dma_wait3A_224 : memref<1x128x16xf32, #tpu.memory_space<vmem>> -> memref<128x16xf32, #tpu.memory_space<vmem>>
      %dma_wait3A_226 = arith.constant 0 : i32
      %dma_wait3A_227 = arith.constant 0 : i32
      %dma_wait3A_228 = tpu.memref_slice %arg10[%dma_wait3A_221, %dma_wait3A_226, %dma_wait3A_227] : memref<6x128x16xf32, #tpu.memory_space<vmem>> -> memref<1x128x16xf32, #tpu.memory_space<vmem>>
      %dma_wait3A_229 = tpu.memref_squeeze %dma_wait3A_228 : memref<1x128x16xf32, #tpu.memory_space<vmem>> -> memref<128x16xf32, #tpu.memory_space<vmem>>
      tpu.wait_dma2 semaphore(%arg16 : memref<!tpu.dma_semaphore, #tpu.memory_space<semaphore_mem>>) src(%arg4 : memref<128x16xf32, #tpu.memory_space<hbm>>) dst(%dma_wait3A_229 : memref<128x16xf32, #tpu.memory_space<vmem>>)
      %dma_wait3A_230 = arith.constant 3 : i32
      %dma_wait3A_231 = arith.constant 0 : i32
      %dma_wait3A_232 = arith.constant 0 : i32
      %dma_wait3A_233 = tpu.memref_slice %arg10[%dma_wait3A_230, %dma_wait3A_231, %dma_wait3A_232] : memref<6x128x16xf32, #tpu.memory_space<vmem>> -> memref<1x128x16xf32, #tpu.memory_space<vmem>>
      %dma_wait3A_234 = tpu.memref_squeeze %dma_wait3A_233 : memref<1x128x16xf32, #tpu.memory_space<vmem>> -> memref<128x16xf32, #tpu.memory_space<vmem>>
      %dma_wait3A_235 = arith.constant 0 : i32
      %dma_wait3A_236 = arith.constant 0 : i32
      %dma_wait3A_237 = tpu.memref_slice %arg10[%dma_wait3A_230, %dma_wait3A_235, %dma_wait3A_236] : memref<6x128x16xf32, #tpu.memory_space<vmem>> -> memref<1x128x16xf32, #tpu.memory_space<vmem>>
      %dma_wait3A_238 = tpu.memref_squeeze %dma_wait3A_237 : memref<1x128x16xf32, #tpu.memory_space<vmem>> -> memref<128x16xf32, #tpu.memory_space<vmem>>
      tpu.wait_dma2 semaphore(%arg16 : memref<!tpu.dma_semaphore, #tpu.memory_space<semaphore_mem>>) src(%arg4 : memref<128x16xf32, #tpu.memory_space<hbm>>) dst(%dma_wait3A_238 : memref<128x16xf32, #tpu.memory_space<vmem>>)
      %mul3A_239 = arith.constant 2 : i32
      %mul3A_240 = arith.muli %add3A_208, %mul3A_239 : i32
      %add3A_241 = arith.constant 0 : i32
      %add3A_242 = arith.addi %mul3A_240, %add3A_241 : i32
      %dma_start3A_243 = arith.constant 2 : i32
      %dma_start3A_244 = arith.constant 0 : i32
      %dma_start3A_245 = arith.constant 0 : i32
      %dma_start3A_246 = tpu.memref_slice %arg10[%dma_start3A_243, %dma_start3A_244, %dma_start3A_245] : memref<6x128x16xf32, #tpu.memory_space<vmem>> -> memref<1x128x16xf32, #tpu.memory_space<vmem>>
      %dma_start3A_247 = tpu.memref_squeeze %dma_start3A_246 : memref<1x128x16xf32, #tpu.memory_space<vmem>> -> memref<128x16xf32, #tpu.memory_space<vmem>>
      %dma_start3A_248 = arith.constant 0 : i32
      %dma_start3A_249 = tpu.memref_slice %arg9[%add3A_242, %dma_start3A_248] : memref<79x128xi32, #tpu.memory_space<vmem>> -> memref<1x128xi32, #tpu.memory_space<vmem>>
      %dma_start3A_250 = tpu.memref_squeeze %dma_start3A_249 : memref<1x128xi32, #tpu.memory_space<vmem>> -> memref<128xi32, #tpu.memory_space<vmem>>
      %dma_start3A_251 = arith.constant 0 : i32
      %dma_start3A_252 = arith.constant 0 : i32
      %dma_start3A_253 = tpu.memref_slice %arg13[%dma_start3A_251, %dma_start3A_252] : memref<10112x16xf32, #tpu.memory_space<vmem_shared>> -> memref<10112x16xf32, #tpu.memory_space<vmem_shared>>
      tpu.enqueue_indirect_dma source(%dma_start3A_247 : memref<128x16xf32, #tpu.memory_space<vmem>>) target(%dma_start3A_253 : memref<10112x16xf32, #tpu.memory_space<vmem_shared>>) offsets(%dma_start3A_250 : memref<128xi32, #tpu.memory_space<vmem>>) semaphore(%arg19 : memref<!tpu.dma_semaphore, #tpu.memory_space<semaphore_mem>>) {add = true}
      %mul3A_254 = arith.constant 2 : i32
      %mul3A_255 = arith.muli %add3A_208, %mul3A_254 : i32
      %add3A_256 = arith.constant 0 : i32
      %add3A_257 = arith.addi %mul3A_255, %add3A_256 : i32
      %dma_start3A_258 = arith.constant 0 : i32
      %dma_start3A_259 = tpu.memref_slice %arg9[%add3A_257, %dma_start3A_258] : memref<79x128xi32, #tpu.memory_space<vmem>> -> memref<1x128xi32, #tpu.memory_space<vmem>>
      %dma_start3A_260 = tpu.memref_squeeze %dma_start3A_259 : memref<1x128xi32, #tpu.memory_space<vmem>> -> memref<128xi32, #tpu.memory_space<vmem>>
      %dma_start3A_261 = arith.constant 0 : i32
      %dma_start3A_262 = arith.constant 0 : i32
      %dma_start3A_263 = tpu.memref_slice %arg14[%dma_start3A_261, %dma_start3A_262] : memref<10112x16xf32, #tpu.memory_space<vmem_shared>> -> memref<10112x16xf32, #tpu.memory_space<vmem_shared>>
      tpu.enqueue_indirect_dma source(%arg12 : memref<128x16xf32, #tpu.memory_space<vmem>>) target(%dma_start3A_263 : memref<10112x16xf32, #tpu.memory_space<vmem_shared>>) offsets(%dma_start3A_260 : memref<128xi32, #tpu.memory_space<vmem>>) semaphore(%arg19 : memref<!tpu.dma_semaphore, #tpu.memory_space<semaphore_mem>>) {add = true}
      %mul3A_264 = arith.constant 2 : i32
      %mul3A_265 = arith.muli %add3A_208, %mul3A_264 : i32
      %add3A_266 = arith.constant 1 : i32
      %add3A_267 = arith.addi %mul3A_265, %add3A_266 : i32
      %dma_start3A_268 = arith.constant 3 : i32
      %dma_start3A_269 = arith.constant 0 : i32
      %dma_start3A_270 = arith.constant 0 : i32
      %dma_start3A_271 = tpu.memref_slice %arg10[%dma_start3A_268, %dma_start3A_269, %dma_start3A_270] : memref<6x128x16xf32, #tpu.memory_space<vmem>> -> memref<1x128x16xf32, #tpu.memory_space<vmem>>
      %dma_start3A_272 = tpu.memref_squeeze %dma_start3A_271 : memref<1x128x16xf32, #tpu.memory_space<vmem>> -> memref<128x16xf32, #tpu.memory_space<vmem>>
      %dma_start3A_273 = arith.constant 0 : i32
      %dma_start3A_274 = tpu.memref_slice %arg9[%add3A_267, %dma_start3A_273] : memref<79x128xi32, #tpu.memory_space<vmem>> -> memref<1x128xi32, #tpu.memory_space<vmem>>
      %dma_start3A_275 = tpu.memref_squeeze %dma_start3A_274 : memref<1x128xi32, #tpu.memory_space<vmem>> -> memref<128xi32, #tpu.memory_space<vmem>>
      %dma_start3A_276 = arith.constant 0 : i32
      %dma_start3A_277 = arith.constant 0 : i32
      %dma_start3A_278 = tpu.memref_slice %arg13[%dma_start3A_276, %dma_start3A_277] : memref<10112x16xf32, #tpu.memory_space<vmem_shared>> -> memref<10112x16xf32, #tpu.memory_space<vmem_shared>>
      tpu.enqueue_indirect_dma source(%dma_start3A_272 : memref<128x16xf32, #tpu.memory_space<vmem>>) target(%dma_start3A_278 : memref<10112x16xf32, #tpu.memory_space<vmem_shared>>) offsets(%dma_start3A_275 : memref<128xi32, #tpu.memory_space<vmem>>) semaphore(%arg19 : memref<!tpu.dma_semaphore, #tpu.memory_space<semaphore_mem>>) {add = true}
      %mul3A_279 = arith.constant 2 : i32
      %mul3A_280 = arith.muli %add3A_208, %mul3A_279 : i32
      %add3A_281 = arith.constant 1 : i32
      %add3A_282 = arith.addi %mul3A_280, %add3A_281 : i32
      %dma_start3A_283 = arith.constant 0 : i32
      %dma_start3A_284 = tpu.memref_slice %arg9[%add3A_282, %dma_start3A_283] : memref<79x128xi32, #tpu.memory_space<vmem>> -> memref<1x128xi32, #tpu.memory_space<vmem>>
      %dma_start3A_285 = tpu.memref_squeeze %dma_start3A_284 : memref<1x128xi32, #tpu.memory_space<vmem>> -> memref<128xi32, #tpu.memory_space<vmem>>
      %dma_start3A_286 = arith.constant 0 : i32
      %dma_start3A_287 = arith.constant 0 : i32
      %dma_start3A_288 = tpu.memref_slice %arg14[%dma_start3A_286, %dma_start3A_287] : memref<10112x16xf32, #tpu.memory_space<vmem_shared>> -> memref<10112x16xf32, #tpu.memory_space<vmem_shared>>
      tpu.enqueue_indirect_dma source(%arg12 : memref<128x16xf32, #tpu.memory_space<vmem>>) target(%dma_start3A_288 : memref<10112x16xf32, #tpu.memory_space<vmem_shared>>) offsets(%dma_start3A_285 : memref<128xi32, #tpu.memory_space<vmem>>) semaphore(%arg19 : memref<!tpu.dma_semaphore, #tpu.memory_space<semaphore_mem>>) {add = true}
      %mul3A_289 = arith.constant 3 : i32
      %mul3A_290 = arith.muli %mul3A_289, %scan3A_121 : i32
      %add3A_291 = arith.constant 2 : i32
      %add3A_292 = arith.addi %mul3A_290, %add3A_291 : i32
      %ge3A_293 = arith.constant 2 : i32
      %ge3A_294 = arith.cmpi sge, %add3A_292, %ge3A_293 : i32
      %convert_element_type3A_295 = arith.extui %ge3A_294 : i1 to i32
      %cond3A_296 = arith.constant 0 : i32
      %cond3A_297 = arith.cmpi ne, %convert_element_type3A_295, %cond3A_296 : i32
      scf.if %cond3A_297 {
        %dma_wait3A_374 = arith.constant 0 : i32
        %dma_wait3A_375 = arith.constant 0 : i32
        %dma_wait3A_376 = arith.constant 0 : i32
        %dma_wait3A_377 = tpu.memref_slice %arg10[%dma_wait3A_374, %dma_wait3A_375, %dma_wait3A_376] : memref<6x128x16xf32, #tpu.memory_space<vmem>> -> memref<1x128x16xf32, #tpu.memory_space<vmem>>
        %dma_wait3A_378 = tpu.memref_squeeze %dma_wait3A_377 : memref<1x128x16xf32, #tpu.memory_space<vmem>> -> memref<128x16xf32, #tpu.memory_space<vmem>>
        %dma_wait3A_379 = arith.constant 0 : i32
        %dma_wait3A_380 = arith.constant 0 : i32
        %dma_wait3A_381 = tpu.memref_slice %arg10[%dma_wait3A_374, %dma_wait3A_379, %dma_wait3A_380] : memref<6x128x16xf32, #tpu.memory_space<vmem>> -> memref<1x128x16xf32, #tpu.memory_space<vmem>>
        %dma_wait3A_382 = tpu.memref_squeeze %dma_wait3A_381 : memref<1x128x16xf32, #tpu.memory_space<vmem>> -> memref<128x16xf32, #tpu.memory_space<vmem>>
        tpu.wait_dma2 semaphore(%arg18 : memref<!tpu.dma_semaphore, #tpu.memory_space<semaphore_mem>>) src(%arg4 : memref<128x16xf32, #tpu.memory_space<hbm>>) dst(%dma_wait3A_382 : memref<128x16xf32, #tpu.memory_space<vmem>>)
        %dma_wait3A_383 = arith.constant 0 : i32
        %dma_wait3A_384 = arith.constant 0 : i32
        %dma_wait3A_385 = arith.constant 0 : i32
        %dma_wait3A_386 = tpu.memref_slice %arg10[%dma_wait3A_383, %dma_wait3A_384, %dma_wait3A_385] : memref<6x128x16xf32, #tpu.memory_space<vmem>> -> memref<1x128x16xf32, #tpu.memory_space<vmem>>
        %dma_wait3A_387 = tpu.memref_squeeze %dma_wait3A_386 : memref<1x128x16xf32, #tpu.memory_space<vmem>> -> memref<128x16xf32, #tpu.memory_space<vmem>>
        %dma_wait3A_388 = arith.constant 0 : i32
        %dma_wait3A_389 = arith.constant 0 : i32
        %dma_wait3A_390 = tpu.memref_slice %arg10[%dma_wait3A_383, %dma_wait3A_388, %dma_wait3A_389] : memref<6x128x16xf32, #tpu.memory_space<vmem>> -> memref<1x128x16xf32, #tpu.memory_space<vmem>>
        %dma_wait3A_391 = tpu.memref_squeeze %dma_wait3A_390 : memref<1x128x16xf32, #tpu.memory_space<vmem>> -> memref<128x16xf32, #tpu.memory_space<vmem>>
        tpu.wait_dma2 semaphore(%arg18 : memref<!tpu.dma_semaphore, #tpu.memory_space<semaphore_mem>>) src(%arg4 : memref<128x16xf32, #tpu.memory_space<hbm>>) dst(%dma_wait3A_391 : memref<128x16xf32, #tpu.memory_space<vmem>>)
        %dma_wait3A_392 = arith.constant 1 : i32
        %dma_wait3A_393 = arith.constant 0 : i32
        %dma_wait3A_394 = arith.constant 0 : i32
        %dma_wait3A_395 = tpu.memref_slice %arg10[%dma_wait3A_392, %dma_wait3A_393, %dma_wait3A_394] : memref<6x128x16xf32, #tpu.memory_space<vmem>> -> memref<1x128x16xf32, #tpu.memory_space<vmem>>
        %dma_wait3A_396 = tpu.memref_squeeze %dma_wait3A_395 : memref<1x128x16xf32, #tpu.memory_space<vmem>> -> memref<128x16xf32, #tpu.memory_space<vmem>>
        %dma_wait3A_397 = arith.constant 0 : i32
        %dma_wait3A_398 = arith.constant 0 : i32
        %dma_wait3A_399 = tpu.memref_slice %arg10[%dma_wait3A_392, %dma_wait3A_397, %dma_wait3A_398] : memref<6x128x16xf32, #tpu.memory_space<vmem>> -> memref<1x128x16xf32, #tpu.memory_space<vmem>>
        %dma_wait3A_400 = tpu.memref_squeeze %dma_wait3A_399 : memref<1x128x16xf32, #tpu.memory_space<vmem>> -> memref<128x16xf32, #tpu.memory_space<vmem>>
        tpu.wait_dma2 semaphore(%arg18 : memref<!tpu.dma_semaphore, #tpu.memory_space<semaphore_mem>>) src(%arg4 : memref<128x16xf32, #tpu.memory_space<hbm>>) dst(%dma_wait3A_400 : memref<128x16xf32, #tpu.memory_space<vmem>>)
        %dma_wait3A_401 = arith.constant 1 : i32
        %dma_wait3A_402 = arith.constant 0 : i32
        %dma_wait3A_403 = arith.constant 0 : i32
        %dma_wait3A_404 = tpu.memref_slice %arg10[%dma_wait3A_401, %dma_wait3A_402, %dma_wait3A_403] : memref<6x128x16xf32, #tpu.memory_space<vmem>> -> memref<1x128x16xf32, #tpu.memory_space<vmem>>
        %dma_wait3A_405 = tpu.memref_squeeze %dma_wait3A_404 : memref<1x128x16xf32, #tpu.memory_space<vmem>> -> memref<128x16xf32, #tpu.memory_space<vmem>>
        %dma_wait3A_406 = arith.constant 0 : i32
        %dma_wait3A_407 = arith.constant 0 : i32
        %dma_wait3A_408 = tpu.memref_slice %arg10[%dma_wait3A_401, %dma_wait3A_406, %dma_wait3A_407] : memref<6x128x16xf32, #tpu.memory_space<vmem>> -> memref<1x128x16xf32, #tpu.memory_space<vmem>>
        %dma_wait3A_409 = tpu.memref_squeeze %dma_wait3A_408 : memref<1x128x16xf32, #tpu.memory_space<vmem>> -> memref<128x16xf32, #tpu.memory_space<vmem>>
        tpu.wait_dma2 semaphore(%arg18 : memref<!tpu.dma_semaphore, #tpu.memory_space<semaphore_mem>>) src(%arg4 : memref<128x16xf32, #tpu.memory_space<hbm>>) dst(%dma_wait3A_409 : memref<128x16xf32, #tpu.memory_space<vmem>>)
      } else {
      }
      %add3A_298 = arith.constant 1 : i32
      %add3A_299 = arith.addi %add3A_292, %add3A_298 : i32
      %le3A_300 = arith.constant 38 : i32
      %le3A_301 = arith.cmpi sle, %add3A_299, %le3A_300 : i32
      %convert_element_type3A_302 = arith.extui %le3A_301 : i1 to i32
      %cond3A_303 = arith.constant 0 : i32
      %cond3A_304 = arith.cmpi ne, %convert_element_type3A_302, %cond3A_303 : i32
      scf.if %cond3A_304 {
        %add3A_374 = arith.constant 1 : i32
        %add3A_375 = arith.addi %add3A_292, %add3A_374 : i32
        %mul3A_376 = arith.constant 2 : i32
        %mul3A_377 = arith.muli %add3A_375, %mul3A_376 : i32
        %add3A_378 = arith.constant 0 : i32
        %add3A_379 = arith.addi %mul3A_377, %add3A_378 : i32
        %dma_start3A_380 = arith.constant 0 : i32
        %dma_start3A_381 = arith.constant 0 : i32
        %dma_start3A_382 = arith.constant 0 : i32
        %dma_start3A_383 = tpu.memref_slice %arg10[%dma_start3A_380, %dma_start3A_381, %dma_start3A_382] : memref<6x128x16xf32, #tpu.memory_space<vmem>> -> memref<1x128x16xf32, #tpu.memory_space<vmem>>
        %dma_start3A_384 = tpu.memref_squeeze %dma_start3A_383 : memref<1x128x16xf32, #tpu.memory_space<vmem>> -> memref<128x16xf32, #tpu.memory_space<vmem>>
        %dma_start3A_385 = arith.constant 0 : i32
        %dma_start3A_386 = tpu.memref_slice %arg8[%add3A_379, %dma_start3A_385] : memref<79x128xi32, #tpu.memory_space<vmem>> -> memref<1x128xi32, #tpu.memory_space<vmem>>
        %dma_start3A_387 = tpu.memref_squeeze %dma_start3A_386 : memref<1x128xi32, #tpu.memory_space<vmem>> -> memref<128xi32, #tpu.memory_space<vmem>>
        %dma_start3A_388 = arith.constant 0 : i32
        %dma_start3A_389 = arith.constant 0 : i32
        %dma_start3A_390 = tpu.memref_slice %arg2[%dma_start3A_388, %dma_start3A_389] : memref<10000x16xf32, #tpu.memory_space<hbm>> -> memref<10000x16xf32, #tpu.memory_space<hbm>>
        tpu.enqueue_indirect_dma source(%dma_start3A_390 : memref<10000x16xf32, #tpu.memory_space<hbm>>) target(%dma_start3A_384 : memref<128x16xf32, #tpu.memory_space<vmem>>) offsets(%dma_start3A_387 : memref<128xi32, #tpu.memory_space<vmem>>) semaphore(%arg15 : memref<!tpu.dma_semaphore, #tpu.memory_space<semaphore_mem>>)
        %add3A_391 = arith.constant 1 : i32
        %add3A_392 = arith.addi %add3A_292, %add3A_391 : i32
        %mul3A_393 = arith.constant 2 : i32
        %mul3A_394 = arith.muli %add3A_392, %mul3A_393 : i32
        %add3A_395 = arith.constant 1 : i32
        %add3A_396 = arith.addi %mul3A_394, %add3A_395 : i32
        %dma_start3A_397 = arith.constant 1 : i32
        %dma_start3A_398 = arith.constant 0 : i32
        %dma_start3A_399 = arith.constant 0 : i32
        %dma_start3A_400 = tpu.memref_slice %arg10[%dma_start3A_397, %dma_start3A_398, %dma_start3A_399] : memref<6x128x16xf32, #tpu.memory_space<vmem>> -> memref<1x128x16xf32, #tpu.memory_space<vmem>>
        %dma_start3A_401 = tpu.memref_squeeze %dma_start3A_400 : memref<1x128x16xf32, #tpu.memory_space<vmem>> -> memref<128x16xf32, #tpu.memory_space<vmem>>
        %dma_start3A_402 = arith.constant 0 : i32
        %dma_start3A_403 = tpu.memref_slice %arg8[%add3A_396, %dma_start3A_402] : memref<79x128xi32, #tpu.memory_space<vmem>> -> memref<1x128xi32, #tpu.memory_space<vmem>>
        %dma_start3A_404 = tpu.memref_squeeze %dma_start3A_403 : memref<1x128xi32, #tpu.memory_space<vmem>> -> memref<128xi32, #tpu.memory_space<vmem>>
        %dma_start3A_405 = arith.constant 0 : i32
        %dma_start3A_406 = arith.constant 0 : i32
        %dma_start3A_407 = tpu.memref_slice %arg2[%dma_start3A_405, %dma_start3A_406] : memref<10000x16xf32, #tpu.memory_space<hbm>> -> memref<10000x16xf32, #tpu.memory_space<hbm>>
        tpu.enqueue_indirect_dma source(%dma_start3A_407 : memref<10000x16xf32, #tpu.memory_space<hbm>>) target(%dma_start3A_401 : memref<128x16xf32, #tpu.memory_space<vmem>>) offsets(%dma_start3A_404 : memref<128xi32, #tpu.memory_space<vmem>>) semaphore(%arg15 : memref<!tpu.dma_semaphore, #tpu.memory_space<semaphore_mem>>)
      } else {
      }
      %dma_wait3A_305 = arith.constant 4 : i32
      %dma_wait3A_306 = arith.constant 0 : i32
      %dma_wait3A_307 = arith.constant 0 : i32
      %dma_wait3A_308 = tpu.memref_slice %arg10[%dma_wait3A_305, %dma_wait3A_306, %dma_wait3A_307] : memref<6x128x16xf32, #tpu.memory_space<vmem>> -> memref<1x128x16xf32, #tpu.memory_space<vmem>>
      %dma_wait3A_309 = tpu.memref_squeeze %dma_wait3A_308 : memref<1x128x16xf32, #tpu.memory_space<vmem>> -> memref<128x16xf32, #tpu.memory_space<vmem>>
      %dma_wait3A_310 = arith.constant 0 : i32
      %dma_wait3A_311 = arith.constant 0 : i32
      %dma_wait3A_312 = tpu.memref_slice %arg10[%dma_wait3A_305, %dma_wait3A_310, %dma_wait3A_311] : memref<6x128x16xf32, #tpu.memory_space<vmem>> -> memref<1x128x16xf32, #tpu.memory_space<vmem>>
      %dma_wait3A_313 = tpu.memref_squeeze %dma_wait3A_312 : memref<1x128x16xf32, #tpu.memory_space<vmem>> -> memref<128x16xf32, #tpu.memory_space<vmem>>
      tpu.wait_dma2 semaphore(%arg17 : memref<!tpu.dma_semaphore, #tpu.memory_space<semaphore_mem>>) src(%arg4 : memref<128x16xf32, #tpu.memory_space<hbm>>) dst(%dma_wait3A_313 : memref<128x16xf32, #tpu.memory_space<vmem>>)
      %dma_wait3A_314 = arith.constant 5 : i32
      %dma_wait3A_315 = arith.constant 0 : i32
      %dma_wait3A_316 = arith.constant 0 : i32
      %dma_wait3A_317 = tpu.memref_slice %arg10[%dma_wait3A_314, %dma_wait3A_315, %dma_wait3A_316] : memref<6x128x16xf32, #tpu.memory_space<vmem>> -> memref<1x128x16xf32, #tpu.memory_space<vmem>>
      %dma_wait3A_318 = tpu.memref_squeeze %dma_wait3A_317 : memref<1x128x16xf32, #tpu.memory_space<vmem>> -> memref<128x16xf32, #tpu.memory_space<vmem>>
      %dma_wait3A_319 = arith.constant 0 : i32
      %dma_wait3A_320 = arith.constant 0 : i32
      %dma_wait3A_321 = tpu.memref_slice %arg10[%dma_wait3A_314, %dma_wait3A_319, %dma_wait3A_320] : memref<6x128x16xf32, #tpu.memory_space<vmem>> -> memref<1x128x16xf32, #tpu.memory_space<vmem>>
      %dma_wait3A_322 = tpu.memref_squeeze %dma_wait3A_321 : memref<1x128x16xf32, #tpu.memory_space<vmem>> -> memref<128x16xf32, #tpu.memory_space<vmem>>
      tpu.wait_dma2 semaphore(%arg17 : memref<!tpu.dma_semaphore, #tpu.memory_space<semaphore_mem>>) src(%arg4 : memref<128x16xf32, #tpu.memory_space<hbm>>) dst(%dma_wait3A_322 : memref<128x16xf32, #tpu.memory_space<vmem>>)
      %mul3A_323 = arith.constant 2 : i32
      %mul3A_324 = arith.muli %add3A_292, %mul3A_323 : i32
      %add3A_325 = arith.constant 0 : i32
      %add3A_326 = arith.addi %mul3A_324, %add3A_325 : i32
      %dma_start3A_327 = arith.constant 4 : i32
      %dma_start3A_328 = arith.constant 0 : i32
      %dma_start3A_329 = arith.constant 0 : i32
      %dma_start3A_330 = tpu.memref_slice %arg10[%dma_start3A_327, %dma_start3A_328, %dma_start3A_329] : memref<6x128x16xf32, #tpu.memory_space<vmem>> -> memref<1x128x16xf32, #tpu.memory_space<vmem>>
      %dma_start3A_331 = tpu.memref_squeeze %dma_start3A_330 : memref<1x128x16xf32, #tpu.memory_space<vmem>> -> memref<128x16xf32, #tpu.memory_space<vmem>>
      %dma_start3A_332 = arith.constant 0 : i32
      %dma_start3A_333 = tpu.memref_slice %arg9[%add3A_326, %dma_start3A_332] : memref<79x128xi32, #tpu.memory_space<vmem>> -> memref<1x128xi32, #tpu.memory_space<vmem>>
      %dma_start3A_334 = tpu.memref_squeeze %dma_start3A_333 : memref<1x128xi32, #tpu.memory_space<vmem>> -> memref<128xi32, #tpu.memory_space<vmem>>
      %dma_start3A_335 = arith.constant 0 : i32
      %dma_start3A_336 = arith.constant 0 : i32
      %dma_start3A_337 = tpu.memref_slice %arg13[%dma_start3A_335, %dma_start3A_336] : memref<10112x16xf32, #tpu.memory_space<vmem_shared>> -> memref<10112x16xf32, #tpu.memory_space<vmem_shared>>
      tpu.enqueue_indirect_dma source(%dma_start3A_331 : memref<128x16xf32, #tpu.memory_space<vmem>>) target(%dma_start3A_337 : memref<10112x16xf32, #tpu.memory_space<vmem_shared>>) offsets(%dma_start3A_334 : memref<128xi32, #tpu.memory_space<vmem>>) semaphore(%arg20 : memref<!tpu.dma_semaphore, #tpu.memory_space<semaphore_mem>>) {add = true}
      %mul3A_338 = arith.constant 2 : i32
      %mul3A_339 = arith.muli %add3A_292, %mul3A_338 : i32
      %add3A_340 = arith.constant 0 : i32
      %add3A_341 = arith.addi %mul3A_339, %add3A_340 : i32
      %dma_start3A_342 = arith.constant 0 : i32
      %dma_start3A_343 = tpu.memref_slice %arg9[%add3A_341, %dma_start3A_342] : memref<79x128xi32, #tpu.memory_space<vmem>> -> memref<1x128xi32, #tpu.memory_space<vmem>>
      %dma_start3A_344 = tpu.memref_squeeze %dma_start3A_343 : memref<1x128xi32, #tpu.memory_space<vmem>> -> memref<128xi32, #tpu.memory_space<vmem>>
      %dma_start3A_345 = arith.constant 0 : i32
      %dma_start3A_346 = arith.constant 0 : i32
      %dma_start3A_347 = tpu.memref_slice %arg14[%dma_start3A_345, %dma_start3A_346] : memref<10112x16xf32, #tpu.memory_space<vmem_shared>> -> memref<10112x16xf32, #tpu.memory_space<vmem_shared>>
      tpu.enqueue_indirect_dma source(%arg12 : memref<128x16xf32, #tpu.memory_space<vmem>>) target(%dma_start3A_347 : memref<10112x16xf32, #tpu.memory_space<vmem_shared>>) offsets(%dma_start3A_344 : memref<128xi32, #tpu.memory_space<vmem>>) semaphore(%arg20 : memref<!tpu.dma_semaphore, #tpu.memory_space<semaphore_mem>>) {add = true}
      %mul3A_348 = arith.constant 2 : i32
      %mul3A_349 = arith.muli %add3A_292, %mul3A_348 : i32
      %add3A_350 = arith.constant 1 : i32
      %add3A_351 = arith.addi %mul3A_349, %add3A_350 : i32
      %dma_start3A_352 = arith.constant 5 : i32
      %dma_start3A_353 = arith.constant 0 : i32
      %dma_start3A_354 = arith.constant 0 : i32
      %dma_start3A_355 = tpu.memref_slice %arg10[%dma_start3A_352, %dma_start3A_353, %dma_start3A_354] : memref<6x128x16xf32, #tpu.memory_space<vmem>> -> memref<1x128x16xf32, #tpu.memory_space<vmem>>
      %dma_start3A_356 = tpu.memref_squeeze %dma_start3A_355 : memref<1x128x16xf32, #tpu.memory_space<vmem>> -> memref<128x16xf32, #tpu.memory_space<vmem>>
      %dma_start3A_357 = arith.constant 0 : i32
      %dma_start3A_358 = tpu.memref_slice %arg9[%add3A_351, %dma_start3A_357] : memref<79x128xi32, #tpu.memory_space<vmem>> -> memref<1x128xi32, #tpu.memory_space<vmem>>
      %dma_start3A_359 = tpu.memref_squeeze %dma_start3A_358 : memref<1x128xi32, #tpu.memory_space<vmem>> -> memref<128xi32, #tpu.memory_space<vmem>>
      %dma_start3A_360 = arith.constant 0 : i32
      %dma_start3A_361 = arith.constant 0 : i32
      %dma_start3A_362 = tpu.memref_slice %arg13[%dma_start3A_360, %dma_start3A_361] : memref<10112x16xf32, #tpu.memory_space<vmem_shared>> -> memref<10112x16xf32, #tpu.memory_space<vmem_shared>>
      tpu.enqueue_indirect_dma source(%dma_start3A_356 : memref<128x16xf32, #tpu.memory_space<vmem>>) target(%dma_start3A_362 : memref<10112x16xf32, #tpu.memory_space<vmem_shared>>) offsets(%dma_start3A_359 : memref<128xi32, #tpu.memory_space<vmem>>) semaphore(%arg20 : memref<!tpu.dma_semaphore, #tpu.memory_space<semaphore_mem>>) {add = true}
      %mul3A_363 = arith.constant 2 : i32
      %mul3A_364 = arith.muli %add3A_292, %mul3A_363 : i32
      %add3A_365 = arith.constant 1 : i32
      %add3A_366 = arith.addi %mul3A_364, %add3A_365 : i32
      %dma_start3A_367 = arith.constant 0 : i32
      %dma_start3A_368 = tpu.memref_slice %arg9[%add3A_366, %dma_start3A_367] : memref<79x128xi32, #tpu.memory_space<vmem>> -> memref<1x128xi32, #tpu.memory_space<vmem>>
      %dma_start3A_369 = tpu.memref_squeeze %dma_start3A_368 : memref<1x128xi32, #tpu.memory_space<vmem>> -> memref<128xi32, #tpu.memory_space<vmem>>
      %dma_start3A_370 = arith.constant 0 : i32
      %dma_start3A_371 = arith.constant 0 : i32
      %dma_start3A_372 = tpu.memref_slice %arg14[%dma_start3A_370, %dma_start3A_371] : memref<10112x16xf32, #tpu.memory_space<vmem_shared>> -> memref<10112x16xf32, #tpu.memory_space<vmem_shared>>
      tpu.enqueue_indirect_dma source(%arg12 : memref<128x16xf32, #tpu.memory_space<vmem>>) target(%dma_start3A_372 : memref<10112x16xf32, #tpu.memory_space<vmem_shared>>) offsets(%dma_start3A_369 : memref<128xi32, #tpu.memory_space<vmem>>) semaphore(%arg20 : memref<!tpu.dma_semaphore, #tpu.memory_space<semaphore_mem>>) {add = true}
      %scan3A_373 = arith.constant 0 : i32
      scf.yield %scan3A_373 : i32
    }
    %scan3A_40 = arith.constant 13 : i32
    %dma_wait3A = arith.constant 2 : i32
    %dma_wait3A_41 = arith.constant 0 : i32
    %dma_wait3A_42 = arith.constant 0 : i32
    %dma_wait3A_43 = tpu.memref_slice %arg10[%dma_wait3A, %dma_wait3A_41, %dma_wait3A_42] : memref<6x128x16xf32, #tpu.memory_space<vmem>> -> memref<1x128x16xf32, #tpu.memory_space<vmem>>
    %dma_wait3A_44 = tpu.memref_squeeze %dma_wait3A_43 : memref<1x128x16xf32, #tpu.memory_space<vmem>> -> memref<128x16xf32, #tpu.memory_space<vmem>>
    %dma_wait3A_45 = arith.constant 0 : i32
    %dma_wait3A_46 = arith.constant 0 : i32
    %dma_wait3A_47 = tpu.memref_slice %arg10[%dma_wait3A, %dma_wait3A_45, %dma_wait3A_46] : memref<6x128x16xf32, #tpu.memory_space<vmem>> -> memref<1x128x16xf32, #tpu.memory_space<vmem>>
    %dma_wait3A_48 = tpu.memref_squeeze %dma_wait3A_47 : memref<1x128x16xf32, #tpu.memory_space<vmem>> -> memref<128x16xf32, #tpu.memory_space<vmem>>
    tpu.wait_dma2 semaphore(%arg19 : memref<!tpu.dma_semaphore, #tpu.memory_space<semaphore_mem>>) src(%arg4 : memref<128x16xf32, #tpu.memory_space<hbm>>) dst(%dma_wait3A_48 : memref<128x16xf32, #tpu.memory_space<vmem>>)
    %dma_wait3A_49 = arith.constant 2 : i32
    %dma_wait3A_50 = arith.constant 0 : i32
    %dma_wait3A_51 = arith.constant 0 : i32
    %dma_wait3A_52 = tpu.memref_slice %arg10[%dma_wait3A_49, %dma_wait3A_50, %dma_wait3A_51] : memref<6x128x16xf32, #tpu.memory_space<vmem>> -> memref<1x128x16xf32, #tpu.memory_space<vmem>>
    %dma_wait3A_53 = tpu.memref_squeeze %dma_wait3A_52 : memref<1x128x16xf32, #tpu.memory_space<vmem>> -> memref<128x16xf32, #tpu.memory_space<vmem>>
    %dma_wait3A_54 = arith.constant 0 : i32
    %dma_wait3A_55 = arith.constant 0 : i32
    %dma_wait3A_56 = tpu.memref_slice %arg10[%dma_wait3A_49, %dma_wait3A_54, %dma_wait3A_55] : memref<6x128x16xf32, #tpu.memory_space<vmem>> -> memref<1x128x16xf32, #tpu.memory_space<vmem>>
    %dma_wait3A_57 = tpu.memref_squeeze %dma_wait3A_56 : memref<1x128x16xf32, #tpu.memory_space<vmem>> -> memref<128x16xf32, #tpu.memory_space<vmem>>
    tpu.wait_dma2 semaphore(%arg19 : memref<!tpu.dma_semaphore, #tpu.memory_space<semaphore_mem>>) src(%arg4 : memref<128x16xf32, #tpu.memory_space<hbm>>) dst(%dma_wait3A_57 : memref<128x16xf32, #tpu.memory_space<vmem>>)
    %dma_wait3A_58 = arith.constant 3 : i32
    %dma_wait3A_59 = arith.constant 0 : i32
    %dma_wait3A_60 = arith.constant 0 : i32
    %dma_wait3A_61 = tpu.memref_slice %arg10[%dma_wait3A_58, %dma_wait3A_59, %dma_wait3A_60] : memref<6x128x16xf32, #tpu.memory_space<vmem>> -> memref<1x128x16xf32, #tpu.memory_space<vmem>>
    %dma_wait3A_62 = tpu.memref_squeeze %dma_wait3A_61 : memref<1x128x16xf32, #tpu.memory_space<vmem>> -> memref<128x16xf32, #tpu.memory_space<vmem>>
    %dma_wait3A_63 = arith.constant 0 : i32
    %dma_wait3A_64 = arith.constant 0 : i32
    %dma_wait3A_65 = tpu.memref_slice %arg10[%dma_wait3A_58, %dma_wait3A_63, %dma_wait3A_64] : memref<6x128x16xf32, #tpu.memory_space<vmem>> -> memref<1x128x16xf32, #tpu.memory_space<vmem>>
    %dma_wait3A_66 = tpu.memref_squeeze %dma_wait3A_65 : memref<1x128x16xf32, #tpu.memory_space<vmem>> -> memref<128x16xf32, #tpu.memory_space<vmem>>
    tpu.wait_dma2 semaphore(%arg19 : memref<!tpu.dma_semaphore, #tpu.memory_space<semaphore_mem>>) src(%arg4 : memref<128x16xf32, #tpu.memory_space<hbm>>) dst(%dma_wait3A_66 : memref<128x16xf32, #tpu.memory_space<vmem>>)
    %dma_wait3A_67 = arith.constant 3 : i32
    %dma_wait3A_68 = arith.constant 0 : i32
    %dma_wait3A_69 = arith.constant 0 : i32
    %dma_wait3A_70 = tpu.memref_slice %arg10[%dma_wait3A_67, %dma_wait3A_68, %dma_wait3A_69] : memref<6x128x16xf32, #tpu.memory_space<vmem>> -> memref<1x128x16xf32, #tpu.memory_space<vmem>>
    %dma_wait3A_71 = tpu.memref_squeeze %dma_wait3A_70 : memref<1x128x16xf32, #tpu.memory_space<vmem>> -> memref<128x16xf32, #tpu.memory_space<vmem>>
    %dma_wait3A_72 = arith.constant 0 : i32
    %dma_wait3A_73 = arith.constant 0 : i32
    %dma_wait3A_74 = tpu.memref_slice %arg10[%dma_wait3A_67, %dma_wait3A_72, %dma_wait3A_73] : memref<6x128x16xf32, #tpu.memory_space<vmem>> -> memref<1x128x16xf32, #tpu.memory_space<vmem>>
    %dma_wait3A_75 = tpu.memref_squeeze %dma_wait3A_74 : memref<1x128x16xf32, #tpu.memory_space<vmem>> -> memref<128x16xf32, #tpu.memory_space<vmem>>
    tpu.wait_dma2 semaphore(%arg19 : memref<!tpu.dma_semaphore, #tpu.memory_space<semaphore_mem>>) src(%arg4 : memref<128x16xf32, #tpu.memory_space<hbm>>) dst(%dma_wait3A_75 : memref<128x16xf32, #tpu.memory_space<vmem>>)
    %dma_wait3A_76 = arith.constant 4 : i32
    %dma_wait3A_77 = arith.constant 0 : i32
    %dma_wait3A_78 = arith.constant 0 : i32
    %dma_wait3A_79 = tpu.memref_slice %arg10[%dma_wait3A_76, %dma_wait3A_77, %dma_wait3A_78] : memref<6x128x16xf32, #tpu.memory_space<vmem>> -> memref<1x128x16xf32, #tpu.memory_space<vmem>>
    %dma_wait3A_80 = tpu.memref_squeeze %dma_wait3A_79 : memref<1x128x16xf32, #tpu.memory_space<vmem>> -> memref<128x16xf32, #tpu.memory_space<vmem>>
    %dma_wait3A_81 = arith.constant 0 : i32
    %dma_wait3A_82 = arith.constant 0 : i32
    %dma_wait3A_83 = tpu.memref_slice %arg10[%dma_wait3A_76, %dma_wait3A_81, %dma_wait3A_82] : memref<6x128x16xf32, #tpu.memory_space<vmem>> -> memref<1x128x16xf32, #tpu.memory_space<vmem>>
    %dma_wait3A_84 = tpu.memref_squeeze %dma_wait3A_83 : memref<1x128x16xf32, #tpu.memory_space<vmem>> -> memref<128x16xf32, #tpu.memory_space<vmem>>
    tpu.wait_dma2 semaphore(%arg20 : memref<!tpu.dma_semaphore, #tpu.memory_space<semaphore_mem>>) src(%arg4 : memref<128x16xf32, #tpu.memory_space<hbm>>) dst(%dma_wait3A_84 : memref<128x16xf32, #tpu.memory_space<vmem>>)
    %dma_wait3A_85 = arith.constant 4 : i32
    %dma_wait3A_86 = arith.constant 0 : i32
    %dma_wait3A_87 = arith.constant 0 : i32
    %dma_wait3A_88 = tpu.memref_slice %arg10[%dma_wait3A_85, %dma_wait3A_86, %dma_wait3A_87] : memref<6x128x16xf32, #tpu.memory_space<vmem>> -> memref<1x128x16xf32, #tpu.memory_space<vmem>>
    %dma_wait3A_89 = tpu.memref_squeeze %dma_wait3A_88 : memref<1x128x16xf32, #tpu.memory_space<vmem>> -> memref<128x16xf32, #tpu.memory_space<vmem>>
    %dma_wait3A_90 = arith.constant 0 : i32
    %dma_wait3A_91 = arith.constant 0 : i32
    %dma_wait3A_92 = tpu.memref_slice %arg10[%dma_wait3A_85, %dma_wait3A_90, %dma_wait3A_91] : memref<6x128x16xf32, #tpu.memory_space<vmem>> -> memref<1x128x16xf32, #tpu.memory_space<vmem>>
    %dma_wait3A_93 = tpu.memref_squeeze %dma_wait3A_92 : memref<1x128x16xf32, #tpu.memory_space<vmem>> -> memref<128x16xf32, #tpu.memory_space<vmem>>
    tpu.wait_dma2 semaphore(%arg20 : memref<!tpu.dma_semaphore, #tpu.memory_space<semaphore_mem>>) src(%arg4 : memref<128x16xf32, #tpu.memory_space<hbm>>) dst(%dma_wait3A_93 : memref<128x16xf32, #tpu.memory_space<vmem>>)
    %dma_wait3A_94 = arith.constant 5 : i32
    %dma_wait3A_95 = arith.constant 0 : i32
    %dma_wait3A_96 = arith.constant 0 : i32
    %dma_wait3A_97 = tpu.memref_slice %arg10[%dma_wait3A_94, %dma_wait3A_95, %dma_wait3A_96] : memref<6x128x16xf32, #tpu.memory_space<vmem>> -> memref<1x128x16xf32, #tpu.memory_space<vmem>>
    %dma_wait3A_98 = tpu.memref_squeeze %dma_wait3A_97 : memref<1x128x16xf32, #tpu.memory_space<vmem>> -> memref<128x16xf32, #tpu.memory_space<vmem>>
    %dma_wait3A_99 = arith.constant 0 : i32
    %dma_wait3A_100 = arith.constant 0 : i32
    %dma_wait3A_101 = tpu.memref_slice %arg10[%dma_wait3A_94, %dma_wait3A_99, %dma_wait3A_100] : memref<6x128x16xf32, #tpu.memory_space<vmem>> -> memref<1x128x16xf32, #tpu.memory_space<vmem>>
    %dma_wait3A_102 = tpu.memref_squeeze %dma_wait3A_101 : memref<1x128x16xf32, #tpu.memory_space<vmem>> -> memref<128x16xf32, #tpu.memory_space<vmem>>
    tpu.wait_dma2 semaphore(%arg20 : memref<!tpu.dma_semaphore, #tpu.memory_space<semaphore_mem>>) src(%arg4 : memref<128x16xf32, #tpu.memory_space<hbm>>) dst(%dma_wait3A_102 : memref<128x16xf32, #tpu.memory_space<vmem>>)
    %dma_wait3A_103 = arith.constant 5 : i32
    %dma_wait3A_104 = arith.constant 0 : i32
    %dma_wait3A_105 = arith.constant 0 : i32
    %dma_wait3A_106 = tpu.memref_slice %arg10[%dma_wait3A_103, %dma_wait3A_104, %dma_wait3A_105] : memref<6x128x16xf32, #tpu.memory_space<vmem>> -> memref<1x128x16xf32, #tpu.memory_space<vmem>>
    %dma_wait3A_107 = tpu.memref_squeeze %dma_wait3A_106 : memref<1x128x16xf32, #tpu.memory_space<vmem>> -> memref<128x16xf32, #tpu.memory_space<vmem>>
    %dma_wait3A_108 = arith.constant 0 : i32
    %dma_wait3A_109 = arith.constant 0 : i32
    %dma_wait3A_110 = tpu.memref_slice %arg10[%dma_wait3A_103, %dma_wait3A_108, %dma_wait3A_109] : memref<6x128x16xf32, #tpu.memory_space<vmem>> -> memref<1x128x16xf32, #tpu.memory_space<vmem>>
    %dma_wait3A_111 = tpu.memref_squeeze %dma_wait3A_110 : memref<1x128x16xf32, #tpu.memory_space<vmem>> -> memref<128x16xf32, #tpu.memory_space<vmem>>
    tpu.wait_dma2 semaphore(%arg20 : memref<!tpu.dma_semaphore, #tpu.memory_space<semaphore_mem>>) src(%arg4 : memref<128x16xf32, #tpu.memory_space<hbm>>) dst(%dma_wait3A_111 : memref<128x16xf32, #tpu.memory_space<vmem>>)
    %barrier3A_112 = arith.constant 0 : index
    tpu.barrier barrier_id(%barrier3A_112)
    %mul3A_113 = arith.constant 632 : i32
    %mul3A_114 = arith.muli %arg1, %mul3A_113 : i32
    %mul3A_115 = arith.constant 632 : i32
    %mul3A_116 = arith.muli %arg1, %mul3A_115 : i32
    "tpu.region"() ({
      %run_scoped3A_121 = tpu.sem_alloc : memref<!tpu.dma_semaphore, #tpu.memory_space<semaphore_mem>>
      %dma_start3A_122 = arith.constant 0 : i32
      %dma_start3A_123 = tpu.memref_slice %arg6[%arg0, %mul3A_116, %dma_start3A_122] : memref<2x10112x16xf32, #tpu.memory_space<hbm>> -> memref<1x632x16xf32, #tpu.memory_space<hbm>>
      %dma_start3A_124 = tpu.memref_squeeze %dma_start3A_123 : memref<1x632x16xf32, #tpu.memory_space<hbm>> -> memref<632x16xf32, #tpu.memory_space<hbm>>
      %dma_start3A_125 = arith.constant 0 : i32
      %dma_start3A_126 = tpu.memref_slice %arg13[%mul3A_114, %dma_start3A_125] : memref<10112x16xf32, #tpu.memory_space<vmem_shared>> -> memref<632x16xf32, #tpu.memory_space<vmem_shared>>
      tpu.enqueue_dma source(%dma_start3A_126 : memref<632x16xf32, #tpu.memory_space<vmem_shared>>) target(%dma_start3A_124 : memref<632x16xf32, #tpu.memory_space<hbm>>) target_semaphore(%run_scoped3A_121 : memref<!tpu.dma_semaphore, #tpu.memory_space<semaphore_mem>>)
      %dma_wait3A_127 = arith.constant 0 : i32
      %dma_wait3A_128 = tpu.memref_slice %arg6[%arg0, %mul3A_116, %dma_wait3A_127] : memref<2x10112x16xf32, #tpu.memory_space<hbm>> -> memref<1x632x16xf32, #tpu.memory_space<hbm>>
      %dma_wait3A_129 = tpu.memref_squeeze %dma_wait3A_128 : memref<1x632x16xf32, #tpu.memory_space<hbm>> -> memref<632x16xf32, #tpu.memory_space<hbm>>
      %dma_wait3A_130 = arith.constant 0 : i32
      %dma_wait3A_131 = tpu.memref_slice %arg13[%mul3A_114, %dma_wait3A_130] : memref<10112x16xf32, #tpu.memory_space<vmem_shared>> -> memref<632x16xf32, #tpu.memory_space<vmem_shared>>
      tpu.wait_dma2 semaphore(%run_scoped3A_121 : memref<!tpu.dma_semaphore, #tpu.memory_space<semaphore_mem>>) src(%dma_wait3A_131 : memref<632x16xf32, #tpu.memory_space<vmem_shared>>) dst(%dma_wait3A_129 : memref<632x16xf32, #tpu.memory_space<hbm>>)
      tpu.yield
    }) : () -> ()
    %mul3A_117 = arith.constant 632 : i32
    %mul3A_118 = arith.muli %arg1, %mul3A_117 : i32
    %mul3A_119 = arith.constant 632 : i32
    %mul3A_120 = arith.muli %arg1, %mul3A_119 : i32
    "tpu.region"() ({
      %run_scoped3A_121 = tpu.sem_alloc : memref<!tpu.dma_semaphore, #tpu.memory_space<semaphore_mem>>
      %dma_start3A_122 = arith.constant 0 : i32
      %dma_start3A_123 = tpu.memref_slice %arg7[%arg0, %mul3A_120, %dma_start3A_122] : memref<2x10112x16xf32, #tpu.memory_space<hbm>> -> memref<1x632x16xf32, #tpu.memory_space<hbm>>
      %dma_start3A_124 = tpu.memref_squeeze %dma_start3A_123 : memref<1x632x16xf32, #tpu.memory_space<hbm>> -> memref<632x16xf32, #tpu.memory_space<hbm>>
      %dma_start3A_125 = arith.constant 0 : i32
      %dma_start3A_126 = tpu.memref_slice %arg14[%mul3A_118, %dma_start3A_125] : memref<10112x16xf32, #tpu.memory_space<vmem_shared>> -> memref<632x16xf32, #tpu.memory_space<vmem_shared>>
      tpu.enqueue_dma source(%dma_start3A_126 : memref<632x16xf32, #tpu.memory_space<vmem_shared>>) target(%dma_start3A_124 : memref<632x16xf32, #tpu.memory_space<hbm>>) target_semaphore(%run_scoped3A_121 : memref<!tpu.dma_semaphore, #tpu.memory_space<semaphore_mem>>)
      %dma_wait3A_127 = arith.constant 0 : i32
      %dma_wait3A_128 = tpu.memref_slice %arg7[%arg0, %mul3A_120, %dma_wait3A_127] : memref<2x10112x16xf32, #tpu.memory_space<hbm>> -> memref<1x632x16xf32, #tpu.memory_space<hbm>>
      %dma_wait3A_129 = tpu.memref_squeeze %dma_wait3A_128 : memref<1x632x16xf32, #tpu.memory_space<hbm>> -> memref<632x16xf32, #tpu.memory_space<hbm>>
      %dma_wait3A_130 = arith.constant 0 : i32
      %dma_wait3A_131 = tpu.memref_slice %arg14[%mul3A_118, %dma_wait3A_130] : memref<10112x16xf32, #tpu.memory_space<vmem_shared>> -> memref<632x16xf32, #tpu.memory_space<vmem_shared>>
      tpu.wait_dma2 semaphore(%run_scoped3A_121 : memref<!tpu.dma_semaphore, #tpu.memory_space<semaphore_mem>>) src(%dma_wait3A_131 : memref<632x16xf32, #tpu.memory_space<vmem_shared>>) dst(%dma_wait3A_129 : memref<632x16xf32, #tpu.memory_space<hbm>>)
      tpu.yield
    }) : () -> ()
    return
  }
}

module attributes {stable_mosaic.version = 14 : i64} {
  func.func @_enc_body(%arg0: i32, %arg1: memref<50x6x10000xbf16, #tpu.memory_space<vmem>>, %arg2: memref<10000x128xf32, #tpu.memory_space<vmem>>, %arg3: memref<256x70xf32, #tpu.memory_space<vmem>>, %arg4: memref<256x1xf32, #tpu.memory_space<vmem>>, %arg5: memref<128x16xf32, #tpu.memory_space<vmem>>, %arg6: memref<32x16xf32, #tpu.memory_space<vmem>>, %arg7: memref<1x16xf32, #tpu.memory_space<vmem>>, %arg8: memref<10000x16xf32, #tpu.memory_space<vmem>>, %arg9: memref<70x10000xf32, #tpu.memory_space<vmem>>, %arg10: memref<32x10000xf32, #tpu.memory_space<vmem>>, %arg11: memref<32x10000xf32, #tpu.memory_space<vmem>>) attributes {dimension_semantics = [#tpu.dimension_semantics<arbitrary>], iteration_bounds = array<i64: 1>, scalar_prefetch = 0 : i64, scratch_operands = 3 : i64, tpu.core_type = #tpu.core_type<tc>, window_params = [{transform_indices = @transform_0, window_bounds = array<i64: 50, 6, 10000>}, {transform_indices = @transform_1, window_bounds = array<i64: 10000, 128>}, {pipeline_mode = #tpu.pipeline_mode<synchronous>, transform_indices = @transform_2, window_bounds = array<i64: 256, 70>}, {pipeline_mode = #tpu.pipeline_mode<synchronous>, transform_indices = @transform_3, window_bounds = array<i64: 256, 1>}, {pipeline_mode = #tpu.pipeline_mode<synchronous>, transform_indices = @transform_4, window_bounds = array<i64: 128, 16>}, {pipeline_mode = #tpu.pipeline_mode<synchronous>, transform_indices = @transform_5, window_bounds = array<i64: 32, 16>}, {pipeline_mode = #tpu.pipeline_mode<synchronous>, transform_indices = @transform_6, window_bounds = array<i64: 1, 16>}, {transform_indices = @transform_7, window_bounds = array<i64: 10000, 16>}]} {
    %broadcast_in_dim3A = arith.constant 0.000000e+00 : f32
    %broadcast_in_dim3A_0 = vector.broadcast %broadcast_in_dim3A : f32 to vector<32x10000xf32>
    %swap3A = arith.constant 0 : index
    %swap3A_1 = arith.constant 0 : index
    %swap3A_2 = vector.load %arg10[%swap3A, %swap3A_1] : memref<32x10000xf32, #tpu.memory_space<vmem>>, vector<32x10000xf32>
    tpu.vector_store %arg10[%swap3A, %swap3A_1], %broadcast_in_dim3A_0 {strides = array<i32>} : memref<32x10000xf32, #tpu.memory_space<vmem>>, vector<32x10000xf32>,
    %broadcast_in_dim3A_3 = arith.constant 0.000000e+00 : f32
    %broadcast_in_dim3A_4 = vector.broadcast %broadcast_in_dim3A_3 : f32 to vector<32x10000xf32>
    %swap3A_5 = arith.constant 0 : index
    %swap3A_6 = arith.constant 0 : index
    %swap3A_7 = vector.load %arg11[%swap3A_5, %swap3A_6] : memref<32x10000xf32, #tpu.memory_space<vmem>>, vector<32x10000xf32>
    tpu.vector_store %arg11[%swap3A_5, %swap3A_6], %broadcast_in_dim3A_4 {strides = array<i32>} : memref<32x10000xf32, #tpu.memory_space<vmem>>, vector<32x10000xf32>,
    %get3A = arith.constant 0 : index
    %get3A_8 = arith.constant 0 : index
    %get3A_9 = vector.load %arg3[%get3A, %get3A_8] : memref<256x70xf32, #tpu.memory_space<vmem>>, vector<256x70xf32>
    %get3A_10 = arith.constant 0 : index
    %get3A_11 = arith.constant 0 : index
    %get3A_12 = vector.load %arg4[%get3A_10, %get3A_11] : memref<256x1xf32, #tpu.memory_space<vmem>>, vector<256x1xf32>
    %broadcast_in_dim3A_13 = arith.constant 0.000000e+00 : f32
    %broadcast_in_dim3A_14 = vector.broadcast %broadcast_in_dim3A_13 : f32 to vector<70x10000xf32>
    %swap3A_15 = arith.constant 0 : index
    %swap3A_16 = arith.constant 0 : index
    %swap3A_17 = vector.load %arg9[%swap3A_15, %swap3A_16] : memref<70x10000xf32, #tpu.memory_space<vmem>>, vector<70x10000xf32>
    tpu.vector_store %arg9[%swap3A_15, %swap3A_16], %broadcast_in_dim3A_14 {strides = array<i32>} : memref<70x10000xf32, #tpu.memory_space<vmem>>, vector<70x10000xf32>,
    %get3A_18 = arith.constant 0 : index
    %get3A_19 = arith.constant 0 : index
    %get3A_20 = arith.constant 0 : index
    %get3A_21 = vector.load %arg1[%get3A_18, %get3A_19, %get3A_20] : memref<50x6x10000xbf16, #tpu.memory_space<vmem>>, vector<1x6x10000xbf16>
    %get3A_22 = vector.shape_cast %get3A_21 : vector<1x6x10000xbf16> to vector<6x10000xbf16>
    %convert_element_type3A = arith.extf %get3A_22 : vector<6x10000xbf16> to vector<6x10000xf32>
    %swap3A_23 = arith.constant 0 : index
    %swap3A_24 = arith.constant 0 : index
    %swap3A_25 = vector.load %arg9[%swap3A_23, %swap3A_24] : memref<70x10000xf32, #tpu.memory_space<vmem>>, vector<6x10000xf32>
    tpu.vector_store %arg9[%swap3A_23, %swap3A_24], %convert_element_type3A {strides = array<i32>} : memref<70x10000xf32, #tpu.memory_space<vmem>>, vector<6x10000xf32>,
    %get3A_26 = arith.constant 0 : index
    %get3A_27 = arith.constant 0 : index
    %get3A_28 = vector.load %arg9[%get3A_26, %get3A_27] : memref<70x10000xf32, #tpu.memory_space<vmem>>, vector<70x10000xf32>
    %dot_general3A = arith.constant dense<0.000000e+00> : vector<256x10000xf32>
    %dot_general3A_29 = tpu.matmul %get3A_9, %get3A_28, %dot_general3A {dimension_numbers = #tpu.dot_dimension_numbers<[1], [0], [0], [1], [0, 0, 1, 1], [], []>, transpose_lhs_hint = false} : vector<256x70xf32>, vector<70x10000xf32>, vector<256x10000xf32> -> vector<256x10000xf32>
    %add3A = vector.broadcast %get3A_12 : vector<256x1xf32> to vector<256x10000xf32>
    %add3A_30 = arith.addf %dot_general3A_29, %add3A : vector<256x10000xf32>
    %slice3A = vector.extract_strided_slice %add3A_30 {offsets = [0, 0], sizes = [128, 10000], strides = [1, 1]} : vector<256x10000xf32> to vector<128x10000xf32>
    %slice3A_31 = vector.extract_strided_slice %slice3A {offsets = [0, 0], sizes = [32, 10000], strides = [1, 1]} : vector<128x10000xf32> to vector<32x10000xf32>
    %mul3A = arith.constant 5.000000e-01 : f32
    %mul3A_32 = vector.broadcast %mul3A : f32 to vector<32x10000xf32>
    %mul3A_33 = arith.mulf %mul3A_32, %slice3A_31 : vector<32x10000xf32>
    %tanh3A = math.tanh %mul3A_33 : vector<32x10000xf32>
    %mul3A_34 = arith.constant 5.000000e-01 : f32
    %mul3A_35 = vector.broadcast %mul3A_34 : f32 to vector<32x10000xf32>
    %mul3A_36 = arith.mulf %mul3A_35, %tanh3A : vector<32x10000xf32>
    %add3A_37 = arith.constant 5.000000e-01 : f32
    %add3A_38 = vector.broadcast %add3A_37 : f32 to vector<32x10000xf32>
    %add3A_39 = arith.addf %mul3A_36, %add3A_38 : vector<32x10000xf32>
    %slice3A_40 = vector.extract_strided_slice %slice3A {offsets = [32, 0], sizes = [32, 10000], strides = [1, 1]} : vector<128x10000xf32> to vector<32x10000xf32>
    %mul3A_41 = arith.constant 5.000000e-01 : f32
    %mul3A_42 = vector.broadcast %mul3A_41 : f32 to vector<32x10000xf32>
    %mul3A_43 = arith.mulf %mul3A_42, %slice3A_40 : vector<32x10000xf32>
    %tanh3A_44 = math.tanh %mul3A_43 : vector<32x10000xf32>
    %mul3A_45 = arith.constant 5.000000e-01 : f32
    %mul3A_46 = vector.broadcast %mul3A_45 : f32 to vector<32x10000xf32>
    %mul3A_47 = arith.mulf %mul3A_46, %tanh3A_44 : vector<32x10000xf32>
    %add3A_48 = arith.constant 5.000000e-01 : f32
    %add3A_49 = vector.broadcast %add3A_48 : f32 to vector<32x10000xf32>
    %add3A_50 = arith.addf %mul3A_47, %add3A_49 : vector<32x10000xf32>
    %slice3A_51 = vector.extract_strided_slice %slice3A {offsets = [64, 0], sizes = [32, 10000], strides = [1, 1]} : vector<128x10000xf32> to vector<32x10000xf32>
    %tanh3A_52 = math.tanh %slice3A_51 : vector<32x10000xf32>
    %slice3A_53 = vector.extract_strided_slice %slice3A {offsets = [96, 0], sizes = [32, 10000], strides = [1, 1]} : vector<128x10000xf32> to vector<32x10000xf32>
    %mul3A_54 = arith.constant 5.000000e-01 : f32
    %mul3A_55 = vector.broadcast %mul3A_54 : f32 to vector<32x10000xf32>
    %mul3A_56 = arith.mulf %mul3A_55, %slice3A_53 : vector<32x10000xf32>
    %tanh3A_57 = math.tanh %mul3A_56 : vector<32x10000xf32>
    %mul3A_58 = arith.constant 5.000000e-01 : f32
    %mul3A_59 = vector.broadcast %mul3A_58 : f32 to vector<32x10000xf32>
    %mul3A_60 = arith.mulf %mul3A_59, %tanh3A_57 : vector<32x10000xf32>
    %add3A_61 = arith.constant 5.000000e-01 : f32
    %add3A_62 = vector.broadcast %add3A_61 : f32 to vector<32x10000xf32>
    %add3A_63 = arith.addf %mul3A_60, %add3A_62 : vector<32x10000xf32>
    %get3A_64 = arith.constant 0 : index
    %get3A_65 = arith.constant 0 : index
    %get3A_66 = vector.load %arg10[%get3A_64, %get3A_65] : memref<32x10000xf32, #tpu.memory_space<vmem>>, vector<32x10000xf32>
    %mul3A_67 = arith.mulf %add3A_50, %get3A_66 : vector<32x10000xf32>
    %mul3A_68 = arith.mulf %add3A_39, %tanh3A_52 : vector<32x10000xf32>
    %add3A_69 = arith.addf %mul3A_67, %mul3A_68 : vector<32x10000xf32>
    %swap3A_70 = arith.constant 0 : index
    %swap3A_71 = arith.constant 0 : index
    %swap3A_72 = vector.load %arg10[%swap3A_70, %swap3A_71] : memref<32x10000xf32, #tpu.memory_space<vmem>>, vector<32x10000xf32>
    tpu.vector_store %arg10[%swap3A_70, %swap3A_71], %add3A_69 {strides = array<i32>} : memref<32x10000xf32, #tpu.memory_space<vmem>>, vector<32x10000xf32>,
    %tanh3A_73 = math.tanh %add3A_69 : vector<32x10000xf32>
    %mul3A_74 = arith.mulf %add3A_63, %tanh3A_73 : vector<32x10000xf32>
    %swap3A_75 = arith.constant 6 : index
    %swap3A_76 = arith.constant 0 : index
    %swap3A_77 = vector.load %arg9[%swap3A_75, %swap3A_76] : memref<70x10000xf32, #tpu.memory_space<vmem>>, vector<32x10000xf32>
    tpu.vector_store %arg9[%swap3A_75, %swap3A_76], %mul3A_74 {strides = array<i32>} : memref<70x10000xf32, #tpu.memory_space<vmem>>, vector<32x10000xf32>,
    %scan3A = arith.constant 1 : i32
    %scan3A_78 = arith.constant 49 : i32
    %scan3A_79 = arith.addi %scan3A, %scan3A_78 : i32
    %scan3A_80 = arith.constant 1 : i32
    scf.for %scan3A_158 = %scan3A to %scan3A_79 step %scan3A_80  : i32 {
      %get3A_159 = arith.index_cast %scan3A_158 : i32 to index
      %get3A_160 = arith.constant 0 : index
      %get3A_161 = arith.constant 0 : index
      %get3A_162 = vector.load %arg1[%get3A_159, %get3A_160, %get3A_161] : memref<50x6x10000xbf16, #tpu.memory_space<vmem>>, vector<1x6x10000xbf16>
      %get3A_163 = vector.shape_cast %get3A_162 : vector<1x6x10000xbf16> to vector<6x10000xbf16>
      %convert_element_type3A_164 = arith.extf %get3A_163 : vector<6x10000xbf16> to vector<6x10000xf32>
      %swap3A_165 = arith.constant 0 : index
      %swap3A_166 = arith.constant 0 : index
      %swap3A_167 = vector.load %arg9[%swap3A_165, %swap3A_166] : memref<70x10000xf32, #tpu.memory_space<vmem>>, vector<6x10000xf32>
      tpu.vector_store %arg9[%swap3A_165, %swap3A_166], %convert_element_type3A_164 {strides = array<i32>} : memref<70x10000xf32, #tpu.memory_space<vmem>>, vector<6x10000xf32>,
      %get3A_168 = arith.constant 0 : index
      %get3A_169 = arith.constant 0 : index
      %get3A_170 = vector.load %arg9[%get3A_168, %get3A_169] : memref<70x10000xf32, #tpu.memory_space<vmem>>, vector<70x10000xf32>
      %dot_general3A_171 = arith.constant dense<0.000000e+00> : vector<256x10000xf32>
      %dot_general3A_172 = tpu.matmul %get3A_9, %get3A_170, %dot_general3A_171 {dimension_numbers = #tpu.dot_dimension_numbers<[1], [0], [0], [1], [0, 0, 1, 1], [], []>, transpose_lhs_hint = false} : vector<256x70xf32>, vector<70x10000xf32>, vector<256x10000xf32> -> vector<256x10000xf32>
      %add3A_173 = vector.broadcast %get3A_12 : vector<256x1xf32> to vector<256x10000xf32>
      %add3A_174 = arith.addf %dot_general3A_172, %add3A_173 : vector<256x10000xf32>
      %slice3A_175 = vector.extract_strided_slice %add3A_174 {offsets = [0, 0], sizes = [128, 10000], strides = [1, 1]} : vector<256x10000xf32> to vector<128x10000xf32>
      %slice3A_176 = vector.extract_strided_slice %slice3A_175 {offsets = [0, 0], sizes = [32, 10000], strides = [1, 1]} : vector<128x10000xf32> to vector<32x10000xf32>
      %mul3A_177 = arith.constant 5.000000e-01 : f32
      %mul3A_178 = vector.broadcast %mul3A_177 : f32 to vector<32x10000xf32>
      %mul3A_179 = arith.mulf %mul3A_178, %slice3A_176 : vector<32x10000xf32>
      %tanh3A_180 = math.tanh %mul3A_179 : vector<32x10000xf32>
      %mul3A_181 = arith.constant 5.000000e-01 : f32
      %mul3A_182 = vector.broadcast %mul3A_181 : f32 to vector<32x10000xf32>
      %mul3A_183 = arith.mulf %mul3A_182, %tanh3A_180 : vector<32x10000xf32>
      %add3A_184 = arith.constant 5.000000e-01 : f32
      %add3A_185 = vector.broadcast %add3A_184 : f32 to vector<32x10000xf32>
      %add3A_186 = arith.addf %mul3A_183, %add3A_185 : vector<32x10000xf32>
      %slice3A_187 = vector.extract_strided_slice %slice3A_175 {offsets = [32, 0], sizes = [32, 10000], strides = [1, 1]} : vector<128x10000xf32> to vector<32x10000xf32>
      %mul3A_188 = arith.constant 5.000000e-01 : f32
      %mul3A_189 = vector.broadcast %mul3A_188 : f32 to vector<32x10000xf32>
      %mul3A_190 = arith.mulf %mul3A_189, %slice3A_187 : vector<32x10000xf32>
      %tanh3A_191 = math.tanh %mul3A_190 : vector<32x10000xf32>
      %mul3A_192 = arith.constant 5.000000e-01 : f32
      %mul3A_193 = vector.broadcast %mul3A_192 : f32 to vector<32x10000xf32>
      %mul3A_194 = arith.mulf %mul3A_193, %tanh3A_191 : vector<32x10000xf32>
      %add3A_195 = arith.constant 5.000000e-01 : f32
      %add3A_196 = vector.broadcast %add3A_195 : f32 to vector<32x10000xf32>
      %add3A_197 = arith.addf %mul3A_194, %add3A_196 : vector<32x10000xf32>
      %slice3A_198 = vector.extract_strided_slice %slice3A_175 {offsets = [64, 0], sizes = [32, 10000], strides = [1, 1]} : vector<128x10000xf32> to vector<32x10000xf32>
      %tanh3A_199 = math.tanh %slice3A_198 : vector<32x10000xf32>
      %slice3A_200 = vector.extract_strided_slice %slice3A_175 {offsets = [96, 0], sizes = [32, 10000], strides = [1, 1]} : vector<128x10000xf32> to vector<32x10000xf32>
      %mul3A_201 = arith.constant 5.000000e-01 : f32
      %mul3A_202 = vector.broadcast %mul3A_201 : f32 to vector<32x10000xf32>
      %mul3A_203 = arith.mulf %mul3A_202, %slice3A_200 : vector<32x10000xf32>
      %tanh3A_204 = math.tanh %mul3A_203 : vector<32x10000xf32>
      %mul3A_205 = arith.constant 5.000000e-01 : f32
      %mul3A_206 = vector.broadcast %mul3A_205 : f32 to vector<32x10000xf32>
      %mul3A_207 = arith.mulf %mul3A_206, %tanh3A_204 : vector<32x10000xf32>
      %add3A_208 = arith.constant 5.000000e-01 : f32
      %add3A_209 = vector.broadcast %add3A_208 : f32 to vector<32x10000xf32>
      %add3A_210 = arith.addf %mul3A_207, %add3A_209 : vector<32x10000xf32>
      %get3A_211 = arith.constant 0 : index
      %get3A_212 = arith.constant 0 : index
      %get3A_213 = vector.load %arg10[%get3A_211, %get3A_212] : memref<32x10000xf32, #tpu.memory_space<vmem>>, vector<32x10000xf32>
      %mul3A_214 = arith.mulf %add3A_197, %get3A_213 : vector<32x10000xf32>
      %mul3A_215 = arith.mulf %add3A_186, %tanh3A_199 : vector<32x10000xf32>
      %add3A_216 = arith.addf %mul3A_214, %mul3A_215 : vector<32x10000xf32>
      %swap3A_217 = arith.constant 0 : index
      %swap3A_218 = arith.constant 0 : index
      %swap3A_219 = vector.load %arg10[%swap3A_217, %swap3A_218] : memref<32x10000xf32, #tpu.memory_space<vmem>>, vector<32x10000xf32>
      tpu.vector_store %arg10[%swap3A_217, %swap3A_218], %add3A_216 {strides = array<i32>} : memref<32x10000xf32, #tpu.memory_space<vmem>>, vector<32x10000xf32>,
      %tanh3A_220 = math.tanh %add3A_216 : vector<32x10000xf32>
      %mul3A_221 = arith.mulf %add3A_210, %tanh3A_220 : vector<32x10000xf32>
      %slice3A_222 = vector.extract_strided_slice %add3A_174 {offsets = [128, 0], sizes = [128, 10000], strides = [1, 1]} : vector<256x10000xf32> to vector<128x10000xf32>
      %slice3A_223 = vector.extract_strided_slice %slice3A_222 {offsets = [0, 0], sizes = [32, 10000], strides = [1, 1]} : vector<128x10000xf32> to vector<32x10000xf32>
      %mul3A_224 = arith.constant 5.000000e-01 : f32
      %mul3A_225 = vector.broadcast %mul3A_224 : f32 to vector<32x10000xf32>
      %mul3A_226 = arith.mulf %mul3A_225, %slice3A_223 : vector<32x10000xf32>
      %tanh3A_227 = math.tanh %mul3A_226 : vector<32x10000xf32>
      %mul3A_228 = arith.constant 5.000000e-01 : f32
      %mul3A_229 = vector.broadcast %mul3A_228 : f32 to vector<32x10000xf32>
      %mul3A_230 = arith.mulf %mul3A_229, %tanh3A_227 : vector<32x10000xf32>
      %add3A_231 = arith.constant 5.000000e-01 : f32
      %add3A_232 = vector.broadcast %add3A_231 : f32 to vector<32x10000xf32>
      %add3A_233 = arith.addf %mul3A_230, %add3A_232 : vector<32x10000xf32>
      %slice3A_234 = vector.extract_strided_slice %slice3A_222 {offsets = [32, 0], sizes = [32, 10000], strides = [1, 1]} : vector<128x10000xf32> to vector<32x10000xf32>
      %mul3A_235 = arith.constant 5.000000e-01 : f32
      %mul3A_236 = vector.broadcast %mul3A_235 : f32 to vector<32x10000xf32>
      %mul3A_237 = arith.mulf %mul3A_236, %slice3A_234 : vector<32x10000xf32>
      %tanh3A_238 = math.tanh %mul3A_237 : vector<32x10000xf32>
      %mul3A_239 = arith.constant 5.000000e-01 : f32
      %mul3A_240 = vector.broadcast %mul3A_239 : f32 to vector<32x10000xf32>
      %mul3A_241 = arith.mulf %mul3A_240, %tanh3A_238 : vector<32x10000xf32>
      %add3A_242 = arith.constant 5.000000e-01 : f32
      %add3A_243 = vector.broadcast %add3A_242 : f32 to vector<32x10000xf32>
      %add3A_244 = arith.addf %mul3A_241, %add3A_243 : vector<32x10000xf32>
      %slice3A_245 = vector.extract_strided_slice %slice3A_222 {offsets = [64, 0], sizes = [32, 10000], strides = [1, 1]} : vector<128x10000xf32> to vector<32x10000xf32>
      %tanh3A_246 = math.tanh %slice3A_245 : vector<32x10000xf32>
      %slice3A_247 = vector.extract_strided_slice %slice3A_222 {offsets = [96, 0], sizes = [32, 10000], strides = [1, 1]} : vector<128x10000xf32> to vector<32x10000xf32>
      %mul3A_248 = arith.constant 5.000000e-01 : f32
      %mul3A_249 = vector.broadcast %mul3A_248 : f32 to vector<32x10000xf32>
      %mul3A_250 = arith.mulf %mul3A_249, %slice3A_247 : vector<32x10000xf32>
      %tanh3A_251 = math.tanh %mul3A_250 : vector<32x10000xf32>
      %mul3A_252 = arith.constant 5.000000e-01 : f32
      %mul3A_253 = vector.broadcast %mul3A_252 : f32 to vector<32x10000xf32>
      %mul3A_254 = arith.mulf %mul3A_253, %tanh3A_251 : vector<32x10000xf32>
      %add3A_255 = arith.constant 5.000000e-01 : f32
      %add3A_256 = vector.broadcast %add3A_255 : f32 to vector<32x10000xf32>
      %add3A_257 = arith.addf %mul3A_254, %add3A_256 : vector<32x10000xf32>
      %get3A_258 = arith.constant 0 : index
      %get3A_259 = arith.constant 0 : index
      %get3A_260 = vector.load %arg11[%get3A_258, %get3A_259] : memref<32x10000xf32, #tpu.memory_space<vmem>>, vector<32x10000xf32>
      %mul3A_261 = arith.mulf %add3A_244, %get3A_260 : vector<32x10000xf32>
      %mul3A_262 = arith.mulf %add3A_233, %tanh3A_246 : vector<32x10000xf32>
      %add3A_263 = arith.addf %mul3A_261, %mul3A_262 : vector<32x10000xf32>
      %swap3A_264 = arith.constant 0 : index
      %swap3A_265 = arith.constant 0 : index
      %swap3A_266 = vector.load %arg11[%swap3A_264, %swap3A_265] : memref<32x10000xf32, #tpu.memory_space<vmem>>, vector<32x10000xf32>
      tpu.vector_store %arg11[%swap3A_264, %swap3A_265], %add3A_263 {strides = array<i32>} : memref<32x10000xf32, #tpu.memory_space<vmem>>, vector<32x10000xf32>,
      %tanh3A_267 = math.tanh %add3A_263 : vector<32x10000xf32>
      %mul3A_268 = arith.mulf %add3A_257, %tanh3A_267 : vector<32x10000xf32>
      %swap3A_269 = arith.constant 6 : index
      %swap3A_270 = arith.constant 0 : index
      %swap3A_271 = vector.load %arg9[%swap3A_269, %swap3A_270] : memref<70x10000xf32, #tpu.memory_space<vmem>>, vector<32x10000xf32>
      tpu.vector_store %arg9[%swap3A_269, %swap3A_270], %mul3A_221 {strides = array<i32>} : memref<70x10000xf32, #tpu.memory_space<vmem>>, vector<32x10000xf32>,
      %swap3A_272 = arith.constant 38 : index
      %swap3A_273 = arith.constant 0 : index
      %swap3A_274 = vector.load %arg9[%swap3A_272, %swap3A_273] : memref<70x10000xf32, #tpu.memory_space<vmem>>, vector<32x10000xf32>
      tpu.vector_store %arg9[%swap3A_272, %swap3A_273], %mul3A_268 {strides = array<i32>} : memref<70x10000xf32, #tpu.memory_space<vmem>>, vector<32x10000xf32>,
    }
    %scan3A_81 = arith.constant 49 : i32
    %get3A_82 = arith.constant 0 : index
    %get3A_83 = arith.constant 0 : index
    %get3A_84 = vector.load %arg9[%get3A_82, %get3A_83] : memref<70x10000xf32, #tpu.memory_space<vmem>>, vector<70x10000xf32>
    %dot_general3A_85 = arith.constant dense<0.000000e+00> : vector<256x10000xf32>
    %dot_general3A_86 = tpu.matmul %get3A_9, %get3A_84, %dot_general3A_85 {dimension_numbers = #tpu.dot_dimension_numbers<[1], [0], [0], [1], [0, 0, 1, 1], [], []>, transpose_lhs_hint = false} : vector<256x70xf32>, vector<70x10000xf32>, vector<256x10000xf32> -> vector<256x10000xf32>
    %add3A_87 = vector.broadcast %get3A_12 : vector<256x1xf32> to vector<256x10000xf32>
    %add3A_88 = arith.addf %dot_general3A_86, %add3A_87 : vector<256x10000xf32>
    %slice3A_89 = vector.extract_strided_slice %add3A_88 {offsets = [128, 0], sizes = [128, 10000], strides = [1, 1]} : vector<256x10000xf32> to vector<128x10000xf32>
    %slice3A_90 = vector.extract_strided_slice %slice3A_89 {offsets = [0, 0], sizes = [32, 10000], strides = [1, 1]} : vector<128x10000xf32> to vector<32x10000xf32>
    %mul3A_91 = arith.constant 5.000000e-01 : f32
    %mul3A_92 = vector.broadcast %mul3A_91 : f32 to vector<32x10000xf32>
    %mul3A_93 = arith.mulf %mul3A_92, %slice3A_90 : vector<32x10000xf32>
    %tanh3A_94 = math.tanh %mul3A_93 : vector<32x10000xf32>
    %mul3A_95 = arith.constant 5.000000e-01 : f32
    %mul3A_96 = vector.broadcast %mul3A_95 : f32 to vector<32x10000xf32>
    %mul3A_97 = arith.mulf %mul3A_96, %tanh3A_94 : vector<32x10000xf32>
    %add3A_98 = arith.constant 5.000000e-01 : f32
    %add3A_99 = vector.broadcast %add3A_98 : f32 to vector<32x10000xf32>
    %add3A_100 = arith.addf %mul3A_97, %add3A_99 : vector<32x10000xf32>
    %slice3A_101 = vector.extract_strided_slice %slice3A_89 {offsets = [32, 0], sizes = [32, 10000], strides = [1, 1]} : vector<128x10000xf32> to vector<32x10000xf32>
    %mul3A_102 = arith.constant 5.000000e-01 : f32
    %mul3A_103 = vector.broadcast %mul3A_102 : f32 to vector<32x10000xf32>
    %mul3A_104 = arith.mulf %mul3A_103, %slice3A_101 : vector<32x10000xf32>
    %tanh3A_105 = math.tanh %mul3A_104 : vector<32x10000xf32>
    %mul3A_106 = arith.constant 5.000000e-01 : f32
    %mul3A_107 = vector.broadcast %mul3A_106 : f32 to vector<32x10000xf32>
    %mul3A_108 = arith.mulf %mul3A_107, %tanh3A_105 : vector<32x10000xf32>
    %add3A_109 = arith.constant 5.000000e-01 : f32
    %add3A_110 = vector.broadcast %add3A_109 : f32 to vector<32x10000xf32>
    %add3A_111 = arith.addf %mul3A_108, %add3A_110 : vector<32x10000xf32>
    %slice3A_112 = vector.extract_strided_slice %slice3A_89 {offsets = [64, 0], sizes = [32, 10000], strides = [1, 1]} : vector<128x10000xf32> to vector<32x10000xf32>
    %tanh3A_113 = math.tanh %slice3A_112 : vector<32x10000xf32>
    %slice3A_114 = vector.extract_strided_slice %slice3A_89 {offsets = [96, 0], sizes = [32, 10000], strides = [1, 1]} : vector<128x10000xf32> to vector<32x10000xf32>
    %mul3A_115 = arith.constant 5.000000e-01 : f32
    %mul3A_116 = vector.broadcast %mul3A_115 : f32 to vector<32x10000xf32>
    %mul3A_117 = arith.mulf %mul3A_116, %slice3A_114 : vector<32x10000xf32>
    %tanh3A_118 = math.tanh %mul3A_117 : vector<32x10000xf32>
    %mul3A_119 = arith.constant 5.000000e-01 : f32
    %mul3A_120 = vector.broadcast %mul3A_119 : f32 to vector<32x10000xf32>
    %mul3A_121 = arith.mulf %mul3A_120, %tanh3A_118 : vector<32x10000xf32>
    %add3A_122 = arith.constant 5.000000e-01 : f32
    %add3A_123 = vector.broadcast %add3A_122 : f32 to vector<32x10000xf32>
    %add3A_124 = arith.addf %mul3A_121, %add3A_123 : vector<32x10000xf32>
    %get3A_125 = arith.constant 0 : index
    %get3A_126 = arith.constant 0 : index
    %get3A_127 = vector.load %arg11[%get3A_125, %get3A_126] : memref<32x10000xf32, #tpu.memory_space<vmem>>, vector<32x10000xf32>
    %mul3A_128 = arith.mulf %add3A_111, %get3A_127 : vector<32x10000xf32>
    %mul3A_129 = arith.mulf %add3A_100, %tanh3A_113 : vector<32x10000xf32>
    %add3A_130 = arith.addf %mul3A_128, %mul3A_129 : vector<32x10000xf32>
    %swap3A_131 = arith.constant 0 : index
    %swap3A_132 = arith.constant 0 : index
    %swap3A_133 = vector.load %arg11[%swap3A_131, %swap3A_132] : memref<32x10000xf32, #tpu.memory_space<vmem>>, vector<32x10000xf32>
    tpu.vector_store %arg11[%swap3A_131, %swap3A_132], %add3A_130 {strides = array<i32>} : memref<32x10000xf32, #tpu.memory_space<vmem>>, vector<32x10000xf32>,
    %tanh3A_134 = math.tanh %add3A_130 : vector<32x10000xf32>
    %mul3A_135 = arith.mulf %add3A_124, %tanh3A_134 : vector<32x10000xf32>
    %get3A_136 = arith.constant 0 : index
    %get3A_137 = arith.constant 0 : index
    %get3A_138 = vector.load %arg2[%get3A_136, %get3A_137] : memref<10000x128xf32, #tpu.memory_space<vmem>>, vector<10000x128xf32>
    %get3A_139 = arith.constant 0 : index
    %get3A_140 = arith.constant 0 : index
    %get3A_141 = vector.load %arg5[%get3A_139, %get3A_140] : memref<128x16xf32, #tpu.memory_space<vmem>>, vector<128x16xf32>
    %dot_general3A_142 = arith.constant dense<0.000000e+00> : vector<10000x16xf32>
    %dot_general3A_143 = tpu.matmul %get3A_138, %get3A_141, %dot_general3A_142 {dimension_numbers = #tpu.dot_dimension_numbers<[1], [0], [0], [1], [0, 0, 1, 1], [], []>, transpose_lhs_hint = false} : vector<10000x128xf32>, vector<128x16xf32>, vector<10000x16xf32> -> vector<10000x16xf32>
    %get3A_144 = arith.constant 0 : index
    %get3A_145 = arith.constant 0 : index
    %get3A_146 = vector.load %arg6[%get3A_144, %get3A_145] : memref<32x16xf32, #tpu.memory_space<vmem>>, vector<32x16xf32>
    %dot_general3A_147 = arith.constant dense<0.000000e+00> : vector<10000x16xf32>
    %dot_general3A_148 = tpu.matmul %mul3A_135, %get3A_146, %dot_general3A_147 {dimension_numbers = #tpu.dot_dimension_numbers<[0], [0], [1], [1], [0, 1, 1, 1], [], []>, transpose_lhs_hint = false} : vector<32x10000xf32>, vector<32x16xf32>, vector<10000x16xf32> -> vector<10000x16xf32>
    %add3A_149 = arith.addf %dot_general3A_143, %dot_general3A_148 : vector<10000x16xf32>
    %get3A_150 = arith.constant 0 : index
    %get3A_151 = arith.constant 0 : index
    %get3A_152 = vector.load %arg7[%get3A_150, %get3A_151] : memref<1x16xf32, #tpu.memory_space<vmem>>, vector<1x16xf32>
    %add3A_153 = vector.broadcast %get3A_152 : vector<1x16xf32> to vector<10000x16xf32>
    %add3A_154 = arith.addf %add3A_149, %add3A_153 : vector<10000x16xf32>
    %swap3A_155 = arith.constant 0 : index
    %swap3A_156 = arith.constant 0 : index
    %swap3A_157 = vector.load %arg8[%swap3A_155, %swap3A_156] : memref<10000x16xf32, #tpu.memory_space<vmem>>, vector<10000x16xf32>
    tpu.vector_store %arg8[%swap3A_155, %swap3A_156], %add3A_154 {strides = array<i32>} : memref<10000x16xf32, #tpu.memory_space<vmem>>, vector<10000x16xf32>,
    return
  }
  func.func @transform_0(%arg0: i32) -> (i32, i32, i32) {
    %c0_i32 = arith.constant 0 : i32
    %c0_i32_0 = arith.constant 0 : i32
    %c0_i32_1 = arith.constant 0 : i32
    return %c0_i32, %c0_i32_0, %arg0 : i32, i32, i32
  }
  func.func @transform_1(%arg0: i32) -> (i32, i32) {
    %c0_i32 = arith.constant 0 : i32
    %c0_i32_0 = arith.constant 0 : i32
    return %arg0, %c0_i32 : i32, i32
  }
  func.func @transform_2(%arg0: i32) -> (i32, i32) {
    %c0_i32 = arith.constant 0 : i32
    %c0_i32_0 = arith.constant 0 : i32
    %c0_i32_1 = arith.constant 0 : i32
    return %c0_i32, %c0_i32_0 : i32, i32
  }
  func.func @transform_3(%arg0: i32) -> (i32, i32) {
    %c0_i32 = arith.constant 0 : i32
    %c0_i32_0 = arith.constant 0 : i32
    %c0_i32_1 = arith.constant 0 : i32
    return %c0_i32, %c0_i32_0 : i32, i32
  }
  func.func @transform_4(%arg0: i32) -> (i32, i32) {
    %c0_i32 = arith.constant 0 : i32
    %c0_i32_0 = arith.constant 0 : i32
    %c0_i32_1 = arith.constant 0 : i32
    return %c0_i32, %c0_i32_0 : i32, i32
  }
  func.func @transform_5(%arg0: i32) -> (i32, i32) {
    %c0_i32 = arith.constant 0 : i32
    %c0_i32_0 = arith.constant 0 : i32
    %c0_i32_1 = arith.constant 0 : i32
    return %c0_i32, %c0_i32_0 : i32, i32
  }
  func.func @transform_6(%arg0: i32) -> (i32, i32) {
    %c0_i32 = arith.constant 0 : i32
    %c0_i32_0 = arith.constant 0 : i32
    %c0_i32_1 = arith.constant 0 : i32
    return %c0_i32, %c0_i32_0 : i32, i32
  }
  func.func @transform_7(%arg0: i32) -> (i32, i32) {
    %c0_i32 = arith.constant 0 : i32
    %c0_i32_0 = arith.constant 0 : i32
    return %arg0, %c0_i32 : i32, i32
  }
}

module attributes {stable_mosaic.version = 14 : i64} {
  func.func @_proj_body(%arg0: memref<10000x128xf32, #tpu.memory_space<vmem>>, %arg1: memref<128x16xf32, #tpu.memory_space<vmem>>, %arg2: memref<1x16xf32, #tpu.memory_space<vmem>>, %arg3: memref<10000x16xf32, #tpu.memory_space<vmem>>) attributes {dimension_semantics = [], scalar_prefetch = 0 : i64, scratch_operands = 0 : i64, tpu.core_type = #tpu.core_type<tc>} {
    %get3A = arith.constant 0 : index
    %get3A_0 = arith.constant 0 : index
    %get3A_1 = vector.load %arg0[%get3A, %get3A_0] : memref<10000x128xf32, #tpu.memory_space<vmem>>, vector<10000x128xf32>
    %get3A_2 = arith.constant 0 : index
    %get3A_3 = arith.constant 0 : index
    %get3A_4 = vector.load %arg1[%get3A_2, %get3A_3] : memref<128x16xf32, #tpu.memory_space<vmem>>, vector<128x16xf32>
    %dot_general3A = arith.constant dense<0.000000e+00> : vector<10000x16xf32>
    %dot_general3A_5 = tpu.matmul %get3A_1, %get3A_4, %dot_general3A {dimension_numbers = #tpu.dot_dimension_numbers<[1], [0], [0], [1], [0, 0, 1, 1], [], []>, transpose_lhs_hint = false} : vector<10000x128xf32>, vector<128x16xf32>, vector<10000x16xf32> -> vector<10000x16xf32>
    %get3A_6 = arith.constant 0 : index
    %get3A_7 = arith.constant 0 : index
    %get3A_8 = vector.load %arg2[%get3A_6, %get3A_7] : memref<1x16xf32, #tpu.memory_space<vmem>>, vector<1x16xf32>
    %add3A = vector.broadcast %get3A_8 : vector<1x16xf32> to vector<10000x16xf32>
    %add3A_9 = arith.addf %dot_general3A_5, %add3A : vector<10000x16xf32>
    %swap3A = arith.constant 0 : index
    %swap3A_10 = arith.constant 0 : index
    %swap3A_11 = vector.load %arg3[%swap3A, %swap3A_10] : memref<10000x16xf32, #tpu.memory_space<vmem>>, vector<10000x16xf32>
    tpu.vector_store %arg3[%swap3A, %swap3A_10], %add3A_9 {strides = array<i32>} : memref<10000x16xf32, #tpu.memory_space<vmem>>, vector<10000x16xf32>,
    return
  }
}

module attributes {stable_mosaic.version = 14 : i64} {
  func.func @_fin_body(%arg0: memref<2x1264x128xf32, #tpu.memory_space<vmem>>, %arg1: memref<2x1264x128xf32, #tpu.memory_space<vmem>>, %arg2: memref<2x1264x128xf32, #tpu.memory_space<vmem>>, %arg3: memref<2x1264x128xf32, #tpu.memory_space<vmem>>, %arg4: memref<1250x128xf32, #tpu.memory_space<vmem>>, %arg5: memref<1250x128xf32, #tpu.memory_space<vmem>>, %arg6: memref<2x128x64xf32, #tpu.memory_space<vmem>>, %arg7: memref<2x128x64xf32, #tpu.memory_space<vmem>>, %arg8: memref<2x1x64xf32, #tpu.memory_space<vmem>>, %arg9: memref<1250x64xf32, #tpu.memory_space<vmem>>, %arg10: memref<1250x64xf32, #tpu.memory_space<vmem>>) attributes {dimension_semantics = [], scalar_prefetch = 0 : i64, scratch_operands = 0 : i64, tpu.core_type = #tpu.core_type<tc>} {
    %get3A = arith.constant 0 : index
    %get3A_0 = arith.constant 0 : index
    %get3A_1 = arith.constant 0 : index
    %get3A_2 = vector.load %arg0[%get3A, %get3A_0, %get3A_1] : memref<2x1264x128xf32, #tpu.memory_space<vmem>>, vector<1x1250x128xf32>
    %get3A_3 = vector.shape_cast %get3A_2 : vector<1x1250x128xf32> to vector<1250x128xf32>
    %get3A_4 = arith.constant 1 : index
    %get3A_5 = arith.constant 0 : index
    %get3A_6 = arith.constant 0 : index
    %get3A_7 = vector.load %arg0[%get3A_4, %get3A_5, %get3A_6] : memref<2x1264x128xf32, #tpu.memory_space<vmem>>, vector<1x1250x128xf32>
    %get3A_8 = vector.shape_cast %get3A_7 : vector<1x1250x128xf32> to vector<1250x128xf32>
    %add3A = arith.addf %get3A_3, %get3A_8 : vector<1250x128xf32>
    %get3A_9 = arith.constant 0 : index
    %get3A_10 = arith.constant 0 : index
    %get3A_11 = arith.constant 0 : index
    %get3A_12 = vector.load %arg1[%get3A_9, %get3A_10, %get3A_11] : memref<2x1264x128xf32, #tpu.memory_space<vmem>>, vector<1x1250x128xf32>
    %get3A_13 = vector.shape_cast %get3A_12 : vector<1x1250x128xf32> to vector<1250x128xf32>
    %get3A_14 = arith.constant 1 : index
    %get3A_15 = arith.constant 0 : index
    %get3A_16 = arith.constant 0 : index
    %get3A_17 = vector.load %arg1[%get3A_14, %get3A_15, %get3A_16] : memref<2x1264x128xf32, #tpu.memory_space<vmem>>, vector<1x1250x128xf32>
    %get3A_18 = vector.shape_cast %get3A_17 : vector<1x1250x128xf32> to vector<1250x128xf32>
    %add3A_19 = arith.addf %get3A_13, %get3A_18 : vector<1250x128xf32>
    %max3A = arith.constant 1.000000e+00 : f32
    %max3A_20 = vector.broadcast %max3A : f32 to vector<1250x128xf32>
    %max3A_21 = arith.maximumf %add3A_19, %max3A_20 : vector<1250x128xf32>
    %div3A = arith.divf %add3A, %max3A_21 : vector<1250x128xf32>
    %get3A_22 = arith.constant 0 : index
    %get3A_23 = arith.constant 0 : index
    %get3A_24 = arith.constant 0 : index
    %get3A_25 = vector.load %arg6[%get3A_22, %get3A_23, %get3A_24] : memref<2x128x64xf32, #tpu.memory_space<vmem>>, vector<1x128x64xf32>
    %get3A_26 = vector.shape_cast %get3A_25 : vector<1x128x64xf32> to vector<128x64xf32>
    %dot_general3A = arith.constant dense<0.000000e+00> : vector<1250x64xf32>
    %dot_general3A_27 = tpu.matmul %div3A, %get3A_26, %dot_general3A {dimension_numbers = #tpu.dot_dimension_numbers<[1], [0], [0], [1], [0, 0, 1, 1], [], []>, transpose_lhs_hint = false} : vector<1250x128xf32>, vector<128x64xf32>, vector<1250x64xf32> -> vector<1250x64xf32>
    %get3A_28 = arith.constant 0 : index
    %get3A_29 = arith.constant 0 : index
    %get3A_30 = vector.load %arg4[%get3A_28, %get3A_29] : memref<1250x128xf32, #tpu.memory_space<vmem>>, vector<1250x128xf32>
    %get3A_31 = arith.constant 0 : index
    %get3A_32 = arith.constant 0 : index
    %get3A_33 = arith.constant 0 : index
    %get3A_34 = vector.load %arg7[%get3A_31, %get3A_32, %get3A_33] : memref<2x128x64xf32, #tpu.memory_space<vmem>>, vector<1x128x64xf32>
    %get3A_35 = vector.shape_cast %get3A_34 : vector<1x128x64xf32> to vector<128x64xf32>
    %dot_general3A_36 = arith.constant dense<0.000000e+00> : vector<1250x64xf32>
    %dot_general3A_37 = tpu.matmul %get3A_30, %get3A_35, %dot_general3A_36 {dimension_numbers = #tpu.dot_dimension_numbers<[1], [0], [0], [1], [0, 0, 1, 1], [], []>, transpose_lhs_hint = false} : vector<1250x128xf32>, vector<128x64xf32>, vector<1250x64xf32> -> vector<1250x64xf32>
    %add3A_38 = arith.addf %dot_general3A_27, %dot_general3A_37 : vector<1250x64xf32>
    %get3A_39 = arith.constant 0 : index
    %get3A_40 = arith.constant 0 : index
    %get3A_41 = arith.constant 0 : index
    %get3A_42 = vector.load %arg8[%get3A_39, %get3A_40, %get3A_41] : memref<2x1x64xf32, #tpu.memory_space<vmem>>, vector<1x1x64xf32>
    %get3A_43 = vector.shape_cast %get3A_42 : vector<1x1x64xf32> to vector<1x64xf32>
    %add3A_44 = vector.broadcast %get3A_43 : vector<1x64xf32> to vector<1250x64xf32>
    %add3A_45 = arith.addf %add3A_38, %add3A_44 : vector<1250x64xf32>
    %max3A_46 = arith.constant 0.000000e+00 : f32
    %max3A_47 = vector.broadcast %max3A_46 : f32 to vector<1250x64xf32>
    %max3A_48 = arith.maximumf %add3A_45, %max3A_47 : vector<1250x64xf32>
    %swap3A = arith.constant 0 : index
    %swap3A_49 = arith.constant 0 : index
    %swap3A_50 = vector.load %arg9[%swap3A, %swap3A_49] : memref<1250x64xf32, #tpu.memory_space<vmem>>, vector<1250x64xf32>
    tpu.vector_store %arg9[%swap3A, %swap3A_49], %max3A_48 {strides = array<i32>} : memref<1250x64xf32, #tpu.memory_space<vmem>>, vector<1250x64xf32>,
    %get3A_51 = arith.constant 0 : index
    %get3A_52 = arith.constant 0 : index
    %get3A_53 = arith.constant 0 : index
    %get3A_54 = vector.load %arg2[%get3A_51, %get3A_52, %get3A_53] : memref<2x1264x128xf32, #tpu.memory_space<vmem>>, vector<1x1250x128xf32>
    %get3A_55 = vector.shape_cast %get3A_54 : vector<1x1250x128xf32> to vector<1250x128xf32>
    %get3A_56 = arith.constant 1 : index
    %get3A_57 = arith.constant 0 : index
    %get3A_58 = arith.constant 0 : index
    %get3A_59 = vector.load %arg2[%get3A_56, %get3A_57, %get3A_58] : memref<2x1264x128xf32, #tpu.memory_space<vmem>>, vector<1x1250x128xf32>
    %get3A_60 = vector.shape_cast %get3A_59 : vector<1x1250x128xf32> to vector<1250x128xf32>
    %add3A_61 = arith.addf %get3A_55, %get3A_60 : vector<1250x128xf32>
    %get3A_62 = arith.constant 0 : index
    %get3A_63 = arith.constant 0 : index
    %get3A_64 = arith.constant 0 : index
    %get3A_65 = vector.load %arg3[%get3A_62, %get3A_63, %get3A_64] : memref<2x1264x128xf32, #tpu.memory_space<vmem>>, vector<1x1250x128xf32>
    %get3A_66 = vector.shape_cast %get3A_65 : vector<1x1250x128xf32> to vector<1250x128xf32>
    %get3A_67 = arith.constant 1 : index
    %get3A_68 = arith.constant 0 : index
    %get3A_69 = arith.constant 0 : index
    %get3A_70 = vector.load %arg3[%get3A_67, %get3A_68, %get3A_69] : memref<2x1264x128xf32, #tpu.memory_space<vmem>>, vector<1x1250x128xf32>
    %get3A_71 = vector.shape_cast %get3A_70 : vector<1x1250x128xf32> to vector<1250x128xf32>
    %add3A_72 = arith.addf %get3A_66, %get3A_71 : vector<1250x128xf32>
    %max3A_73 = arith.constant 1.000000e+00 : f32
    %max3A_74 = vector.broadcast %max3A_73 : f32 to vector<1250x128xf32>
    %max3A_75 = arith.maximumf %add3A_72, %max3A_74 : vector<1250x128xf32>
    %div3A_76 = arith.divf %add3A_61, %max3A_75 : vector<1250x128xf32>
    %get3A_77 = arith.constant 1 : index
    %get3A_78 = arith.constant 0 : index
    %get3A_79 = arith.constant 0 : index
    %get3A_80 = vector.load %arg6[%get3A_77, %get3A_78, %get3A_79] : memref<2x128x64xf32, #tpu.memory_space<vmem>>, vector<1x128x64xf32>
    %get3A_81 = vector.shape_cast %get3A_80 : vector<1x128x64xf32> to vector<128x64xf32>
    %dot_general3A_82 = arith.constant dense<0.000000e+00> : vector<1250x64xf32>
    %dot_general3A_83 = tpu.matmul %div3A_76, %get3A_81, %dot_general3A_82 {dimension_numbers = #tpu.dot_dimension_numbers<[1], [0], [0], [1], [0, 0, 1, 1], [], []>, transpose_lhs_hint = false} : vector<1250x128xf32>, vector<128x64xf32>, vector<1250x64xf32> -> vector<1250x64xf32>
    %get3A_84 = arith.constant 0 : index
    %get3A_85 = arith.constant 0 : index
    %get3A_86 = vector.load %arg5[%get3A_84, %get3A_85] : memref<1250x128xf32, #tpu.memory_space<vmem>>, vector<1250x128xf32>
    %get3A_87 = arith.constant 1 : index
    %get3A_88 = arith.constant 0 : index
    %get3A_89 = arith.constant 0 : index
    %get3A_90 = vector.load %arg7[%get3A_87, %get3A_88, %get3A_89] : memref<2x128x64xf32, #tpu.memory_space<vmem>>, vector<1x128x64xf32>
    %get3A_91 = vector.shape_cast %get3A_90 : vector<1x128x64xf32> to vector<128x64xf32>
    %dot_general3A_92 = arith.constant dense<0.000000e+00> : vector<1250x64xf32>
    %dot_general3A_93 = tpu.matmul %get3A_86, %get3A_91, %dot_general3A_92 {dimension_numbers = #tpu.dot_dimension_numbers<[1], [0], [0], [1], [0, 0, 1, 1], [], []>, transpose_lhs_hint = false} : vector<1250x128xf32>, vector<128x64xf32>, vector<1250x64xf32> -> vector<1250x64xf32>
    %add3A_94 = arith.addf %dot_general3A_83, %dot_general3A_93 : vector<1250x64xf32>
    %get3A_95 = arith.constant 1 : index
    %get3A_96 = arith.constant 0 : index
    %get3A_97 = arith.constant 0 : index
    %get3A_98 = vector.load %arg8[%get3A_95, %get3A_96, %get3A_97] : memref<2x1x64xf32, #tpu.memory_space<vmem>>, vector<1x1x64xf32>
    %get3A_99 = vector.shape_cast %get3A_98 : vector<1x1x64xf32> to vector<1x64xf32>
    %add3A_100 = vector.broadcast %get3A_99 : vector<1x64xf32> to vector<1250x64xf32>
    %add3A_101 = arith.addf %add3A_94, %add3A_100 : vector<1250x64xf32>
    %max3A_102 = arith.constant 0.000000e+00 : f32
    %max3A_103 = vector.broadcast %max3A_102 : f32 to vector<1250x64xf32>
    %max3A_104 = arith.maximumf %add3A_101, %max3A_103 : vector<1250x64xf32>
    %swap3A_105 = arith.constant 0 : index
    %swap3A_106 = arith.constant 0 : index
    %swap3A_107 = vector.load %arg10[%swap3A_105, %swap3A_106] : memref<1250x64xf32, #tpu.memory_space<vmem>>, vector<1250x64xf32>
    tpu.vector_store %arg10[%swap3A_105, %swap3A_106], %max3A_104 {strides = array<i32>} : memref<1250x64xf32, #tpu.memory_space<vmem>>, vector<1250x64xf32>,
    return
  }
}

</mosaic_0001>

<sc_bundles>
// kernel: kernel.10.cloned.1.call-start
scs
__scs_entry_jumppad:
0x0: {  	(pc) =	sbr.rel $0x88, $3  }
0x1: {  	(tag) =	ssettag $0x0;
	lr =	simm.s32 $0x1  }
0x2: {  	[smem:$0x3F88] =	sst lr;
	_ =	strace $0xD0000000  }
0x3: {  	_ = 	snop  }
0x4: {  	_ = 	snop  }
0x5: {  	_ = 	snop  }
0x6: {  	_ = 	snop  }
0x7: {  	_ = 	snop  }
__scs_overlays_trampoline_lowered:
0x8: {  	[smem:$0x3F97] =	sst s0  }
0x9: {  	[smem:$0x3F98] =	sst s1  }
0xa: {  	[smem:$0x3F99] =	sst s2  }
0xb: {  	[smem:$0x3F9A] =	sst s3  }
0xc: {  	[smem:$0x3F9B] =	sst s4  }
0xd: {  	[smem:$0x3F9C] =	sst s5  }
0xe: {  	[smem:$0x3F9D] =	sst s6  }
0xf: {  	[smem:$0x3F9E] =	sst s7  }
0x10: {  	[smem:$0x3F9F] =	sst s8  }
0x11: {  	[smem:$0x3FA0] =	sst s9;
	s0 =	simm.s32 @!p0 $0x0  }
0x12: {  	s1 =	sld [smem:$0x3F86];
	s0 =	simm.s32 @p0 $0x1  }
0x13: {  	[smem:$0x3FA1] =	sst s0;
	s0 =	simm.s32 @!p1 $0x0  }
0x14: {  	s2 =	sld [smem:$0x3F85];
	s0 =	simm.s32 @p1 $0x1  }
0x15: {  	[smem:$0x3FA2] =	sst s0;
	s0 =	simm.s32 @!p2 $0x0  }
0x16: {  	s3 =	sld [smem:$0x3FDB];
	s0 =	simm.s32 @p2 $0x1  }
0x17: {  	s4 =	simm.s32 $0x1BF5;
	[smem:$0x3FA4] =	sst s0  }
0x18: {  	s0 =	sld [smem:$0x3F87];
	_ =	swait.ge [sflag:s4], $0x0  }
0x19: {  	s7 =	sld [smem:$0x3F88]  }
0x1a: {  	s8 =	sadd.s32 $0xFFFFE003, lr  }
0x1b: {  	s9 =	sadd.s32 $0xFFFFFEF7, lr;
	s5 =	simm.s32 $0xFFFFFFFF;
	p2 =	slt.u32 s8, $0xFFFFF086  }
0x1c: {  	p1 =	slt.u32 s9, $0xF7A;
	s5 =	simm.s32 @!p2 $0x0  }
0x1d: {  	s5 =	simm.s32 @p1 $0x1;
	p0 =	seq.s32 s7, s2  }
0x1e: {  	s7 =	smul.u32 @!p0 $0xF7A, s2;
	p2 =	seq.s32 @!p0 s5, $0x0  }
0x1f: {  	s9 =	smul.u32 $0xF7A, s1;
	s8 =	simm.s32 @!p0 $0x1BF5;
	p2 =	por !p2, p0  }
0x20: {  	[sflag:s8] =	ssyncset.s32 @!p0 $0xFFFFF086;
	s6 =	sadd.s32 @!p0 s3, s7;
	s7 =	simm.s32 @!p0 $0x108  }
0x21: {  	s3 =	sadd.s32 s3, s9;
	s6 =	sadd.s32 @!p0 $0x88, s6;
	s7 =	simm.s32 @p2 $0x1082  }
0x22: {  	[simem:s7], [sflag:s8] =	dma.local @!p0 [hbm:s6], $0xF7A  }
0x23: {  	s9 =	sor.u32 $0xD0000000, s2;
	s6 =	simm.s32 $0x108;
	_ =	swait.ge @!p0 [sflag:s8], $0x0  }
0x24: {  	s3 =	sadd.s32 $0x88, s3;
	s6 =	simm.s32 @!p1 $0x1082;
	[sflag:s4] =	ssyncset.s32 $0xFFFFF086  }
0x25: {  	[simem:s6], [sflag:s4] =	dma.local [hbm:s3], $0xF7A  }
0x26: {  	[smem:$0x3F88] =	sst s1;
	(tag) =	ssettag s2;
	_ =	strace s9  }
0x27: {  	s1 =	sld [smem:$0x3F98]  }
0x28: {  	s2 =	sld [smem:$0x3F99]  }
0x29: {  	s4 =	sld [smem:$0x3F9B]  }
0x2a: {  	p0 =	seq.s32 s5, $0x0;
	s5 =	sld [smem:$0x3F9C]  }
0x2b: {  	s6 =	sld [smem:$0x3F9D]  }
0x2c: {  	s7 =	sld [smem:$0x3F9E]  }
0x2d: {  	s3 =	simm.s32 $0x108;
	s8 =	sld [smem:$0x3F9F]  }
0x2e: {  	s3 =	simm.s32 @!p0 $0x1082;
	s9 =	sld [smem:$0x3FA0]  }
0x2f: {  	lr =	sadd.s32 s0, s3;
	s0 =	sld [smem:$0x3F97]  }
0x30: {  	s3 =	sld [smem:$0x3F9A]  }
0x31: {  	[smem:$0x3FA3] =	sst s10  }
0x32: {  	s10 =	sld [smem:$0x3FA1];
	_ =	sdelay $0x3  }
0x33: {  	p0 =	seq.s32 s10, $0x1;
	s10 =	sld [smem:$0x3FA3];
	_ =	sdelay $0x3  }
0x34: {  	[smem:$0x3FA3] =	sst s10  }
0x35: {  	s10 =	sld [smem:$0x3FA2];
	_ =	sdelay $0x3  }
0x36: {  	p1 =	seq.s32 s10, $0x1;
	s10 =	sld [smem:$0x3FA3];
	_ =	sdelay $0x3  }
0x37: {  	[smem:$0x3FA3] =	sst s10  }
0x38: {  	s10 =	sld [smem:$0x3FA4]  }
0x39: {  	_ = 	snop;
	(pc) =	sbr.ind lr, $3  }
0x3a: {  	_ = 	snop  }
0x3b: {  	_ = 	snop  }
0x3c: {  	p2 =	seq.s32 s10, $0x1;
	s10 =	sld [smem:$0x3FA3]  }
0x3d: {  	_ =	shalt  }
0x3e: {  	_ =	shalt  }
0x3f: {  	_ =	shalt  }
0x40: {  	_ =	shalt  }
0x41: {  	_ =	shalt  }
0x42: {  	_ =	shalt  }
0x43: {  	_ =	shalt  }
0x44: {  	_ =	shalt  }
0x45: {  	_ =	shalt  }
0x46: {  	_ =	shalt  }
0x47: {  	_ =	shalt  }
0x48: {  	_ =	shalt  }
0x49: {  	_ =	shalt  }
0x4a: {  	_ =	shalt  }
0x4b: {  	_ =	shalt  }
0x4c: {  	_ =	shalt  }
0x4d: {  	_ =	shalt  }
0x4e: {  	_ =	shalt  }
0x4f: {  	_ =	shalt  }
0x50: {  	_ =	shalt  }
0x51: {  	_ =	shalt  }
0x52: {  	_ =	shalt  }
0x53: {  	_ =	shalt  }
0x54: {  	_ =	shalt  }
0x55: {  	_ =	shalt  }
0x56: {  	_ =	shalt  }
0x57: {  	_ =	shalt  }
0x58: {  	_ =	shalt  }
0x59: {  	_ =	shalt  }
0x5a: {  	_ =	shalt  }
0x5b: {  	_ =	shalt  }
0x5c: {  	_ =	shalt  }
0x5d: {  	_ =	shalt  }
0x5e: {  	_ =	shalt  }
0x5f: {  	_ =	shalt  }
0x60: {  	_ =	shalt  }
0x61: {  	_ =	shalt  }
0x62: {  	_ =	shalt  }
0x63: {  	_ =	shalt  }
0x64: {  	_ =	shalt  }
0x65: {  	_ =	shalt  }
0x66: {  	_ =	shalt  }
0x67: {  	_ =	shalt  }
0x68: {  	_ =	shalt  }
0x69: {  	_ =	shalt  }
0x6a: {  	_ =	shalt  }
0x6b: {  	_ =	shalt  }
0x6c: {  	_ =	shalt  }
0x6d: {  	_ =	shalt  }
0x6e: {  	_ =	shalt  }
0x6f: {  	_ =	shalt  }
0x70: {  	_ =	shalt  }
0x71: {  	_ =	shalt  }
0x72: {  	_ =	shalt  }
0x73: {  	_ =	shalt  }
0x74: {  	_ =	shalt  }
0x75: {  	_ =	shalt  }
0x76: {  	_ =	shalt  }
0x77: {  	_ =	shalt  }
0x78: {  	_ =	shalt  }
0x79: {  	_ =	shalt  }
0x7a: {  	_ =	shalt  }
0x7b: {  	_ =	shalt  }
0x7c: {  	_ =	shalt  }
0x7d: {  	_ =	shalt  }
0x7e: {  	_ =	shalt  }
0x7f: {  	_ =	shalt  }
0x80: {  	_ =	shalt  }
0x81: {  	_ =	shalt  }
0x82: {  	_ =	shalt  }
0x83: {  	_ =	shalt  }
0x84: {  	_ =	shalt  }
0x85: {  	_ =	shalt  }
0x86: {  	_ =	shalt  }
0x87: {  	_ =	shalt  }
.Lfunc_end0:
.L_simem_size_0:
called_computation.1_lowered:
.L_overlay_start_0:
0x88: {  	s2 =	sld [smem:$0x3FD9]  }
0x89: {  	s3 =	sld [smem:$0x3FFE];
	_ =	sdelay $0x1  }
0x8a: {  	s1 =	srdreg.scid  }
0x8b: {  	s0 =	sand.u32 $0x1, s1  }
0x8c: {  	s14 =	sshll.u32 s0, $0xA;
	s2 =	sadd.s32 s3, s2  }
0x8d: {  	s2 =	sadd.s32 s2, s14  }
0x8e: {  	[smem:$0x3FAF] =	sst s2  }
0x8f: {  	_ = 	snop  }
0x90: {  	s2 =	sld [smem:$0x3FD0];
	_ =	sdelay $0x2  }
0x91: {  	s15 =	simm.s32 $0xB;
	s4 =	simm.s32 $0x10  }
0x92: {  	[smem:s4], [sflag:s15] =	dma.local [hbm:s2], $0x1  }
0x93: {  	_ =	swait.eq [sflag:s15], $0x1  }
0x94: {  	[sflag:s15] =	ssyncset.done $0x0  }
0x95: {  	s16 =	sld [smem:$0x10];
	[sflag:s15] =	ssyncadd.s32 $0xFFFFFFFF  }
0x96: {  	s17 =	sld [smem:$0x11];
	(tm) =	ssettm $0x1  }
0x97: {  	s18 =	sld [smem:$0x3FFB];
	_ =	sdelay $0x3  }
0x98: {  	_ =	strace s18  }
0x99: {  	s4 =	sld [smem:$0x3FFC];
	_ =	sdelay $0x3  }
0x9a: {  	_ =	strace s4  }
0x9b: {  	s4 =	sld [smem:$0x3FFD];
	_ =	sdelay $0x3  }
0x9c: {  	_ =	strace s4  }
0x9d: {  	_ =	strace $0x8FFFFFFF  }
0x9e: {  	s19 =	sld [smem:$0x3FDB];
	_ =	sdelay $0x1  }
0x9f: {  	s5 =	simm.s32 $_scs_section_size  }
0xa0: {  	s6 =	simm.s32 $_size__tile_overlayer_lowered;
	s7 =	simm.s32 $_tile_overlayer_lowered  }
0xa1: {  	s22 =	simm.s32 $0x1BFF;
	s21 =	sshll.u32 s7, $0x1;
	s4 =	sadd.s32 s5, s19  }
0xa2: {  	s8 =	simm.s32 $0x0;
	s20 =	sshll.u32 s6, $0x1;
	s6 =	sadd.s32 s21, s4  }
0xa3: {  	[timem:s8], [sflag:s22] =	dma.local [hbm:s6], s20  }
0xa4: {  	_ =	swait.ge [sflag:s22], s20  }
0xa5: {  	s5 =	ssub.s32 $0x0, s20;
	[sflag:s22] =	ssyncset.done $0x0  }
0xa6: {  	[sflag:s22] =	ssyncadd.s32 s5;
	_ =	sdelay $0x1  }
0xa7: {  	s23 =	simm.s32 $0x1B8B  }
0xa8: {  	_ =	swait.ge [sflag:s23], $0x1  }
0xa9: {  	[sflag:s23] =	ssyncset.done $0x0  }
0xaa: {  	s25 =	simm.s32 $0x1B8E;
	s24 =	sld [smem:$0x3FFE];
	[sflag:s23] =	ssyncadd.s32 $0xFFFFFFFF  }
0xab: {  	s26 =	simm.s32 $execute0_lowered;
	[smem:$0x3FD2] =	sst s25  }
0xac: {  	s6 =	sshll.u32 s26, $0x1;
	_ =	strace $0x80000046;
	[dreg:$0x1] =	wrdreg $0xFFFFFFFF  }
0xad: {  	s28 =	simm.s32 $_size_execute0_lowered;
	s4 =	sadd.s32 s4, s6;
	[dreg:$0x0] =	wrdreg $0x0  }
0xae: {  	s6 =	sshll.u32 s28, $0x1;
	[dreg:$0x2] =	wrdreg s4  }
0xaf: {  	[dreg:$0x3] =	wrdreg s6  }
0xb0: {  	[dreg:$0x4] =	wrdreg $0xC0  }
0xb1: {  	_ =	task [dreg:s8], $0x5FFFF  }
0xb2: {  	[dreg:$0x1] =	wrdreg $0xFFFFFFFF  }
0xb3: {  	[dreg:$0x0] =	wrdreg $0x60  }
0xb4: {  	[dreg:$0x2] =	wrdreg s24  }
0xb5: {  	[dreg:$0x3] =	wrdreg s16  }
0xb6: {  	[dreg:$0x4] =	wrdreg s17  }
0xb7: {  	[dreg:$0x5] =	wrdreg $0x8F000  }
0xb8: {  	[dreg:$0x6] =	wrdreg $0xB6800  }
0xb9: {  	[dreg:$0x7] =	wrdreg $0xA  }
0xba: {  	_ =	task.clear_ibuf [dreg:s8], $0x8FFFF;
	_ =	strace $0x90000046  }
0xbb: {  	s29 =	simm.s32 $0xA;
	_ =	strace $0x80000048  }
0xbc: {  	_ =	swait.ge [sflag:s29], $0x1  }
0xbd: {  	[sflag:s29] =	ssyncadd.s32 $0xFFFFFFFF  }
0xbe: {  	_ =	strace $0x90000048  }
0xbf: {  	_ =	sfence  }
0xc0: {  	s30 =	sld [smem:$0x0];
	_ =	sdelay $0x2  }
0xc1: {  	s31 =	sshll.u32 s1, $0xD;
	s1 =	sshrl.u32 s1, $0x2  }
0xc2: {  	s3 =	sand.u32 $0x4000, s31;
	s1 =	sadd.s32 s1, s30  }
0xc3: {  	s0 =	sor.u32 s3, s0;
	s1 =	sshll.u32 s1, $0x11  }
0xc4: {  	s0 =	sor.u32 s1, s0  }
0xc5: {  	s0 =	sadd.s32 $0x8F2B, s0  }
0xc6: {  	[sflag:s0] =	ssyncadd.remote.s32 $0x1  }
0xc7: {  	_ =	sfence.sel $0xFFFF  }
0xc8: {  	[dreg:$0x0] =	wrdreg $0xFFFFFFFF;
	(pc) =	sbr.abs _section_cstart, $3  }
0xc9: {  	[dreg:$0x1] =	wrdreg $0xFFFFFFFF  }
0xca: {  	_ =	task.clear_ibuf [dreg:s8], $0x2FFFF;
	_ =	strace $0x9FFFFFFF  }
0xcb: {  	(tm) =	ssettm $0x7FFFFFFF  }
tec
execute0_lowered:
.L_overlay_start_1:
0x0: {  	(tag) =	ssettag $0x1  }
0x1: {  	s0 =	rddreg [dreg:$0x0]  }
0x2: {  	s3 =	rddreg [dreg:$0x3]  }
0x3: {  	s5 =	rddreg [dreg:$0x4];
	s6 =	simm.s32 $0x0  }
0x4: {  	s1 =	srdreg.scid;
	s12 =	stileid.u32;
	s17 =	simm.s32 $0x7  }
0x5: {  	s19 =	simm.s32 $0x8700;
	s28 =	simm.s32 $0x6F00;
	s29 =	simm.s32 $0x7700  }
0x6: {  	s30 =	simm.s32 $0x2;
	s31 =	simm.s32 $0x4;
	[smem:$0x7FF] =	sst s6  }
0x7: {  	s1 =	sand.u32 $0x1, s1;
	s2 =	smul.u32 $0x2780, s12;
	s7 =	sadd.s32 $0x5A00, s0  }
0x8: {  	s10 =	sadd.s32 $0xAA00, s0;
	s22 =	sshll.u32 s12, $0x6;
	_ =	strace $0x80000047  }
0x9: {  	s4 =	smul.u32 $0x27800, s1;
	s8 =	sshll.u32 s1, $0x4;
	s1 =	ssub.s32 $0x2, s1  }
0xa: {  	s11 =	sor.u32 s12, s8;
	s20 =	sshrl.u32 s1, $0x1;
	s21 =	sadd.s32 s2, s3  }
0xb: {  	s12 =	sshll.u32 s12, $0x4;
	s8 =	sor.u32 $0x1C07, s22;
	s22 =	simm.s32 $0x4F00  }
0xc: {  	s4 =	sadd.s32 s2, s4;
	s9 =	smul.u32 $0x2700, s11;
	s1 =	ssub.s32 s1, s20  }
0xd: {  	s2 =	sadd.s32 s2, s5;
	p0 =	sgt.u32 s11, $0x3;
	s16 =	sshrl.u32 s21, $0x3  }
0xe: {  	s21 =	simm.s32 $0x80;
	s20 =	simm.s32 $0x0;
	s4 =	sshrl.u32 s4, $0x3  }
0xf: {  	s26 =	smax.u32 s1, $0x1;
	s18 =	sshrl.u32 s2, $0x3;
	s1 =	simm.s32 $0x6  }
0x10: {  	s0 =	sadd.s32 s4, s0;
	s9 =	sshrl.u32 s9, $0x3;
	[dreg:$0xb] =	wrdreg s26  }
0x11: {  	s26 =	simm.s32 $0x1;
	s4 =	simm.s32 $0x5;
	s25 =	sadd.s32 $0x1E400, s0  }
0x12: {  	s9 =	sadd.s32 s10, s9;
	s0 =	sadd.s32 $0x28200, s0;
	[dreg:$0x9] =	wrdreg s25  }
0x13: {  	s10 =	sadd.s32 s12, s10;
	s23 =	sadd.s32 $0x9C40, s9;
	[dreg:$0xa] =	wrdreg s0  }
0x14: {  	s24 =	sadd.s32 $0x9C00, s10;
	s10 =	sadd.s32 $0x13840, s10;
	[dreg:$0x6] =	wrdreg s23  }
0x15: {  	s25 =	simm.s32 $0x6700;
	s0 =	simm.s32 $0x3;
	[dreg:$0x7] =	wrdreg s24  }
0x16: {  	[dreg:$0x8] =	wrdreg s10;
	s23 =	simm.s32 $0x5700;
	s24 =	simm.s32 $0x5F00  }
.LBB2_1:
0x17: {  	s2 =	rddreg [dreg:$0x2]  }
0x18: {  	[spmem:s16], [sflag:s8] =	dma.local [hbm:s2], $0x4F0  }
0x19: {  	_ =	swait.ge [sflag:s17], $0x4F0  }
0x1a: {  	[sflag:s17] =	ssyncset.done $0x0  }
0x1b: {  	[sflag:s17] =	ssyncadd.s32 $0xFFFFFB10  }
0x1c: {  	[spmem:s18], [sflag:s8] =	dma.local [hbm:s2], $0x4F0  }
0x1d: {  	_ =	swait.ge [sflag:s17], $0x4F0  }
0x1e: {  	[sflag:s17] =	ssyncset.done $0x0  }
0x1f: {  	[sflag:s17] =	ssyncadd.s32 $0xFFFFFB10  }
0x20: {  	s10 =	rddreg [dreg:$0x1]  }
0x21: {  	[tilespmem:s19], [sflag:$0x7] =	stream.linear.gather [hbm4b:s10+s6], $0x800, $0x38;
	[tilespmem:$0xDE00] =	vst v63  }
0x22: {  	_ =	swait.ge [sflag:s17], $0x800  }
0x23: {  	[sflag:s17] =	ssyncset.done $0x0  }
0x24: {  	[sflag:s17] =	ssyncadd.s32 $0xFFFFF800  }
0x25: {  	[bflag:$0x0] =	sbarrier.arrive $0xFFFF  }
0x26: {  	[tilespmem:s6], [sflag:$0x7] =	stream.linear.gather [hbm4b:s9+s6], $0x2700, $0x38;
	[tilespmem:$0xDE00] =	vst v63  }
0x27: {  	_ =	swait.ge [sflag:s17], $0x2700  }
0x28: {  	[sflag:s17] =	ssyncset.done $0x0  }
0x29: {  	s10 =	simm.s32 $0x2780;
	s11 =	rddreg [dreg:$0x6];
	[sflag:s17] =	ssyncadd.s32 $0xFFFFD900  }
0x2a: {  	[tilespmem:s10], [sflag:$0x7] =	stream.linear.gather [hbm4b:s11+s6], $0x2700, $0x38;
	[tilespmem:$0xDE00] =	vst v63  }
0x2b: {  	_ =	swait.ge [sflag:s17], $0x2700  }
0x2c: {  	s2 =	simm.s32 @!p0 $0x0;
	[sflag:s17] =	ssyncset.done $0x0  }
0x2d: {  	s10 =	simm.s32 @!p0 $0x2700;
	s11 =	rddreg [dreg:$0x7];
	[sflag:s17] =	ssyncadd.s32 $0xFFFFD900  }
0x2e: {  	[tilespmem:s10], [sflag:$0x7] =	stream.linear.gather @!p0 [hbm4b:s11+s2], $0x80, $0x38;
	[tilespmem:$0xDE00] =	vst v63  }
0x2f: {  	s11 =	simm.s32 @!p0 $0x7  }
0x30: {  	_ =	swait.ge @!p0 [sflag:s11], $0x80  }
0x31: {  	[sflag:s11] =	ssyncset.done @!p0 $0x0  }
0x32: {  	s12 =	simm.s32 @!p0 $0x4E80;
	s13 =	rddreg [dreg:$0x8];
	[sflag:s11] =	ssyncadd.s32 @!p0 $0xFFFFFF80  }
0x33: {  	[tilespmem:s12], [sflag:$0x7] =	stream.linear.gather @!p0 [hbm4b:s13+s2], $0x80, $0x38;
	[tilespmem:$0xDE00] =	vst v63  }
0x34: {  	_ =	swait.ge @!p0 [sflag:s11], $0x80  }
0x35: {  	[sflag:s11] =	ssyncset.done @!p0 $0x0  }
0x36: {  	s2 =	simm.s32 @!p0 $0x80;
	s13 =	simm.s32 @!p0 $0x7F00;
	[sflag:s11] =	ssyncadd.s32 @!p0 $0xFFFFFF80  }
0x37: {  	[tilespmem:s13], [sflag:$0x1] =	stream.indirect.gather @!p0 [hbm4b:s7+s2], $0x10, s10, s2, $0xb8;
	[tilespmem:$0xDE00] =	vst v63  }
0x38: {  	s10 =	simm.s32 @!p0 $0x1  }
0x39: {  	_ =	swait.ge @!p0 [sflag:s10], $0x800  }
0x3a: {  	[sflag:s10] =	ssyncset.done @!p0 $0x0  }
0x3b: {  	[sflag:s10] =	ssyncadd.s32 @!p0 $0xFFFFF800  }
0x3c: {  	[spmem:s3] =	stream.indirect.scatter.add.f32 @!p0 [tilespmem:s13], [sflag:$0x7], $0x10, s12, s2, $0xb8;
	[tilespmem:$0xDE00] =	vst v63  }
0x3d: {  	_ =	swait.ge @!p0 [sflag:s11], $0x800  }
0x3e: {  	[sflag:s11] =	ssyncset.done @!p0 $0x0  }
0x3f: {  	s10 =	simm.s32 @!p0 $0x8700;
	[sflag:s11] =	ssyncadd.s32 @!p0 $0xFFFFF800  }
0x40: {  	[spmem:s5] =	stream.indirect.scatter.add.f32 @!p0 [tilespmem:s10], [sflag:$0x7], $0x10, s12, s2, $0xb8;
	[tilespmem:$0xDE00] =	vst v63  }
0x41: {  	_ =	swait.ge @!p0 [sflag:s11], $0x800  }
0x42: {  	p1 =	por $0x1, $0x1;
	[sflag:s11] =	ssyncset.done @!p0 $0x0  }
0x43: {  	p1 =	por p1, p1;
	[sflag:s11] =	ssyncadd.s32 @!p0 $0xFFFFF800  }
0x44: {  	[tilespmem:s22], [sflag:$0x1] =	stream.indirect.gather [hbm4b:s7+s21], $0x10, s6, s21, $0xb8;
	[tilespmem:$0xDE00] =	vst v63  }
0x45: {  	s2 =	simm.s32 @!p1 $0x5  }
0x46: {  	[tilespmem:s23], [sflag:$0x1] =	stream.indirect.gather [hbm4b:s7+s21], $0x10, s21, s21, $0xb8;
	[tilespmem:$0xDE00] =	vst v63  }
0x47: {  	_ =	swait.ge @!p1 [sflag:s2], $0x800  }
0x48: {  	[sflag:s2] =	ssyncset.done @!p1 $0x0  }
0x49: {  	[sflag:s2] =	ssyncadd.s32 @!p1 $0xFFFFF800  }
0x4a: {  	_ =	swait.ge @!p1 [sflag:s2], $0x800  }
0x4b: {  	[sflag:s2] =	ssyncset.done @!p1 $0x0  }
0x4c: {  	[sflag:s2] =	ssyncadd.s32 @!p1 $0xFFFFF800  }
0x4d: {  	_ =	swait.ge @!p1 [sflag:s2], $0x800  }
0x4e: {  	[sflag:s2] =	ssyncset.done @!p1 $0x0  }
0x4f: {  	[sflag:s2] =	ssyncadd.s32 @!p1 $0xFFFFF800  }
0x50: {  	_ =	swait.ge @!p1 [sflag:s2], $0x800  }
0x51: {  	[sflag:s2] =	ssyncset.done @!p1 $0x0  }
0x52: {  	s12 =	simm.s32 $0x100;
	[sflag:s2] =	ssyncadd.s32 @!p1 $0xFFFFF800  }
0x53: {  	[tilespmem:s24], [sflag:$0x2] =	stream.indirect.gather [hbm4b:s7+s21], $0x10, s12, s21, $0xb8;
	[tilespmem:$0xDE00] =	vst v63  }
0x54: {  	s13 =	simm.s32 $0x180  }
0x55: {  	[tilespmem:s25], [sflag:$0x2] =	stream.indirect.gather [hbm4b:s7+s21], $0x10, s13, s21, $0xb8;
	[tilespmem:$0xDE00] =	vst v63  }
0x56: {  	_ =	swait.ge [sflag:s26], $0x800  }
0x57: {  	[sflag:s26] =	ssyncset.done $0x0  }
0x58: {  	[sflag:s26] =	ssyncadd.s32 $0xFFFFF800  }
0x59: {  	_ =	swait.ge [sflag:s26], $0x800  }
0x5a: {  	[sflag:s26] =	ssyncset.done $0x0  }
0x5b: {  	s14 =	simm.s32 $0x2780;
	[sflag:s26] =	ssyncadd.s32 $0xFFFFF800  }
0x5c: {  	[spmem:s3] =	stream.indirect.scatter.add.f32 [tilespmem:s22], [sflag:$0x4], $0x10, s14, s21, $0xb8;
	[tilespmem:$0xDE00] =	vst v63  }
0x5d: {  	_ = 	snop  }
0x5e: {  	[spmem:s5] =	stream.indirect.scatter.add.f32 [tilespmem:s19], [sflag:$0x4], $0x10, s14, s21, $0xb8;
	[tilespmem:$0xDE00] =	vst v63  }
0x5f: {  	s15 =	simm.s32 $0x2800  }
0x60: {  	[spmem:s3] =	stream.indirect.scatter.add.f32 [tilespmem:s23], [sflag:$0x4], $0x10, s15, s21, $0xb8;
	[tilespmem:$0xDE00] =	vst v63  }
0x61: {  	s10 =	simm.s32 @!p1 $0x6  }
0x62: {  	[spmem:s5] =	stream.indirect.scatter.add.f32 [tilespmem:s19], [sflag:$0x4], $0x10, s15, s21, $0xb8;
	[tilespmem:$0xDE00] =	vst v63  }
0x63: {  	_ =	swait.ge @!p1 [sflag:s10], $0x800  }
0x64: {  	[sflag:s10] =	ssyncset.done @!p1 $0x0  }
0x65: {  	[sflag:s10] =	ssyncadd.s32 @!p1 $0xFFFFF800  }
0x66: {  	_ =	swait.ge @!p1 [sflag:s10], $0x800  }
0x67: {  	[sflag:s10] =	ssyncset.done @!p1 $0x0  }
0x68: {  	[sflag:s10] =	ssyncadd.s32 @!p1 $0xFFFFF800  }
0x69: {  	_ =	swait.ge @!p1 [sflag:s10], $0x800  }
0x6a: {  	[sflag:s10] =	ssyncset.done @!p1 $0x0  }
0x6b: {  	[sflag:s10] =	ssyncadd.s32 @!p1 $0xFFFFF800  }
0x6c: {  	_ =	swait.ge @!p1 [sflag:s10], $0x800  }
0x6d: {  	[sflag:s10] =	ssyncset.done @!p1 $0x0  }
0x6e: {  	s11 =	simm.s32 $0x200;
	[sflag:s10] =	ssyncadd.s32 @!p1 $0xFFFFF800  }
0x6f: {  	[tilespmem:s28], [sflag:$0x3] =	stream.indirect.gather [hbm4b:s7+s21], $0x10, s11, s21, $0xb8;
	[tilespmem:$0xDE00] =	vst v63  }
0x70: {  	s12 =	simm.s32 $0x280  }
0x71: {  	[tilespmem:s29], [sflag:$0x3] =	stream.indirect.gather [hbm4b:s7+s21], $0x10, s12, s21, $0xb8;
	[tilespmem:$0xDE00] =	vst v63  }
0x72: {  	_ =	swait.ge [sflag:s30], $0x800  }
0x73: {  	[sflag:s30] =	ssyncset.done $0x0  }
0x74: {  	[sflag:s30] =	ssyncadd.s32 $0xFFFFF800  }
0x75: {  	_ =	swait.ge [sflag:s30], $0x800  }
0x76: {  	[sflag:s30] =	ssyncset.done $0x0  }
0x77: {  	s13 =	simm.s32 $0x2880;
	[sflag:s30] =	ssyncadd.s32 $0xFFFFF800  }
0x78: {  	[spmem:s3] =	stream.indirect.scatter.add.f32 [tilespmem:s24], [sflag:$0x5], $0x10, s13, s21, $0xb8;
	[tilespmem:$0xDE00] =	vst v63  }
0x79: {  	_ = 	snop  }
0x7a: {  	[spmem:s5] =	stream.indirect.scatter.add.f32 [tilespmem:s19], [sflag:$0x5], $0x10, s13, s21, $0xb8;
	[tilespmem:$0xDE00] =	vst v63  }
0x7b: {  	s14 =	simm.s32 $0x2900  }
0x7c: {  	[spmem:s3] =	stream.indirect.scatter.add.f32 [tilespmem:s25], [sflag:$0x5], $0x10, s14, s21, $0xb8;
	[tilespmem:$0xDE00] =	vst v63  }
0x7d: {  	_ = 	snop  }
0x7e: {  	[spmem:s5] =	stream.indirect.scatter.add.f32 [tilespmem:s19], [sflag:$0x5], $0x10, s14, s21, $0xb8;
	[tilespmem:$0xDE00] =	vst v63  }
0x7f: {  	_ =	swait.ge [sflag:s31], $0x800  }
0x80: {  	[sflag:s31] =	ssyncset.done $0x0  }
0x81: {  	[sflag:s31] =	ssyncadd.s32 $0xFFFFF800  }
0x82: {  	_ =	swait.ge [sflag:s31], $0x800  }
0x83: {  	[sflag:s31] =	ssyncset.done $0x0  }
0x84: {  	[sflag:s31] =	ssyncadd.s32 $0xFFFFF800  }
0x85: {  	_ =	swait.ge [sflag:s31], $0x800  }
0x86: {  	[sflag:s31] =	ssyncset.done $0x0  }
0x87: {  	[sflag:s31] =	ssyncadd.s32 $0xFFFFF800  }
0x88: {  	p1 =	por $0x0, $0x0;
	_ =	swait.ge [sflag:s31], $0x800  }
0x89: {  	s2 =	simm.s32 @!p1 $0x4F00;
	[sflag:s31] =	ssyncset.done $0x0  }
0x8a: {  	s10 =	simm.s32 @!p1 $0x300;
	s11 =	simm.s32 @!p1 $0x80;
	[sflag:s31] =	ssyncadd.s32 $0xFFFFF800  }
0x8b: {  	[tilespmem:s2], [sflag:$0x1] =	stream.indirect.gather @!p1 [hbm4b:s7+s11], $0x10, s10, s11, $0xb8;
	[tilespmem:$0xDE00] =	vst v63  }
0x8c: {  	s2 =	simm.s32 @!p1 $0x380;
	s10 =	simm.s32 @!p1 $0x5700  }
0x8d: {  	[tilespmem:s10], [sflag:$0x1] =	stream.indirect.gather @!p1 [hbm4b:s7+s11], $0x10, s2, s11, $0xb8;
	[tilespmem:$0xDE00] =	vst v63  }
0x8e: {  	_ =	swait.ge [sflag:s0], $0x800  }
0x8f: {  	[sflag:s0] =	ssyncset.done $0x0  }
0x90: {  	[sflag:s0] =	ssyncadd.s32 $0xFFFFF800  }
0x91: {  	_ =	swait.ge [sflag:s0], $0x800  }
0x92: {  	[sflag:s0] =	ssyncset.done $0x0  }
0x93: {  	s15 =	simm.s32 $0x2980;
	[sflag:s0] =	ssyncadd.s32 $0xFFFFF800  }
0x94: {  	[spmem:s3] =	stream.indirect.scatter.add.f32 [tilespmem:s28], [sflag:$0x6], $0x10, s15, s21, $0xb8;
	[tilespmem:$0xDE00] =	vst v63  }
0x95: {  	p6 =	por $0x0, $0x0;
	s11 =	simm.s32 $0x2A00  }
0x96: {  	[spmem:s5] =	stream.indirect.scatter.add.f32 [tilespmem:s19], [sflag:$0x6], $0x10, s15, s21, $0xb8;
	[tilespmem:$0xDE00] =	vst v63  }
0x97: {  	s2 =	simm.s32 $0xC00;
	s10 =	simm.s32 $0x1800;
	p1 =	por p6, p6  }
0x98: {  	[spmem:s3] =	stream.indirect.scatter.add.f32 [tilespmem:s29], [sflag:$0x6], $0x10, s11, s21, $0xb8;
	[tilespmem:$0xDE00] =	vst v63  }
.LBB2_2:
0x99: {  	[spmem:s5] =	stream.indirect.scatter.add.f32 [tilespmem:s19], [sflag:$0x6], $0x10, s11, s21, $0xb8;
	[tilespmem:$0xDE00] =	vst v63  }
0x9a: {  	s11 =	smov.u32 s10  }
0x9b: {  	s10 =	sadd.s32 $0xC00, s10;
	s13 =	simm.s32 @!p1 $0x5;
	p3 =	seq.s32 s11, $0x0  }
0x9c: {  	p2 =	sne.s32 s10, $0x9C00;
	_ =	swait.ge @!p1 [sflag:s13], $0x800  }
0x9d: {  	[sflag:s13] =	ssyncset.done @!p1 $0x0  }
0x9e: {  	[sflag:s13] =	ssyncadd.s32 @!p1 $0xFFFFF800  }
0x9f: {  	_ =	swait.ge @!p1 [sflag:s13], $0x800  }
0xa0: {  	[sflag:s13] =	ssyncset.done @!p1 $0x0  }
0xa1: {  	[sflag:s13] =	ssyncadd.s32 @!p1 $0xFFFFF800  }
0xa2: {  	_ =	swait.ge @!p1 [sflag:s13], $0x800  }
0xa3: {  	[sflag:s13] =	ssyncset.done @!p1 $0x0  }
0xa4: {  	[sflag:s13] =	ssyncadd.s32 @!p1 $0xFFFFF800  }
0xa5: {  	_ =	swait.ge @!p1 [sflag:s13], $0x800  }
0xa6: {  	s12 =	sshra.s32 s2, $0x2;
	[sflag:s13] =	ssyncset.done @!p1 $0x0  }
0xa7: {  	[sflag:s13] =	ssyncadd.s32 @!p1 $0xFFFFF800;
	s13 =	sadd.s32 $0x100, s12  }
0xa8: {  	[tilespmem:s24], [sflag:$0x2] =	stream.indirect.gather [hbm4b:s7+s21], $0x10, s13, s21, $0xb8;
	[tilespmem:$0xDE00] =	vst v63  }
0xa9: {  	s13 =	sadd.s32 $0x180, s12  }
0xaa: {  	[tilespmem:s25], [sflag:$0x2] =	stream.indirect.gather [hbm4b:s7+s21], $0x10, s13, s21, $0xb8;
	[tilespmem:$0xDE00] =	vst v63  }
0xab: {  	_ =	swait.ge [sflag:s26], $0x800  }
0xac: {  	[sflag:s26] =	ssyncset.done $0x0  }
0xad: {  	[sflag:s26] =	ssyncadd.s32 $0xFFFFF800  }
0xae: {  	_ =	swait.ge [sflag:s26], $0x800  }
0xaf: {  	[sflag:s26] =	ssyncset.done $0x0  }
0xb0: {  	s13 =	sadd.s32 $0x2780, s12;
	[sflag:s26] =	ssyncadd.s32 $0xFFFFF800  }
0xb1: {  	[spmem:s3] =	stream.indirect.scatter.add.f32 [tilespmem:s22], [sflag:$0x4], $0x10, s13, s21, $0xb8;
	[tilespmem:$0xDE00] =	vst v63  }
0xb2: {  	_ = 	snop  }
0xb3: {  	[spmem:s5] =	stream.indirect.scatter.add.f32 [tilespmem:s19], [sflag:$0x4], $0x10, s13, s21, $0xb8;
	[tilespmem:$0xDE00] =	vst v63  }
0xb4: {  	s13 =	sadd.s32 $0x2800, s12  }
0xb5: {  	[spmem:s3] =	stream.indirect.scatter.add.f32 [tilespmem:s23], [sflag:$0x4], $0x10, s13, s21, $0xb8;
	[tilespmem:$0xDE00] =	vst v63  }
0xb6: {  	s14 =	simm.s32 @!p1 $0x6  }
0xb7: {  	[spmem:s5] =	stream.indirect.scatter.add.f32 [tilespmem:s19], [sflag:$0x4], $0x10, s13, s21, $0xb8;
	[tilespmem:$0xDE00] =	vst v63  }
0xb8: {  	_ =	swait.ge @!p1 [sflag:s14], $0x800  }
0xb9: {  	[sflag:s14] =	ssyncset.done @!p1 $0x0  }
0xba: {  	[sflag:s14] =	ssyncadd.s32 @!p1 $0xFFFFF800  }
0xbb: {  	_ =	swait.ge @!p1 [sflag:s14], $0x800  }
0xbc: {  	[sflag:s14] =	ssyncset.done @!p1 $0x0  }
0xbd: {  	[sflag:s14] =	ssyncadd.s32 @!p1 $0xFFFFF800  }
0xbe: {  	_ =	swait.ge @!p1 [sflag:s14], $0x800  }
0xbf: {  	[sflag:s14] =	ssyncset.done @!p1 $0x0  }
0xc0: {  	[sflag:s14] =	ssyncadd.s32 @!p1 $0xFFFFF800  }
0xc1: {  	_ =	swait.ge @!p1 [sflag:s14], $0x800  }
0xc2: {  	[sflag:s14] =	ssyncset.done @!p1 $0x0  }
0xc3: {  	s13 =	sadd.s32 $0x200, s12;
	[sflag:s14] =	ssyncadd.s32 @!p1 $0xFFFFF800;
	p1 =	por p3, p3  }
0xc4: {  	[tilespmem:s28], [sflag:$0x3] =	stream.indirect.gather [hbm4b:s7+s21], $0x10, s13, s21, $0xb8;
	[tilespmem:$0xDE00] =	vst v63  }
0xc5: {  	s13 =	sadd.s32 $0x280, s12  }
0xc6: {  	[tilespmem:s29], [sflag:$0x3] =	stream.indirect.gather [hbm4b:s7+s21], $0x10, s13, s21, $0xb8;
	[tilespmem:$0xDE00] =	vst v63  }
0xc7: {  	_ =	swait.ge [sflag:s30], $0x800  }
0xc8: {  	[sflag:s30] =	ssyncset.done $0x0  }
0xc9: {  	[sflag:s30] =	ssyncadd.s32 $0xFFFFF800  }
0xca: {  	_ =	swait.ge [sflag:s30], $0x800  }
0xcb: {  	[sflag:s30] =	ssyncset.done $0x0  }
0xcc: {  	s13 =	sadd.s32 $0x2880, s12;
	[sflag:s30] =	ssyncadd.s32 $0xFFFFF800  }
0xcd: {  	[spmem:s3] =	stream.indirect.scatter.add.f32 [tilespmem:s24], [sflag:$0x5], $0x10, s13, s21, $0xb8;
	[tilespmem:$0xDE00] =	vst v63  }
0xce: {  	_ = 	snop  }
0xcf: {  	[spmem:s5] =	stream.indirect.scatter.add.f32 [tilespmem:s19], [sflag:$0x5], $0x10, s13, s21, $0xb8;
	[tilespmem:$0xDE00] =	vst v63  }
0xd0: {  	s13 =	sadd.s32 $0x2900, s12  }
0xd1: {  	[spmem:s3] =	stream.indirect.scatter.add.f32 [tilespmem:s25], [sflag:$0x5], $0x10, s13, s21, $0xb8;
	[tilespmem:$0xDE00] =	vst v63  }
0xd2: {  	_ = 	snop  }
0xd3: {  	[spmem:s5] =	stream.indirect.scatter.add.f32 [tilespmem:s19], [sflag:$0x5], $0x10, s13, s21, $0xb8;
	[tilespmem:$0xDE00] =	vst v63  }
0xd4: {  	_ =	swait.ge [sflag:s31], $0x800  }
0xd5: {  	[sflag:s31] =	ssyncset.done $0x0  }
0xd6: {  	[sflag:s31] =	ssyncadd.s32 $0xFFFFF800  }
0xd7: {  	_ =	swait.ge [sflag:s31], $0x800  }
0xd8: {  	[sflag:s31] =	ssyncset.done $0x0  }
0xd9: {  	[sflag:s31] =	ssyncadd.s32 $0xFFFFF800  }
0xda: {  	_ =	swait.ge [sflag:s31], $0x800  }
0xdb: {  	[sflag:s31] =	ssyncset.done $0x0  }
0xdc: {  	[sflag:s31] =	ssyncadd.s32 $0xFFFFF800  }
0xdd: {  	p3 =	seq.s32 s2, $0x9000;
	_ =	swait.ge [sflag:s31], $0x800  }
0xde: {  	s2 =	sshra.s32 @!p3 s2, $0x2;
	s13 =	simm.s32 @!p3 $0x4F00;
	[sflag:s31] =	ssyncset.done $0x0  }
0xdf: {  	s15 =	simm.s32 @!p3 $0x80;
	s14 =	sadd.s32 @!p3 $0x300, s2;
	[sflag:s31] =	ssyncadd.s32 $0xFFFFF800  }
0xe0: {  	[tilespmem:s13], [sflag:$0x1] =	stream.indirect.gather @!p3 [hbm4b:s7+s15], $0x10, s14, s15, $0xb8;
	[tilespmem:$0xDE00] =	vst v63  }
0xe1: {  	s13 =	sadd.s32 @!p3 $0x380, s2;
	s14 =	simm.s32 @!p3 $0x5700;
	s2 =	smov.u32 s11  }
0xe2: {  	[tilespmem:s14], [sflag:$0x1] =	stream.indirect.gather @!p3 [hbm4b:s7+s15], $0x10, s13, s15, $0xb8;
	[tilespmem:$0xDE00] =	vst v63  }
0xe3: {  	_ =	swait.ge [sflag:s0], $0x800  }
0xe4: {  	[sflag:s0] =	ssyncset.done $0x0  }
0xe5: {  	[sflag:s0] =	ssyncadd.s32 $0xFFFFF800  }
0xe6: {  	_ =	swait.ge [sflag:s0], $0x800  }
0xe7: {  	[sflag:s0] =	ssyncset.done $0x0  }
0xe8: {  	s11 =	sadd.s32 $0x2980, s12;
	[sflag:s0] =	ssyncadd.s32 $0xFFFFF800  }
0xe9: {  	[spmem:s3] =	stream.indirect.scatter.add.f32 [tilespmem:s28], [sflag:$0x6], $0x10, s11, s21, $0xb8;
	[tilespmem:$0xDE00] =	vst v63  }
.Ltmp0:
0xea: {  	_ = 	snop;
	(pc) =	sbr.rel @p2 .LBB2_2-.Ltmp0, $4  }
0xeb: {  	_ = 	snop  }
0xec: {  	[spmem:s5] =	stream.indirect.scatter.add.f32 [tilespmem:s19], [sflag:$0x6], $0x10, s11, s21, $0xb8;
	[tilespmem:$0xDE00] =	vst v63  }
0xed: {  	s11 =	sadd.s32 $0x2A00, s12  }
0xee: {  	[spmem:s3] =	stream.indirect.scatter.add.f32 [tilespmem:s29], [sflag:$0x6], $0x10, s11, s21, $0xb8;
	[tilespmem:$0xDE00] =	vst v63  }
0xef: {  	[spmem:s5] =	stream.indirect.scatter.add.f32 [tilespmem:s19], [sflag:$0x6], $0x10, s11, s21, $0xb8;
	[tilespmem:$0xDE00] =	vst v63  }
0xf0: {  	s11 =	simm.s32 @!p1 $0x5  }
0xf1: {  	_ =	swait.ge @!p1 [sflag:s11], $0x800  }
0xf2: {  	[sflag:s11] =	ssyncset.done @!p1 $0x0  }
0xf3: {  	[sflag:s11] =	ssyncadd.s32 @!p1 $0xFFFFF800  }
0xf4: {  	_ =	swait.ge @!p1 [sflag:s11], $0x800  }
0xf5: {  	[sflag:s11] =	ssyncset.done @!p1 $0x0  }
0xf6: {  	[sflag:s11] =	ssyncadd.s32 @!p1 $0xFFFFF800  }
0xf7: {  	_ =	swait.ge @!p1 [sflag:s11], $0x800  }
0xf8: {  	[sflag:s11] =	ssyncset.done @!p1 $0x0  }
0xf9: {  	[sflag:s11] =	ssyncadd.s32 @!p1 $0xFFFFF800  }
0xfa: {  	_ =	swait.ge @!p1 [sflag:s11], $0x800  }
0xfb: {  	s10 =	sshra.s32 s2, $0x2;
	[sflag:s11] =	ssyncset.done @!p1 $0x0  }
0xfc: {  	s12 =	sadd.s32 $0x100, s10;
	[sflag:s11] =	ssyncadd.s32 @!p1 $0xFFFFF800  }
0xfd: {  	[tilespmem:s24], [sflag:$0x2] =	stream.indirect.gather [hbm4b:s7+s21], $0x10, s12, s21, $0xb8;
	[tilespmem:$0xDE00] =	vst v63  }
0xfe: {  	s13 =	sadd.s32 $0x180, s10  }
0xff: {  	[tilespmem:s25], [sflag:$0x2] =	stream.indirect.gather [hbm4b:s7+s21], $0x10, s13, s21, $0xb8;
	[tilespmem:$0xDE00] =	vst v63  }
0x100: {  	_ =	swait.ge [sflag:s26], $0x800  }
0x101: {  	[sflag:s26] =	ssyncset.done $0x0  }
0x102: {  	[sflag:s26] =	ssyncadd.s32 $0xFFFFF800  }
0x103: {  	_ =	swait.ge [sflag:s26], $0x800  }
0x104: {  	[sflag:s26] =	ssyncset.done $0x0  }
0x105: {  	s14 =	sadd.s32 $0x2780, s10;
	[sflag:s26] =	ssyncadd.s32 $0xFFFFF800  }
0x106: {  	[spmem:s3] =	stream.indirect.scatter.add.f32 [tilespmem:s22], [sflag:$0x4], $0x10, s14, s21, $0xb8;
	[tilespmem:$0xDE00] =	vst v63  }
0x107: {  	_ = 	snop  }
0x108: {  	[spmem:s5] =	stream.indirect.scatter.add.f32 [tilespmem:s19], [sflag:$0x4], $0x10, s14, s21, $0xb8;
	[tilespmem:$0xDE00] =	vst v63  }
0x109: {  	s15 =	sadd.s32 $0x2800, s10  }
0x10a: {  	[spmem:s3] =	stream.indirect.scatter.add.f32 [tilespmem:s23], [sflag:$0x4], $0x10, s15, s21, $0xb8;
	[tilespmem:$0xDE00] =	vst v63  }
0x10b: {  	s12 =	simm.s32 @!p1 $0x6  }
0x10c: {  	[spmem:s5] =	stream.indirect.scatter.add.f32 [tilespmem:s19], [sflag:$0x4], $0x10, s15, s21, $0xb8;
	[tilespmem:$0xDE00] =	vst v63  }
0x10d: {  	_ =	swait.ge @!p1 [sflag:s12], $0x800  }
0x10e: {  	[sflag:s12] =	ssyncset.done @!p1 $0x0  }
0x10f: {  	[sflag:s12] =	ssyncadd.s32 @!p1 $0xFFFFF800  }
0x110: {  	_ =	swait.ge @!p1 [sflag:s12], $0x800  }
0x111: {  	[sflag:s12] =	ssyncset.done @!p1 $0x0  }
0x112: {  	[sflag:s12] =	ssyncadd.s32 @!p1 $0xFFFFF800  }
0x113: {  	_ =	swait.ge @!p1 [sflag:s12], $0x800  }
0x114: {  	[sflag:s12] =	ssyncset.done @!p1 $0x0  }
0x115: {  	[sflag:s12] =	ssyncadd.s32 @!p1 $0xFFFFF800  }
0x116: {  	_ =	swait.ge @!p1 [sflag:s12], $0x800  }
0x117: {  	[sflag:s12] =	ssyncset.done @!p1 $0x0  }
0x118: {  	[sflag:s12] =	ssyncadd.s32 @!p1 $0xFFFFF800;
	s12 =	sadd.s32 $0x200, s10  }
0x119: {  	[tilespmem:s28], [sflag:$0x3] =	stream.indirect.gather [hbm4b:s7+s21], $0x10, s12, s21, $0xb8;
	[tilespmem:$0xDE00] =	vst v63  }
0x11a: {  	s13 =	sadd.s32 $0x280, s10  }
0x11b: {  	[tilespmem:s29], [sflag:$0x3] =	stream.indirect.gather [hbm4b:s7+s21], $0x10, s13, s21, $0xb8;
	[tilespmem:$0xDE00] =	vst v63  }
0x11c: {  	_ =	swait.ge [sflag:s30], $0x800  }
0x11d: {  	[sflag:s30] =	ssyncset.done $0x0  }
0x11e: {  	[sflag:s30] =	ssyncadd.s32 $0xFFFFF800  }
0x11f: {  	_ =	swait.ge [sflag:s30], $0x800  }
0x120: {  	[sflag:s30] =	ssyncset.done $0x0  }
0x121: {  	s14 =	sadd.s32 $0x2880, s10;
	[sflag:s30] =	ssyncadd.s32 $0xFFFFF800  }
0x122: {  	[spmem:s3] =	stream.indirect.scatter.add.f32 [tilespmem:s24], [sflag:$0x5], $0x10, s14, s21, $0xb8;
	[tilespmem:$0xDE00] =	vst v63  }
0x123: {  	_ = 	snop  }
0x124: {  	[spmem:s5] =	stream.indirect.scatter.add.f32 [tilespmem:s19], [sflag:$0x5], $0x10, s14, s21, $0xb8;
	[tilespmem:$0xDE00] =	vst v63  }
0x125: {  	s15 =	sadd.s32 $0x2900, s10  }
0x126: {  	[spmem:s3] =	stream.indirect.scatter.add.f32 [tilespmem:s25], [sflag:$0x5], $0x10, s15, s21, $0xb8;
	[tilespmem:$0xDE00] =	vst v63  }
0x127: {  	_ = 	snop  }
0x128: {  	[spmem:s5] =	stream.indirect.scatter.add.f32 [tilespmem:s19], [sflag:$0x5], $0x10, s15, s21, $0xb8;
	[tilespmem:$0xDE00] =	vst v63  }
0x129: {  	_ =	swait.ge [sflag:s31], $0x800  }
0x12a: {  	[sflag:s31] =	ssyncset.done $0x0  }
0x12b: {  	[sflag:s31] =	ssyncadd.s32 $0xFFFFF800  }
0x12c: {  	_ =	swait.ge [sflag:s31], $0x800  }
0x12d: {  	[sflag:s31] =	ssyncset.done $0x0  }
0x12e: {  	[sflag:s31] =	ssyncadd.s32 $0xFFFFF800  }
0x12f: {  	_ =	swait.ge [sflag:s31], $0x800  }
0x130: {  	[sflag:s31] =	ssyncset.done $0x0  }
0x131: {  	[sflag:s31] =	ssyncadd.s32 $0xFFFFF800  }
0x132: {  	p1 =	seq.s32 s2, $0x9000;
	_ =	swait.ge [sflag:s31], $0x800  }
0x133: {  	s2 =	sshra.s32 @!p1 s2, $0x2;
	s11 =	simm.s32 @!p1 $0x4F00;
	[sflag:s31] =	ssyncset.done $0x0  }
0x134: {  	s12 =	sadd.s32 @!p1 $0x300, s2;
	s13 =	simm.s32 @!p1 $0x80;
	[sflag:s31] =	ssyncadd.s32 $0xFFFFF800  }
0x135: {  	[tilespmem:s11], [sflag:$0x1] =	stream.indirect.gather @!p1 [hbm4b:s7+s13], $0x10, s12, s13, $0xb8;
	[tilespmem:$0xDE00] =	vst v63  }
0x136: {  	s2 =	sadd.s32 @!p1 $0x380, s2;
	s11 =	simm.s32 @!p1 $0x5700  }
0x137: {  	[tilespmem:s11], [sflag:$0x1] =	stream.indirect.gather @!p1 [hbm4b:s7+s13], $0x10, s2, s13, $0xb8;
	[tilespmem:$0xDE00] =	vst v63  }
0x138: {  	_ =	swait.ge [sflag:s0], $0x800  }
0x139: {  	[sflag:s0] =	ssyncset.done $0x0  }
0x13a: {  	[sflag:s0] =	ssyncadd.s32 $0xFFFFF800  }
0x13b: {  	_ =	swait.ge [sflag:s0], $0x800  }
0x13c: {  	[sflag:s0] =	ssyncset.done $0x0  }
0x13d: {  	s11 =	sadd.s32 $0x2980, s10;
	[sflag:s0] =	ssyncadd.s32 $0xFFFFF800  }
0x13e: {  	[spmem:s3] =	stream.indirect.scatter.add.f32 [tilespmem:s28], [sflag:$0x6], $0x10, s11, s21, $0xb8;
	[tilespmem:$0xDE00] =	vst v63  }
0x13f: {  	_ = 	snop  }
0x140: {  	[spmem:s5] =	stream.indirect.scatter.add.f32 [tilespmem:s19], [sflag:$0x6], $0x10, s11, s21, $0xb8;
	[tilespmem:$0xDE00] =	vst v63  }
0x141: {  	s12 =	sadd.s32 $0x2A00, s10  }
0x142: {  	[spmem:s3] =	stream.indirect.scatter.add.f32 [tilespmem:s29], [sflag:$0x6], $0x10, s12, s21, $0xb8;
	[tilespmem:$0xDE00] =	vst v63  }
0x143: {  	_ = 	snop  }
0x144: {  	[spmem:s5] =	stream.indirect.scatter.add.f32 [tilespmem:s19], [sflag:$0x6], $0x10, s12, s21, $0xb8;
	[tilespmem:$0xDE00] =	vst v63  }
0x145: {  	_ =	swait.ge [sflag:s4], $0x800  }
0x146: {  	[sflag:s4] =	ssyncset.done $0x0  }
0x147: {  	[sflag:s4] =	ssyncadd.s32 $0xFFFFF800  }
0x148: {  	_ =	swait.ge [sflag:s4], $0x800  }
0x149: {  	[sflag:s4] =	ssyncset.done $0x0  }
0x14a: {  	[sflag:s4] =	ssyncadd.s32 $0xFFFFF800  }
0x14b: {  	_ =	swait.ge [sflag:s4], $0x800  }
0x14c: {  	[sflag:s4] =	ssyncset.done $0x0  }
0x14d: {  	[sflag:s4] =	ssyncadd.s32 $0xFFFFF800  }
0x14e: {  	_ =	swait.ge [sflag:s4], $0x800  }
0x14f: {  	[sflag:s4] =	ssyncset.done $0x0  }
0x150: {  	[sflag:s4] =	ssyncadd.s32 $0xFFFFF800  }
0x151: {  	_ =	swait.ge [sflag:s1], $0x800  }
0x152: {  	[sflag:s1] =	ssyncset.done $0x0  }
0x153: {  	[sflag:s1] =	ssyncadd.s32 $0xFFFFF800  }
0x154: {  	_ =	swait.ge [sflag:s1], $0x800  }
0x155: {  	[sflag:s1] =	ssyncset.done $0x0  }
0x156: {  	[sflag:s1] =	ssyncadd.s32 $0xFFFFF800  }
0x157: {  	_ =	swait.ge [sflag:s1], $0x800  }
0x158: {  	[sflag:s1] =	ssyncset.done $0x0  }
0x159: {  	[sflag:s1] =	ssyncadd.s32 $0xFFFFF800  }
0x15a: {  	_ =	swait.ge [sflag:s1], $0x800  }
0x15b: {  	[sflag:s1] =	ssyncset.done $0x0  }
0x15c: {  	[sflag:s1] =	ssyncadd.s32 $0xFFFFF800  }
0x15d: {  	[bflag:$0x0] =	sbarrier.arrive $0xFFFF  }
0x15e: {  	s13 =	rddreg [dreg:$0x9]  }
0x15f: {  	[hbm:s13], [sflag:s8] =	dma.local [spmem:s16], $0x4F0  }
0x160: {  	_ =	swait.ge [sflag:s17], $0x4F0  }
0x161: {  	[sflag:s17] =	ssyncset.done $0x0  }
0x162: {  	s14 =	rddreg [dreg:$0xa];
	[sflag:s17] =	ssyncadd.s32 $0xFFFFFB10  }
0x163: {  	[hbm:s14], [sflag:s8] =	dma.local [spmem:s18], $0x4F0  }
0x164: {  	_ =	swait.ge [sflag:s17], $0x4F0  }
0x165: {  	s20 =	sadd.s32 $0x1, s20;
	s15 =	rddreg [dreg:$0xb]  }
0x166: {  	p1 =	sne.s32 s20, s15  }
.Ltmp1:
0x167: {  	_ = 	snop;
	(pc) =	sbr.rel @p1 .LBB2_1-.Ltmp1, $3  }
0x168: {  	_ =	sdelay $0x1  }
0x169: {  	[sflag:s17] =	ssyncset.done $0x0  }
0x16a: {  	[sflag:s17] =	ssyncadd.s32 $0xFFFFFB10  }
0x16b: {  	_ =	sfence.sel $0x180000  }
0x16c: {  	[bflag:$0x0] =	sbarrier.arrive $0xFFFF  }
0x16d: {  	_ =	strace $0x90000047  }
0x16e: {  	s0 =	stileid.u32;
	[bflag:$0x2] =	sbarrier.arrive $0xFFFF  }
0x16f: {  	p0 =	sne.s32 s0, $0x0;
	s0 =	rddreg [dreg:$0x5]  }
0x170: {  	s0 =	sadd.s32 @!p0 $0x100000, s0  }
0x171: {  	[sflag:s0] =	ssyncadd.tile.s32 @!p0 $0x1;
	_ =	shalt  }
.Lfunc_end2:
_tile_overlayer_lowered:
.L_overlay_start_2:
0x172: {  	(tag) =	ssettag $0x2  }
0x173: {  	s0 =	rddreg [dreg:$0x0];
	s2 =	stileid.u32  }
0x174: {  	s1 =	rddreg [dreg:$0x1];
	p0 =	sne.s32 s2, $0x0  }
0x175: {  	s3 =	rddreg [dreg:$0x2];
	[bflag:$0x3] =	sbarrier.arrive $0xFFFF;
	s2 =	simm.s32 @!p0 $0x1C07  }
0x176: {  	[timem:s3], [sflag:s2] =	dma.local @!p0 [hbm:s0], s1  }
0x177: {  	s0 =	simm.s32 @!p0 $0x7  }
0x178: {  	_ =	swait.ge @!p0 [sflag:s0], s1  }
0x179: {  	s1 =	ssub.s32 @!p0 $0x0, s1;
	[sflag:s0] =	ssyncset.done @!p0 $0x0  }
0x17a: {  	[sflag:s0] =	ssyncadd.s32 @!p0 s1  }
0x17b: {  	[bflag:$0x3] =	sbarrier.arrive $0xFFFF  }
0x17c: {  	_ =	shalt  }

// kernel: kernel.7.cloned.1.call-start
scs
__scs_entry_jumppad:
0x0: {  	(pc) =	sbr.rel $0x88, $3  }
0x1: {  	(tag) =	ssettag $0x0;
	lr =	simm.s32 $0x1  }
0x2: {  	[smem:$0x3F88] =	sst lr;
	_ =	strace $0xD0000000  }
0x3: {  	_ = 	snop  }
0x4: {  	_ = 	snop  }
0x5: {  	_ = 	snop  }
0x6: {  	_ = 	snop  }
0x7: {  	_ = 	snop  }
__scs_overlays_trampoline_lowered:
0x8: {  	[smem:$0x3F97] =	sst s0  }
0x9: {  	[smem:$0x3F98] =	sst s1  }
0xa: {  	[smem:$0x3F99] =	sst s2  }
0xb: {  	[smem:$0x3F9A] =	sst s3  }
0xc: {  	[smem:$0x3F9B] =	sst s4  }
0xd: {  	[smem:$0x3F9C] =	sst s5  }
0xe: {  	[smem:$0x3F9D] =	sst s6  }
0xf: {  	[smem:$0x3F9E] =	sst s7  }
0x10: {  	[smem:$0x3F9F] =	sst s8  }
0x11: {  	[smem:$0x3FA0] =	sst s9;
	s0 =	simm.s32 @!p0 $0x0  }
0x12: {  	s1 =	sld [smem:$0x3F86];
	s0 =	simm.s32 @p0 $0x1  }
0x13: {  	[smem:$0x3FA1] =	sst s0;
	s0 =	simm.s32 @!p1 $0x0  }
0x14: {  	s2 =	sld [smem:$0x3F85];
	s0 =	simm.s32 @p1 $0x1  }
0x15: {  	[smem:$0x3FA2] =	sst s0;
	s0 =	simm.s32 @!p2 $0x0  }
0x16: {  	s3 =	sld [smem:$0x3FDB];
	s0 =	simm.s32 @p2 $0x1  }
0x17: {  	s4 =	simm.s32 $0x1BF5;
	[smem:$0x3FA4] =	sst s0  }
0x18: {  	s0 =	sld [smem:$0x3F87];
	_ =	swait.ge [sflag:s4], $0x0  }
0x19: {  	s7 =	sld [smem:$0x3F88]  }
0x1a: {  	s8 =	sadd.s32 $0xFFFFE003, lr  }
0x1b: {  	s9 =	sadd.s32 $0xFFFFFEF7, lr;
	s5 =	simm.s32 $0xFFFFFFFF;
	p2 =	slt.u32 s8, $0xFFFFF086  }
0x1c: {  	p1 =	slt.u32 s9, $0xF7A;
	s5 =	simm.s32 @!p2 $0x0  }
0x1d: {  	s5 =	simm.s32 @p1 $0x1;
	p0 =	seq.s32 s7, s2  }
0x1e: {  	s7 =	smul.u32 @!p0 $0xF7A, s2;
	p2 =	seq.s32 @!p0 s5, $0x0  }
0x1f: {  	s9 =	smul.u32 $0xF7A, s1;
	s8 =	simm.s32 @!p0 $0x1BF5;
	p2 =	por !p2, p0  }
0x20: {  	[sflag:s8] =	ssyncset.s32 @!p0 $0xFFFFF086;
	s6 =	sadd.s32 @!p0 s3, s7;
	s7 =	simm.s32 @!p0 $0x108  }
0x21: {  	s3 =	sadd.s32 s3, s9;
	s6 =	sadd.s32 @!p0 $0x88, s6;
	s7 =	simm.s32 @p2 $0x1082  }
0x22: {  	[simem:s7], [sflag:s8] =	dma.local @!p0 [hbm:s6], $0xF7A  }
0x23: {  	s9 =	sor.u32 $0xD0000000, s2;
	s6 =	simm.s32 $0x108;
	_ =	swait.ge @!p0 [sflag:s8], $0x0  }
0x24: {  	s3 =	sadd.s32 $0x88, s3;
	s6 =	simm.s32 @!p1 $0x1082;
	[sflag:s4] =	ssyncset.s32 $0xFFFFF086  }
0x25: {  	[simem:s6], [sflag:s4] =	dma.local [hbm:s3], $0xF7A  }
0x26: {  	[smem:$0x3F88] =	sst s1;
	(tag) =	ssettag s2;
	_ =	strace s9  }
0x27: {  	s1 =	sld [smem:$0x3F98]  }
0x28: {  	s2 =	sld [smem:$0x3F99]  }
0x29: {  	s4 =	sld [smem:$0x3F9B]  }
0x2a: {  	p0 =	seq.s32 s5, $0x0;
	s5 =	sld [smem:$0x3F9C]  }
0x2b: {  	s6 =	sld [smem:$0x3F9D]  }
0x2c: {  	s7 =	sld [smem:$0x3F9E]  }
0x2d: {  	s3 =	simm.s32 $0x108;
	s8 =	sld [smem:$0x3F9F]  }
0x2e: {  	s3 =	simm.s32 @!p0 $0x1082;
	s9 =	sld [smem:$0x3FA0]  }
0x2f: {  	lr =	sadd.s32 s0, s3;
	s0 =	sld [smem:$0x3F97]  }
0x30: {  	s3 =	sld [smem:$0x3F9A]  }
0x31: {  	[smem:$0x3FA3] =	sst s10  }
0x32: {  	s10 =	sld [smem:$0x3FA1];
	_ =	sdelay $0x3  }
0x33: {  	p0 =	seq.s32 s10, $0x1;
	s10 =	sld [smem:$0x3FA3];
	_ =	sdelay $0x3  }
0x34: {  	[smem:$0x3FA3] =	sst s10  }
0x35: {  	s10 =	sld [smem:$0x3FA2];
	_ =	sdelay $0x3  }
0x36: {  	p1 =	seq.s32 s10, $0x1;
	s10 =	sld [smem:$0x3FA3];
	_ =	sdelay $0x3  }
0x37: {  	[smem:$0x3FA3] =	sst s10  }
0x38: {  	s10 =	sld [smem:$0x3FA4]  }
0x39: {  	_ = 	snop;
	(pc) =	sbr.ind lr, $3  }
0x3a: {  	_ = 	snop  }
0x3b: {  	_ = 	snop  }
0x3c: {  	p2 =	seq.s32 s10, $0x1;
	s10 =	sld [smem:$0x3FA3]  }
0x3d: {  	_ =	shalt  }
0x3e: {  	_ =	shalt  }
0x3f: {  	_ =	shalt  }
0x40: {  	_ =	shalt  }
0x41: {  	_ =	shalt  }
0x42: {  	_ =	shalt  }
0x43: {  	_ =	shalt  }
0x44: {  	_ =	shalt  }
0x45: {  	_ =	shalt  }
0x46: {  	_ =	shalt  }
0x47: {  	_ =	shalt  }
0x48: {  	_ =	shalt  }
0x49: {  	_ =	shalt  }
0x4a: {  	_ =	shalt  }
0x4b: {  	_ =	shalt  }
0x4c: {  	_ =	shalt  }
0x4d: {  	_ =	shalt  }
0x4e: {  	_ =	shalt  }
0x4f: {  	_ =	shalt  }
0x50: {  	_ =	shalt  }
0x51: {  	_ =	shalt  }
0x52: {  	_ =	shalt  }
0x53: {  	_ =	shalt  }
0x54: {  	_ =	shalt  }
0x55: {  	_ =	shalt  }
0x56: {  	_ =	shalt  }
0x57: {  	_ =	shalt  }
0x58: {  	_ =	shalt  }
0x59: {  	_ =	shalt  }
0x5a: {  	_ =	shalt  }
0x5b: {  	_ =	shalt  }
0x5c: {  	_ =	shalt  }
0x5d: {  	_ =	shalt  }
0x5e: {  	_ =	shalt  }
0x5f: {  	_ =	shalt  }
0x60: {  	_ =	shalt  }
0x61: {  	_ =	shalt  }
0x62: {  	_ =	shalt  }
0x63: {  	_ =	shalt  }
0x64: {  	_ =	shalt  }
0x65: {  	_ =	shalt  }
0x66: {  	_ =	shalt  }
0x67: {  	_ =	shalt  }
0x68: {  	_ =	shalt  }
0x69: {  	_ =	shalt  }
0x6a: {  	_ =	shalt  }
0x6b: {  	_ =	shalt  }
0x6c: {  	_ =	shalt  }
0x6d: {  	_ =	shalt  }
0x6e: {  	_ =	shalt  }
0x6f: {  	_ =	shalt  }
0x70: {  	_ =	shalt  }
0x71: {  	_ =	shalt  }
0x72: {  	_ =	shalt  }
0x73: {  	_ =	shalt  }
0x74: {  	_ =	shalt  }
0x75: {  	_ =	shalt  }
0x76: {  	_ =	shalt  }
0x77: {  	_ =	shalt  }
0x78: {  	_ =	shalt  }
0x79: {  	_ =	shalt  }
0x7a: {  	_ =	shalt  }
0x7b: {  	_ =	shalt  }
0x7c: {  	_ =	shalt  }
0x7d: {  	_ =	shalt  }
0x7e: {  	_ =	shalt  }
0x7f: {  	_ =	shalt  }
0x80: {  	_ =	shalt  }
0x81: {  	_ =	shalt  }
0x82: {  	_ =	shalt  }
0x83: {  	_ =	shalt  }
0x84: {  	_ =	shalt  }
0x85: {  	_ =	shalt  }
0x86: {  	_ =	shalt  }
0x87: {  	_ =	shalt  }
.Lfunc_end0:
.L_simem_size_0:
called_computation_lowered:
.L_overlay_start_0:
0x88: {  	s2 =	sld [smem:$0x3FD9]  }
0x89: {  	s3 =	sld [smem:$0x3FFE];
	_ =	sdelay $0x1  }
0x8a: {  	s1 =	srdreg.scid  }
0x8b: {  	s0 =	sand.u32 $0x1, s1  }
0x8c: {  	s15 =	sshll.u32 s0, $0xA;
	s2 =	sadd.s32 s3, s2  }
0x8d: {  	s2 =	sadd.s32 s2, s15  }
0x8e: {  	[smem:$0x3FAF] =	sst s2  }
0x8f: {  	_ = 	snop  }
0x90: {  	s2 =	sld [smem:$0x3FD0];
	_ =	sdelay $0x2  }
0x91: {  	s4 =	simm.s32 $0xB;
	s16 =	simm.s32 $0x10  }
0x92: {  	[smem:s16], [sflag:s4] =	dma.local [hbm:s2], $0x1  }
0x93: {  	_ =	swait.eq [sflag:s4], $0x1  }
0x94: {  	[sflag:s4] =	ssyncset.done $0x0  }
0x95: {  	s17 =	sld [smem:$0x10];
	[sflag:s4] =	ssyncadd.s32 $0xFFFFFFFF  }
0x96: {  	s18 =	sld [smem:$0x11];
	(tm) =	ssettm $0x1  }
0x97: {  	s19 =	sld [smem:$0x3FFB];
	_ =	sdelay $0x3  }
0x98: {  	_ =	strace s19  }
0x99: {  	s2 =	sld [smem:$0x3FFC];
	_ =	sdelay $0x3  }
0x9a: {  	_ =	strace s2  }
0x9b: {  	s2 =	sld [smem:$0x3FFD];
	_ =	sdelay $0x3  }
0x9c: {  	_ =	strace s2  }
0x9d: {  	_ =	strace $0x8FFFFFFF  }
0x9e: {  	s20 =	sld [smem:$0x3FDB];
	_ =	sdelay $0x1  }
0x9f: {  	s5 =	simm.s32 $_scs_section_size  }
0xa0: {  	s6 =	simm.s32 $_size__tile_overlayer_lowered;
	s7 =	simm.s32 $_tile_overlayer_lowered  }
0xa1: {  	s8 =	simm.s32 $0x1BFF;
	s21 =	sshll.u32 s7, $0x1;
	s5 =	sadd.s32 s5, s20  }
0xa2: {  	s22 =	simm.s32 $0x0;
	s6 =	sshll.u32 s6, $0x1;
	s7 =	sadd.s32 s21, s5  }
0xa3: {  	[timem:s22], [sflag:s8] =	dma.local [hbm:s7], s6  }
0xa4: {  	_ =	swait.ge [sflag:s8], s6  }
0xa5: {  	s6 =	ssub.s32 $0x0, s6;
	[sflag:s8] =	ssyncset.done $0x0  }
0xa6: {  	[sflag:s8] =	ssyncadd.s32 s6;
	_ =	sdelay $0x1  }
0xa7: {  	s23 =	simm.s32 $0x1B8B  }
0xa8: {  	_ =	swait.ge [sflag:s23], $0x1  }
0xa9: {  	[sflag:s23] =	ssyncset.done $0x0  }
0xaa: {  	[sflag:s23] =	ssyncadd.s32 $0xFFFFFFFF  }
0xab: {  	s6 =	sld [smem:$0x0]  }
0xac: {  	s7 =	sand.u32 $0xFFFFFFFE, s1  }
0xad: {  	p0 =	sne.s32 s1, s7  }
0xae: {  	s7 =	sshll.u32 @p0 s7, $0xE  }
0xaf: {  	s7 =	sadd.s32 @p0 $0x11B8D, s7;
	s8 =	sshll.u32 @p0 s6, $0x11  }
0xb0: {  	s7 =	sor.u32 @p0 s8, s7  }
0xb1: {  	[sflag:s7] =	ssyncadd.remote.s32 @p0 $0x1;
	_ =	sdelay $0x1  }
0xb2: {  	s7 =	simm.s32 @p0 $0x1B8D  }
0xb3: {  	_ =	swait.eq @p0 [sflag:s7], $0x1  }
0xb4: {  	[sflag:s7] =	ssyncadd.s32 @p0 $0xFFFFFFFF  }
0xb5: {  	s8 =	sshll.u32 @!p0 s1, $0xE  }
0xb6: {  	s8 =	sor.u32 @!p0 $0x4000, s8;
	s7 =	simm.s32 @!p0 $0x1B8D  }
0xb7: {  	s6 =	sshll.u32 @!p0 s6, $0x11;
	s8 =	sadd.s32 @!p0 $0x11B8D, s8;
	_ =	swait.eq @!p0 [sflag:s7], $0x1  }
0xb8: {  	s6 =	sor.u32 @!p0 s6, s8;
	[sflag:s7] =	ssyncadd.s32 @!p0 $0xFFFFFFFF  }
0xb9: {  	s25 =	simm.s32 $0x1B8E;
	s24 =	sld [smem:$0x3FFE];
	[sflag:s6] =	ssyncadd.remote.s32 @!p0 $0x1  }
0xba: {  	s26 =	simm.s32 $execute0_lowered;
	[smem:$0x3FD2] =	sst s25  }
0xbb: {  	s7 =	sshll.u32 s26, $0x1;
	_ =	strace $0x80000049;
	[dreg:$0x1] =	wrdreg $0xFFFFFFFF  }
0xbc: {  	s28 =	simm.s32 $_size_execute0_lowered;
	s5 =	sadd.s32 s5, s7;
	[dreg:$0x0] =	wrdreg $0x0  }
0xbd: {  	s7 =	sshll.u32 s28, $0x1;
	[dreg:$0x2] =	wrdreg s5  }
0xbe: {  	[dreg:$0x3] =	wrdreg s7  }
0xbf: {  	[dreg:$0x4] =	wrdreg $0xC0  }
0xc0: {  	_ =	task [dreg:s22], $0x5FFFF  }
0xc1: {  	[dreg:$0x1] =	wrdreg $0xFFFFFFFF  }
0xc2: {  	[dreg:$0x0] =	wrdreg $0x60  }
0xc3: {  	[dreg:$0x2] =	wrdreg s24  }
0xc4: {  	[dreg:$0x3] =	wrdreg s17  }
0xc5: {  	[dreg:$0x4] =	wrdreg s18  }
0xc6: {  	[dreg:$0x5] =	wrdreg $0x8F000  }
0xc7: {  	[dreg:$0x6] =	wrdreg $0xB6800  }
0xc8: {  	[dreg:$0x7] =	wrdreg $0x9  }
0xc9: {  	_ =	task.clear_ibuf [dreg:s22], $0x8FFFF;
	_ =	strace $0x90000049  }
0xca: {  	s29 =	simm.s32 $0x9;
	_ =	strace $0x8000004B  }
0xcb: {  	_ =	swait.ge [sflag:s29], $0x1  }
0xcc: {  	[sflag:s29] =	ssyncadd.s32 $0xFFFFFFFF  }
0xcd: {  	_ =	strace $0x9000004B  }
0xce: {  	_ =	sfence  }
0xcf: {  	s30 =	sld [smem:$0x0];
	_ =	sdelay $0x2  }
0xd0: {  	s31 =	sshll.u32 s1, $0xD;
	s1 =	sshrl.u32 s1, $0x2  }
0xd1: {  	s4 =	sand.u32 $0x4000, s31;
	s1 =	sadd.s32 s1, s30  }
0xd2: {  	s0 =	sor.u32 s4, s0;
	s1 =	sshll.u32 s1, $0x11  }
0xd3: {  	s0 =	sor.u32 s1, s0  }
0xd4: {  	s0 =	sadd.s32 $0x8F2B, s0  }
0xd5: {  	[sflag:s0] =	ssyncadd.remote.s32 $0x1  }
0xd6: {  	_ =	sfence.sel $0xFFFF  }
0xd7: {  	[dreg:$0x0] =	wrdreg $0xFFFFFFFF;
	(pc) =	sbr.abs _section_cstart, $3  }
0xd8: {  	[dreg:$0x1] =	wrdreg $0xFFFFFFFF  }
0xd9: {  	_ =	task.clear_ibuf [dreg:s22], $0x2FFFF;
	_ =	strace $0x9FFFFFFF  }
0xda: {  	(tm) =	ssettm $0x7FFFFFFF  }
0xdb: {  	_ =	shalt  }
tec
execute0_lowered:
.L_overlay_start_1:
0x0: {  	(tag) =	ssettag $0x1  }
0x1: {  	s0 =	rddreg [dreg:$0x0]  }
0x2: {  	s3 =	rddreg [dreg:$0x3]  }
0x3: {  	s5 =	rddreg [dreg:$0x4];
	s6 =	simm.s32 $0x0  }
0x4: {  	s1 =	srdreg.scid;
	s12 =	stileid.u32;
	s17 =	simm.s32 $0x7  }
0x5: {  	s19 =	simm.s32 $0x8700;
	s28 =	simm.s32 $0x6F00;
	s29 =	simm.s32 $0x7700  }
0x6: {  	s30 =	simm.s32 $0x2;
	s31 =	simm.s32 $0x4;
	[smem:$0x7FF] =	sst s6  }
0x7: {  	s1 =	sand.u32 $0x1, s1;
	s2 =	smul.u32 $0x2780, s12;
	s7 =	sadd.s32 $0x32000, s0  }
0x8: {  	s10 =	sadd.s32 $0x37000, s0;
	s22 =	sshll.u32 s12, $0x6;
	_ =	strace $0x8000004A  }
0x9: {  	s4 =	smul.u32 $0x27800, s1;
	s8 =	sshll.u32 s1, $0x4;
	s1 =	ssub.s32 $0x2, s1  }
0xa: {  	s11 =	sor.u32 s12, s8;
	s20 =	sshrl.u32 s1, $0x1;
	s21 =	sadd.s32 s2, s3  }
0xb: {  	s12 =	sshll.u32 s12, $0x4;
	s8 =	sor.u32 $0x1C07, s22;
	s22 =	simm.s32 $0x4F00  }
0xc: {  	s4 =	sadd.s32 s2, s4;
	s9 =	smul.u32 $0x2700, s11;
	s1 =	ssub.s32 s1, s20  }
0xd: {  	s2 =	sadd.s32 s2, s5;
	p0 =	sgt.u32 s11, $0x3;
	s16 =	sshrl.u32 s21, $0x3  }
0xe: {  	s21 =	simm.s32 $0x80;
	s20 =	simm.s32 $0x0;
	s4 =	sshrl.u32 s4, $0x3  }
0xf: {  	s26 =	smax.u32 s1, $0x1;
	s18 =	sshrl.u32 s2, $0x3;
	s1 =	simm.s32 $0x6  }
0x10: {  	s0 =	sadd.s32 s4, s0;
	s9 =	sshrl.u32 s9, $0x3;
	[dreg:$0xb] =	wrdreg s26  }
0x11: {  	s26 =	simm.s32 $0x1;
	s4 =	simm.s32 $0x5;
	s25 =	sadd.s32 $0x4AA00, s0  }
0x12: {  	s9 =	sadd.s32 s10, s9;
	s0 =	sadd.s32 $0x54800, s0;
	[dreg:$0x9] =	wrdreg s25  }
0x13: {  	s10 =	sadd.s32 s12, s10;
	s23 =	sadd.s32 $0x9C40, s9;
	[dreg:$0xa] =	wrdreg s0  }
0x14: {  	s24 =	sadd.s32 $0x9C00, s10;
	s10 =	sadd.s32 $0x13840, s10;
	[dreg:$0x6] =	wrdreg s23  }
0x15: {  	s25 =	simm.s32 $0x6700;
	s0 =	simm.s32 $0x3;
	[dreg:$0x7] =	wrdreg s24  }
0x16: {  	[dreg:$0x8] =	wrdreg s10;
	s23 =	simm.s32 $0x5700;
	s24 =	simm.s32 $0x5F00  }
.LBB2_1:
0x17: {  	s2 =	rddreg [dreg:$0x2]  }
0x18: {  	[spmem:s16], [sflag:s8] =	dma.local [hbm:s2], $0x4F0  }
0x19: {  	_ =	swait.ge [sflag:s17], $0x4F0  }
0x1a: {  	[sflag:s17] =	ssyncset.done $0x0  }
0x1b: {  	[sflag:s17] =	ssyncadd.s32 $0xFFFFFB10  }
0x1c: {  	[spmem:s18], [sflag:s8] =	dma.local [hbm:s2], $0x4F0  }
0x1d: {  	_ =	swait.ge [sflag:s17], $0x4F0  }
0x1e: {  	[sflag:s17] =	ssyncset.done $0x0  }
0x1f: {  	[sflag:s17] =	ssyncadd.s32 $0xFFFFFB10  }
0x20: {  	s10 =	rddreg [dreg:$0x1]  }
0x21: {  	[tilespmem:s19], [sflag:$0x7] =	stream.linear.gather [hbm4b:s10+s6], $0x800, $0x38;
	[tilespmem:$0xDE00] =	vst v63  }
0x22: {  	_ =	swait.ge [sflag:s17], $0x800  }
0x23: {  	[sflag:s17] =	ssyncset.done $0x0  }
0x24: {  	[sflag:s17] =	ssyncadd.s32 $0xFFFFF800  }
0x25: {  	[bflag:$0x0] =	sbarrier.arrive $0xFFFF  }
0x26: {  	[tilespmem:s6], [sflag:$0x7] =	stream.linear.gather [hbm4b:s9+s6], $0x2700, $0x38;
	[tilespmem:$0xDE00] =	vst v63  }
0x27: {  	_ =	swait.ge [sflag:s17], $0x2700  }
0x28: {  	[sflag:s17] =	ssyncset.done $0x0  }
0x29: {  	s10 =	simm.s32 $0x2780;
	s11 =	rddreg [dreg:$0x6];
	[sflag:s17] =	ssyncadd.s32 $0xFFFFD900  }
0x2a: {  	[tilespmem:s10], [sflag:$0x7] =	stream.linear.gather [hbm4b:s11+s6], $0x2700, $0x38;
	[tilespmem:$0xDE00] =	vst v63  }
0x2b: {  	_ =	swait.ge [sflag:s17], $0x2700  }
0x2c: {  	s2 =	simm.s32 @!p0 $0x0;
	[sflag:s17] =	ssyncset.done $0x0  }
0x2d: {  	s10 =	simm.s32 @!p0 $0x2700;
	s11 =	rddreg [dreg:$0x7];
	[sflag:s17] =	ssyncadd.s32 $0xFFFFD900  }
0x2e: {  	[tilespmem:s10], [sflag:$0x7] =	stream.linear.gather @!p0 [hbm4b:s11+s2], $0x80, $0x38;
	[tilespmem:$0xDE00] =	vst v63  }
0x2f: {  	s11 =	simm.s32 @!p0 $0x7  }
0x30: {  	_ =	swait.ge @!p0 [sflag:s11], $0x80  }
0x31: {  	[sflag:s11] =	ssyncset.done @!p0 $0x0  }
0x32: {  	s12 =	simm.s32 @!p0 $0x4E80;
	s13 =	rddreg [dreg:$0x8];
	[sflag:s11] =	ssyncadd.s32 @!p0 $0xFFFFFF80  }
0x33: {  	[tilespmem:s12], [sflag:$0x7] =	stream.linear.gather @!p0 [hbm4b:s13+s2], $0x80, $0x38;
	[tilespmem:$0xDE00] =	vst v63  }
0x34: {  	_ =	swait.ge @!p0 [sflag:s11], $0x80  }
0x35: {  	[sflag:s11] =	ssyncset.done @!p0 $0x0  }
0x36: {  	s2 =	simm.s32 @!p0 $0x80;
	s13 =	simm.s32 @!p0 $0x7F00;
	[sflag:s11] =	ssyncadd.s32 @!p0 $0xFFFFFF80  }
0x37: {  	[tilespmem:s13], [sflag:$0x1] =	stream.indirect.gather @!p0 [hbm4b:s7+s2], $0x10, s10, s2, $0xb8;
	[tilespmem:$0xDE00] =	vst v63  }
0x38: {  	s10 =	simm.s32 @!p0 $0x1  }
0x39: {  	_ =	swait.ge @!p0 [sflag:s10], $0x800  }
0x3a: {  	[sflag:s10] =	ssyncset.done @!p0 $0x0  }
0x3b: {  	[sflag:s10] =	ssyncadd.s32 @!p0 $0xFFFFF800  }
0x3c: {  	[spmem:s3] =	stream.indirect.scatter.add.f32 @!p0 [tilespmem:s13], [sflag:$0x7], $0x10, s12, s2, $0xb8;
	[tilespmem:$0xDE00] =	vst v63  }
0x3d: {  	_ =	swait.ge @!p0 [sflag:s11], $0x800  }
0x3e: {  	[sflag:s11] =	ssyncset.done @!p0 $0x0  }
0x3f: {  	s10 =	simm.s32 @!p0 $0x8700;
	[sflag:s11] =	ssyncadd.s32 @!p0 $0xFFFFF800  }
0x40: {  	[spmem:s5] =	stream.indirect.scatter.add.f32 @!p0 [tilespmem:s10], [sflag:$0x7], $0x10, s12, s2, $0xb8;
	[tilespmem:$0xDE00] =	vst v63  }
0x41: {  	_ =	swait.ge @!p0 [sflag:s11], $0x800  }
0x42: {  	p1 =	por $0x1, $0x1;
	[sflag:s11] =	ssyncset.done @!p0 $0x0  }
0x43: {  	p1 =	por p1, p1;
	[sflag:s11] =	ssyncadd.s32 @!p0 $0xFFFFF800  }
0x44: {  	[tilespmem:s22], [sflag:$0x1] =	stream.indirect.gather [hbm4b:s7+s21], $0x10, s6, s21, $0xb8;
	[tilespmem:$0xDE00] =	vst v63  }
0x45: {  	s2 =	simm.s32 @!p1 $0x5  }
0x46: {  	[tilespmem:s23], [sflag:$0x1] =	stream.indirect.gather [hbm4b:s7+s21], $0x10, s21, s21, $0xb8;
	[tilespmem:$0xDE00] =	vst v63  }
0x47: {  	_ =	swait.ge @!p1 [sflag:s2], $0x800  }
0x48: {  	[sflag:s2] =	ssyncset.done @!p1 $0x0  }
0x49: {  	[sflag:s2] =	ssyncadd.s32 @!p1 $0xFFFFF800  }
0x4a: {  	_ =	swait.ge @!p1 [sflag:s2], $0x800  }
0x4b: {  	[sflag:s2] =	ssyncset.done @!p1 $0x0  }
0x4c: {  	[sflag:s2] =	ssyncadd.s32 @!p1 $0xFFFFF800  }
0x4d: {  	_ =	swait.ge @!p1 [sflag:s2], $0x800  }
0x4e: {  	[sflag:s2] =	ssyncset.done @!p1 $0x0  }
0x4f: {  	[sflag:s2] =	ssyncadd.s32 @!p1 $0xFFFFF800  }
0x50: {  	_ =	swait.ge @!p1 [sflag:s2], $0x800  }
0x51: {  	[sflag:s2] =	ssyncset.done @!p1 $0x0  }
0x52: {  	s12 =	simm.s32 $0x100;
	[sflag:s2] =	ssyncadd.s32 @!p1 $0xFFFFF800  }
0x53: {  	[tilespmem:s24], [sflag:$0x2] =	stream.indirect.gather [hbm4b:s7+s21], $0x10, s12, s21, $0xb8;
	[tilespmem:$0xDE00] =	vst v63  }
0x54: {  	s13 =	simm.s32 $0x180  }
0x55: {  	[tilespmem:s25], [sflag:$0x2] =	stream.indirect.gather [hbm4b:s7+s21], $0x10, s13, s21, $0xb8;
	[tilespmem:$0xDE00] =	vst v63  }
0x56: {  	_ =	swait.ge [sflag:s26], $0x800  }
0x57: {  	[sflag:s26] =	ssyncset.done $0x0  }
0x58: {  	[sflag:s26] =	ssyncadd.s32 $0xFFFFF800  }
0x59: {  	_ =	swait.ge [sflag:s26], $0x800  }
0x5a: {  	[sflag:s26] =	ssyncset.done $0x0  }
0x5b: {  	s14 =	simm.s32 $0x2780;
	[sflag:s26] =	ssyncadd.s32 $0xFFFFF800  }
0x5c: {  	[spmem:s3] =	stream.indirect.scatter.add.f32 [tilespmem:s22], [sflag:$0x4], $0x10, s14, s21, $0xb8;
	[tilespmem:$0xDE00] =	vst v63  }
0x5d: {  	_ = 	snop  }
0x5e: {  	[spmem:s5] =	stream.indirect.scatter.add.f32 [tilespmem:s19], [sflag:$0x4], $0x10, s14, s21, $0xb8;
	[tilespmem:$0xDE00] =	vst v63  }
0x5f: {  	s15 =	simm.s32 $0x2800  }
0x60: {  	[spmem:s3] =	stream.indirect.scatter.add.f32 [tilespmem:s23], [sflag:$0x4], $0x10, s15, s21, $0xb8;
	[tilespmem:$0xDE00] =	vst v63  }
0x61: {  	s10 =	simm.s32 @!p1 $0x6  }
0x62: {  	[spmem:s5] =	stream.indirect.scatter.add.f32 [tilespmem:s19], [sflag:$0x4], $0x10, s15, s21, $0xb8;
	[tilespmem:$0xDE00] =	vst v63  }
0x63: {  	_ =	swait.ge @!p1 [sflag:s10], $0x800  }
0x64: {  	[sflag:s10] =	ssyncset.done @!p1 $0x0  }
0x65: {  	[sflag:s10] =	ssyncadd.s32 @!p1 $0xFFFFF800  }
0x66: {  	_ =	swait.ge @!p1 [sflag:s10], $0x800  }
0x67: {  	[sflag:s10] =	ssyncset.done @!p1 $0x0  }
0x68: {  	[sflag:s10] =	ssyncadd.s32 @!p1 $0xFFFFF800  }
0x69: {  	_ =	swait.ge @!p1 [sflag:s10], $0x800  }
0x6a: {  	[sflag:s10] =	ssyncset.done @!p1 $0x0  }
0x6b: {  	[sflag:s10] =	ssyncadd.s32 @!p1 $0xFFFFF800  }
0x6c: {  	_ =	swait.ge @!p1 [sflag:s10], $0x800  }
0x6d: {  	[sflag:s10] =	ssyncset.done @!p1 $0x0  }
0x6e: {  	s11 =	simm.s32 $0x200;
	[sflag:s10] =	ssyncadd.s32 @!p1 $0xFFFFF800  }
0x6f: {  	[tilespmem:s28], [sflag:$0x3] =	stream.indirect.gather [hbm4b:s7+s21], $0x10, s11, s21, $0xb8;
	[tilespmem:$0xDE00] =	vst v63  }
0x70: {  	s12 =	simm.s32 $0x280  }
0x71: {  	[tilespmem:s29], [sflag:$0x3] =	stream.indirect.gather [hbm4b:s7+s21], $0x10, s12, s21, $0xb8;
	[tilespmem:$0xDE00] =	vst v63  }
0x72: {  	_ =	swait.ge [sflag:s30], $0x800  }
0x73: {  	[sflag:s30] =	ssyncset.done $0x0  }
0x74: {  	[sflag:s30] =	ssyncadd.s32 $0xFFFFF800  }
0x75: {  	_ =	swait.ge [sflag:s30], $0x800  }
0x76: {  	[sflag:s30] =	ssyncset.done $0x0  }
0x77: {  	s13 =	simm.s32 $0x2880;
	[sflag:s30] =	ssyncadd.s32 $0xFFFFF800  }
0x78: {  	[spmem:s3] =	stream.indirect.scatter.add.f32 [tilespmem:s24], [sflag:$0x5], $0x10, s13, s21, $0xb8;
	[tilespmem:$0xDE00] =	vst v63  }
0x79: {  	_ = 	snop  }
0x7a: {  	[spmem:s5] =	stream.indirect.scatter.add.f32 [tilespmem:s19], [sflag:$0x5], $0x10, s13, s21, $0xb8;
	[tilespmem:$0xDE00] =	vst v63  }
0x7b: {  	s14 =	simm.s32 $0x2900  }
0x7c: {  	[spmem:s3] =	stream.indirect.scatter.add.f32 [tilespmem:s25], [sflag:$0x5], $0x10, s14, s21, $0xb8;
	[tilespmem:$0xDE00] =	vst v63  }
0x7d: {  	_ = 	snop  }
0x7e: {  	[spmem:s5] =	stream.indirect.scatter.add.f32 [tilespmem:s19], [sflag:$0x5], $0x10, s14, s21, $0xb8;
	[tilespmem:$0xDE00] =	vst v63  }
0x7f: {  	_ =	swait.ge [sflag:s31], $0x800  }
0x80: {  	[sflag:s31] =	ssyncset.done $0x0  }
0x81: {  	[sflag:s31] =	ssyncadd.s32 $0xFFFFF800  }
0x82: {  	_ =	swait.ge [sflag:s31], $0x800  }
0x83: {  	[sflag:s31] =	ssyncset.done $0x0  }
0x84: {  	[sflag:s31] =	ssyncadd.s32 $0xFFFFF800  }
0x85: {  	_ =	swait.ge [sflag:s31], $0x800  }
0x86: {  	[sflag:s31] =	ssyncset.done $0x0  }
0x87: {  	[sflag:s31] =	ssyncadd.s32 $0xFFFFF800  }
0x88: {  	p1 =	por $0x0, $0x0;
	_ =	swait.ge [sflag:s31], $0x800  }
0x89: {  	s2 =	simm.s32 @!p1 $0x4F00;
	[sflag:s31] =	ssyncset.done $0x0  }
0x8a: {  	s10 =	simm.s32 @!p1 $0x300;
	s11 =	simm.s32 @!p1 $0x80;
	[sflag:s31] =	ssyncadd.s32 $0xFFFFF800  }
0x8b: {  	[tilespmem:s2], [sflag:$0x1] =	stream.indirect.gather @!p1 [hbm4b:s7+s11], $0x10, s10, s11, $0xb8;
	[tilespmem:$0xDE00] =	vst v63  }
0x8c: {  	s2 =	simm.s32 @!p1 $0x380;
	s10 =	simm.s32 @!p1 $0x5700  }
0x8d: {  	[tilespmem:s10], [sflag:$0x1] =	stream.indirect.gather @!p1 [hbm4b:s7+s11], $0x10, s2, s11, $0xb8;
	[tilespmem:$0xDE00] =	vst v63  }
0x8e: {  	_ =	swait.ge [sflag:s0], $0x800  }
0x8f: {  	[sflag:s0] =	ssyncset.done $0x0  }
0x90: {  	[sflag:s0] =	ssyncadd.s32 $0xFFFFF800  }
0x91: {  	_ =	swait.ge [sflag:s0], $0x800  }
0x92: {  	[sflag:s0] =	ssyncset.done $0x0  }
0x93: {  	s15 =	simm.s32 $0x2980;
	[sflag:s0] =	ssyncadd.s32 $0xFFFFF800  }
0x94: {  	[spmem:s3] =	stream.indirect.scatter.add.f32 [tilespmem:s28], [sflag:$0x6], $0x10, s15, s21, $0xb8;
	[tilespmem:$0xDE00] =	vst v63  }
0x95: {  	p6 =	por $0x0, $0x0;
	s11 =	simm.s32 $0x2A00  }
0x96: {  	[spmem:s5] =	stream.indirect.scatter.add.f32 [tilespmem:s19], [sflag:$0x6], $0x10, s15, s21, $0xb8;
	[tilespmem:$0xDE00] =	vst v63  }
0x97: {  	s2 =	simm.s32 $0xC00;
	s10 =	simm.s32 $0x1800;
	p1 =	por p6, p6  }
0x98: {  	[spmem:s3] =	stream.indirect.scatter.add.f32 [tilespmem:s29], [sflag:$0x6], $0x10, s11, s21, $0xb8;
	[tilespmem:$0xDE00] =	vst v63  }
.LBB2_2:
0x99: {  	[spmem:s5] =	stream.indirect.scatter.add.f32 [tilespmem:s19], [sflag:$0x6], $0x10, s11, s21, $0xb8;
	[tilespmem:$0xDE00] =	vst v63  }
0x9a: {  	s11 =	smov.u32 s10  }
0x9b: {  	s10 =	sadd.s32 $0xC00, s10;
	s13 =	simm.s32 @!p1 $0x5;
	p3 =	seq.s32 s11, $0x0  }
0x9c: {  	p2 =	sne.s32 s10, $0x9C00;
	_ =	swait.ge @!p1 [sflag:s13], $0x800  }
0x9d: {  	[sflag:s13] =	ssyncset.done @!p1 $0x0  }
0x9e: {  	[sflag:s13] =	ssyncadd.s32 @!p1 $0xFFFFF800  }
0x9f: {  	_ =	swait.ge @!p1 [sflag:s13], $0x800  }
0xa0: {  	[sflag:s13] =	ssyncset.done @!p1 $0x0  }
0xa1: {  	[sflag:s13] =	ssyncadd.s32 @!p1 $0xFFFFF800  }
0xa2: {  	_ =	swait.ge @!p1 [sflag:s13], $0x800  }
0xa3: {  	[sflag:s13] =	ssyncset.done @!p1 $0x0  }
0xa4: {  	[sflag:s13] =	ssyncadd.s32 @!p1 $0xFFFFF800  }
0xa5: {  	_ =	swait.ge @!p1 [sflag:s13], $0x800  }
0xa6: {  	s12 =	sshra.s32 s2, $0x2;
	[sflag:s13] =	ssyncset.done @!p1 $0x0  }
0xa7: {  	[sflag:s13] =	ssyncadd.s32 @!p1 $0xFFFFF800;
	s13 =	sadd.s32 $0x100, s12  }
0xa8: {  	[tilespmem:s24], [sflag:$0x2] =	stream.indirect.gather [hbm4b:s7+s21], $0x10, s13, s21, $0xb8;
	[tilespmem:$0xDE00] =	vst v63  }
0xa9: {  	s13 =	sadd.s32 $0x180, s12  }
0xaa: {  	[tilespmem:s25], [sflag:$0x2] =	stream.indirect.gather [hbm4b:s7+s21], $0x10, s13, s21, $0xb8;
	[tilespmem:$0xDE00] =	vst v63  }
0xab: {  	_ =	swait.ge [sflag:s26], $0x800  }
0xac: {  	[sflag:s26] =	ssyncset.done $0x0  }
0xad: {  	[sflag:s26] =	ssyncadd.s32 $0xFFFFF800  }
0xae: {  	_ =	swait.ge [sflag:s26], $0x800  }
0xaf: {  	[sflag:s26] =	ssyncset.done $0x0  }
0xb0: {  	s13 =	sadd.s32 $0x2780, s12;
	[sflag:s26] =	ssyncadd.s32 $0xFFFFF800  }
0xb1: {  	[spmem:s3] =	stream.indirect.scatter.add.f32 [tilespmem:s22], [sflag:$0x4], $0x10, s13, s21, $0xb8;
	[tilespmem:$0xDE00] =	vst v63  }
0xb2: {  	_ = 	snop  }
0xb3: {  	[spmem:s5] =	stream.indirect.scatter.add.f32 [tilespmem:s19], [sflag:$0x4], $0x10, s13, s21, $0xb8;
	[tilespmem:$0xDE00] =	vst v63  }
0xb4: {  	s13 =	sadd.s32 $0x2800, s12  }
0xb5: {  	[spmem:s3] =	stream.indirect.scatter.add.f32 [tilespmem:s23], [sflag:$0x4], $0x10, s13, s21, $0xb8;
	[tilespmem:$0xDE00] =	vst v63  }
0xb6: {  	s14 =	simm.s32 @!p1 $0x6  }
0xb7: {  	[spmem:s5] =	stream.indirect.scatter.add.f32 [tilespmem:s19], [sflag:$0x4], $0x10, s13, s21, $0xb8;
	[tilespmem:$0xDE00] =	vst v63  }
0xb8: {  	_ =	swait.ge @!p1 [sflag:s14], $0x800  }
0xb9: {  	[sflag:s14] =	ssyncset.done @!p1 $0x0  }
0xba: {  	[sflag:s14] =	ssyncadd.s32 @!p1 $0xFFFFF800  }
0xbb: {  	_ =	swait.ge @!p1 [sflag:s14], $0x800  }
0xbc: {  	[sflag:s14] =	ssyncset.done @!p1 $0x0  }
0xbd: {  	[sflag:s14] =	ssyncadd.s32 @!p1 $0xFFFFF800  }
0xbe: {  	_ =	swait.ge @!p1 [sflag:s14], $0x800  }
0xbf: {  	[sflag:s14] =	ssyncset.done @!p1 $0x0  }
0xc0: {  	[sflag:s14] =	ssyncadd.s32 @!p1 $0xFFFFF800  }
0xc1: {  	_ =	swait.ge @!p1 [sflag:s14], $0x800  }
0xc2: {  	[sflag:s14] =	ssyncset.done @!p1 $0x0  }
0xc3: {  	s13 =	sadd.s32 $0x200, s12;
	[sflag:s14] =	ssyncadd.s32 @!p1 $0xFFFFF800;
	p1 =	por p3, p3  }
0xc4: {  	[tilespmem:s28], [sflag:$0x3] =	stream.indirect.gather [hbm4b:s7+s21], $0x10, s13, s21, $0xb8;
	[tilespmem:$0xDE00] =	vst v63  }
0xc5: {  	s13 =	sadd.s32 $0x280, s12  }
0xc6: {  	[tilespmem:s29], [sflag:$0x3] =	stream.indirect.gather [hbm4b:s7+s21], $0x10, s13, s21, $0xb8;
	[tilespmem:$0xDE00] =	vst v63  }
0xc7: {  	_ =	swait.ge [sflag:s30], $0x800  }
0xc8: {  	[sflag:s30] =	ssyncset.done $0x0  }
0xc9: {  	[sflag:s30] =	ssyncadd.s32 $0xFFFFF800  }
0xca: {  	_ =	swait.ge [sflag:s30], $0x800  }
0xcb: {  	[sflag:s30] =	ssyncset.done $0x0  }
0xcc: {  	s13 =	sadd.s32 $0x2880, s12;
	[sflag:s30] =	ssyncadd.s32 $0xFFFFF800  }
0xcd: {  	[spmem:s3] =	stream.indirect.scatter.add.f32 [tilespmem:s24], [sflag:$0x5], $0x10, s13, s21, $0xb8;
	[tilespmem:$0xDE00] =	vst v63  }
0xce: {  	_ = 	snop  }
0xcf: {  	[spmem:s5] =	stream.indirect.scatter.add.f32 [tilespmem:s19], [sflag:$0x5], $0x10, s13, s21, $0xb8;
	[tilespmem:$0xDE00] =	vst v63  }
0xd0: {  	s13 =	sadd.s32 $0x2900, s12  }
0xd1: {  	[spmem:s3] =	stream.indirect.scatter.add.f32 [tilespmem:s25], [sflag:$0x5], $0x10, s13, s21, $0xb8;
	[tilespmem:$0xDE00] =	vst v63  }
0xd2: {  	_ = 	snop  }
0xd3: {  	[spmem:s5] =	stream.indirect.scatter.add.f32 [tilespmem:s19], [sflag:$0x5], $0x10, s13, s21, $0xb8;
	[tilespmem:$0xDE00] =	vst v63  }
0xd4: {  	_ =	swait.ge [sflag:s31], $0x800  }
0xd5: {  	[sflag:s31] =	ssyncset.done $0x0  }
0xd6: {  	[sflag:s31] =	ssyncadd.s32 $0xFFFFF800  }
0xd7: {  	_ =	swait.ge [sflag:s31], $0x800  }
0xd8: {  	[sflag:s31] =	ssyncset.done $0x0  }
0xd9: {  	[sflag:s31] =	ssyncadd.s32 $0xFFFFF800  }
0xda: {  	_ =	swait.ge [sflag:s31], $0x800  }
0xdb: {  	[sflag:s31] =	ssyncset.done $0x0  }
0xdc: {  	[sflag:s31] =	ssyncadd.s32 $0xFFFFF800  }
0xdd: {  	p3 =	seq.s32 s2, $0x9000;
	_ =	swait.ge [sflag:s31], $0x800  }
0xde: {  	s2 =	sshra.s32 @!p3 s2, $0x2;
	s13 =	simm.s32 @!p3 $0x4F00;
	[sflag:s31] =	ssyncset.done $0x0  }
0xdf: {  	s15 =	simm.s32 @!p3 $0x80;
	s14 =	sadd.s32 @!p3 $0x300, s2;
	[sflag:s31] =	ssyncadd.s32 $0xFFFFF800  }
0xe0: {  	[tilespmem:s13], [sflag:$0x1] =	stream.indirect.gather @!p3 [hbm4b:s7+s15], $0x10, s14, s15, $0xb8;
	[tilespmem:$0xDE00] =	vst v63  }
0xe1: {  	s13 =	sadd.s32 @!p3 $0x380, s2;
	s14 =	simm.s32 @!p3 $0x5700;
	s2 =	smov.u32 s11  }
0xe2: {  	[tilespmem:s14], [sflag:$0x1] =	stream.indirect.gather @!p3 [hbm4b:s7+s15], $0x10, s13, s15, $0xb8;
	[tilespmem:$0xDE00] =	vst v63  }
0xe3: {  	_ =	swait.ge [sflag:s0], $0x800  }
0xe4: {  	[sflag:s0] =	ssyncset.done $0x0  }
0xe5: {  	[sflag:s0] =	ssyncadd.s32 $0xFFFFF800  }
0xe6: {  	_ =	swait.ge [sflag:s0], $0x800  }
0xe7: {  	[sflag:s0] =	ssyncset.done $0x0  }
0xe8: {  	s11 =	sadd.s32 $0x2980, s12;
	[sflag:s0] =	ssyncadd.s32 $0xFFFFF800  }
0xe9: {  	[spmem:s3] =	stream.indirect.scatter.add.f32 [tilespmem:s28], [sflag:$0x6], $0x10, s11, s21, $0xb8;
	[tilespmem:$0xDE00] =	vst v63  }
.Ltmp0:
0xea: {  	_ = 	snop;
	(pc) =	sbr.rel @p2 .LBB2_2-.Ltmp0, $4  }
0xeb: {  	_ = 	snop  }
0xec: {  	[spmem:s5] =	stream.indirect.scatter.add.f32 [tilespmem:s19], [sflag:$0x6], $0x10, s11, s21, $0xb8;
	[tilespmem:$0xDE00] =	vst v63  }
0xed: {  	s11 =	sadd.s32 $0x2A00, s12  }
0xee: {  	[spmem:s3] =	stream.indirect.scatter.add.f32 [tilespmem:s29], [sflag:$0x6], $0x10, s11, s21, $0xb8;
	[tilespmem:$0xDE00] =	vst v63  }
0xef: {  	[spmem:s5] =	stream.indirect.scatter.add.f32 [tilespmem:s19], [sflag:$0x6], $0x10, s11, s21, $0xb8;
	[tilespmem:$0xDE00] =	vst v63  }
0xf0: {  	s11 =	simm.s32 @!p1 $0x5  }
0xf1: {  	_ =	swait.ge @!p1 [sflag:s11], $0x800  }
0xf2: {  	[sflag:s11] =	ssyncset.done @!p1 $0x0  }
0xf3: {  	[sflag:s11] =	ssyncadd.s32 @!p1 $0xFFFFF800  }
0xf4: {  	_ =	swait.ge @!p1 [sflag:s11], $0x800  }
0xf5: {  	[sflag:s11] =	ssyncset.done @!p1 $0x0  }
0xf6: {  	[sflag:s11] =	ssyncadd.s32 @!p1 $0xFFFFF800  }
0xf7: {  	_ =	swait.ge @!p1 [sflag:s11], $0x800  }
0xf8: {  	[sflag:s11] =	ssyncset.done @!p1 $0x0  }
0xf9: {  	[sflag:s11] =	ssyncadd.s32 @!p1 $0xFFFFF800  }
0xfa: {  	_ =	swait.ge @!p1 [sflag:s11], $0x800  }
0xfb: {  	s10 =	sshra.s32 s2, $0x2;
	[sflag:s11] =	ssyncset.done @!p1 $0x0  }
0xfc: {  	s12 =	sadd.s32 $0x100, s10;
	[sflag:s11] =	ssyncadd.s32 @!p1 $0xFFFFF800  }
0xfd: {  	[tilespmem:s24], [sflag:$0x2] =	stream.indirect.gather [hbm4b:s7+s21], $0x10, s12, s21, $0xb8;
	[tilespmem:$0xDE00] =	vst v63  }
0xfe: {  	s13 =	sadd.s32 $0x180, s10  }
0xff: {  	[tilespmem:s25], [sflag:$0x2] =	stream.indirect.gather [hbm4b:s7+s21], $0x10, s13, s21, $0xb8;
	[tilespmem:$0xDE00] =	vst v63  }
0x100: {  	_ =	swait.ge [sflag:s26], $0x800  }
0x101: {  	[sflag:s26] =	ssyncset.done $0x0  }
0x102: {  	[sflag:s26] =	ssyncadd.s32 $0xFFFFF800  }
0x103: {  	_ =	swait.ge [sflag:s26], $0x800  }
0x104: {  	[sflag:s26] =	ssyncset.done $0x0  }
0x105: {  	s14 =	sadd.s32 $0x2780, s10;
	[sflag:s26] =	ssyncadd.s32 $0xFFFFF800  }
0x106: {  	[spmem:s3] =	stream.indirect.scatter.add.f32 [tilespmem:s22], [sflag:$0x4], $0x10, s14, s21, $0xb8;
	[tilespmem:$0xDE00] =	vst v63  }
0x107: {  	_ = 	snop  }
0x108: {  	[spmem:s5] =	stream.indirect.scatter.add.f32 [tilespmem:s19], [sflag:$0x4], $0x10, s14, s21, $0xb8;
	[tilespmem:$0xDE00] =	vst v63  }
0x109: {  	s15 =	sadd.s32 $0x2800, s10  }
0x10a: {  	[spmem:s3] =	stream.indirect.scatter.add.f32 [tilespmem:s23], [sflag:$0x4], $0x10, s15, s21, $0xb8;
	[tilespmem:$0xDE00] =	vst v63  }
0x10b: {  	s12 =	simm.s32 @!p1 $0x6  }
0x10c: {  	[spmem:s5] =	stream.indirect.scatter.add.f32 [tilespmem:s19], [sflag:$0x4], $0x10, s15, s21, $0xb8;
	[tilespmem:$0xDE00] =	vst v63  }
0x10d: {  	_ =	swait.ge @!p1 [sflag:s12], $0x800  }
0x10e: {  	[sflag:s12] =	ssyncset.done @!p1 $0x0  }
0x10f: {  	[sflag:s12] =	ssyncadd.s32 @!p1 $0xFFFFF800  }
0x110: {  	_ =	swait.ge @!p1 [sflag:s12], $0x800  }
0x111: {  	[sflag:s12] =	ssyncset.done @!p1 $0x0  }
0x112: {  	[sflag:s12] =	ssyncadd.s32 @!p1 $0xFFFFF800  }
0x113: {  	_ =	swait.ge @!p1 [sflag:s12], $0x800  }
0x114: {  	[sflag:s12] =	ssyncset.done @!p1 $0x0  }
0x115: {  	[sflag:s12] =	ssyncadd.s32 @!p1 $0xFFFFF800  }
0x116: {  	_ =	swait.ge @!p1 [sflag:s12], $0x800  }
0x117: {  	[sflag:s12] =	ssyncset.done @!p1 $0x0  }
0x118: {  	[sflag:s12] =	ssyncadd.s32 @!p1 $0xFFFFF800;
	s12 =	sadd.s32 $0x200, s10  }
0x119: {  	[tilespmem:s28], [sflag:$0x3] =	stream.indirect.gather [hbm4b:s7+s21], $0x10, s12, s21, $0xb8;
	[tilespmem:$0xDE00] =	vst v63  }
0x11a: {  	s13 =	sadd.s32 $0x280, s10  }
0x11b: {  	[tilespmem:s29], [sflag:$0x3] =	stream.indirect.gather [hbm4b:s7+s21], $0x10, s13, s21, $0xb8;
	[tilespmem:$0xDE00] =	vst v63  }
0x11c: {  	_ =	swait.ge [sflag:s30], $0x800  }
0x11d: {  	[sflag:s30] =	ssyncset.done $0x0  }
0x11e: {  	[sflag:s30] =	ssyncadd.s32 $0xFFFFF800  }
0x11f: {  	_ =	swait.ge [sflag:s30], $0x800  }
0x120: {  	[sflag:s30] =	ssyncset.done $0x0  }
0x121: {  	s14 =	sadd.s32 $0x2880, s10;
	[sflag:s30] =	ssyncadd.s32 $0xFFFFF800  }
0x122: {  	[spmem:s3] =	stream.indirect.scatter.add.f32 [tilespmem:s24], [sflag:$0x5], $0x10, s14, s21, $0xb8;
	[tilespmem:$0xDE00] =	vst v63  }
0x123: {  	_ = 	snop  }
0x124: {  	[spmem:s5] =	stream.indirect.scatter.add.f32 [tilespmem:s19], [sflag:$0x5], $0x10, s14, s21, $0xb8;
	[tilespmem:$0xDE00] =	vst v63  }
0x125: {  	s15 =	sadd.s32 $0x2900, s10  }
0x126: {  	[spmem:s3] =	stream.indirect.scatter.add.f32 [tilespmem:s25], [sflag:$0x5], $0x10, s15, s21, $0xb8;
	[tilespmem:$0xDE00] =	vst v63  }
0x127: {  	_ = 	snop  }
0x128: {  	[spmem:s5] =	stream.indirect.scatter.add.f32 [tilespmem:s19], [sflag:$0x5], $0x10, s15, s21, $0xb8;
	[tilespmem:$0xDE00] =	vst v63  }
0x129: {  	_ =	swait.ge [sflag:s31], $0x800  }
0x12a: {  	[sflag:s31] =	ssyncset.done $0x0  }
0x12b: {  	[sflag:s31] =	ssyncadd.s32 $0xFFFFF800  }
0x12c: {  	_ =	swait.ge [sflag:s31], $0x800  }
0x12d: {  	[sflag:s31] =	ssyncset.done $0x0  }
0x12e: {  	[sflag:s31] =	ssyncadd.s32 $0xFFFFF800  }
0x12f: {  	_ =	swait.ge [sflag:s31], $0x800  }
0x130: {  	[sflag:s31] =	ssyncset.done $0x0  }
0x131: {  	[sflag:s31] =	ssyncadd.s32 $0xFFFFF800  }
0x132: {  	p1 =	seq.s32 s2, $0x9000;
	_ =	swait.ge [sflag:s31], $0x800  }
0x133: {  	s2 =	sshra.s32 @!p1 s2, $0x2;
	s11 =	simm.s32 @!p1 $0x4F00;
	[sflag:s31] =	ssyncset.done $0x0  }
0x134: {  	s12 =	sadd.s32 @!p1 $0x300, s2;
	s13 =	simm.s32 @!p1 $0x80;
	[sflag:s31] =	ssyncadd.s32 $0xFFFFF800  }
0x135: {  	[tilespmem:s11], [sflag:$0x1] =	stream.indirect.gather @!p1 [hbm4b:s7+s13], $0x10, s12, s13, $0xb8;
	[tilespmem:$0xDE00] =	vst v63  }
0x136: {  	s2 =	sadd.s32 @!p1 $0x380, s2;
	s11 =	simm.s32 @!p1 $0x5700  }
0x137: {  	[tilespmem:s11], [sflag:$0x1] =	stream.indirect.gather @!p1 [hbm4b:s7+s13], $0x10, s2, s13, $0xb8;
	[tilespmem:$0xDE00] =	vst v63  }
0x138: {  	_ =	swait.ge [sflag:s0], $0x800  }
0x139: {  	[sflag:s0] =	ssyncset.done $0x0  }
0x13a: {  	[sflag:s0] =	ssyncadd.s32 $0xFFFFF800  }
0x13b: {  	_ =	swait.ge [sflag:s0], $0x800  }
0x13c: {  	[sflag:s0] =	ssyncset.done $0x0  }
0x13d: {  	s11 =	sadd.s32 $0x2980, s10;
	[sflag:s0] =	ssyncadd.s32 $0xFFFFF800  }
0x13e: {  	[spmem:s3] =	stream.indirect.scatter.add.f32 [tilespmem:s28], [sflag:$0x6], $0x10, s11, s21, $0xb8;
	[tilespmem:$0xDE00] =	vst v63  }
0x13f: {  	_ = 	snop  }
0x140: {  	[spmem:s5] =	stream.indirect.scatter.add.f32 [tilespmem:s19], [sflag:$0x6], $0x10, s11, s21, $0xb8;
	[tilespmem:$0xDE00] =	vst v63  }
0x141: {  	s12 =	sadd.s32 $0x2A00, s10  }
0x142: {  	[spmem:s3] =	stream.indirect.scatter.add.f32 [tilespmem:s29], [sflag:$0x6], $0x10, s12, s21, $0xb8;
	[tilespmem:$0xDE00] =	vst v63  }
0x143: {  	_ = 	snop  }
0x144: {  	[spmem:s5] =	stream.indirect.scatter.add.f32 [tilespmem:s19], [sflag:$0x6], $0x10, s12, s21, $0xb8;
	[tilespmem:$0xDE00] =	vst v63  }
0x145: {  	_ =	swait.ge [sflag:s4], $0x800  }
0x146: {  	[sflag:s4] =	ssyncset.done $0x0  }
0x147: {  	[sflag:s4] =	ssyncadd.s32 $0xFFFFF800  }
0x148: {  	_ =	swait.ge [sflag:s4], $0x800  }
0x149: {  	[sflag:s4] =	ssyncset.done $0x0  }
0x14a: {  	[sflag:s4] =	ssyncadd.s32 $0xFFFFF800  }
0x14b: {  	_ =	swait.ge [sflag:s4], $0x800  }
0x14c: {  	[sflag:s4] =	ssyncset.done $0x0  }
0x14d: {  	[sflag:s4] =	ssyncadd.s32 $0xFFFFF800  }
0x14e: {  	_ =	swait.ge [sflag:s4], $0x800  }
0x14f: {  	[sflag:s4] =	ssyncset.done $0x0  }
0x150: {  	[sflag:s4] =	ssyncadd.s32 $0xFFFFF800  }
0x151: {  	_ =	swait.ge [sflag:s1], $0x800  }
0x152: {  	[sflag:s1] =	ssyncset.done $0x0  }
0x153: {  	[sflag:s1] =	ssyncadd.s32 $0xFFFFF800  }
0x154: {  	_ =	swait.ge [sflag:s1], $0x800  }
0x155: {  	[sflag:s1] =	ssyncset.done $0x0  }
0x156: {  	[sflag:s1] =	ssyncadd.s32 $0xFFFFF800  }
0x157: {  	_ =	swait.ge [sflag:s1], $0x800  }
0x158: {  	[sflag:s1] =	ssyncset.done $0x0  }
0x159: {  	[sflag:s1] =	ssyncadd.s32 $0xFFFFF800  }
0x15a: {  	_ =	swait.ge [sflag:s1], $0x800  }
0x15b: {  	[sflag:s1] =	ssyncset.done $0x0  }
0x15c: {  	[sflag:s1] =	ssyncadd.s32 $0xFFFFF800  }
0x15d: {  	[bflag:$0x0] =	sbarrier.arrive $0xFFFF  }
0x15e: {  	s13 =	rddreg [dreg:$0x9]  }
0x15f: {  	[hbm:s13], [sflag:s8] =	dma.local [spmem:s16], $0x4F0  }
0x160: {  	_ =	swait.ge [sflag:s17], $0x4F0  }
0x161: {  	[sflag:s17] =	ssyncset.done $0x0  }
0x162: {  	s14 =	rddreg [dreg:$0xa];
	[sflag:s17] =	ssyncadd.s32 $0xFFFFFB10  }
0x163: {  	[hbm:s14], [sflag:s8] =	dma.local [spmem:s18], $0x4F0  }
0x164: {  	_ =	swait.ge [sflag:s17], $0x4F0  }
0x165: {  	s20 =	sadd.s32 $0x1, s20;
	s15 =	rddreg [dreg:$0xb]  }
0x166: {  	p1 =	sne.s32 s20, s15  }
.Ltmp1:
0x167: {  	_ = 	snop;
	(pc) =	sbr.rel @p1 .LBB2_1-.Ltmp1, $3  }
0x168: {  	_ =	sdelay $0x1  }
0x169: {  	[sflag:s17] =	ssyncset.done $0x0  }
0x16a: {  	[sflag:s17] =	ssyncadd.s32 $0xFFFFFB10  }
0x16b: {  	_ =	sfence.sel $0x180000  }
0x16c: {  	[bflag:$0x0] =	sbarrier.arrive $0xFFFF  }
0x16d: {  	_ =	strace $0x9000004A  }
0x16e: {  	s0 =	stileid.u32;
	[bflag:$0x2] =	sbarrier.arrive $0xFFFF  }
0x16f: {  	p0 =	sne.s32 s0, $0x0;
	s0 =	rddreg [dreg:$0x5]  }
0x170: {  	s0 =	sadd.s32 @!p0 $0x100000, s0  }
0x171: {  	[sflag:s0] =	ssyncadd.tile.s32 @!p0 $0x1;
	_ =	shalt  }
.Lfunc_end2:
_tile_overlayer_lowered:
.L_overlay_start_2:
0x172: {  	(tag) =	ssettag $0x2  }
0x173: {  	s0 =	rddreg [dreg:$0x0];
	s2 =	stileid.u32  }
0x174: {  	s1 =	rddreg [dreg:$0x1];
	p0 =	sne.s32 s2, $0x0  }
0x175: {  	s3 =	rddreg [dreg:$0x2];
	[bflag:$0x3] =	sbarrier.arrive $0xFFFF;
	s2 =	simm.s32 @!p0 $0x1C07  }
0x176: {  	[timem:s3], [sflag:s2] =	dma.local @!p0 [hbm:s0], s1  }
0x177: {  	s0 =	simm.s32 @!p0 $0x7  }
0x178: {  	_ =	swait.ge @!p0 [sflag:s0], s1  }
0x179: {  	s1 =	ssub.s32 @!p0 $0x0, s1;
	[sflag:s0] =	ssyncset.done @!p0 $0x0  }
0x17a: {  	[sflag:s0] =	ssyncadd.s32 @!p0 s1  }
0x17b: {  	[bflag:$0x3] =	sbarrier.arrive $0xFFFF  }
0x17c: {  	_ =	shalt  }

</sc_bundles>
